<compile_context>
chip_gen: v7x
topology: tpu7x:2x2x1
jax: 0.10.2.dev20260603
libtpu: 0.0.44.dev20260713+nightly
codegen_flags: <defaults>
</compile_context>

<pallas_src>
import functools

import jax
import jax.numpy as jnp
from jax import lax
from jax.experimental import pallas as pl
from jax.experimental.pallas import tpu as pltpu
from jax.experimental.pallas import tpu_sc as plsc

N = 50000
E = 1600000
F = 16
NC = 2
NS = 16
K2 = 1024
NFULL = E // K2
TAIL = E - NFULL * K2
CPT_E = NFULL // (NC * NS)
NEX = NFULL - NC * NS * CPT_E
KD2 = 8192
NFULL_D = E // KD2
TAIL_D = E - NFULL_D * KD2
CPT_D = NFULL_D // NS
NEX_D = NFULL_D - NS * CPT_D
K = 2000
NCH = N // K
KN = 1000
NCHN = N // KN
NH = N // NC
KD = 1000
NDCH = NH // KD
BLK = 4096
GRID_N = (N + BLK - 1) // BLK



def _enc_body(xt_ref, w_ref, b_ref, a_ref):
    a_ref[...] = (
        lax.dot_general(
            xt_ref[...], w_ref[...], (((0,), (0,)), ((), ())),
            preferred_element_type=jnp.float32,
        )
        + b_ref[...]
    )


def _encoder(xt, wenc, benc):
    return pl.pallas_call(
        _enc_body,
        grid=(GRID_N,),
        in_specs=[
            pl.BlockSpec((630, BLK), lambda i: (0, i)),
            pl.BlockSpec((630, F), lambda i: (0, 0)),
            pl.BlockSpec((1, F), lambda i: (0, 0)),
        ],
        out_specs=pl.BlockSpec((BLK, F), lambda i: (i, 0)),
        out_shape=jax.ShapeDtypeStruct((N, F), jnp.float32),
    )(xt, wenc, benc)



def _rsqrt16(v):
    iv = lax.bitcast_convert_type(v, jnp.int32)
    y = lax.bitcast_convert_type(jnp.int32(0x5F3759DF) - (iv >> 1), jnp.float32)
    for _ in range(3):
        y = y * (1.5 - 0.5 * v * y * y)
    return jnp.where(v > 0.0, y, 0.0)


def _deg_body(ei, disb_hbm, ij_v, ones_v, zero_v, deg_v, disb_v, deg_sh,
              si0, si1, si2, si3, sem_s0, sem_s1):
    c = lax.axis_index("c")
    s = lax.axis_index("s")
    semi = [si0, si1, si2, si3]
    sems = [sem_s0, sem_s1]

    def _fill(i, _):
        ones_v[pl.ds(i * 16, 16)] = jnp.full((16,), 1.0, jnp.float32)
        return 0
    lax.fori_loop(0, KD2 // 16, _fill, 0)

    def _fillz(i, _):
        zero_v[pl.ds(i * 16, 16)] = jnp.zeros((16,), jnp.float32)
        return 0
    lax.fori_loop(0, K // 16, _fillz, 0)

    for k in range(2):
        ch = s + NS * k
        @pl.when(ch < NCH)
        def _():
            pltpu.sync_copy(zero_v, deg_sh.at[pl.ds(ch * K, K)])
    plsc.subcore_barrier()

    def _widx(b4):
        pltpu.make_async_copy(ei.at[:, pl.ds(0, KD2)], ij_v.at[b4],
                              semi[b4]).wait()

    def _fidx(g, b4):
        pltpu.async_copy(ei.at[:, pl.ds(g * KD2, KD2)], ij_v.at[b4], semi[b4])

    def _wait(b2):
        pltpu.make_async_copy(ones_v, deg_sh.at[pl.ds(0, KD2)], sems[b2]).wait()

    base_c = s * CPT_D
    _fidx(base_c + 0, 0)
    _fidx(base_c + 1, 1)

    def _loop(gg, _):
        for u in range(4):
            j = gg * 4 + u
            b4, b2 = u, u % 2
            @pl.when(j >= 2)
            def _():
                _wait(b2)
            _widx(b4)
            pltpu.async_copy(ones_v, deg_sh.at[ij_v.at[b4, 0]], sems[b2],
                             add=True)
            @pl.when(j + 2 < CPT_D)
            def _():
                _fidx(base_c + j + 2, (u + 2) % 4)
        return 0
    lax.fori_loop(0, CPT_D // 4, _loop, 0)
    _wait(0)
    _wait(1)
    @pl.when(s < NEX_D)
    def _():
        pltpu.sync_copy(ei.at[:, pl.ds((NS * CPT_D + s) * KD2, KD2)],
                        ij_v.at[0])
        pltpu.async_copy(ones_v, deg_sh.at[ij_v.at[0, 0]], sems[0], add=True)
        _wait(0)
    @pl.when(s == NEX_D)
    def _():
        base = NFULL_D * KD2
        pltpu.sync_copy(ei.at[:, pl.ds(base, TAIL_D)],
                        ij_v.at[0, :, pl.ds(0, TAIL_D)])
        pltpu.async_copy(ones_v.at[pl.ds(0, TAIL_D)],
                         deg_sh.at[ij_v.at[0, 0, pl.ds(0, TAIL_D)]],
                         sems[0], add=True)
        pltpu.make_async_copy(ones_v.at[pl.ds(0, TAIL_D)],
                              deg_sh.at[pl.ds(0, TAIL_D)], sems[0]).wait()
    plsc.subcore_barrier()

    for k in range(2):
        ch = s + NS * k
        @pl.when(ch < NDCH)
        def _():
            base = c * NH + ch * KD
            pltpu.sync_copy(deg_sh.at[pl.ds(base, KD)], deg_v)

            def _mk(j, _):
                js = jnp.minimum(j * 16, KD - 16)
                d = _rsqrt16(deg_v[pl.ds(js, 16)])
                for l in range(16):
                    disb_v[js + l] = jnp.full((16,), 1.0, jnp.float32) * d[l]
                return 0
            lax.fori_loop(0, (KD + 15) // 16, _mk, 0)
            pltpu.sync_copy(disb_v, disb_hbm.at[pl.ds(base, KD)])


def _deg_sc(ei):
    mesh = plsc.VectorSubcoreMesh(core_axis_name="c", subcore_axis_name="s")
    fn = functools.partial(
        pl.kernel,
        out_type=jax.ShapeDtypeStruct((N, F), jnp.float32),
        mesh=mesh,
        scratch_types=[
            pltpu.VMEM((4, 2, KD2), jnp.int32),
            pltpu.VMEM((KD2,), jnp.float32),
            pltpu.VMEM((K,), jnp.float32),
            pltpu.VMEM((KD,), jnp.float32),
            pltpu.VMEM((KD, F), jnp.float32),
            pltpu.VMEM_SHARED((N,), jnp.float32),
            pltpu.SemaphoreType.DMA,
            pltpu.SemaphoreType.DMA,
            pltpu.SemaphoreType.DMA,
            pltpu.SemaphoreType.DMA,
            pltpu.SemaphoreType.DMA,
            pltpu.SemaphoreType.DMA,
        ],
        compiler_params=pltpu.CompilerParams(use_tc_tiling_on_sc=False),
    )(_deg_body)
    return fn(ei)



def _edge_body(ei, a_hbm, disb_hbm, t_hbm, b_hbm,
               ij_v, rowsb, t_sh, si0, si1, si2, si3, si4, si5,
               sg0, sg1, sem_s0, sem_s1, sem_s2):
    c = lax.axis_index("c")
    s = lax.axis_index("s")
    w = c * NS + s
    semi = [si0, si1, si2, si3, si4, si5]
    semg = [sg0, sg1]
    sems = [sem_s0, sem_s1, sem_s2]

    def _fill(i, _):
        rowsb[0, i] = jnp.zeros((F,), jnp.float32)
        return 0
    lax.fori_loop(0, KN, _fill, 0)
    for k in range(4):
        ch = s + NS * k
        @pl.when(ch < NCHN)
        def _():
            pltpu.sync_copy(rowsb.at[0, pl.ds(0, KN)],
                            t_sh.at[pl.ds(ch * KN, KN)])

    for k in range(4):
        ch = s + NS * k
        @pl.when(ch < NCHN)
        def _():
            base = ch * KN
            pltpu.sync_copy(a_hbm.at[pl.ds(base, KN)], rowsb.at[0, pl.ds(0, KN)])
            pltpu.sync_copy(disb_hbm.at[pl.ds(base, KN)],
                            rowsb.at[1, pl.ds(0, KN)])

            def _mul(i, _):
                for q in range(4):
                    r = i * 4 + q
                    rowsb[0, r] = rowsb[0, r] * rowsb[1, r]
                return 0
            lax.fori_loop(0, KN // 4, _mul, 0)
            pltpu.sync_copy(rowsb.at[0, pl.ds(0, KN)],
                            b_hbm.at[c, pl.ds(base, KN)])
    plsc.subcore_barrier()

    def _widx(b6):
        pltpu.make_async_copy(ei.at[:, pl.ds(0, K2)], ij_v.at[b6],
                              semi[b6]).wait()

    def _fidx(g, b6):
        pltpu.async_copy(ei.at[:, pl.ds(g * K2, K2)], ij_v.at[b6], semi[b6])

    def _wait(b3):
        pltpu.make_async_copy(rowsb.at[b3], t_sh.at[pl.ds(0, K2)],
                              sems[b3]).wait()

    def _wg(b2):
        pltpu.make_async_copy(b_hbm.at[c, pl.ds(0, K2)], rowsb.at[0],
                              semg[b2]).wait()

    base_c = w * CPT_E
    _fidx(base_c + 0, 0)
    _fidx(base_c + 1, 1)
    _fidx(base_c + 2, 2)

    def _loop(gg, _):
        for u in range(6):
            j = gg * 6 + u
            b6, b3, b2 = u, u % 3, u % 2
            @pl.when(j >= 3)
            def _():
                _wait(b3)
            _widx(b6)
            pltpu.async_copy(b_hbm.at[c].at[ij_v.at[b6, 0]], rowsb.at[b3],
                             semg[b2])
            @pl.when(j >= 1)
            def _():
                _wg((u - 1) % 2)
                pltpu.async_copy(rowsb.at[(u - 1) % 3],
                                 t_sh.at[ij_v.at[(u - 1) % 6, 1]],
                                 sems[(u - 1) % 3], add=True)
            @pl.when(j + 3 < CPT_E)
            def _():
                _fidx(base_c + j + 3, (u + 3) % 6)
        return 0
    lax.fori_loop(0, CPT_E // 6, _loop, 0)
    _wg((CPT_E - 1) % 2)
    pltpu.async_copy(rowsb.at[(CPT_E - 1) % 3],
                     t_sh.at[ij_v.at[(CPT_E - 1) % 6, 1]],
                     sems[(CPT_E - 1) % 3], add=True)
    _wait((CPT_E - 3) % 3)
    _wait((CPT_E - 2) % 3)
    _wait((CPT_E - 1) % 3)
    @pl.when(w < NEX)
    def _():
        pltpu.sync_copy(ei.at[:, pl.ds((NC * NS * CPT_E + w) * K2, K2)],
                        ij_v.at[0])
        pltpu.async_copy(b_hbm.at[c].at[ij_v.at[0, 0]], rowsb.at[0],
                         semg[0])
        _wg(0)
        pltpu.async_copy(rowsb.at[0], t_sh.at[ij_v.at[0, 1]], sems[0],
                         add=True)
        _wait(0)
    @pl.when(w == NEX)
    def _():
        base = NFULL * K2
        pltpu.sync_copy(ei.at[:, pl.ds(base, TAIL)],
                        ij_v.at[0, :, pl.ds(0, TAIL)])
        pltpu.async_copy(b_hbm.at[c].at[ij_v.at[0, 0, pl.ds(0, TAIL)]],
                         rowsb.at[0, pl.ds(0, TAIL)], semg[0]).wait()
        pltpu.async_copy(rowsb.at[0, pl.ds(0, TAIL)],
                         t_sh.at[ij_v.at[0, 1, pl.ds(0, TAIL)]],
                         sems[0], add=True)
        pltpu.make_async_copy(rowsb.at[0, pl.ds(0, TAIL)],
                              t_sh.at[pl.ds(0, TAIL)], sems[0]).wait()
    plsc.subcore_barrier()

    for k in range(4):
        ch = s + NS * k
        @pl.when(ch < NCHN)
        def _():
            base = ch * KN
            pltpu.sync_copy(t_sh.at[pl.ds(base, KN)],
                            t_hbm.at[c, pl.ds(base, KN)])


def _edge_sc(ei, a, disb):
    mesh = plsc.VectorSubcoreMesh(core_axis_name="c", subcore_axis_name="s")
    fn = functools.partial(
        pl.kernel,
        out_type=[
            jax.ShapeDtypeStruct((NC, N, F), jnp.float32),
            jax.ShapeDtypeStruct((NC, N, F), jnp.float32),
        ],
        mesh=mesh,
        scratch_types=[
            pltpu.VMEM((6, 2, K2), jnp.int32),
            pltpu.VMEM((3, K2, F), jnp.float32),
            pltpu.VMEM_SHARED((N, F), jnp.float32),
            pltpu.SemaphoreType.DMA,
            pltpu.SemaphoreType.DMA,
            pltpu.SemaphoreType.DMA,
            pltpu.SemaphoreType.DMA,
            pltpu.SemaphoreType.DMA,
            pltpu.SemaphoreType.DMA,
            pltpu.SemaphoreType.DMA,
            pltpu.SemaphoreType.DMA,
            pltpu.SemaphoreType.DMA,
            pltpu.SemaphoreType.DMA,
            pltpu.SemaphoreType.DMA,
        ],
        compiler_params=pltpu.CompilerParams(use_tc_tiling_on_sc=False),
    )(_edge_body)
    t, _b = fn(ei, a, disb)
    return t



def _fin_body(a_ref, disb_ref, t_ref, wza_ref, wzs_ref, cz_ref, wha_ref,
              whs_ref, ch_ref, wl_ref, bl_ref, o_ref):
    a = a_ref[...]
    sm = (0.0 - disb_ref[...]) * (t_ref[0] + t_ref[1])
    z = jax.nn.sigmoid(
        jnp.dot(a, wza_ref[...], preferred_element_type=jnp.float32)
        + jnp.dot(sm, wzs_ref[...], preferred_element_type=jnp.float32)
        + cz_ref[...]
    )
    ht = jnp.tanh(
        jnp.dot(a, wha_ref[...], preferred_element_type=jnp.float32)
        + jnp.dot(sm, whs_ref[...], preferred_element_type=jnp.float32)
        + ch_ref[...]
    )
    h = jax.nn.relu((1.0 - z) * ht)
    o_ref[...] = jax.nn.sigmoid(
        lax.dot_general(wl_ref[...], h, (((0,), (1,)), ((), ())),
                        preferred_element_type=jnp.float32)
        + bl_ref[...]
    )


def _finish(a, disb, t, wza, wzs, cz, wha, whs, chb, wl, bl):
    return pl.pallas_call(
        _fin_body,
        grid=(GRID_N,),
        in_specs=[
            pl.BlockSpec((BLK, F), lambda i: (i, 0)),
            pl.BlockSpec((BLK, F), lambda i: (i, 0)),
            pl.BlockSpec((NC, BLK, F), lambda i: (0, i, 0)),
            pl.BlockSpec((F, 64), lambda i: (0, 0)),
            pl.BlockSpec((F, 64), lambda i: (0, 0)),
            pl.BlockSpec((1, 64), lambda i: (0, 0)),
            pl.BlockSpec((F, 64), lambda i: (0, 0)),
            pl.BlockSpec((F, 64), lambda i: (0, 0)),
            pl.BlockSpec((1, 64), lambda i: (0, 0)),
            pl.BlockSpec((64, 1), lambda i: (0, 0)),
            pl.BlockSpec((1, 1), lambda i: (0, 0)),
        ],
        out_specs=pl.BlockSpec((1, BLK), lambda i: (0, i)),
        out_shape=jax.ShapeDtypeStruct((1, N), jnp.float32),
    )(a, disb, t, wza, wzs, cz, wha, whs, chb, wl, bl)



def kernel(x, edge_index, We, be, Wxz, bxz, Whz, bhz, Wxr, bxr, Whr, bhr,
           Wxh, bxh, Whh, bhh, Wl, bl):
    f32 = jnp.float32
    wenc = jnp.zeros((630, F), f32)
    wenc = wenc.at[0:314, 0:4].set(We)
    wenc = wenc.at[314, 4].set(1.0)
    wenc = wenc.at[315:629, 5:9].set(We)
    wenc = wenc.at[629, 9].set(1.0)
    benc = jnp.zeros((1, F), f32)
    benc = benc.at[0, 0:4].set(be)
    benc = benc.at[0, 5:9].set(be)

    wza = jnp.zeros((F, 64), f32).at[0:10, :].set(Wxz[0])
    wzs = jnp.zeros((F, 64), f32).at[0:10, :].set(Wxz[1])
    cz = (bxz + bhz).reshape(1, 64)
    wha = jnp.zeros((F, 64), f32).at[0:10, :].set(Wxh[0])
    whs = jnp.zeros((F, 64), f32).at[0:10, :].set(Wxh[1])
    chb = (bxh + bhh).reshape(1, 64)

    a = _encoder(jnp.swapaxes(x, 0, 1), wenc, benc)
    disb = _deg_sc(edge_index)
    t = _edge_sc(edge_index, a, disb)
    out = _finish(a, disb, t, wza, wzs, cz, wha, whs, chb,
                  Wl.reshape(64, 1), bl.reshape(1, 1))
    return jnp.swapaxes(out, 0, 1)

# --- scband reference (transcript-rebuilt; emitter-appended) ---
"""Pipeline reference for scband-recurrent-gcn-76596446757019 (READ-ONLY COPY).

The authoritative reference and input builder live on the scoring server;
editing this copy changes nothing except your own understanding.
"""

import jax, jax.numpy as jnp
import numpy as np

N = 50000
E = 1600000
FIN = 10
FOUT = 64


def _cheb_conv(x, row, col, norm, W, b):
    # ChebConv K=2, sym normalization, lambda_max=2.0 (torch_geometric default)
    # T0 = x ; T1 = L_hat @ x with L_hat = L - I = -D^{-1/2} A D^{-1/2}
    Tx0 = x
    Tx1 = jnp.zeros(x.shape, x.dtype).at[col].add(norm[:, None] * x[row])
    return Tx0 @ W[0] + Tx1 @ W[1] + b


def setup_inputs(seed: int = 0) -> dict:
    key = jax.random.key(seed)
    ks = jax.random.split(key, 24)
    inp = {}
    inp["x"] = jax.random.normal(ks[0], (N, 630), dtype=jnp.float32)
    inp["edge_index"] = jax.random.randint(ks[1], (2, E), 0, N, dtype=jnp.int32)
    s = 0.05
    inp["We"] = jax.random.normal(ks[2], (314, 4), dtype=jnp.float32) * s
    inp["be"] = jax.random.normal(ks[3], (4,), dtype=jnp.float32) * s
    inp["Wxz"] = jax.random.normal(ks[4], (2, FIN, FOUT), dtype=jnp.float32) * s
    inp["bxz"] = jax.random.normal(ks[5], (FOUT,), dtype=jnp.float32) * s
    inp["Whz"] = jax.random.normal(ks[6], (2, FOUT, FOUT), dtype=jnp.float32) * s
    inp["bhz"] = jax.random.normal(ks[7], (FOUT,), dtype=jnp.float32) * s
    inp["Wxr"] = jax.random.normal(ks[8], (2, FIN, FOUT), dtype=jnp.float32) * s
    inp["bxr"] = jax.random.normal(ks[9], (FOUT,), dtype=jnp.float32) * s
    inp["Whr"] = jax.random.normal(ks[10], (2, FOUT, FOUT), dtype=jnp.float32) * s
    inp["bhr"] = jax.random.normal(ks[11], (FOUT,), dtype=jnp.float32) * s
    inp["Wxh"] = jax.random.normal(ks[12], (2, FIN, FOUT), dtype=jnp.float32) * s
    inp["bxh"] = jax.random.normal(ks[13], (FOUT,), dtype=jnp.float32) * s
    inp["Whh"] = jax.random.normal(ks[14], (2, FOUT, FOUT), dtype=jnp.float32) * s
    inp["bhh"] = jax.random.normal(ks[15], (FOUT,), dtype=jnp.float32) * s
    inp["Wl"] = jax.random.normal(ks[16], (FOUT, 1), dtype=jnp.float32) * s
    inp["bl"] = jax.random.normal(ks[17], (1,), dtype=jnp.float32) * s
    return inp


def reference(x, edge_index, We, be, Wxz, bxz, Whz, bhz, Wxr, bxr, Whr, bhr, Wxh, bxh, Whh, bhh, Wl, bl):
    n = x.shape[0]
    row = edge_index[0]
    col = edge_index[1]
    deg = jnp.zeros((n,), x.dtype).at[row].add(jnp.ones(row.shape, x.dtype))
    dis = jnp.where(deg > 0, 1.0 / jnp.sqrt(jnp.where(deg > 0, deg, 1.0)), 0.0)
    norm = -dis[row] * dis[col]
    # encoder
    v0 = x[:, 0:314] @ We + be
    v1 = x[:, 315:629] @ We + be
    a = jnp.concatenate([v0, x[:, 314:315], v1, x[:, 629:630]], axis=1)
    # GConvGRU single step with H0 = 0
    H = jnp.zeros((n, FOUT), x.dtype)
    Z = jax.nn.sigmoid(_cheb_conv(a, row, col, norm, Wxz, bxz) + _cheb_conv(H, row, col, norm, Whz, bhz))
    R = jax.nn.sigmoid(_cheb_conv(a, row, col, norm, Wxr, bxr) + _cheb_conv(H, row, col, norm, Whr, bhr))
    Ht = jnp.tanh(_cheb_conv(a, row, col, norm, Wxh, bxh) + _cheb_conv(H * R, row, col, norm, Whh, bhh))
    H = Z * H + (1.0 - Z) * Ht
    h = jax.nn.relu(H)
    out = jax.nn.sigmoid(h @ Wl + bl)
    return out

if __name__ == "__main__":
    import jax
    _d = setup_inputs()
    print(jax.jit(kernel)(*tuple(_d.values())))

</pallas_src>

<mosaic_0001>
#map = affine_map<(d0, d1) -> (0, 0)>
#map1 = affine_map<(d0, d1) -> (0, 0, 0)>
module attributes {stable_mosaic.version = 14 : i64} {
  func.func @_edge_body(%arg0: i32, %arg1: i32, %arg2: memref<2x1600000xi32, #tpu.memory_space<hbm>>, %arg3: memref<50000x16xf32, #tpu.memory_space<hbm>>, %arg4: memref<50000x16xf32, #tpu.memory_space<hbm>>, %arg5: memref<2x50000x16xf32, #tpu.memory_space<hbm>>, %arg6: memref<2x50000x16xf32, #tpu.memory_space<hbm>>, %arg7: memref<6x2x1024xi32, #tpu.memory_space<vmem>>, %arg8: memref<3x1024x16xf32, #tpu.memory_space<vmem>>, %arg9: memref<50000x16xf32, #tpu.memory_space<vmem_shared>>, %arg10: memref<!tpu.dma_semaphore, #tpu.memory_space<semaphore_mem>>, %arg11: memref<!tpu.dma_semaphore, #tpu.memory_space<semaphore_mem>>, %arg12: memref<!tpu.dma_semaphore, #tpu.memory_space<semaphore_mem>>, %arg13: memref<!tpu.dma_semaphore, #tpu.memory_space<semaphore_mem>>, %arg14: memref<!tpu.dma_semaphore, #tpu.memory_space<semaphore_mem>>, %arg15: memref<!tpu.dma_semaphore, #tpu.memory_space<semaphore_mem>>, %arg16: memref<!tpu.dma_semaphore, #tpu.memory_space<semaphore_mem>>, %arg17: memref<!tpu.dma_semaphore, #tpu.memory_space<semaphore_mem>>, %arg18: memref<!tpu.dma_semaphore, #tpu.memory_space<semaphore_mem>>, %arg19: memref<!tpu.dma_semaphore, #tpu.memory_space<semaphore_mem>>, %arg20: memref<!tpu.dma_semaphore, #tpu.memory_space<semaphore_mem>>) attributes {dimension_semantics = [#tpu.dimension_semantics<core_parallel>, #tpu.dimension_semantics<subcore_parallel>], iteration_bounds = array<i64: 2, 16>, scalar_prefetch = 0 : i64, scratch_operands = 14 : i64, tpu.core_type = #tpu.core_type<sc_vector_subcore>, window_params = [{transform_indices = #map}, {transform_indices = #map}, {transform_indices = #map}, {transform_indices = #map1}, {transform_indices = #map1}]} {
    %mul3A = arith.constant 16 : i32
    %mul3A_0 = arith.muli %arg0, %mul3A : i32
    %add3A = arith.addi %mul3A_0, %arg1 : i32
    %scan3A = arith.constant 0 : i32
    %scan3A_1 = arith.constant 0 : i32
    %scan3A_2 = arith.constant 1000 : i32
    %scan3A_3 = arith.addi %scan3A_1, %scan3A_2 : i32
    %scan3A_4 = arith.constant 1 : i32
    %scan3A_5 = scf.for %scan3A_231 = %scan3A_1 to %scan3A_3 step %scan3A_4 iter_args(%scan3A_232 = %scan3A) -> (i32)  : i32 {
      %broadcast_in_dim3A = arith.constant 0.000000e+00 : f32
      %broadcast_in_dim3A_233 = vector.broadcast %broadcast_in_dim3A : f32 to vector<16xf32>
      %swap3A = arith.constant 0 : i32
      %swap3A_234 = arith.index_cast %swap3A : i32 to index
      %swap3A_235 = arith.index_cast %scan3A_231 : i32 to index
      %swap3A_236 = arith.constant 0 : index
      %swap3A_237 = tpu.vector_load %arg8[%swap3A_234, %swap3A_235, %swap3A_236] {strides = array<i32>} : memref<3x1024x16xf32, #tpu.memory_space<vmem>>, vector<1x1x16xf32>,
      %swap3A_238 = vector.shape_cast %swap3A_237 : vector<1x1x16xf32> to vector<16xf32>
      %swap3A_239 = vector.shape_cast %broadcast_in_dim3A_233 : vector<16xf32> to vector<1x1x16xf32>
      tpu.vector_store %arg8[%swap3A_234, %swap3A_235, %swap3A_236], %swap3A_239 {strides = array<i32>} : memref<3x1024x16xf32, #tpu.memory_space<vmem>>, vector<1x1x16xf32>,
      %scan3A_240 = arith.constant 0 : i32
      scf.yield %scan3A_240 : i32
    }
    %scan3A_6 = arith.constant 1000 : i32
    %add3A_7 = arith.constant 0 : i32
    %add3A_8 = arith.addi %arg1, %add3A_7 : i32
    %lt3A = arith.constant 50 : i32
    %lt3A_9 = arith.cmpi slt, %add3A_8, %lt3A : i32
    %convert_element_type3A = arith.extui %lt3A_9 : i1 to i32
    %cond3A = arith.constant 0 : i32
    %cond3A_10 = arith.cmpi ne, %convert_element_type3A, %cond3A : i32
    scf.if %cond3A_10 {
      %mul3A_231 = arith.constant 1000 : i32
      %mul3A_232 = arith.muli %add3A_8, %mul3A_231 : i32
      %run_scoped3A = arith.constant 0 : i32
      "tpu.region"() ({
        %run_scoped3A_233 = tpu.sem_alloc : memref<!tpu.dma_semaphore, #tpu.memory_space<semaphore_mem>>
        %dma_start3A_234 = arith.constant 0 : i32
        %dma_start3A_235 = arith.constant 0 : i32
        %dma_start3A_236 = tpu.memref_slice %arg8[%run_scoped3A, %dma_start3A_234, %dma_start3A_235] : memref<3x1024x16xf32, #tpu.memory_space<vmem>> -> memref<1x1000x16xf32, #tpu.memory_space<vmem>>
        %dma_start3A_237 = tpu.memref_squeeze %dma_start3A_236 : memref<1x1000x16xf32, #tpu.memory_space<vmem>> -> memref<1000x16xf32, #tpu.memory_space<vmem>>
        %dma_start3A_238 = arith.constant 0 : i32
        %dma_start3A_239 = tpu.memref_slice %arg9[%mul3A_232, %dma_start3A_238] : memref<50000x16xf32, #tpu.memory_space<vmem_shared>> -> memref<1000x16xf32, #tpu.memory_space<vmem_shared>>
        %dma_start3A_240 = arith.constant 0 : i32
        %dma_start3A_241 = tpu.memref_slice %arg9[%mul3A_232, %dma_start3A_240] : memref<50000x16xf32, #tpu.memory_space<vmem_shared>> -> memref<1000x16xf32, #tpu.memory_space<vmem_shared>>
        %dma_start3A_242 = arith.constant 0 : i32
        %dma_start3A_243 = arith.constant 0 : i32
        %dma_start3A_244 = tpu.memref_slice %arg8[%run_scoped3A, %dma_start3A_242, %dma_start3A_243] : memref<3x1024x16xf32, #tpu.memory_space<vmem>> -> memref<1x1000x16xf32, #tpu.memory_space<vmem>>
        %dma_start3A_245 = tpu.memref_squeeze %dma_start3A_244 : memref<1x1000x16xf32, #tpu.memory_space<vmem>> -> memref<1000x16xf32, #tpu.memory_space<vmem>>
        tpu.enqueue_dma source(%dma_start3A_245 : memref<1000x16xf32, #tpu.memory_space<vmem>>) target(%dma_start3A_241 : memref<1000x16xf32, #tpu.memory_space<vmem_shared>>) target_semaphore(%run_scoped3A_233 : memref<!tpu.dma_semaphore, #tpu.memory_space<semaphore_mem>>)
        %dma_wait3A_246 = arith.constant 0 : i32
        %dma_wait3A_247 = arith.constant 0 : i32
        %dma_wait3A_248 = tpu.memref_slice %arg8[%run_scoped3A, %dma_wait3A_246, %dma_wait3A_247] : memref<3x1024x16xf32, #tpu.memory_space<vmem>> -> memref<1x1000x16xf32, #tpu.memory_space<vmem>>
        %dma_wait3A_249 = tpu.memref_squeeze %dma_wait3A_248 : memref<1x1000x16xf32, #tpu.memory_space<vmem>> -> memref<1000x16xf32, #tpu.memory_space<vmem>>
        %dma_wait3A_250 = arith.constant 0 : i32
        %dma_wait3A_251 = tpu.memref_slice %arg9[%mul3A_232, %dma_wait3A_250] : memref<50000x16xf32, #tpu.memory_space<vmem_shared>> -> memref<1000x16xf32, #tpu.memory_space<vmem_shared>>
        %dma_wait3A_252 = arith.constant 0 : i32
        %dma_wait3A_253 = tpu.memref_slice %arg9[%mul3A_232, %dma_wait3A_252] : memref<50000x16xf32, #tpu.memory_space<vmem_shared>> -> memref<1000x16xf32, #tpu.memory_space<vmem_shared>>
        %dma_wait3A_254 = arith.constant 0 : i32
        %dma_wait3A_255 = arith.constant 0 : i32
        %dma_wait3A_256 = tpu.memref_slice %arg8[%run_scoped3A, %dma_wait3A_254, %dma_wait3A_255] : memref<3x1024x16xf32, #tpu.memory_space<vmem>> -> memref<1x1000x16xf32, #tpu.memory_space<vmem>>
        %dma_wait3A_257 = tpu.memref_squeeze %dma_wait3A_256 : memref<1x1000x16xf32, #tpu.memory_space<vmem>> -> memref<1000x16xf32, #tpu.memory_space<vmem>>
        tpu.wait_dma2 semaphore(%run_scoped3A_233 : memref<!tpu.dma_semaphore, #tpu.memory_space<semaphore_mem>>) src(%dma_wait3A_257 : memref<1000x16xf32, #tpu.memory_space<vmem>>) dst(%dma_wait3A_253 : memref<1000x16xf32, #tpu.memory_space<vmem_shared>>)
        tpu.yield
      }) : () -> ()
    } else {
    }
    %add3A_11 = arith.constant 16 : i32
    %add3A_12 = arith.addi %arg1, %add3A_11 : i32
    %lt3A_13 = arith.constant 50 : i32
    %lt3A_14 = arith.cmpi slt, %add3A_12, %lt3A_13 : i32
    %convert_element_type3A_15 = arith.extui %lt3A_14 : i1 to i32
    %cond3A_16 = arith.constant 0 : i32
    %cond3A_17 = arith.cmpi ne, %convert_element_type3A_15, %cond3A_16 : i32
    scf.if %cond3A_17 {
      %mul3A_231 = arith.constant 1000 : i32
      %mul3A_232 = arith.muli %add3A_12, %mul3A_231 : i32
      %run_scoped3A = arith.constant 0 : i32
      "tpu.region"() ({
        %run_scoped3A_233 = tpu.sem_alloc : memref<!tpu.dma_semaphore, #tpu.memory_space<semaphore_mem>>
        %dma_start3A_234 = arith.constant 0 : i32
        %dma_start3A_235 = arith.constant 0 : i32
        %dma_start3A_236 = tpu.memref_slice %arg8[%run_scoped3A, %dma_start3A_234, %dma_start3A_235] : memref<3x1024x16xf32, #tpu.memory_space<vmem>> -> memref<1x1000x16xf32, #tpu.memory_space<vmem>>
        %dma_start3A_237 = tpu.memref_squeeze %dma_start3A_236 : memref<1x1000x16xf32, #tpu.memory_space<vmem>> -> memref<1000x16xf32, #tpu.memory_space<vmem>>
        %dma_start3A_238 = arith.constant 0 : i32
        %dma_start3A_239 = tpu.memref_slice %arg9[%mul3A_232, %dma_start3A_238] : memref<50000x16xf32, #tpu.memory_space<vmem_shared>> -> memref<1000x16xf32, #tpu.memory_space<vmem_shared>>
        %dma_start3A_240 = arith.constant 0 : i32
        %dma_start3A_241 = tpu.memref_slice %arg9[%mul3A_232, %dma_start3A_240] : memref<50000x16xf32, #tpu.memory_space<vmem_shared>> -> memref<1000x16xf32, #tpu.memory_space<vmem_shared>>
        %dma_start3A_242 = arith.constant 0 : i32
        %dma_start3A_243 = arith.constant 0 : i32
        %dma_start3A_244 = tpu.memref_slice %arg8[%run_scoped3A, %dma_start3A_242, %dma_start3A_243] : memref<3x1024x16xf32, #tpu.memory_space<vmem>> -> memref<1x1000x16xf32, #tpu.memory_space<vmem>>
        %dma_start3A_245 = tpu.memref_squeeze %dma_start3A_244 : memref<1x1000x16xf32, #tpu.memory_space<vmem>> -> memref<1000x16xf32, #tpu.memory_space<vmem>>
        tpu.enqueue_dma source(%dma_start3A_245 : memref<1000x16xf32, #tpu.memory_space<vmem>>) target(%dma_start3A_241 : memref<1000x16xf32, #tpu.memory_space<vmem_shared>>) target_semaphore(%run_scoped3A_233 : memref<!tpu.dma_semaphore, #tpu.memory_space<semaphore_mem>>)
        %dma_wait3A_246 = arith.constant 0 : i32
        %dma_wait3A_247 = arith.constant 0 : i32
        %dma_wait3A_248 = tpu.memref_slice %arg8[%run_scoped3A, %dma_wait3A_246, %dma_wait3A_247] : memref<3x1024x16xf32, #tpu.memory_space<vmem>> -> memref<1x1000x16xf32, #tpu.memory_space<vmem>>
        %dma_wait3A_249 = tpu.memref_squeeze %dma_wait3A_248 : memref<1x1000x16xf32, #tpu.memory_space<vmem>> -> memref<1000x16xf32, #tpu.memory_space<vmem>>
        %dma_wait3A_250 = arith.constant 0 : i32
        %dma_wait3A_251 = tpu.memref_slice %arg9[%mul3A_232, %dma_wait3A_250] : memref<50000x16xf32, #tpu.memory_space<vmem_shared>> -> memref<1000x16xf32, #tpu.memory_space<vmem_shared>>
        %dma_wait3A_252 = arith.constant 0 : i32
        %dma_wait3A_253 = tpu.memref_slice %arg9[%mul3A_232, %dma_wait3A_252] : memref<50000x16xf32, #tpu.memory_space<vmem_shared>> -> memref<1000x16xf32, #tpu.memory_space<vmem_shared>>
        %dma_wait3A_254 = arith.constant 0 : i32
        %dma_wait3A_255 = arith.constant 0 : i32
        %dma_wait3A_256 = tpu.memref_slice %arg8[%run_scoped3A, %dma_wait3A_254, %dma_wait3A_255] : memref<3x1024x16xf32, #tpu.memory_space<vmem>> -> memref<1x1000x16xf32, #tpu.memory_space<vmem>>
        %dma_wait3A_257 = tpu.memref_squeeze %dma_wait3A_256 : memref<1x1000x16xf32, #tpu.memory_space<vmem>> -> memref<1000x16xf32, #tpu.memory_space<vmem>>
        tpu.wait_dma2 semaphore(%run_scoped3A_233 : memref<!tpu.dma_semaphore, #tpu.memory_space<semaphore_mem>>) src(%dma_wait3A_257 : memref<1000x16xf32, #tpu.memory_space<vmem>>) dst(%dma_wait3A_253 : memref<1000x16xf32, #tpu.memory_space<vmem_shared>>)
        tpu.yield
      }) : () -> ()
    } else {
    }
    %add3A_18 = arith.constant 32 : i32
    %add3A_19 = arith.addi %arg1, %add3A_18 : i32
    %lt3A_20 = arith.constant 50 : i32
    %lt3A_21 = arith.cmpi slt, %add3A_19, %lt3A_20 : i32
    %convert_element_type3A_22 = arith.extui %lt3A_21 : i1 to i32
    %cond3A_23 = arith.constant 0 : i32
    %cond3A_24 = arith.cmpi ne, %convert_element_type3A_22, %cond3A_23 : i32
    scf.if %cond3A_24 {
      %mul3A_231 = arith.constant 1000 : i32
      %mul3A_232 = arith.muli %add3A_19, %mul3A_231 : i32
      %run_scoped3A = arith.constant 0 : i32
      "tpu.region"() ({
        %run_scoped3A_233 = tpu.sem_alloc : memref<!tpu.dma_semaphore, #tpu.memory_space<semaphore_mem>>
        %dma_start3A_234 = arith.constant 0 : i32
        %dma_start3A_235 = arith.constant 0 : i32
        %dma_start3A_236 = tpu.memref_slice %arg8[%run_scoped3A, %dma_start3A_234, %dma_start3A_235] : memref<3x1024x16xf32, #tpu.memory_space<vmem>> -> memref<1x1000x16xf32, #tpu.memory_space<vmem>>
        %dma_start3A_237 = tpu.memref_squeeze %dma_start3A_236 : memref<1x1000x16xf32, #tpu.memory_space<vmem>> -> memref<1000x16xf32, #tpu.memory_space<vmem>>
        %dma_start3A_238 = arith.constant 0 : i32
        %dma_start3A_239 = tpu.memref_slice %arg9[%mul3A_232, %dma_start3A_238] : memref<50000x16xf32, #tpu.memory_space<vmem_shared>> -> memref<1000x16xf32, #tpu.memory_space<vmem_shared>>
        %dma_start3A_240 = arith.constant 0 : i32
        %dma_start3A_241 = tpu.memref_slice %arg9[%mul3A_232, %dma_start3A_240] : memref<50000x16xf32, #tpu.memory_space<vmem_shared>> -> memref<1000x16xf32, #tpu.memory_space<vmem_shared>>
        %dma_start3A_242 = arith.constant 0 : i32
        %dma_start3A_243 = arith.constant 0 : i32
        %dma_start3A_244 = tpu.memref_slice %arg8[%run_scoped3A, %dma_start3A_242, %dma_start3A_243] : memref<3x1024x16xf32, #tpu.memory_space<vmem>> -> memref<1x1000x16xf32, #tpu.memory_space<vmem>>
        %dma_start3A_245 = tpu.memref_squeeze %dma_start3A_244 : memref<1x1000x16xf32, #tpu.memory_space<vmem>> -> memref<1000x16xf32, #tpu.memory_space<vmem>>
        tpu.enqueue_dma source(%dma_start3A_245 : memref<1000x16xf32, #tpu.memory_space<vmem>>) target(%dma_start3A_241 : memref<1000x16xf32, #tpu.memory_space<vmem_shared>>) target_semaphore(%run_scoped3A_233 : memref<!tpu.dma_semaphore, #tpu.memory_space<semaphore_mem>>)
        %dma_wait3A_246 = arith.constant 0 : i32
        %dma_wait3A_247 = arith.constant 0 : i32
        %dma_wait3A_248 = tpu.memref_slice %arg8[%run_scoped3A, %dma_wait3A_246, %dma_wait3A_247] : memref<3x1024x16xf32, #tpu.memory_space<vmem>> -> memref<1x1000x16xf32, #tpu.memory_space<vmem>>
        %dma_wait3A_249 = tpu.memref_squeeze %dma_wait3A_248 : memref<1x1000x16xf32, #tpu.memory_space<vmem>> -> memref<1000x16xf32, #tpu.memory_space<vmem>>
        %dma_wait3A_250 = arith.constant 0 : i32
        %dma_wait3A_251 = tpu.memref_slice %arg9[%mul3A_232, %dma_wait3A_250] : memref<50000x16xf32, #tpu.memory_space<vmem_shared>> -> memref<1000x16xf32, #tpu.memory_space<vmem_shared>>
        %dma_wait3A_252 = arith.constant 0 : i32
        %dma_wait3A_253 = tpu.memref_slice %arg9[%mul3A_232, %dma_wait3A_252] : memref<50000x16xf32, #tpu.memory_space<vmem_shared>> -> memref<1000x16xf32, #tpu.memory_space<vmem_shared>>
        %dma_wait3A_254 = arith.constant 0 : i32
        %dma_wait3A_255 = arith.constant 0 : i32
        %dma_wait3A_256 = tpu.memref_slice %arg8[%run_scoped3A, %dma_wait3A_254, %dma_wait3A_255] : memref<3x1024x16xf32, #tpu.memory_space<vmem>> -> memref<1x1000x16xf32, #tpu.memory_space<vmem>>
        %dma_wait3A_257 = tpu.memref_squeeze %dma_wait3A_256 : memref<1x1000x16xf32, #tpu.memory_space<vmem>> -> memref<1000x16xf32, #tpu.memory_space<vmem>>
        tpu.wait_dma2 semaphore(%run_scoped3A_233 : memref<!tpu.dma_semaphore, #tpu.memory_space<semaphore_mem>>) src(%dma_wait3A_257 : memref<1000x16xf32, #tpu.memory_space<vmem>>) dst(%dma_wait3A_253 : memref<1000x16xf32, #tpu.memory_space<vmem_shared>>)
        tpu.yield
      }) : () -> ()
    } else {
    }
    %add3A_25 = arith.constant 48 : i32
    %add3A_26 = arith.addi %arg1, %add3A_25 : i32
    %lt3A_27 = arith.constant 50 : i32
    %lt3A_28 = arith.cmpi slt, %add3A_26, %lt3A_27 : i32
    %convert_element_type3A_29 = arith.extui %lt3A_28 : i1 to i32
    %cond3A_30 = arith.constant 0 : i32
    %cond3A_31 = arith.cmpi ne, %convert_element_type3A_29, %cond3A_30 : i32
    scf.if %cond3A_31 {
      %mul3A_231 = arith.constant 1000 : i32
      %mul3A_232 = arith.muli %add3A_26, %mul3A_231 : i32
      %run_scoped3A = arith.constant 0 : i32
      "tpu.region"() ({
        %run_scoped3A_233 = tpu.sem_alloc : memref<!tpu.dma_semaphore, #tpu.memory_space<semaphore_mem>>
        %dma_start3A_234 = arith.constant 0 : i32
        %dma_start3A_235 = arith.constant 0 : i32
        %dma_start3A_236 = tpu.memref_slice %arg8[%run_scoped3A, %dma_start3A_234, %dma_start3A_235] : memref<3x1024x16xf32, #tpu.memory_space<vmem>> -> memref<1x1000x16xf32, #tpu.memory_space<vmem>>
        %dma_start3A_237 = tpu.memref_squeeze %dma_start3A_236 : memref<1x1000x16xf32, #tpu.memory_space<vmem>> -> memref<1000x16xf32, #tpu.memory_space<vmem>>
        %dma_start3A_238 = arith.constant 0 : i32
        %dma_start3A_239 = tpu.memref_slice %arg9[%mul3A_232, %dma_start3A_238] : memref<50000x16xf32, #tpu.memory_space<vmem_shared>> -> memref<1000x16xf32, #tpu.memory_space<vmem_shared>>
        %dma_start3A_240 = arith.constant 0 : i32
        %dma_start3A_241 = tpu.memref_slice %arg9[%mul3A_232, %dma_start3A_240] : memref<50000x16xf32, #tpu.memory_space<vmem_shared>> -> memref<1000x16xf32, #tpu.memory_space<vmem_shared>>
        %dma_start3A_242 = arith.constant 0 : i32
        %dma_start3A_243 = arith.constant 0 : i32
        %dma_start3A_244 = tpu.memref_slice %arg8[%run_scoped3A, %dma_start3A_242, %dma_start3A_243] : memref<3x1024x16xf32, #tpu.memory_space<vmem>> -> memref<1x1000x16xf32, #tpu.memory_space<vmem>>
        %dma_start3A_245 = tpu.memref_squeeze %dma_start3A_244 : memref<1x1000x16xf32, #tpu.memory_space<vmem>> -> memref<1000x16xf32, #tpu.memory_space<vmem>>
        tpu.enqueue_dma source(%dma_start3A_245 : memref<1000x16xf32, #tpu.memory_space<vmem>>) target(%dma_start3A_241 : memref<1000x16xf32, #tpu.memory_space<vmem_shared>>) target_semaphore(%run_scoped3A_233 : memref<!tpu.dma_semaphore, #tpu.memory_space<semaphore_mem>>)
        %dma_wait3A_246 = arith.constant 0 : i32
        %dma_wait3A_247 = arith.constant 0 : i32
        %dma_wait3A_248 = tpu.memref_slice %arg8[%run_scoped3A, %dma_wait3A_246, %dma_wait3A_247] : memref<3x1024x16xf32, #tpu.memory_space<vmem>> -> memref<1x1000x16xf32, #tpu.memory_space<vmem>>
        %dma_wait3A_249 = tpu.memref_squeeze %dma_wait3A_248 : memref<1x1000x16xf32, #tpu.memory_space<vmem>> -> memref<1000x16xf32, #tpu.memory_space<vmem>>
        %dma_wait3A_250 = arith.constant 0 : i32
        %dma_wait3A_251 = tpu.memref_slice %arg9[%mul3A_232, %dma_wait3A_250] : memref<50000x16xf32, #tpu.memory_space<vmem_shared>> -> memref<1000x16xf32, #tpu.memory_space<vmem_shared>>
        %dma_wait3A_252 = arith.constant 0 : i32
        %dma_wait3A_253 = tpu.memref_slice %arg9[%mul3A_232, %dma_wait3A_252] : memref<50000x16xf32, #tpu.memory_space<vmem_shared>> -> memref<1000x16xf32, #tpu.memory_space<vmem_shared>>
        %dma_wait3A_254 = arith.constant 0 : i32
        %dma_wait3A_255 = arith.constant 0 : i32
        %dma_wait3A_256 = tpu.memref_slice %arg8[%run_scoped3A, %dma_wait3A_254, %dma_wait3A_255] : memref<3x1024x16xf32, #tpu.memory_space<vmem>> -> memref<1x1000x16xf32, #tpu.memory_space<vmem>>
        %dma_wait3A_257 = tpu.memref_squeeze %dma_wait3A_256 : memref<1x1000x16xf32, #tpu.memory_space<vmem>> -> memref<1000x16xf32, #tpu.memory_space<vmem>>
        tpu.wait_dma2 semaphore(%run_scoped3A_233 : memref<!tpu.dma_semaphore, #tpu.memory_space<semaphore_mem>>) src(%dma_wait3A_257 : memref<1000x16xf32, #tpu.memory_space<vmem>>) dst(%dma_wait3A_253 : memref<1000x16xf32, #tpu.memory_space<vmem_shared>>)
        tpu.yield
      }) : () -> ()
    } else {
    }
    %add3A_32 = arith.constant 0 : i32
    %add3A_33 = arith.addi %arg1, %add3A_32 : i32
    %lt3A_34 = arith.constant 50 : i32
    %lt3A_35 = arith.cmpi slt, %add3A_33, %lt3A_34 : i32
    %convert_element_type3A_36 = arith.extui %lt3A_35 : i1 to i32
    %cond3A_37 = arith.constant 0 : i32
    %cond3A_38 = arith.cmpi ne, %convert_element_type3A_36, %cond3A_37 : i32
    scf.if %cond3A_38 {
      %mul3A_231 = arith.constant 1000 : i32
      %mul3A_232 = arith.muli %add3A_33, %mul3A_231 : i32
      %run_scoped3A = arith.constant 0 : i32
      "tpu.region"() ({
        %run_scoped3A_242 = tpu.sem_alloc : memref<!tpu.dma_semaphore, #tpu.memory_space<semaphore_mem>>
        %dma_start3A_243 = arith.constant 0 : i32
        %dma_start3A_244 = arith.constant 0 : i32
        %dma_start3A_245 = tpu.memref_slice %arg8[%run_scoped3A, %dma_start3A_243, %dma_start3A_244] : memref<3x1024x16xf32, #tpu.memory_space<vmem>> -> memref<1x1000x16xf32, #tpu.memory_space<vmem>>
        %dma_start3A_246 = tpu.memref_squeeze %dma_start3A_245 : memref<1x1000x16xf32, #tpu.memory_space<vmem>> -> memref<1000x16xf32, #tpu.memory_space<vmem>>
        %dma_start3A_247 = arith.constant 0 : i32
        %dma_start3A_248 = tpu.memref_slice %arg3[%mul3A_232, %dma_start3A_247] : memref<50000x16xf32, #tpu.memory_space<hbm>> -> memref<1000x16xf32, #tpu.memory_space<hbm>>
        %dma_start3A_249 = arith.constant 0 : i32
        %dma_start3A_250 = arith.constant 0 : i32
        %dma_start3A_251 = tpu.memref_slice %arg8[%run_scoped3A, %dma_start3A_249, %dma_start3A_250] : memref<3x1024x16xf32, #tpu.memory_space<vmem>> -> memref<1x1000x16xf32, #tpu.memory_space<vmem>>
        %dma_start3A_252 = tpu.memref_squeeze %dma_start3A_251 : memref<1x1000x16xf32, #tpu.memory_space<vmem>> -> memref<1000x16xf32, #tpu.memory_space<vmem>>
        %dma_start3A_253 = arith.constant 0 : i32
        %dma_start3A_254 = tpu.memref_slice %arg3[%mul3A_232, %dma_start3A_253] : memref<50000x16xf32, #tpu.memory_space<hbm>> -> memref<1000x16xf32, #tpu.memory_space<hbm>>
        tpu.enqueue_dma source(%dma_start3A_254 : memref<1000x16xf32, #tpu.memory_space<hbm>>) target(%dma_start3A_252 : memref<1000x16xf32, #tpu.memory_space<vmem>>) target_semaphore(%run_scoped3A_242 : memref<!tpu.dma_semaphore, #tpu.memory_space<semaphore_mem>>)
        %dma_wait3A_255 = arith.constant 0 : i32
        %dma_wait3A_256 = arith.constant 0 : i32
        %dma_wait3A_257 = tpu.memref_slice %arg8[%run_scoped3A, %dma_wait3A_255, %dma_wait3A_256] : memref<3x1024x16xf32, #tpu.memory_space<vmem>> -> memref<1x1000x16xf32, #tpu.memory_space<vmem>>
        %dma_wait3A_258 = tpu.memref_squeeze %dma_wait3A_257 : memref<1x1000x16xf32, #tpu.memory_space<vmem>> -> memref<1000x16xf32, #tpu.memory_space<vmem>>
        %dma_wait3A_259 = arith.constant 0 : i32
        %dma_wait3A_260 = tpu.memref_slice %arg3[%mul3A_232, %dma_wait3A_259] : memref<50000x16xf32, #tpu.memory_space<hbm>> -> memref<1000x16xf32, #tpu.memory_space<hbm>>
        %dma_wait3A_261 = arith.constant 0 : i32
        %dma_wait3A_262 = arith.constant 0 : i32
        %dma_wait3A_263 = tpu.memref_slice %arg8[%run_scoped3A, %dma_wait3A_261, %dma_wait3A_262] : memref<3x1024x16xf32, #tpu.memory_space<vmem>> -> memref<1x1000x16xf32, #tpu.memory_space<vmem>>
        %dma_wait3A_264 = tpu.memref_squeeze %dma_wait3A_263 : memref<1x1000x16xf32, #tpu.memory_space<vmem>> -> memref<1000x16xf32, #tpu.memory_space<vmem>>
        %dma_wait3A_265 = arith.constant 0 : i32
        %dma_wait3A_266 = tpu.memref_slice %arg3[%mul3A_232, %dma_wait3A_265] : memref<50000x16xf32, #tpu.memory_space<hbm>> -> memref<1000x16xf32, #tpu.memory_space<hbm>>
        tpu.wait_dma2 semaphore(%run_scoped3A_242 : memref<!tpu.dma_semaphore, #tpu.memory_space<semaphore_mem>>) src(%dma_wait3A_266 : memref<1000x16xf32, #tpu.memory_space<hbm>>) dst(%dma_wait3A_264 : memref<1000x16xf32, #tpu.memory_space<vmem>>)
        tpu.yield
      }) : () -> ()
      %run_scoped3A_233 = arith.constant 1 : i32
      "tpu.region"() ({
        %run_scoped3A_242 = tpu.sem_alloc : memref<!tpu.dma_semaphore, #tpu.memory_space<semaphore_mem>>
        %dma_start3A_243 = arith.constant 0 : i32
        %dma_start3A_244 = arith.constant 0 : i32
        %dma_start3A_245 = tpu.memref_slice %arg8[%run_scoped3A_233, %dma_start3A_243, %dma_start3A_244] : memref<3x1024x16xf32, #tpu.memory_space<vmem>> -> memref<1x1000x16xf32, #tpu.memory_space<vmem>>
        %dma_start3A_246 = tpu.memref_squeeze %dma_start3A_245 : memref<1x1000x16xf32, #tpu.memory_space<vmem>> -> memref<1000x16xf32, #tpu.memory_space<vmem>>
        %dma_start3A_247 = arith.constant 0 : i32
        %dma_start3A_248 = tpu.memref_slice %arg4[%mul3A_232, %dma_start3A_247] : memref<50000x16xf32, #tpu.memory_space<hbm>> -> memref<1000x16xf32, #tpu.memory_space<hbm>>
        %dma_start3A_249 = arith.constant 0 : i32
        %dma_start3A_250 = arith.constant 0 : i32
        %dma_start3A_251 = tpu.memref_slice %arg8[%run_scoped3A_233, %dma_start3A_249, %dma_start3A_250] : memref<3x1024x16xf32, #tpu.memory_space<vmem>> -> memref<1x1000x16xf32, #tpu.memory_space<vmem>>
        %dma_start3A_252 = tpu.memref_squeeze %dma_start3A_251 : memref<1x1000x16xf32, #tpu.memory_space<vmem>> -> memref<1000x16xf32, #tpu.memory_space<vmem>>
        %dma_start3A_253 = arith.constant 0 : i32
        %dma_start3A_254 = tpu.memref_slice %arg4[%mul3A_232, %dma_start3A_253] : memref<50000x16xf32, #tpu.memory_space<hbm>> -> memref<1000x16xf32, #tpu.memory_space<hbm>>
        tpu.enqueue_dma source(%dma_start3A_254 : memref<1000x16xf32, #tpu.memory_space<hbm>>) target(%dma_start3A_252 : memref<1000x16xf32, #tpu.memory_space<vmem>>) target_semaphore(%run_scoped3A_242 : memref<!tpu.dma_semaphore, #tpu.memory_space<semaphore_mem>>)
        %dma_wait3A_255 = arith.constant 0 : i32
        %dma_wait3A_256 = arith.constant 0 : i32
        %dma_wait3A_257 = tpu.memref_slice %arg8[%run_scoped3A_233, %dma_wait3A_255, %dma_wait3A_256] : memref<3x1024x16xf32, #tpu.memory_space<vmem>> -> memref<1x1000x16xf32, #tpu.memory_space<vmem>>
        %dma_wait3A_258 = tpu.memref_squeeze %dma_wait3A_257 : memref<1x1000x16xf32, #tpu.memory_space<vmem>> -> memref<1000x16xf32, #tpu.memory_space<vmem>>
        %dma_wait3A_259 = arith.constant 0 : i32
        %dma_wait3A_260 = tpu.memref_slice %arg4[%mul3A_232, %dma_wait3A_259] : memref<50000x16xf32, #tpu.memory_space<hbm>> -> memref<1000x16xf32, #tpu.memory_space<hbm>>
        %dma_wait3A_261 = arith.constant 0 : i32
        %dma_wait3A_262 = arith.constant 0 : i32
        %dma_wait3A_263 = tpu.memref_slice %arg8[%run_scoped3A_233, %dma_wait3A_261, %dma_wait3A_262] : memref<3x1024x16xf32, #tpu.memory_space<vmem>> -> memref<1x1000x16xf32, #tpu.memory_space<vmem>>
        %dma_wait3A_264 = tpu.memref_squeeze %dma_wait3A_263 : memref<1x1000x16xf32, #tpu.memory_space<vmem>> -> memref<1000x16xf32, #tpu.memory_space<vmem>>
        %dma_wait3A_265 = arith.constant 0 : i32
        %dma_wait3A_266 = tpu.memref_slice %arg4[%mul3A_232, %dma_wait3A_265] : memref<50000x16xf32, #tpu.memory_space<hbm>> -> memref<1000x16xf32, #tpu.memory_space<hbm>>
        tpu.wait_dma2 semaphore(%run_scoped3A_242 : memref<!tpu.dma_semaphore, #tpu.memory_space<semaphore_mem>>) src(%dma_wait3A_266 : memref<1000x16xf32, #tpu.memory_space<hbm>>) dst(%dma_wait3A_264 : memref<1000x16xf32, #tpu.memory_space<vmem>>)
        tpu.yield
      }) : () -> ()
      %scan3A_234 = arith.constant 0 : i32
      %scan3A_235 = arith.constant 0 : i32
      %scan3A_236 = arith.constant 250 : i32
      %scan3A_237 = arith.addi %scan3A_235, %scan3A_236 : i32
      %scan3A_238 = arith.constant 1 : i32
      %scan3A_239 = scf.for %scan3A_242 = %scan3A_235 to %scan3A_237 step %scan3A_238 iter_args(%scan3A_243 = %scan3A_234) -> (i32)  : i32 {
        %mul3A_244 = arith.constant 4 : i32
        %mul3A_245 = arith.muli %scan3A_242, %mul3A_244 : i32
        %add3A_246 = arith.constant 0 : i32
        %add3A_247 = arith.addi %mul3A_245, %add3A_246 : i32
        %get3A = arith.constant 0 : i32
        %get3A_248 = arith.index_cast %get3A : i32 to index
        %get3A_249 = arith.index_cast %add3A_247 : i32 to index
        %get3A_250 = arith.constant 0 : index
        %get3A_251 = tpu.vector_load %arg8[%get3A_248, %get3A_249, %get3A_250] {strides = array<i32>} : memref<3x1024x16xf32, #tpu.memory_space<vmem>>, vector<1x1x16xf32>,
        %get3A_252 = vector.shape_cast %get3A_251 : vector<1x1x16xf32> to vector<16xf32>
        %get3A_253 = arith.constant 1 : i32
        %get3A_254 = arith.index_cast %get3A_253 : i32 to index
        %get3A_255 = arith.index_cast %add3A_247 : i32 to index
        %get3A_256 = arith.constant 0 : index
        %get3A_257 = tpu.vector_load %arg8[%get3A_254, %get3A_255, %get3A_256] {strides = array<i32>} : memref<3x1024x16xf32, #tpu.memory_space<vmem>>, vector<1x1x16xf32>,
        %get3A_258 = vector.shape_cast %get3A_257 : vector<1x1x16xf32> to vector<16xf32>
        %mul3A_259 = arith.mulf %get3A_252, %get3A_258 : vector<16xf32>
        %swap3A = arith.constant 0 : i32
        %swap3A_260 = arith.index_cast %swap3A : i32 to index
        %swap3A_261 = arith.index_cast %add3A_247 : i32 to index
        %swap3A_262 = arith.constant 0 : index
        %swap3A_263 = tpu.vector_load %arg8[%swap3A_260, %swap3A_261, %swap3A_262] {strides = array<i32>} : memref<3x1024x16xf32, #tpu.memory_space<vmem>>, vector<1x1x16xf32>,
        %swap3A_264 = vector.shape_cast %swap3A_263 : vector<1x1x16xf32> to vector<16xf32>
        %swap3A_265 = vector.shape_cast %mul3A_259 : vector<16xf32> to vector<1x1x16xf32>
        tpu.vector_store %arg8[%swap3A_260, %swap3A_261, %swap3A_262], %swap3A_265 {strides = array<i32>} : memref<3x1024x16xf32, #tpu.memory_space<vmem>>, vector<1x1x16xf32>,
        %mul3A_266 = arith.constant 4 : i32
        %mul3A_267 = arith.muli %scan3A_242, %mul3A_266 : i32
        %add3A_268 = arith.constant 1 : i32
        %add3A_269 = arith.addi %mul3A_267, %add3A_268 : i32
        %get3A_270 = arith.constant 0 : i32
        %get3A_271 = arith.index_cast %get3A_270 : i32 to index
        %get3A_272 = arith.index_cast %add3A_269 : i32 to index
        %get3A_273 = arith.constant 0 : index
        %get3A_274 = tpu.vector_load %arg8[%get3A_271, %get3A_272, %get3A_273] {strides = array<i32>} : memref<3x1024x16xf32, #tpu.memory_space<vmem>>, vector<1x1x16xf32>,
        %get3A_275 = vector.shape_cast %get3A_274 : vector<1x1x16xf32> to vector<16xf32>
        %get3A_276 = arith.constant 1 : i32
        %get3A_277 = arith.index_cast %get3A_276 : i32 to index
        %get3A_278 = arith.index_cast %add3A_269 : i32 to index
        %get3A_279 = arith.constant 0 : index
        %get3A_280 = tpu.vector_load %arg8[%get3A_277, %get3A_278, %get3A_279] {strides = array<i32>} : memref<3x1024x16xf32, #tpu.memory_space<vmem>>, vector<1x1x16xf32>,
        %get3A_281 = vector.shape_cast %get3A_280 : vector<1x1x16xf32> to vector<16xf32>
        %mul3A_282 = arith.mulf %get3A_275, %get3A_281 : vector<16xf32>
        %swap3A_283 = arith.constant 0 : i32
        %swap3A_284 = arith.index_cast %swap3A_283 : i32 to index
        %swap3A_285 = arith.index_cast %add3A_269 : i32 to index
        %swap3A_286 = arith.constant 0 : index
        %swap3A_287 = tpu.vector_load %arg8[%swap3A_284, %swap3A_285, %swap3A_286] {strides = array<i32>} : memref<3x1024x16xf32, #tpu.memory_space<vmem>>, vector<1x1x16xf32>,
        %swap3A_288 = vector.shape_cast %swap3A_287 : vector<1x1x16xf32> to vector<16xf32>
        %swap3A_289 = vector.shape_cast %mul3A_282 : vector<16xf32> to vector<1x1x16xf32>
        tpu.vector_store %arg8[%swap3A_284, %swap3A_285, %swap3A_286], %swap3A_289 {strides = array<i32>} : memref<3x1024x16xf32, #tpu.memory_space<vmem>>, vector<1x1x16xf32>,
        %mul3A_290 = arith.constant 4 : i32
        %mul3A_291 = arith.muli %scan3A_242, %mul3A_290 : i32
        %add3A_292 = arith.constant 2 : i32
        %add3A_293 = arith.addi %mul3A_291, %add3A_292 : i32
        %get3A_294 = arith.constant 0 : i32
        %get3A_295 = arith.index_cast %get3A_294 : i32 to index
        %get3A_296 = arith.index_cast %add3A_293 : i32 to index
        %get3A_297 = arith.constant 0 : index
        %get3A_298 = tpu.vector_load %arg8[%get3A_295, %get3A_296, %get3A_297] {strides = array<i32>} : memref<3x1024x16xf32, #tpu.memory_space<vmem>>, vector<1x1x16xf32>,
        %get3A_299 = vector.shape_cast %get3A_298 : vector<1x1x16xf32> to vector<16xf32>
        %get3A_300 = arith.constant 1 : i32
        %get3A_301 = arith.index_cast %get3A_300 : i32 to index
        %get3A_302 = arith.index_cast %add3A_293 : i32 to index
        %get3A_303 = arith.constant 0 : index
        %get3A_304 = tpu.vector_load %arg8[%get3A_301, %get3A_302, %get3A_303] {strides = array<i32>} : memref<3x1024x16xf32, #tpu.memory_space<vmem>>, vector<1x1x16xf32>,
        %get3A_305 = vector.shape_cast %get3A_304 : vector<1x1x16xf32> to vector<16xf32>
        %mul3A_306 = arith.mulf %get3A_299, %get3A_305 : vector<16xf32>
        %swap3A_307 = arith.constant 0 : i32
        %swap3A_308 = arith.index_cast %swap3A_307 : i32 to index
        %swap3A_309 = arith.index_cast %add3A_293 : i32 to index
        %swap3A_310 = arith.constant 0 : index
        %swap3A_311 = tpu.vector_load %arg8[%swap3A_308, %swap3A_309, %swap3A_310] {strides = array<i32>} : memref<3x1024x16xf32, #tpu.memory_space<vmem>>, vector<1x1x16xf32>,
        %swap3A_312 = vector.shape_cast %swap3A_311 : vector<1x1x16xf32> to vector<16xf32>
        %swap3A_313 = vector.shape_cast %mul3A_306 : vector<16xf32> to vector<1x1x16xf32>
        tpu.vector_store %arg8[%swap3A_308, %swap3A_309, %swap3A_310], %swap3A_313 {strides = array<i32>} : memref<3x1024x16xf32, #tpu.memory_space<vmem>>, vector<1x1x16xf32>,
        %mul3A_314 = arith.constant 4 : i32
        %mul3A_315 = arith.muli %scan3A_242, %mul3A_314 : i32
        %add3A_316 = arith.constant 3 : i32
        %add3A_317 = arith.addi %mul3A_315, %add3A_316 : i32
        %get3A_318 = arith.constant 0 : i32
        %get3A_319 = arith.index_cast %get3A_318 : i32 to index
        %get3A_320 = arith.index_cast %add3A_317 : i32 to index
        %get3A_321 = arith.constant 0 : index
        %get3A_322 = tpu.vector_load %arg8[%get3A_319, %get3A_320, %get3A_321] {strides = array<i32>} : memref<3x1024x16xf32, #tpu.memory_space<vmem>>, vector<1x1x16xf32>,
        %get3A_323 = vector.shape_cast %get3A_322 : vector<1x1x16xf32> to vector<16xf32>
        %get3A_324 = arith.constant 1 : i32
        %get3A_325 = arith.index_cast %get3A_324 : i32 to index
        %get3A_326 = arith.index_cast %add3A_317 : i32 to index
        %get3A_327 = arith.constant 0 : index
        %get3A_328 = tpu.vector_load %arg8[%get3A_325, %get3A_326, %get3A_327] {strides = array<i32>} : memref<3x1024x16xf32, #tpu.memory_space<vmem>>, vector<1x1x16xf32>,
        %get3A_329 = vector.shape_cast %get3A_328 : vector<1x1x16xf32> to vector<16xf32>
        %mul3A_330 = arith.mulf %get3A_323, %get3A_329 : vector<16xf32>
        %swap3A_331 = arith.constant 0 : i32
        %swap3A_332 = arith.index_cast %swap3A_331 : i32 to index
        %swap3A_333 = arith.index_cast %add3A_317 : i32 to index
        %swap3A_334 = arith.constant 0 : index
        %swap3A_335 = tpu.vector_load %arg8[%swap3A_332, %swap3A_333, %swap3A_334] {strides = array<i32>} : memref<3x1024x16xf32, #tpu.memory_space<vmem>>, vector<1x1x16xf32>,
        %swap3A_336 = vector.shape_cast %swap3A_335 : vector<1x1x16xf32> to vector<16xf32>
        %swap3A_337 = vector.shape_cast %mul3A_330 : vector<16xf32> to vector<1x1x16xf32>
        tpu.vector_store %arg8[%swap3A_332, %swap3A_333, %swap3A_334], %swap3A_337 {strides = array<i32>} : memref<3x1024x16xf32, #tpu.memory_space<vmem>>, vector<1x1x16xf32>,
        %scan3A_338 = arith.constant 0 : i32
        scf.yield %scan3A_338 : i32
      }
      %scan3A_240 = arith.constant 250 : i32
      %run_scoped3A_241 = arith.constant 0 : i32
      "tpu.region"() ({
        %run_scoped3A_242 = tpu.sem_alloc : memref<!tpu.dma_semaphore, #tpu.memory_space<semaphore_mem>>
        %dma_start3A_243 = arith.constant 0 : i32
        %dma_start3A_244 = arith.constant 0 : i32
        %dma_start3A_245 = tpu.memref_slice %arg8[%run_scoped3A_241, %dma_start3A_243, %dma_start3A_244] : memref<3x1024x16xf32, #tpu.memory_space<vmem>> -> memref<1x1000x16xf32, #tpu.memory_space<vmem>>
        %dma_start3A_246 = tpu.memref_squeeze %dma_start3A_245 : memref<1x1000x16xf32, #tpu.memory_space<vmem>> -> memref<1000x16xf32, #tpu.memory_space<vmem>>
        %dma_start3A_247 = arith.constant 0 : i32
        %dma_start3A_248 = tpu.memref_slice %arg6[%arg0, %mul3A_232, %dma_start3A_247] : memref<2x50000x16xf32, #tpu.memory_space<hbm>> -> memref<1x1000x16xf32, #tpu.memory_space<hbm>>
        %dma_start3A_249 = tpu.memref_squeeze %dma_start3A_248 : memref<1x1000x16xf32, #tpu.memory_space<hbm>> -> memref<1000x16xf32, #tpu.memory_space<hbm>>
        %dma_start3A_250 = arith.constant 0 : i32
        %dma_start3A_251 = tpu.memref_slice %arg6[%arg0, %mul3A_232, %dma_start3A_250] : memref<2x50000x16xf32, #tpu.memory_space<hbm>> -> memref<1x1000x16xf32, #tpu.memory_space<hbm>>
        %dma_start3A_252 = tpu.memref_squeeze %dma_start3A_251 : memref<1x1000x16xf32, #tpu.memory_space<hbm>> -> memref<1000x16xf32, #tpu.memory_space<hbm>>
        %dma_start3A_253 = arith.constant 0 : i32
        %dma_start3A_254 = arith.constant 0 : i32
        %dma_start3A_255 = tpu.memref_slice %arg8[%run_scoped3A_241, %dma_start3A_253, %dma_start3A_254] : memref<3x1024x16xf32, #tpu.memory_space<vmem>> -> memref<1x1000x16xf32, #tpu.memory_space<vmem>>
        %dma_start3A_256 = tpu.memref_squeeze %dma_start3A_255 : memref<1x1000x16xf32, #tpu.memory_space<vmem>> -> memref<1000x16xf32, #tpu.memory_space<vmem>>
        tpu.enqueue_dma source(%dma_start3A_256 : memref<1000x16xf32, #tpu.memory_space<vmem>>) target(%dma_start3A_252 : memref<1000x16xf32, #tpu.memory_space<hbm>>) target_semaphore(%run_scoped3A_242 : memref<!tpu.dma_semaphore, #tpu.memory_space<semaphore_mem>>)
        %dma_wait3A_257 = arith.constant 0 : i32
        %dma_wait3A_258 = arith.constant 0 : i32
        %dma_wait3A_259 = tpu.memref_slice %arg8[%run_scoped3A_241, %dma_wait3A_257, %dma_wait3A_258] : memref<3x1024x16xf32, #tpu.memory_space<vmem>> -> memref<1x1000x16xf32, #tpu.memory_space<vmem>>
        %dma_wait3A_260 = tpu.memref_squeeze %dma_wait3A_259 : memref<1x1000x16xf32, #tpu.memory_space<vmem>> -> memref<1000x16xf32, #tpu.memory_space<vmem>>
        %dma_wait3A_261 = arith.constant 0 : i32
        %dma_wait3A_262 = tpu.memref_slice %arg6[%arg0, %mul3A_232, %dma_wait3A_261] : memref<2x50000x16xf32, #tpu.memory_space<hbm>> -> memref<1x1000x16xf32, #tpu.memory_space<hbm>>
        %dma_wait3A_263 = tpu.memref_squeeze %dma_wait3A_262 : memref<1x1000x16xf32, #tpu.memory_space<hbm>> -> memref<1000x16xf32, #tpu.memory_space<hbm>>
        %dma_wait3A_264 = arith.constant 0 : i32
        %dma_wait3A_265 = tpu.memref_slice %arg6[%arg0, %mul3A_232, %dma_wait3A_264] : memref<2x50000x16xf32, #tpu.memory_space<hbm>> -> memref<1x1000x16xf32, #tpu.memory_space<hbm>>
        %dma_wait3A_266 = tpu.memref_squeeze %dma_wait3A_265 : memref<1x1000x16xf32, #tpu.memory_space<hbm>> -> memref<1000x16xf32, #tpu.memory_space<hbm>>
        %dma_wait3A_267 = arith.constant 0 : i32
        %dma_wait3A_268 = arith.constant 0 : i32
        %dma_wait3A_269 = tpu.memref_slice %arg8[%run_scoped3A_241, %dma_wait3A_267, %dma_wait3A_268] : memref<3x1024x16xf32, #tpu.memory_space<vmem>> -> memref<1x1000x16xf32, #tpu.memory_space<vmem>>
        %dma_wait3A_270 = tpu.memref_squeeze %dma_wait3A_269 : memref<1x1000x16xf32, #tpu.memory_space<vmem>> -> memref<1000x16xf32, #tpu.memory_space<vmem>>
        tpu.wait_dma2 semaphore(%run_scoped3A_242 : memref<!tpu.dma_semaphore, #tpu.memory_space<semaphore_mem>>) src(%dma_wait3A_270 : memref<1000x16xf32, #tpu.memory_space<vmem>>) dst(%dma_wait3A_266 : memref<1000x16xf32, #tpu.memory_space<hbm>>)
        tpu.yield
      }) : () -> ()
    } else {
    }
    %add3A_39 = arith.constant 16 : i32
    %add3A_40 = arith.addi %arg1, %add3A_39 : i32
    %lt3A_41 = arith.constant 50 : i32
    %lt3A_42 = arith.cmpi slt, %add3A_40, %lt3A_41 : i32
    %convert_element_type3A_43 = arith.extui %lt3A_42 : i1 to i32
    %cond3A_44 = arith.constant 0 : i32
    %cond3A_45 = arith.cmpi ne, %convert_element_type3A_43, %cond3A_44 : i32
    scf.if %cond3A_45 {
      %mul3A_231 = arith.constant 1000 : i32
      %mul3A_232 = arith.muli %add3A_40, %mul3A_231 : i32
      %run_scoped3A = arith.constant 0 : i32
      "tpu.region"() ({
        %run_scoped3A_242 = tpu.sem_alloc : memref<!tpu.dma_semaphore, #tpu.memory_space<semaphore_mem>>
        %dma_start3A_243 = arith.constant 0 : i32
        %dma_start3A_244 = arith.constant 0 : i32
        %dma_start3A_245 = tpu.memref_slice %arg8[%run_scoped3A, %dma_start3A_243, %dma_start3A_244] : memref<3x1024x16xf32, #tpu.memory_space<vmem>> -> memref<1x1000x16xf32, #tpu.memory_space<vmem>>
        %dma_start3A_246 = tpu.memref_squeeze %dma_start3A_245 : memref<1x1000x16xf32, #tpu.memory_space<vmem>> -> memref<1000x16xf32, #tpu.memory_space<vmem>>
        %dma_start3A_247 = arith.constant 0 : i32
        %dma_start3A_248 = tpu.memref_slice %arg3[%mul3A_232, %dma_start3A_247] : memref<50000x16xf32, #tpu.memory_space<hbm>> -> memref<1000x16xf32, #tpu.memory_space<hbm>>
        %dma_start3A_249 = arith.constant 0 : i32
        %dma_start3A_250 = arith.constant 0 : i32
        %dma_start3A_251 = tpu.memref_slice %arg8[%run_scoped3A, %dma_start3A_249, %dma_start3A_250] : memref<3x1024x16xf32, #tpu.memory_space<vmem>> -> memref<1x1000x16xf32, #tpu.memory_space<vmem>>
        %dma_start3A_252 = tpu.memref_squeeze %dma_start3A_251 : memref<1x1000x16xf32, #tpu.memory_space<vmem>> -> memref<1000x16xf32, #tpu.memory_space<vmem>>
        %dma_start3A_253 = arith.constant 0 : i32
        %dma_start3A_254 = tpu.memref_slice %arg3[%mul3A_232, %dma_start3A_253] : memref<50000x16xf32, #tpu.memory_space<hbm>> -> memref<1000x16xf32, #tpu.memory_space<hbm>>
        tpu.enqueue_dma source(%dma_start3A_254 : memref<1000x16xf32, #tpu.memory_space<hbm>>) target(%dma_start3A_252 : memref<1000x16xf32, #tpu.memory_space<vmem>>) target_semaphore(%run_scoped3A_242 : memref<!tpu.dma_semaphore, #tpu.memory_space<semaphore_mem>>)
        %dma_wait3A_255 = arith.constant 0 : i32
        %dma_wait3A_256 = arith.constant 0 : i32
        %dma_wait3A_257 = tpu.memref_slice %arg8[%run_scoped3A, %dma_wait3A_255, %dma_wait3A_256] : memref<3x1024x16xf32, #tpu.memory_space<vmem>> -> memref<1x1000x16xf32, #tpu.memory_space<vmem>>
        %dma_wait3A_258 = tpu.memref_squeeze %dma_wait3A_257 : memref<1x1000x16xf32, #tpu.memory_space<vmem>> -> memref<1000x16xf32, #tpu.memory_space<vmem>>
        %dma_wait3A_259 = arith.constant 0 : i32
        %dma_wait3A_260 = tpu.memref_slice %arg3[%mul3A_232, %dma_wait3A_259] : memref<50000x16xf32, #tpu.memory_space<hbm>> -> memref<1000x16xf32, #tpu.memory_space<hbm>>
        %dma_wait3A_261 = arith.constant 0 : i32
        %dma_wait3A_262 = arith.constant 0 : i32
        %dma_wait3A_263 = tpu.memref_slice %arg8[%run_scoped3A, %dma_wait3A_261, %dma_wait3A_262] : memref<3x1024x16xf32, #tpu.memory_space<vmem>> -> memref<1x1000x16xf32, #tpu.memory_space<vmem>>
        %dma_wait3A_264 = tpu.memref_squeeze %dma_wait3A_263 : memref<1x1000x16xf32, #tpu.memory_space<vmem>> -> memref<1000x16xf32, #tpu.memory_space<vmem>>
        %dma_wait3A_265 = arith.constant 0 : i32
        %dma_wait3A_266 = tpu.memref_slice %arg3[%mul3A_232, %dma_wait3A_265] : memref<50000x16xf32, #tpu.memory_space<hbm>> -> memref<1000x16xf32, #tpu.memory_space<hbm>>
        tpu.wait_dma2 semaphore(%run_scoped3A_242 : memref<!tpu.dma_semaphore, #tpu.memory_space<semaphore_mem>>) src(%dma_wait3A_266 : memref<1000x16xf32, #tpu.memory_space<hbm>>) dst(%dma_wait3A_264 : memref<1000x16xf32, #tpu.memory_space<vmem>>)
        tpu.yield
      }) : () -> ()
      %run_scoped3A_233 = arith.constant 1 : i32
      "tpu.region"() ({
        %run_scoped3A_242 = tpu.sem_alloc : memref<!tpu.dma_semaphore, #tpu.memory_space<semaphore_mem>>
        %dma_start3A_243 = arith.constant 0 : i32
        %dma_start3A_244 = arith.constant 0 : i32
        %dma_start3A_245 = tpu.memref_slice %arg8[%run_scoped3A_233, %dma_start3A_243, %dma_start3A_244] : memref<3x1024x16xf32, #tpu.memory_space<vmem>> -> memref<1x1000x16xf32, #tpu.memory_space<vmem>>
        %dma_start3A_246 = tpu.memref_squeeze %dma_start3A_245 : memref<1x1000x16xf32, #tpu.memory_space<vmem>> -> memref<1000x16xf32, #tpu.memory_space<vmem>>
        %dma_start3A_247 = arith.constant 0 : i32
        %dma_start3A_248 = tpu.memref_slice %arg4[%mul3A_232, %dma_start3A_247] : memref<50000x16xf32, #tpu.memory_space<hbm>> -> memref<1000x16xf32, #tpu.memory_space<hbm>>
        %dma_start3A_249 = arith.constant 0 : i32
        %dma_start3A_250 = arith.constant 0 : i32
        %dma_start3A_251 = tpu.memref_slice %arg8[%run_scoped3A_233, %dma_start3A_249, %dma_start3A_250] : memref<3x1024x16xf32, #tpu.memory_space<vmem>> -> memref<1x1000x16xf32, #tpu.memory_space<vmem>>
        %dma_start3A_252 = tpu.memref_squeeze %dma_start3A_251 : memref<1x1000x16xf32, #tpu.memory_space<vmem>> -> memref<1000x16xf32, #tpu.memory_space<vmem>>
        %dma_start3A_253 = arith.constant 0 : i32
        %dma_start3A_254 = tpu.memref_slice %arg4[%mul3A_232, %dma_start3A_253] : memref<50000x16xf32, #tpu.memory_space<hbm>> -> memref<1000x16xf32, #tpu.memory_space<hbm>>
        tpu.enqueue_dma source(%dma_start3A_254 : memref<1000x16xf32, #tpu.memory_space<hbm>>) target(%dma_start3A_252 : memref<1000x16xf32, #tpu.memory_space<vmem>>) target_semaphore(%run_scoped3A_242 : memref<!tpu.dma_semaphore, #tpu.memory_space<semaphore_mem>>)
        %dma_wait3A_255 = arith.constant 0 : i32
        %dma_wait3A_256 = arith.constant 0 : i32
        %dma_wait3A_257 = tpu.memref_slice %arg8[%run_scoped3A_233, %dma_wait3A_255, %dma_wait3A_256] : memref<3x1024x16xf32, #tpu.memory_space<vmem>> -> memref<1x1000x16xf32, #tpu.memory_space<vmem>>
        %dma_wait3A_258 = tpu.memref_squeeze %dma_wait3A_257 : memref<1x1000x16xf32, #tpu.memory_space<vmem>> -> memref<1000x16xf32, #tpu.memory_space<vmem>>
        %dma_wait3A_259 = arith.constant 0 : i32
        %dma_wait3A_260 = tpu.memref_slice %arg4[%mul3A_232, %dma_wait3A_259] : memref<50000x16xf32, #tpu.memory_space<hbm>> -> memref<1000x16xf32, #tpu.memory_space<hbm>>
        %dma_wait3A_261 = arith.constant 0 : i32
        %dma_wait3A_262 = arith.constant 0 : i32
        %dma_wait3A_263 = tpu.memref_slice %arg8[%run_scoped3A_233, %dma_wait3A_261, %dma_wait3A_262] : memref<3x1024x16xf32, #tpu.memory_space<vmem>> -> memref<1x1000x16xf32, #tpu.memory_space<vmem>>
        %dma_wait3A_264 = tpu.memref_squeeze %dma_wait3A_263 : memref<1x1000x16xf32, #tpu.memory_space<vmem>> -> memref<1000x16xf32, #tpu.memory_space<vmem>>
        %dma_wait3A_265 = arith.constant 0 : i32
        %dma_wait3A_266 = tpu.memref_slice %arg4[%mul3A_232, %dma_wait3A_265] : memref<50000x16xf32, #tpu.memory_space<hbm>> -> memref<1000x16xf32, #tpu.memory_space<hbm>>
        tpu.wait_dma2 semaphore(%run_scoped3A_242 : memref<!tpu.dma_semaphore, #tpu.memory_space<semaphore_mem>>) src(%dma_wait3A_266 : memref<1000x16xf32, #tpu.memory_space<hbm>>) dst(%dma_wait3A_264 : memref<1000x16xf32, #tpu.memory_space<vmem>>)
        tpu.yield
      }) : () -> ()
      %scan3A_234 = arith.constant 0 : i32
      %scan3A_235 = arith.constant 0 : i32
      %scan3A_236 = arith.constant 250 : i32
      %scan3A_237 = arith.addi %scan3A_235, %scan3A_236 : i32
      %scan3A_238 = arith.constant 1 : i32
      %scan3A_239 = scf.for %scan3A_242 = %scan3A_235 to %scan3A_237 step %scan3A_238 iter_args(%scan3A_243 = %scan3A_234) -> (i32)  : i32 {
        %mul3A_244 = arith.constant 4 : i32
        %mul3A_245 = arith.muli %scan3A_242, %mul3A_244 : i32
        %add3A_246 = arith.constant 0 : i32
        %add3A_247 = arith.addi %mul3A_245, %add3A_246 : i32
        %get3A = arith.constant 0 : i32
        %get3A_248 = arith.index_cast %get3A : i32 to index
        %get3A_249 = arith.index_cast %add3A_247 : i32 to index
        %get3A_250 = arith.constant 0 : index
        %get3A_251 = tpu.vector_load %arg8[%get3A_248, %get3A_249, %get3A_250] {strides = array<i32>} : memref<3x1024x16xf32, #tpu.memory_space<vmem>>, vector<1x1x16xf32>,
        %get3A_252 = vector.shape_cast %get3A_251 : vector<1x1x16xf32> to vector<16xf32>
        %get3A_253 = arith.constant 1 : i32
        %get3A_254 = arith.index_cast %get3A_253 : i32 to index
        %get3A_255 = arith.index_cast %add3A_247 : i32 to index
        %get3A_256 = arith.constant 0 : index
        %get3A_257 = tpu.vector_load %arg8[%get3A_254, %get3A_255, %get3A_256] {strides = array<i32>} : memref<3x1024x16xf32, #tpu.memory_space<vmem>>, vector<1x1x16xf32>,
        %get3A_258 = vector.shape_cast %get3A_257 : vector<1x1x16xf32> to vector<16xf32>
        %mul3A_259 = arith.mulf %get3A_252, %get3A_258 : vector<16xf32>
        %swap3A = arith.constant 0 : i32
        %swap3A_260 = arith.index_cast %swap3A : i32 to index
        %swap3A_261 = arith.index_cast %add3A_247 : i32 to index
        %swap3A_262 = arith.constant 0 : index
        %swap3A_263 = tpu.vector_load %arg8[%swap3A_260, %swap3A_261, %swap3A_262] {strides = array<i32>} : memref<3x1024x16xf32, #tpu.memory_space<vmem>>, vector<1x1x16xf32>,
        %swap3A_264 = vector.shape_cast %swap3A_263 : vector<1x1x16xf32> to vector<16xf32>
        %swap3A_265 = vector.shape_cast %mul3A_259 : vector<16xf32> to vector<1x1x16xf32>
        tpu.vector_store %arg8[%swap3A_260, %swap3A_261, %swap3A_262], %swap3A_265 {strides = array<i32>} : memref<3x1024x16xf32, #tpu.memory_space<vmem>>, vector<1x1x16xf32>,
        %mul3A_266 = arith.constant 4 : i32
        %mul3A_267 = arith.muli %scan3A_242, %mul3A_266 : i32
        %add3A_268 = arith.constant 1 : i32
        %add3A_269 = arith.addi %mul3A_267, %add3A_268 : i32
        %get3A_270 = arith.constant 0 : i32
        %get3A_271 = arith.index_cast %get3A_270 : i32 to index
        %get3A_272 = arith.index_cast %add3A_269 : i32 to index
        %get3A_273 = arith.constant 0 : index
        %get3A_274 = tpu.vector_load %arg8[%get3A_271, %get3A_272, %get3A_273] {strides = array<i32>} : memref<3x1024x16xf32, #tpu.memory_space<vmem>>, vector<1x1x16xf32>,
        %get3A_275 = vector.shape_cast %get3A_274 : vector<1x1x16xf32> to vector<16xf32>
        %get3A_276 = arith.constant 1 : i32
        %get3A_277 = arith.index_cast %get3A_276 : i32 to index
        %get3A_278 = arith.index_cast %add3A_269 : i32 to index
        %get3A_279 = arith.constant 0 : index
        %get3A_280 = tpu.vector_load %arg8[%get3A_277, %get3A_278, %get3A_279] {strides = array<i32>} : memref<3x1024x16xf32, #tpu.memory_space<vmem>>, vector<1x1x16xf32>,
        %get3A_281 = vector.shape_cast %get3A_280 : vector<1x1x16xf32> to vector<16xf32>
        %mul3A_282 = arith.mulf %get3A_275, %get3A_281 : vector<16xf32>
        %swap3A_283 = arith.constant 0 : i32
        %swap3A_284 = arith.index_cast %swap3A_283 : i32 to index
        %swap3A_285 = arith.index_cast %add3A_269 : i32 to index
        %swap3A_286 = arith.constant 0 : index
        %swap3A_287 = tpu.vector_load %arg8[%swap3A_284, %swap3A_285, %swap3A_286] {strides = array<i32>} : memref<3x1024x16xf32, #tpu.memory_space<vmem>>, vector<1x1x16xf32>,
        %swap3A_288 = vector.shape_cast %swap3A_287 : vector<1x1x16xf32> to vector<16xf32>
        %swap3A_289 = vector.shape_cast %mul3A_282 : vector<16xf32> to vector<1x1x16xf32>
        tpu.vector_store %arg8[%swap3A_284, %swap3A_285, %swap3A_286], %swap3A_289 {strides = array<i32>} : memref<3x1024x16xf32, #tpu.memory_space<vmem>>, vector<1x1x16xf32>,
        %mul3A_290 = arith.constant 4 : i32
        %mul3A_291 = arith.muli %scan3A_242, %mul3A_290 : i32
        %add3A_292 = arith.constant 2 : i32
        %add3A_293 = arith.addi %mul3A_291, %add3A_292 : i32
        %get3A_294 = arith.constant 0 : i32
        %get3A_295 = arith.index_cast %get3A_294 : i32 to index
        %get3A_296 = arith.index_cast %add3A_293 : i32 to index
        %get3A_297 = arith.constant 0 : index
        %get3A_298 = tpu.vector_load %arg8[%get3A_295, %get3A_296, %get3A_297] {strides = array<i32>} : memref<3x1024x16xf32, #tpu.memory_space<vmem>>, vector<1x1x16xf32>,
        %get3A_299 = vector.shape_cast %get3A_298 : vector<1x1x16xf32> to vector<16xf32>
        %get3A_300 = arith.constant 1 : i32
        %get3A_301 = arith.index_cast %get3A_300 : i32 to index
        %get3A_302 = arith.index_cast %add3A_293 : i32 to index
        %get3A_303 = arith.constant 0 : index
        %get3A_304 = tpu.vector_load %arg8[%get3A_301, %get3A_302, %get3A_303] {strides = array<i32>} : memref<3x1024x16xf32, #tpu.memory_space<vmem>>, vector<1x1x16xf32>,
        %get3A_305 = vector.shape_cast %get3A_304 : vector<1x1x16xf32> to vector<16xf32>
        %mul3A_306 = arith.mulf %get3A_299, %get3A_305 : vector<16xf32>
        %swap3A_307 = arith.constant 0 : i32
        %swap3A_308 = arith.index_cast %swap3A_307 : i32 to index
        %swap3A_309 = arith.index_cast %add3A_293 : i32 to index
        %swap3A_310 = arith.constant 0 : index
        %swap3A_311 = tpu.vector_load %arg8[%swap3A_308, %swap3A_309, %swap3A_310] {strides = array<i32>} : memref<3x1024x16xf32, #tpu.memory_space<vmem>>, vector<1x1x16xf32>,
        %swap3A_312 = vector.shape_cast %swap3A_311 : vector<1x1x16xf32> to vector<16xf32>
        %swap3A_313 = vector.shape_cast %mul3A_306 : vector<16xf32> to vector<1x1x16xf32>
        tpu.vector_store %arg8[%swap3A_308, %swap3A_309, %swap3A_310], %swap3A_313 {strides = array<i32>} : memref<3x1024x16xf32, #tpu.memory_space<vmem>>, vector<1x1x16xf32>,
        %mul3A_314 = arith.constant 4 : i32
        %mul3A_315 = arith.muli %scan3A_242, %mul3A_314 : i32
        %add3A_316 = arith.constant 3 : i32
        %add3A_317 = arith.addi %mul3A_315, %add3A_316 : i32
        %get3A_318 = arith.constant 0 : i32
        %get3A_319 = arith.index_cast %get3A_318 : i32 to index
        %get3A_320 = arith.index_cast %add3A_317 : i32 to index
        %get3A_321 = arith.constant 0 : index
        %get3A_322 = tpu.vector_load %arg8[%get3A_319, %get3A_320, %get3A_321] {strides = array<i32>} : memref<3x1024x16xf32, #tpu.memory_space<vmem>>, vector<1x1x16xf32>,
        %get3A_323 = vector.shape_cast %get3A_322 : vector<1x1x16xf32> to vector<16xf32>
        %get3A_324 = arith.constant 1 : i32
        %get3A_325 = arith.index_cast %get3A_324 : i32 to index
        %get3A_326 = arith.index_cast %add3A_317 : i32 to index
        %get3A_327 = arith.constant 0 : index
        %get3A_328 = tpu.vector_load %arg8[%get3A_325, %get3A_326, %get3A_327] {strides = array<i32>} : memref<3x1024x16xf32, #tpu.memory_space<vmem>>, vector<1x1x16xf32>,
        %get3A_329 = vector.shape_cast %get3A_328 : vector<1x1x16xf32> to vector<16xf32>
        %mul3A_330 = arith.mulf %get3A_323, %get3A_329 : vector<16xf32>
        %swap3A_331 = arith.constant 0 : i32
        %swap3A_332 = arith.index_cast %swap3A_331 : i32 to index
        %swap3A_333 = arith.index_cast %add3A_317 : i32 to index
        %swap3A_334 = arith.constant 0 : index
        %swap3A_335 = tpu.vector_load %arg8[%swap3A_332, %swap3A_333, %swap3A_334] {strides = array<i32>} : memref<3x1024x16xf32, #tpu.memory_space<vmem>>, vector<1x1x16xf32>,
        %swap3A_336 = vector.shape_cast %swap3A_335 : vector<1x1x16xf32> to vector<16xf32>
        %swap3A_337 = vector.shape_cast %mul3A_330 : vector<16xf32> to vector<1x1x16xf32>
        tpu.vector_store %arg8[%swap3A_332, %swap3A_333, %swap3A_334], %swap3A_337 {strides = array<i32>} : memref<3x1024x16xf32, #tpu.memory_space<vmem>>, vector<1x1x16xf32>,
        %scan3A_338 = arith.constant 0 : i32
        scf.yield %scan3A_338 : i32
      }
      %scan3A_240 = arith.constant 250 : i32
      %run_scoped3A_241 = arith.constant 0 : i32
      "tpu.region"() ({
        %run_scoped3A_242 = tpu.sem_alloc : memref<!tpu.dma_semaphore, #tpu.memory_space<semaphore_mem>>
        %dma_start3A_243 = arith.constant 0 : i32
        %dma_start3A_244 = arith.constant 0 : i32
        %dma_start3A_245 = tpu.memref_slice %arg8[%run_scoped3A_241, %dma_start3A_243, %dma_start3A_244] : memref<3x1024x16xf32, #tpu.memory_space<vmem>> -> memref<1x1000x16xf32, #tpu.memory_space<vmem>>
        %dma_start3A_246 = tpu.memref_squeeze %dma_start3A_245 : memref<1x1000x16xf32, #tpu.memory_space<vmem>> -> memref<1000x16xf32, #tpu.memory_space<vmem>>
        %dma_start3A_247 = arith.constant 0 : i32
        %dma_start3A_248 = tpu.memref_slice %arg6[%arg0, %mul3A_232, %dma_start3A_247] : memref<2x50000x16xf32, #tpu.memory_space<hbm>> -> memref<1x1000x16xf32, #tpu.memory_space<hbm>>
        %dma_start3A_249 = tpu.memref_squeeze %dma_start3A_248 : memref<1x1000x16xf32, #tpu.memory_space<hbm>> -> memref<1000x16xf32, #tpu.memory_space<hbm>>
        %dma_start3A_250 = arith.constant 0 : i32
        %dma_start3A_251 = tpu.memref_slice %arg6[%arg0, %mul3A_232, %dma_start3A_250] : memref<2x50000x16xf32, #tpu.memory_space<hbm>> -> memref<1x1000x16xf32, #tpu.memory_space<hbm>>
        %dma_start3A_252 = tpu.memref_squeeze %dma_start3A_251 : memref<1x1000x16xf32, #tpu.memory_space<hbm>> -> memref<1000x16xf32, #tpu.memory_space<hbm>>
        %dma_start3A_253 = arith.constant 0 : i32
        %dma_start3A_254 = arith.constant 0 : i32
        %dma_start3A_255 = tpu.memref_slice %arg8[%run_scoped3A_241, %dma_start3A_253, %dma_start3A_254] : memref<3x1024x16xf32, #tpu.memory_space<vmem>> -> memref<1x1000x16xf32, #tpu.memory_space<vmem>>
        %dma_start3A_256 = tpu.memref_squeeze %dma_start3A_255 : memref<1x1000x16xf32, #tpu.memory_space<vmem>> -> memref<1000x16xf32, #tpu.memory_space<vmem>>
        tpu.enqueue_dma source(%dma_start3A_256 : memref<1000x16xf32, #tpu.memory_space<vmem>>) target(%dma_start3A_252 : memref<1000x16xf32, #tpu.memory_space<hbm>>) target_semaphore(%run_scoped3A_242 : memref<!tpu.dma_semaphore, #tpu.memory_space<semaphore_mem>>)
        %dma_wait3A_257 = arith.constant 0 : i32
        %dma_wait3A_258 = arith.constant 0 : i32
        %dma_wait3A_259 = tpu.memref_slice %arg8[%run_scoped3A_241, %dma_wait3A_257, %dma_wait3A_258] : memref<3x1024x16xf32, #tpu.memory_space<vmem>> -> memref<1x1000x16xf32, #tpu.memory_space<vmem>>
        %dma_wait3A_260 = tpu.memref_squeeze %dma_wait3A_259 : memref<1x1000x16xf32, #tpu.memory_space<vmem>> -> memref<1000x16xf32, #tpu.memory_space<vmem>>
        %dma_wait3A_261 = arith.constant 0 : i32
        %dma_wait3A_262 = tpu.memref_slice %arg6[%arg0, %mul3A_232, %dma_wait3A_261] : memref<2x50000x16xf32, #tpu.memory_space<hbm>> -> memref<1x1000x16xf32, #tpu.memory_space<hbm>>
        %dma_wait3A_263 = tpu.memref_squeeze %dma_wait3A_262 : memref<1x1000x16xf32, #tpu.memory_space<hbm>> -> memref<1000x16xf32, #tpu.memory_space<hbm>>
        %dma_wait3A_264 = arith.constant 0 : i32
        %dma_wait3A_265 = tpu.memref_slice %arg6[%arg0, %mul3A_232, %dma_wait3A_264] : memref<2x50000x16xf32, #tpu.memory_space<hbm>> -> memref<1x1000x16xf32, #tpu.memory_space<hbm>>
        %dma_wait3A_266 = tpu.memref_squeeze %dma_wait3A_265 : memref<1x1000x16xf32, #tpu.memory_space<hbm>> -> memref<1000x16xf32, #tpu.memory_space<hbm>>
        %dma_wait3A_267 = arith.constant 0 : i32
        %dma_wait3A_268 = arith.constant 0 : i32
        %dma_wait3A_269 = tpu.memref_slice %arg8[%run_scoped3A_241, %dma_wait3A_267, %dma_wait3A_268] : memref<3x1024x16xf32, #tpu.memory_space<vmem>> -> memref<1x1000x16xf32, #tpu.memory_space<vmem>>
        %dma_wait3A_270 = tpu.memref_squeeze %dma_wait3A_269 : memref<1x1000x16xf32, #tpu.memory_space<vmem>> -> memref<1000x16xf32, #tpu.memory_space<vmem>>
        tpu.wait_dma2 semaphore(%run_scoped3A_242 : memref<!tpu.dma_semaphore, #tpu.memory_space<semaphore_mem>>) src(%dma_wait3A_270 : memref<1000x16xf32, #tpu.memory_space<vmem>>) dst(%dma_wait3A_266 : memref<1000x16xf32, #tpu.memory_space<hbm>>)
        tpu.yield
      }) : () -> ()
    } else {
    }
    %add3A_46 = arith.constant 32 : i32
    %add3A_47 = arith.addi %arg1, %add3A_46 : i32
    %lt3A_48 = arith.constant 50 : i32
    %lt3A_49 = arith.cmpi slt, %add3A_47, %lt3A_48 : i32
    %convert_element_type3A_50 = arith.extui %lt3A_49 : i1 to i32
    %cond3A_51 = arith.constant 0 : i32
    %cond3A_52 = arith.cmpi ne, %convert_element_type3A_50, %cond3A_51 : i32
    scf.if %cond3A_52 {
      %mul3A_231 = arith.constant 1000 : i32
      %mul3A_232 = arith.muli %add3A_47, %mul3A_231 : i32
      %run_scoped3A = arith.constant 0 : i32
      "tpu.region"() ({
        %run_scoped3A_242 = tpu.sem_alloc : memref<!tpu.dma_semaphore, #tpu.memory_space<semaphore_mem>>
        %dma_start3A_243 = arith.constant 0 : i32
        %dma_start3A_244 = arith.constant 0 : i32
        %dma_start3A_245 = tpu.memref_slice %arg8[%run_scoped3A, %dma_start3A_243, %dma_start3A_244] : memref<3x1024x16xf32, #tpu.memory_space<vmem>> -> memref<1x1000x16xf32, #tpu.memory_space<vmem>>
        %dma_start3A_246 = tpu.memref_squeeze %dma_start3A_245 : memref<1x1000x16xf32, #tpu.memory_space<vmem>> -> memref<1000x16xf32, #tpu.memory_space<vmem>>
        %dma_start3A_247 = arith.constant 0 : i32
        %dma_start3A_248 = tpu.memref_slice %arg3[%mul3A_232, %dma_start3A_247] : memref<50000x16xf32, #tpu.memory_space<hbm>> -> memref<1000x16xf32, #tpu.memory_space<hbm>>
        %dma_start3A_249 = arith.constant 0 : i32
        %dma_start3A_250 = arith.constant 0 : i32
        %dma_start3A_251 = tpu.memref_slice %arg8[%run_scoped3A, %dma_start3A_249, %dma_start3A_250] : memref<3x1024x16xf32, #tpu.memory_space<vmem>> -> memref<1x1000x16xf32, #tpu.memory_space<vmem>>
        %dma_start3A_252 = tpu.memref_squeeze %dma_start3A_251 : memref<1x1000x16xf32, #tpu.memory_space<vmem>> -> memref<1000x16xf32, #tpu.memory_space<vmem>>
        %dma_start3A_253 = arith.constant 0 : i32
        %dma_start3A_254 = tpu.memref_slice %arg3[%mul3A_232, %dma_start3A_253] : memref<50000x16xf32, #tpu.memory_space<hbm>> -> memref<1000x16xf32, #tpu.memory_space<hbm>>
        tpu.enqueue_dma source(%dma_start3A_254 : memref<1000x16xf32, #tpu.memory_space<hbm>>) target(%dma_start3A_252 : memref<1000x16xf32, #tpu.memory_space<vmem>>) target_semaphore(%run_scoped3A_242 : memref<!tpu.dma_semaphore, #tpu.memory_space<semaphore_mem>>)
        %dma_wait3A_255 = arith.constant 0 : i32
        %dma_wait3A_256 = arith.constant 0 : i32
        %dma_wait3A_257 = tpu.memref_slice %arg8[%run_scoped3A, %dma_wait3A_255, %dma_wait3A_256] : memref<3x1024x16xf32, #tpu.memory_space<vmem>> -> memref<1x1000x16xf32, #tpu.memory_space<vmem>>
        %dma_wait3A_258 = tpu.memref_squeeze %dma_wait3A_257 : memref<1x1000x16xf32, #tpu.memory_space<vmem>> -> memref<1000x16xf32, #tpu.memory_space<vmem>>
        %dma_wait3A_259 = arith.constant 0 : i32
        %dma_wait3A_260 = tpu.memref_slice %arg3[%mul3A_232, %dma_wait3A_259] : memref<50000x16xf32, #tpu.memory_space<hbm>> -> memref<1000x16xf32, #tpu.memory_space<hbm>>
        %dma_wait3A_261 = arith.constant 0 : i32
        %dma_wait3A_262 = arith.constant 0 : i32
        %dma_wait3A_263 = tpu.memref_slice %arg8[%run_scoped3A, %dma_wait3A_261, %dma_wait3A_262] : memref<3x1024x16xf32, #tpu.memory_space<vmem>> -> memref<1x1000x16xf32, #tpu.memory_space<vmem>>
        %dma_wait3A_264 = tpu.memref_squeeze %dma_wait3A_263 : memref<1x1000x16xf32, #tpu.memory_space<vmem>> -> memref<1000x16xf32, #tpu.memory_space<vmem>>
        %dma_wait3A_265 = arith.constant 0 : i32
        %dma_wait3A_266 = tpu.memref_slice %arg3[%mul3A_232, %dma_wait3A_265] : memref<50000x16xf32, #tpu.memory_space<hbm>> -> memref<1000x16xf32, #tpu.memory_space<hbm>>
        tpu.wait_dma2 semaphore(%run_scoped3A_242 : memref<!tpu.dma_semaphore, #tpu.memory_space<semaphore_mem>>) src(%dma_wait3A_266 : memref<1000x16xf32, #tpu.memory_space<hbm>>) dst(%dma_wait3A_264 : memref<1000x16xf32, #tpu.memory_space<vmem>>)
        tpu.yield
      }) : () -> ()
      %run_scoped3A_233 = arith.constant 1 : i32
      "tpu.region"() ({
        %run_scoped3A_242 = tpu.sem_alloc : memref<!tpu.dma_semaphore, #tpu.memory_space<semaphore_mem>>
        %dma_start3A_243 = arith.constant 0 : i32
        %dma_start3A_244 = arith.constant 0 : i32
        %dma_start3A_245 = tpu.memref_slice %arg8[%run_scoped3A_233, %dma_start3A_243, %dma_start3A_244] : memref<3x1024x16xf32, #tpu.memory_space<vmem>> -> memref<1x1000x16xf32, #tpu.memory_space<vmem>>
        %dma_start3A_246 = tpu.memref_squeeze %dma_start3A_245 : memref<1x1000x16xf32, #tpu.memory_space<vmem>> -> memref<1000x16xf32, #tpu.memory_space<vmem>>
        %dma_start3A_247 = arith.constant 0 : i32
        %dma_start3A_248 = tpu.memref_slice %arg4[%mul3A_232, %dma_start3A_247] : memref<50000x16xf32, #tpu.memory_space<hbm>> -> memref<1000x16xf32, #tpu.memory_space<hbm>>
        %dma_start3A_249 = arith.constant 0 : i32
        %dma_start3A_250 = arith.constant 0 : i32
        %dma_start3A_251 = tpu.memref_slice %arg8[%run_scoped3A_233, %dma_start3A_249, %dma_start3A_250] : memref<3x1024x16xf32, #tpu.memory_space<vmem>> -> memref<1x1000x16xf32, #tpu.memory_space<vmem>>
        %dma_start3A_252 = tpu.memref_squeeze %dma_start3A_251 : memref<1x1000x16xf32, #tpu.memory_space<vmem>> -> memref<1000x16xf32, #tpu.memory_space<vmem>>
        %dma_start3A_253 = arith.constant 0 : i32
        %dma_start3A_254 = tpu.memref_slice %arg4[%mul3A_232, %dma_start3A_253] : memref<50000x16xf32, #tpu.memory_space<hbm>> -> memref<1000x16xf32, #tpu.memory_space<hbm>>
        tpu.enqueue_dma source(%dma_start3A_254 : memref<1000x16xf32, #tpu.memory_space<hbm>>) target(%dma_start3A_252 : memref<1000x16xf32, #tpu.memory_space<vmem>>) target_semaphore(%run_scoped3A_242 : memref<!tpu.dma_semaphore, #tpu.memory_space<semaphore_mem>>)
        %dma_wait3A_255 = arith.constant 0 : i32
        %dma_wait3A_256 = arith.constant 0 : i32
        %dma_wait3A_257 = tpu.memref_slice %arg8[%run_scoped3A_233, %dma_wait3A_255, %dma_wait3A_256] : memref<3x1024x16xf32, #tpu.memory_space<vmem>> -> memref<1x1000x16xf32, #tpu.memory_space<vmem>>
        %dma_wait3A_258 = tpu.memref_squeeze %dma_wait3A_257 : memref<1x1000x16xf32, #tpu.memory_space<vmem>> -> memref<1000x16xf32, #tpu.memory_space<vmem>>
        %dma_wait3A_259 = arith.constant 0 : i32
        %dma_wait3A_260 = tpu.memref_slice %arg4[%mul3A_232, %dma_wait3A_259] : memref<50000x16xf32, #tpu.memory_space<hbm>> -> memref<1000x16xf32, #tpu.memory_space<hbm>>
        %dma_wait3A_261 = arith.constant 0 : i32
        %dma_wait3A_262 = arith.constant 0 : i32
        %dma_wait3A_263 = tpu.memref_slice %arg8[%run_scoped3A_233, %dma_wait3A_261, %dma_wait3A_262] : memref<3x1024x16xf32, #tpu.memory_space<vmem>> -> memref<1x1000x16xf32, #tpu.memory_space<vmem>>
        %dma_wait3A_264 = tpu.memref_squeeze %dma_wait3A_263 : memref<1x1000x16xf32, #tpu.memory_space<vmem>> -> memref<1000x16xf32, #tpu.memory_space<vmem>>
        %dma_wait3A_265 = arith.constant 0 : i32
        %dma_wait3A_266 = tpu.memref_slice %arg4[%mul3A_232, %dma_wait3A_265] : memref<50000x16xf32, #tpu.memory_space<hbm>> -> memref<1000x16xf32, #tpu.memory_space<hbm>>
        tpu.wait_dma2 semaphore(%run_scoped3A_242 : memref<!tpu.dma_semaphore, #tpu.memory_space<semaphore_mem>>) src(%dma_wait3A_266 : memref<1000x16xf32, #tpu.memory_space<hbm>>) dst(%dma_wait3A_264 : memref<1000x16xf32, #tpu.memory_space<vmem>>)
        tpu.yield
      }) : () -> ()
      %scan3A_234 = arith.constant 0 : i32
      %scan3A_235 = arith.constant 0 : i32
      %scan3A_236 = arith.constant 250 : i32
      %scan3A_237 = arith.addi %scan3A_235, %scan3A_236 : i32
      %scan3A_238 = arith.constant 1 : i32
      %scan3A_239 = scf.for %scan3A_242 = %scan3A_235 to %scan3A_237 step %scan3A_238 iter_args(%scan3A_243 = %scan3A_234) -> (i32)  : i32 {
        %mul3A_244 = arith.constant 4 : i32
        %mul3A_245 = arith.muli %scan3A_242, %mul3A_244 : i32
        %add3A_246 = arith.constant 0 : i32
        %add3A_247 = arith.addi %mul3A_245, %add3A_246 : i32
        %get3A = arith.constant 0 : i32
        %get3A_248 = arith.index_cast %get3A : i32 to index
        %get3A_249 = arith.index_cast %add3A_247 : i32 to index
        %get3A_250 = arith.constant 0 : index
        %get3A_251 = tpu.vector_load %arg8[%get3A_248, %get3A_249, %get3A_250] {strides = array<i32>} : memref<3x1024x16xf32, #tpu.memory_space<vmem>>, vector<1x1x16xf32>,
        %get3A_252 = vector.shape_cast %get3A_251 : vector<1x1x16xf32> to vector<16xf32>
        %get3A_253 = arith.constant 1 : i32
        %get3A_254 = arith.index_cast %get3A_253 : i32 to index
        %get3A_255 = arith.index_cast %add3A_247 : i32 to index
        %get3A_256 = arith.constant 0 : index
        %get3A_257 = tpu.vector_load %arg8[%get3A_254, %get3A_255, %get3A_256] {strides = array<i32>} : memref<3x1024x16xf32, #tpu.memory_space<vmem>>, vector<1x1x16xf32>,
        %get3A_258 = vector.shape_cast %get3A_257 : vector<1x1x16xf32> to vector<16xf32>
        %mul3A_259 = arith.mulf %get3A_252, %get3A_258 : vector<16xf32>
        %swap3A = arith.constant 0 : i32
        %swap3A_260 = arith.index_cast %swap3A : i32 to index
        %swap3A_261 = arith.index_cast %add3A_247 : i32 to index
        %swap3A_262 = arith.constant 0 : index
        %swap3A_263 = tpu.vector_load %arg8[%swap3A_260, %swap3A_261, %swap3A_262] {strides = array<i32>} : memref<3x1024x16xf32, #tpu.memory_space<vmem>>, vector<1x1x16xf32>,
        %swap3A_264 = vector.shape_cast %swap3A_263 : vector<1x1x16xf32> to vector<16xf32>
        %swap3A_265 = vector.shape_cast %mul3A_259 : vector<16xf32> to vector<1x1x16xf32>
        tpu.vector_store %arg8[%swap3A_260, %swap3A_261, %swap3A_262], %swap3A_265 {strides = array<i32>} : memref<3x1024x16xf32, #tpu.memory_space<vmem>>, vector<1x1x16xf32>,
        %mul3A_266 = arith.constant 4 : i32
        %mul3A_267 = arith.muli %scan3A_242, %mul3A_266 : i32
        %add3A_268 = arith.constant 1 : i32
        %add3A_269 = arith.addi %mul3A_267, %add3A_268 : i32
        %get3A_270 = arith.constant 0 : i32
        %get3A_271 = arith.index_cast %get3A_270 : i32 to index
        %get3A_272 = arith.index_cast %add3A_269 : i32 to index
        %get3A_273 = arith.constant 0 : index
        %get3A_274 = tpu.vector_load %arg8[%get3A_271, %get3A_272, %get3A_273] {strides = array<i32>} : memref<3x1024x16xf32, #tpu.memory_space<vmem>>, vector<1x1x16xf32>,
        %get3A_275 = vector.shape_cast %get3A_274 : vector<1x1x16xf32> to vector<16xf32>
        %get3A_276 = arith.constant 1 : i32
        %get3A_277 = arith.index_cast %get3A_276 : i32 to index
        %get3A_278 = arith.index_cast %add3A_269 : i32 to index
        %get3A_279 = arith.constant 0 : index
        %get3A_280 = tpu.vector_load %arg8[%get3A_277, %get3A_278, %get3A_279] {strides = array<i32>} : memref<3x1024x16xf32, #tpu.memory_space<vmem>>, vector<1x1x16xf32>,
        %get3A_281 = vector.shape_cast %get3A_280 : vector<1x1x16xf32> to vector<16xf32>
        %mul3A_282 = arith.mulf %get3A_275, %get3A_281 : vector<16xf32>
        %swap3A_283 = arith.constant 0 : i32
        %swap3A_284 = arith.index_cast %swap3A_283 : i32 to index
        %swap3A_285 = arith.index_cast %add3A_269 : i32 to index
        %swap3A_286 = arith.constant 0 : index
        %swap3A_287 = tpu.vector_load %arg8[%swap3A_284, %swap3A_285, %swap3A_286] {strides = array<i32>} : memref<3x1024x16xf32, #tpu.memory_space<vmem>>, vector<1x1x16xf32>,
        %swap3A_288 = vector.shape_cast %swap3A_287 : vector<1x1x16xf32> to vector<16xf32>
        %swap3A_289 = vector.shape_cast %mul3A_282 : vector<16xf32> to vector<1x1x16xf32>
        tpu.vector_store %arg8[%swap3A_284, %swap3A_285, %swap3A_286], %swap3A_289 {strides = array<i32>} : memref<3x1024x16xf32, #tpu.memory_space<vmem>>, vector<1x1x16xf32>,
        %mul3A_290 = arith.constant 4 : i32
        %mul3A_291 = arith.muli %scan3A_242, %mul3A_290 : i32
        %add3A_292 = arith.constant 2 : i32
        %add3A_293 = arith.addi %mul3A_291, %add3A_292 : i32
        %get3A_294 = arith.constant 0 : i32
        %get3A_295 = arith.index_cast %get3A_294 : i32 to index
        %get3A_296 = arith.index_cast %add3A_293 : i32 to index
        %get3A_297 = arith.constant 0 : index
        %get3A_298 = tpu.vector_load %arg8[%get3A_295, %get3A_296, %get3A_297] {strides = array<i32>} : memref<3x1024x16xf32, #tpu.memory_space<vmem>>, vector<1x1x16xf32>,
        %get3A_299 = vector.shape_cast %get3A_298 : vector<1x1x16xf32> to vector<16xf32>
        %get3A_300 = arith.constant 1 : i32
        %get3A_301 = arith.index_cast %get3A_300 : i32 to index
        %get3A_302 = arith.index_cast %add3A_293 : i32 to index
        %get3A_303 = arith.constant 0 : index
        %get3A_304 = tpu.vector_load %arg8[%get3A_301, %get3A_302, %get3A_303] {strides = array<i32>} : memref<3x1024x16xf32, #tpu.memory_space<vmem>>, vector<1x1x16xf32>,
        %get3A_305 = vector.shape_cast %get3A_304 : vector<1x1x16xf32> to vector<16xf32>
        %mul3A_306 = arith.mulf %get3A_299, %get3A_305 : vector<16xf32>
        %swap3A_307 = arith.constant 0 : i32
        %swap3A_308 = arith.index_cast %swap3A_307 : i32 to index
        %swap3A_309 = arith.index_cast %add3A_293 : i32 to index
        %swap3A_310 = arith.constant 0 : index
        %swap3A_311 = tpu.vector_load %arg8[%swap3A_308, %swap3A_309, %swap3A_310] {strides = array<i32>} : memref<3x1024x16xf32, #tpu.memory_space<vmem>>, vector<1x1x16xf32>,
        %swap3A_312 = vector.shape_cast %swap3A_311 : vector<1x1x16xf32> to vector<16xf32>
        %swap3A_313 = vector.shape_cast %mul3A_306 : vector<16xf32> to vector<1x1x16xf32>
        tpu.vector_store %arg8[%swap3A_308, %swap3A_309, %swap3A_310], %swap3A_313 {strides = array<i32>} : memref<3x1024x16xf32, #tpu.memory_space<vmem>>, vector<1x1x16xf32>,
        %mul3A_314 = arith.constant 4 : i32
        %mul3A_315 = arith.muli %scan3A_242, %mul3A_314 : i32
        %add3A_316 = arith.constant 3 : i32
        %add3A_317 = arith.addi %mul3A_315, %add3A_316 : i32
        %get3A_318 = arith.constant 0 : i32
        %get3A_319 = arith.index_cast %get3A_318 : i32 to index
        %get3A_320 = arith.index_cast %add3A_317 : i32 to index
        %get3A_321 = arith.constant 0 : index
        %get3A_322 = tpu.vector_load %arg8[%get3A_319, %get3A_320, %get3A_321] {strides = array<i32>} : memref<3x1024x16xf32, #tpu.memory_space<vmem>>, vector<1x1x16xf32>,
        %get3A_323 = vector.shape_cast %get3A_322 : vector<1x1x16xf32> to vector<16xf32>
        %get3A_324 = arith.constant 1 : i32
        %get3A_325 = arith.index_cast %get3A_324 : i32 to index
        %get3A_326 = arith.index_cast %add3A_317 : i32 to index
        %get3A_327 = arith.constant 0 : index
        %get3A_328 = tpu.vector_load %arg8[%get3A_325, %get3A_326, %get3A_327] {strides = array<i32>} : memref<3x1024x16xf32, #tpu.memory_space<vmem>>, vector<1x1x16xf32>,
        %get3A_329 = vector.shape_cast %get3A_328 : vector<1x1x16xf32> to vector<16xf32>
        %mul3A_330 = arith.mulf %get3A_323, %get3A_329 : vector<16xf32>
        %swap3A_331 = arith.constant 0 : i32
        %swap3A_332 = arith.index_cast %swap3A_331 : i32 to index
        %swap3A_333 = arith.index_cast %add3A_317 : i32 to index
        %swap3A_334 = arith.constant 0 : index
        %swap3A_335 = tpu.vector_load %arg8[%swap3A_332, %swap3A_333, %swap3A_334] {strides = array<i32>} : memref<3x1024x16xf32, #tpu.memory_space<vmem>>, vector<1x1x16xf32>,
        %swap3A_336 = vector.shape_cast %swap3A_335 : vector<1x1x16xf32> to vector<16xf32>
        %swap3A_337 = vector.shape_cast %mul3A_330 : vector<16xf32> to vector<1x1x16xf32>
        tpu.vector_store %arg8[%swap3A_332, %swap3A_333, %swap3A_334], %swap3A_337 {strides = array<i32>} : memref<3x1024x16xf32, #tpu.memory_space<vmem>>, vector<1x1x16xf32>,
        %scan3A_338 = arith.constant 0 : i32
        scf.yield %scan3A_338 : i32
      }
      %scan3A_240 = arith.constant 250 : i32
      %run_scoped3A_241 = arith.constant 0 : i32
      "tpu.region"() ({
        %run_scoped3A_242 = tpu.sem_alloc : memref<!tpu.dma_semaphore, #tpu.memory_space<semaphore_mem>>
        %dma_start3A_243 = arith.constant 0 : i32
        %dma_start3A_244 = arith.constant 0 : i32
        %dma_start3A_245 = tpu.memref_slice %arg8[%run_scoped3A_241, %dma_start3A_243, %dma_start3A_244] : memref<3x1024x16xf32, #tpu.memory_space<vmem>> -> memref<1x1000x16xf32, #tpu.memory_space<vmem>>
        %dma_start3A_246 = tpu.memref_squeeze %dma_start3A_245 : memref<1x1000x16xf32, #tpu.memory_space<vmem>> -> memref<1000x16xf32, #tpu.memory_space<vmem>>
        %dma_start3A_247 = arith.constant 0 : i32
        %dma_start3A_248 = tpu.memref_slice %arg6[%arg0, %mul3A_232, %dma_start3A_247] : memref<2x50000x16xf32, #tpu.memory_space<hbm>> -> memref<1x1000x16xf32, #tpu.memory_space<hbm>>
        %dma_start3A_249 = tpu.memref_squeeze %dma_start3A_248 : memref<1x1000x16xf32, #tpu.memory_space<hbm>> -> memref<1000x16xf32, #tpu.memory_space<hbm>>
        %dma_start3A_250 = arith.constant 0 : i32
        %dma_start3A_251 = tpu.memref_slice %arg6[%arg0, %mul3A_232, %dma_start3A_250] : memref<2x50000x16xf32, #tpu.memory_space<hbm>> -> memref<1x1000x16xf32, #tpu.memory_space<hbm>>
        %dma_start3A_252 = tpu.memref_squeeze %dma_start3A_251 : memref<1x1000x16xf32, #tpu.memory_space<hbm>> -> memref<1000x16xf32, #tpu.memory_space<hbm>>
        %dma_start3A_253 = arith.constant 0 : i32
        %dma_start3A_254 = arith.constant 0 : i32
        %dma_start3A_255 = tpu.memref_slice %arg8[%run_scoped3A_241, %dma_start3A_253, %dma_start3A_254] : memref<3x1024x16xf32, #tpu.memory_space<vmem>> -> memref<1x1000x16xf32, #tpu.memory_space<vmem>>
        %dma_start3A_256 = tpu.memref_squeeze %dma_start3A_255 : memref<1x1000x16xf32, #tpu.memory_space<vmem>> -> memref<1000x16xf32, #tpu.memory_space<vmem>>
        tpu.enqueue_dma source(%dma_start3A_256 : memref<1000x16xf32, #tpu.memory_space<vmem>>) target(%dma_start3A_252 : memref<1000x16xf32, #tpu.memory_space<hbm>>) target_semaphore(%run_scoped3A_242 : memref<!tpu.dma_semaphore, #tpu.memory_space<semaphore_mem>>)
        %dma_wait3A_257 = arith.constant 0 : i32
        %dma_wait3A_258 = arith.constant 0 : i32
        %dma_wait3A_259 = tpu.memref_slice %arg8[%run_scoped3A_241, %dma_wait3A_257, %dma_wait3A_258] : memref<3x1024x16xf32, #tpu.memory_space<vmem>> -> memref<1x1000x16xf32, #tpu.memory_space<vmem>>
        %dma_wait3A_260 = tpu.memref_squeeze %dma_wait3A_259 : memref<1x1000x16xf32, #tpu.memory_space<vmem>> -> memref<1000x16xf32, #tpu.memory_space<vmem>>
        %dma_wait3A_261 = arith.constant 0 : i32
        %dma_wait3A_262 = tpu.memref_slice %arg6[%arg0, %mul3A_232, %dma_wait3A_261] : memref<2x50000x16xf32, #tpu.memory_space<hbm>> -> memref<1x1000x16xf32, #tpu.memory_space<hbm>>
        %dma_wait3A_263 = tpu.memref_squeeze %dma_wait3A_262 : memref<1x1000x16xf32, #tpu.memory_space<hbm>> -> memref<1000x16xf32, #tpu.memory_space<hbm>>
        %dma_wait3A_264 = arith.constant 0 : i32
        %dma_wait3A_265 = tpu.memref_slice %arg6[%arg0, %mul3A_232, %dma_wait3A_264] : memref<2x50000x16xf32, #tpu.memory_space<hbm>> -> memref<1x1000x16xf32, #tpu.memory_space<hbm>>
        %dma_wait3A_266 = tpu.memref_squeeze %dma_wait3A_265 : memref<1x1000x16xf32, #tpu.memory_space<hbm>> -> memref<1000x16xf32, #tpu.memory_space<hbm>>
        %dma_wait3A_267 = arith.constant 0 : i32
        %dma_wait3A_268 = arith.constant 0 : i32
        %dma_wait3A_269 = tpu.memref_slice %arg8[%run_scoped3A_241, %dma_wait3A_267, %dma_wait3A_268] : memref<3x1024x16xf32, #tpu.memory_space<vmem>> -> memref<1x1000x16xf32, #tpu.memory_space<vmem>>
        %dma_wait3A_270 = tpu.memref_squeeze %dma_wait3A_269 : memref<1x1000x16xf32, #tpu.memory_space<vmem>> -> memref<1000x16xf32, #tpu.memory_space<vmem>>
        tpu.wait_dma2 semaphore(%run_scoped3A_242 : memref<!tpu.dma_semaphore, #tpu.memory_space<semaphore_mem>>) src(%dma_wait3A_270 : memref<1000x16xf32, #tpu.memory_space<vmem>>) dst(%dma_wait3A_266 : memref<1000x16xf32, #tpu.memory_space<hbm>>)
        tpu.yield
      }) : () -> ()
    } else {
    }
    %add3A_53 = arith.constant 48 : i32
    %add3A_54 = arith.addi %arg1, %add3A_53 : i32
    %lt3A_55 = arith.constant 50 : i32
    %lt3A_56 = arith.cmpi slt, %add3A_54, %lt3A_55 : i32
    %convert_element_type3A_57 = arith.extui %lt3A_56 : i1 to i32
    %cond3A_58 = arith.constant 0 : i32
    %cond3A_59 = arith.cmpi ne, %convert_element_type3A_57, %cond3A_58 : i32
    scf.if %cond3A_59 {
      %mul3A_231 = arith.constant 1000 : i32
      %mul3A_232 = arith.muli %add3A_54, %mul3A_231 : i32
      %run_scoped3A = arith.constant 0 : i32
      "tpu.region"() ({
        %run_scoped3A_242 = tpu.sem_alloc : memref<!tpu.dma_semaphore, #tpu.memory_space<semaphore_mem>>
        %dma_start3A_243 = arith.constant 0 : i32
        %dma_start3A_244 = arith.constant 0 : i32
        %dma_start3A_245 = tpu.memref_slice %arg8[%run_scoped3A, %dma_start3A_243, %dma_start3A_244] : memref<3x1024x16xf32, #tpu.memory_space<vmem>> -> memref<1x1000x16xf32, #tpu.memory_space<vmem>>
        %dma_start3A_246 = tpu.memref_squeeze %dma_start3A_245 : memref<1x1000x16xf32, #tpu.memory_space<vmem>> -> memref<1000x16xf32, #tpu.memory_space<vmem>>
        %dma_start3A_247 = arith.constant 0 : i32
        %dma_start3A_248 = tpu.memref_slice %arg3[%mul3A_232, %dma_start3A_247] : memref<50000x16xf32, #tpu.memory_space<hbm>> -> memref<1000x16xf32, #tpu.memory_space<hbm>>
        %dma_start3A_249 = arith.constant 0 : i32
        %dma_start3A_250 = arith.constant 0 : i32
        %dma_start3A_251 = tpu.memref_slice %arg8[%run_scoped3A, %dma_start3A_249, %dma_start3A_250] : memref<3x1024x16xf32, #tpu.memory_space<vmem>> -> memref<1x1000x16xf32, #tpu.memory_space<vmem>>
        %dma_start3A_252 = tpu.memref_squeeze %dma_start3A_251 : memref<1x1000x16xf32, #tpu.memory_space<vmem>> -> memref<1000x16xf32, #tpu.memory_space<vmem>>
        %dma_start3A_253 = arith.constant 0 : i32
        %dma_start3A_254 = tpu.memref_slice %arg3[%mul3A_232, %dma_start3A_253] : memref<50000x16xf32, #tpu.memory_space<hbm>> -> memref<1000x16xf32, #tpu.memory_space<hbm>>
        tpu.enqueue_dma source(%dma_start3A_254 : memref<1000x16xf32, #tpu.memory_space<hbm>>) target(%dma_start3A_252 : memref<1000x16xf32, #tpu.memory_space<vmem>>) target_semaphore(%run_scoped3A_242 : memref<!tpu.dma_semaphore, #tpu.memory_space<semaphore_mem>>)
        %dma_wait3A_255 = arith.constant 0 : i32
        %dma_wait3A_256 = arith.constant 0 : i32
        %dma_wait3A_257 = tpu.memref_slice %arg8[%run_scoped3A, %dma_wait3A_255, %dma_wait3A_256] : memref<3x1024x16xf32, #tpu.memory_space<vmem>> -> memref<1x1000x16xf32, #tpu.memory_space<vmem>>
        %dma_wait3A_258 = tpu.memref_squeeze %dma_wait3A_257 : memref<1x1000x16xf32, #tpu.memory_space<vmem>> -> memref<1000x16xf32, #tpu.memory_space<vmem>>
        %dma_wait3A_259 = arith.constant 0 : i32
        %dma_wait3A_260 = tpu.memref_slice %arg3[%mul3A_232, %dma_wait3A_259] : memref<50000x16xf32, #tpu.memory_space<hbm>> -> memref<1000x16xf32, #tpu.memory_space<hbm>>
        %dma_wait3A_261 = arith.constant 0 : i32
        %dma_wait3A_262 = arith.constant 0 : i32
        %dma_wait3A_263 = tpu.memref_slice %arg8[%run_scoped3A, %dma_wait3A_261, %dma_wait3A_262] : memref<3x1024x16xf32, #tpu.memory_space<vmem>> -> memref<1x1000x16xf32, #tpu.memory_space<vmem>>
        %dma_wait3A_264 = tpu.memref_squeeze %dma_wait3A_263 : memref<1x1000x16xf32, #tpu.memory_space<vmem>> -> memref<1000x16xf32, #tpu.memory_space<vmem>>
        %dma_wait3A_265 = arith.constant 0 : i32
        %dma_wait3A_266 = tpu.memref_slice %arg3[%mul3A_232, %dma_wait3A_265] : memref<50000x16xf32, #tpu.memory_space<hbm>> -> memref<1000x16xf32, #tpu.memory_space<hbm>>
        tpu.wait_dma2 semaphore(%run_scoped3A_242 : memref<!tpu.dma_semaphore, #tpu.memory_space<semaphore_mem>>) src(%dma_wait3A_266 : memref<1000x16xf32, #tpu.memory_space<hbm>>) dst(%dma_wait3A_264 : memref<1000x16xf32, #tpu.memory_space<vmem>>)
        tpu.yield
      }) : () -> ()
      %run_scoped3A_233 = arith.constant 1 : i32
      "tpu.region"() ({
        %run_scoped3A_242 = tpu.sem_alloc : memref<!tpu.dma_semaphore, #tpu.memory_space<semaphore_mem>>
        %dma_start3A_243 = arith.constant 0 : i32
        %dma_start3A_244 = arith.constant 0 : i32
        %dma_start3A_245 = tpu.memref_slice %arg8[%run_scoped3A_233, %dma_start3A_243, %dma_start3A_244] : memref<3x1024x16xf32, #tpu.memory_space<vmem>> -> memref<1x1000x16xf32, #tpu.memory_space<vmem>>
        %dma_start3A_246 = tpu.memref_squeeze %dma_start3A_245 : memref<1x1000x16xf32, #tpu.memory_space<vmem>> -> memref<1000x16xf32, #tpu.memory_space<vmem>>
        %dma_start3A_247 = arith.constant 0 : i32
        %dma_start3A_248 = tpu.memref_slice %arg4[%mul3A_232, %dma_start3A_247] : memref<50000x16xf32, #tpu.memory_space<hbm>> -> memref<1000x16xf32, #tpu.memory_space<hbm>>
        %dma_start3A_249 = arith.constant 0 : i32
        %dma_start3A_250 = arith.constant 0 : i32
        %dma_start3A_251 = tpu.memref_slice %arg8[%run_scoped3A_233, %dma_start3A_249, %dma_start3A_250] : memref<3x1024x16xf32, #tpu.memory_space<vmem>> -> memref<1x1000x16xf32, #tpu.memory_space<vmem>>
        %dma_start3A_252 = tpu.memref_squeeze %dma_start3A_251 : memref<1x1000x16xf32, #tpu.memory_space<vmem>> -> memref<1000x16xf32, #tpu.memory_space<vmem>>
        %dma_start3A_253 = arith.constant 0 : i32
        %dma_start3A_254 = tpu.memref_slice %arg4[%mul3A_232, %dma_start3A_253] : memref<50000x16xf32, #tpu.memory_space<hbm>> -> memref<1000x16xf32, #tpu.memory_space<hbm>>
        tpu.enqueue_dma source(%dma_start3A_254 : memref<1000x16xf32, #tpu.memory_space<hbm>>) target(%dma_start3A_252 : memref<1000x16xf32, #tpu.memory_space<vmem>>) target_semaphore(%run_scoped3A_242 : memref<!tpu.dma_semaphore, #tpu.memory_space<semaphore_mem>>)
        %dma_wait3A_255 = arith.constant 0 : i32
        %dma_wait3A_256 = arith.constant 0 : i32
        %dma_wait3A_257 = tpu.memref_slice %arg8[%run_scoped3A_233, %dma_wait3A_255, %dma_wait3A_256] : memref<3x1024x16xf32, #tpu.memory_space<vmem>> -> memref<1x1000x16xf32, #tpu.memory_space<vmem>>
        %dma_wait3A_258 = tpu.memref_squeeze %dma_wait3A_257 : memref<1x1000x16xf32, #tpu.memory_space<vmem>> -> memref<1000x16xf32, #tpu.memory_space<vmem>>
        %dma_wait3A_259 = arith.constant 0 : i32
        %dma_wait3A_260 = tpu.memref_slice %arg4[%mul3A_232, %dma_wait3A_259] : memref<50000x16xf32, #tpu.memory_space<hbm>> -> memref<1000x16xf32, #tpu.memory_space<hbm>>
        %dma_wait3A_261 = arith.constant 0 : i32
        %dma_wait3A_262 = arith.constant 0 : i32
        %dma_wait3A_263 = tpu.memref_slice %arg8[%run_scoped3A_233, %dma_wait3A_261, %dma_wait3A_262] : memref<3x1024x16xf32, #tpu.memory_space<vmem>> -> memref<1x1000x16xf32, #tpu.memory_space<vmem>>
        %dma_wait3A_264 = tpu.memref_squeeze %dma_wait3A_263 : memref<1x1000x16xf32, #tpu.memory_space<vmem>> -> memref<1000x16xf32, #tpu.memory_space<vmem>>
        %dma_wait3A_265 = arith.constant 0 : i32
        %dma_wait3A_266 = tpu.memref_slice %arg4[%mul3A_232, %dma_wait3A_265] : memref<50000x16xf32, #tpu.memory_space<hbm>> -> memref<1000x16xf32, #tpu.memory_space<hbm>>
        tpu.wait_dma2 semaphore(%run_scoped3A_242 : memref<!tpu.dma_semaphore, #tpu.memory_space<semaphore_mem>>) src(%dma_wait3A_266 : memref<1000x16xf32, #tpu.memory_space<hbm>>) dst(%dma_wait3A_264 : memref<1000x16xf32, #tpu.memory_space<vmem>>)
        tpu.yield
      }) : () -> ()
      %scan3A_234 = arith.constant 0 : i32
      %scan3A_235 = arith.constant 0 : i32
      %scan3A_236 = arith.constant 250 : i32
      %scan3A_237 = arith.addi %scan3A_235, %scan3A_236 : i32
      %scan3A_238 = arith.constant 1 : i32
      %scan3A_239 = scf.for %scan3A_242 = %scan3A_235 to %scan3A_237 step %scan3A_238 iter_args(%scan3A_243 = %scan3A_234) -> (i32)  : i32 {
        %mul3A_244 = arith.constant 4 : i32
        %mul3A_245 = arith.muli %scan3A_242, %mul3A_244 : i32
        %add3A_246 = arith.constant 0 : i32
        %add3A_247 = arith.addi %mul3A_245, %add3A_246 : i32
        %get3A = arith.constant 0 : i32
        %get3A_248 = arith.index_cast %get3A : i32 to index
        %get3A_249 = arith.index_cast %add3A_247 : i32 to index
        %get3A_250 = arith.constant 0 : index
        %get3A_251 = tpu.vector_load %arg8[%get3A_248, %get3A_249, %get3A_250] {strides = array<i32>} : memref<3x1024x16xf32, #tpu.memory_space<vmem>>, vector<1x1x16xf32>,
        %get3A_252 = vector.shape_cast %get3A_251 : vector<1x1x16xf32> to vector<16xf32>
        %get3A_253 = arith.constant 1 : i32
        %get3A_254 = arith.index_cast %get3A_253 : i32 to index
        %get3A_255 = arith.index_cast %add3A_247 : i32 to index
        %get3A_256 = arith.constant 0 : index
        %get3A_257 = tpu.vector_load %arg8[%get3A_254, %get3A_255, %get3A_256] {strides = array<i32>} : memref<3x1024x16xf32, #tpu.memory_space<vmem>>, vector<1x1x16xf32>,
        %get3A_258 = vector.shape_cast %get3A_257 : vector<1x1x16xf32> to vector<16xf32>
        %mul3A_259 = arith.mulf %get3A_252, %get3A_258 : vector<16xf32>
        %swap3A = arith.constant 0 : i32
        %swap3A_260 = arith.index_cast %swap3A : i32 to index
        %swap3A_261 = arith.index_cast %add3A_247 : i32 to index
        %swap3A_262 = arith.constant 0 : index
        %swap3A_263 = tpu.vector_load %arg8[%swap3A_260, %swap3A_261, %swap3A_262] {strides = array<i32>} : memref<3x1024x16xf32, #tpu.memory_space<vmem>>, vector<1x1x16xf32>,
        %swap3A_264 = vector.shape_cast %swap3A_263 : vector<1x1x16xf32> to vector<16xf32>
        %swap3A_265 = vector.shape_cast %mul3A_259 : vector<16xf32> to vector<1x1x16xf32>
        tpu.vector_store %arg8[%swap3A_260, %swap3A_261, %swap3A_262], %swap3A_265 {strides = array<i32>} : memref<3x1024x16xf32, #tpu.memory_space<vmem>>, vector<1x1x16xf32>,
        %mul3A_266 = arith.constant 4 : i32
        %mul3A_267 = arith.muli %scan3A_242, %mul3A_266 : i32
        %add3A_268 = arith.constant 1 : i32
        %add3A_269 = arith.addi %mul3A_267, %add3A_268 : i32
        %get3A_270 = arith.constant 0 : i32
        %get3A_271 = arith.index_cast %get3A_270 : i32 to index
        %get3A_272 = arith.index_cast %add3A_269 : i32 to index
        %get3A_273 = arith.constant 0 : index
        %get3A_274 = tpu.vector_load %arg8[%get3A_271, %get3A_272, %get3A_273] {strides = array<i32>} : memref<3x1024x16xf32, #tpu.memory_space<vmem>>, vector<1x1x16xf32>,
        %get3A_275 = vector.shape_cast %get3A_274 : vector<1x1x16xf32> to vector<16xf32>
        %get3A_276 = arith.constant 1 : i32
        %get3A_277 = arith.index_cast %get3A_276 : i32 to index
        %get3A_278 = arith.index_cast %add3A_269 : i32 to index
        %get3A_279 = arith.constant 0 : index
        %get3A_280 = tpu.vector_load %arg8[%get3A_277, %get3A_278, %get3A_279] {strides = array<i32>} : memref<3x1024x16xf32, #tpu.memory_space<vmem>>, vector<1x1x16xf32>,
        %get3A_281 = vector.shape_cast %get3A_280 : vector<1x1x16xf32> to vector<16xf32>
        %mul3A_282 = arith.mulf %get3A_275, %get3A_281 : vector<16xf32>
        %swap3A_283 = arith.constant 0 : i32
        %swap3A_284 = arith.index_cast %swap3A_283 : i32 to index
        %swap3A_285 = arith.index_cast %add3A_269 : i32 to index
        %swap3A_286 = arith.constant 0 : index
        %swap3A_287 = tpu.vector_load %arg8[%swap3A_284, %swap3A_285, %swap3A_286] {strides = array<i32>} : memref<3x1024x16xf32, #tpu.memory_space<vmem>>, vector<1x1x16xf32>,
        %swap3A_288 = vector.shape_cast %swap3A_287 : vector<1x1x16xf32> to vector<16xf32>
        %swap3A_289 = vector.shape_cast %mul3A_282 : vector<16xf32> to vector<1x1x16xf32>
        tpu.vector_store %arg8[%swap3A_284, %swap3A_285, %swap3A_286], %swap3A_289 {strides = array<i32>} : memref<3x1024x16xf32, #tpu.memory_space<vmem>>, vector<1x1x16xf32>,
        %mul3A_290 = arith.constant 4 : i32
        %mul3A_291 = arith.muli %scan3A_242, %mul3A_290 : i32
        %add3A_292 = arith.constant 2 : i32
        %add3A_293 = arith.addi %mul3A_291, %add3A_292 : i32
        %get3A_294 = arith.constant 0 : i32
        %get3A_295 = arith.index_cast %get3A_294 : i32 to index
        %get3A_296 = arith.index_cast %add3A_293 : i32 to index
        %get3A_297 = arith.constant 0 : index
        %get3A_298 = tpu.vector_load %arg8[%get3A_295, %get3A_296, %get3A_297] {strides = array<i32>} : memref<3x1024x16xf32, #tpu.memory_space<vmem>>, vector<1x1x16xf32>,
        %get3A_299 = vector.shape_cast %get3A_298 : vector<1x1x16xf32> to vector<16xf32>
        %get3A_300 = arith.constant 1 : i32
        %get3A_301 = arith.index_cast %get3A_300 : i32 to index
        %get3A_302 = arith.index_cast %add3A_293 : i32 to index
        %get3A_303 = arith.constant 0 : index
        %get3A_304 = tpu.vector_load %arg8[%get3A_301, %get3A_302, %get3A_303] {strides = array<i32>} : memref<3x1024x16xf32, #tpu.memory_space<vmem>>, vector<1x1x16xf32>,
        %get3A_305 = vector.shape_cast %get3A_304 : vector<1x1x16xf32> to vector<16xf32>
        %mul3A_306 = arith.mulf %get3A_299, %get3A_305 : vector<16xf32>
        %swap3A_307 = arith.constant 0 : i32
        %swap3A_308 = arith.index_cast %swap3A_307 : i32 to index
        %swap3A_309 = arith.index_cast %add3A_293 : i32 to index
        %swap3A_310 = arith.constant 0 : index
        %swap3A_311 = tpu.vector_load %arg8[%swap3A_308, %swap3A_309, %swap3A_310] {strides = array<i32>} : memref<3x1024x16xf32, #tpu.memory_space<vmem>>, vector<1x1x16xf32>,
        %swap3A_312 = vector.shape_cast %swap3A_311 : vector<1x1x16xf32> to vector<16xf32>
        %swap3A_313 = vector.shape_cast %mul3A_306 : vector<16xf32> to vector<1x1x16xf32>
        tpu.vector_store %arg8[%swap3A_308, %swap3A_309, %swap3A_310], %swap3A_313 {strides = array<i32>} : memref<3x1024x16xf32, #tpu.memory_space<vmem>>, vector<1x1x16xf32>,
        %mul3A_314 = arith.constant 4 : i32
        %mul3A_315 = arith.muli %scan3A_242, %mul3A_314 : i32
        %add3A_316 = arith.constant 3 : i32
        %add3A_317 = arith.addi %mul3A_315, %add3A_316 : i32
        %get3A_318 = arith.constant 0 : i32
        %get3A_319 = arith.index_cast %get3A_318 : i32 to index
        %get3A_320 = arith.index_cast %add3A_317 : i32 to index
        %get3A_321 = arith.constant 0 : index
        %get3A_322 = tpu.vector_load %arg8[%get3A_319, %get3A_320, %get3A_321] {strides = array<i32>} : memref<3x1024x16xf32, #tpu.memory_space<vmem>>, vector<1x1x16xf32>,
        %get3A_323 = vector.shape_cast %get3A_322 : vector<1x1x16xf32> to vector<16xf32>
        %get3A_324 = arith.constant 1 : i32
        %get3A_325 = arith.index_cast %get3A_324 : i32 to index
        %get3A_326 = arith.index_cast %add3A_317 : i32 to index
        %get3A_327 = arith.constant 0 : index
        %get3A_328 = tpu.vector_load %arg8[%get3A_325, %get3A_326, %get3A_327] {strides = array<i32>} : memref<3x1024x16xf32, #tpu.memory_space<vmem>>, vector<1x1x16xf32>,
        %get3A_329 = vector.shape_cast %get3A_328 : vector<1x1x16xf32> to vector<16xf32>
        %mul3A_330 = arith.mulf %get3A_323, %get3A_329 : vector<16xf32>
        %swap3A_331 = arith.constant 0 : i32
        %swap3A_332 = arith.index_cast %swap3A_331 : i32 to index
        %swap3A_333 = arith.index_cast %add3A_317 : i32 to index
        %swap3A_334 = arith.constant 0 : index
        %swap3A_335 = tpu.vector_load %arg8[%swap3A_332, %swap3A_333, %swap3A_334] {strides = array<i32>} : memref<3x1024x16xf32, #tpu.memory_space<vmem>>, vector<1x1x16xf32>,
        %swap3A_336 = vector.shape_cast %swap3A_335 : vector<1x1x16xf32> to vector<16xf32>
        %swap3A_337 = vector.shape_cast %mul3A_330 : vector<16xf32> to vector<1x1x16xf32>
        tpu.vector_store %arg8[%swap3A_332, %swap3A_333, %swap3A_334], %swap3A_337 {strides = array<i32>} : memref<3x1024x16xf32, #tpu.memory_space<vmem>>, vector<1x1x16xf32>,
        %scan3A_338 = arith.constant 0 : i32
        scf.yield %scan3A_338 : i32
      }
      %scan3A_240 = arith.constant 250 : i32
      %run_scoped3A_241 = arith.constant 0 : i32
      "tpu.region"() ({
        %run_scoped3A_242 = tpu.sem_alloc : memref<!tpu.dma_semaphore, #tpu.memory_space<semaphore_mem>>
        %dma_start3A_243 = arith.constant 0 : i32
        %dma_start3A_244 = arith.constant 0 : i32
        %dma_start3A_245 = tpu.memref_slice %arg8[%run_scoped3A_241, %dma_start3A_243, %dma_start3A_244] : memref<3x1024x16xf32, #tpu.memory_space<vmem>> -> memref<1x1000x16xf32, #tpu.memory_space<vmem>>
        %dma_start3A_246 = tpu.memref_squeeze %dma_start3A_245 : memref<1x1000x16xf32, #tpu.memory_space<vmem>> -> memref<1000x16xf32, #tpu.memory_space<vmem>>
        %dma_start3A_247 = arith.constant 0 : i32
        %dma_start3A_248 = tpu.memref_slice %arg6[%arg0, %mul3A_232, %dma_start3A_247] : memref<2x50000x16xf32, #tpu.memory_space<hbm>> -> memref<1x1000x16xf32, #tpu.memory_space<hbm>>
        %dma_start3A_249 = tpu.memref_squeeze %dma_start3A_248 : memref<1x1000x16xf32, #tpu.memory_space<hbm>> -> memref<1000x16xf32, #tpu.memory_space<hbm>>
        %dma_start3A_250 = arith.constant 0 : i32
        %dma_start3A_251 = tpu.memref_slice %arg6[%arg0, %mul3A_232, %dma_start3A_250] : memref<2x50000x16xf32, #tpu.memory_space<hbm>> -> memref<1x1000x16xf32, #tpu.memory_space<hbm>>
        %dma_start3A_252 = tpu.memref_squeeze %dma_start3A_251 : memref<1x1000x16xf32, #tpu.memory_space<hbm>> -> memref<1000x16xf32, #tpu.memory_space<hbm>>
        %dma_start3A_253 = arith.constant 0 : i32
        %dma_start3A_254 = arith.constant 0 : i32
        %dma_start3A_255 = tpu.memref_slice %arg8[%run_scoped3A_241, %dma_start3A_253, %dma_start3A_254] : memref<3x1024x16xf32, #tpu.memory_space<vmem>> -> memref<1x1000x16xf32, #tpu.memory_space<vmem>>
        %dma_start3A_256 = tpu.memref_squeeze %dma_start3A_255 : memref<1x1000x16xf32, #tpu.memory_space<vmem>> -> memref<1000x16xf32, #tpu.memory_space<vmem>>
        tpu.enqueue_dma source(%dma_start3A_256 : memref<1000x16xf32, #tpu.memory_space<vmem>>) target(%dma_start3A_252 : memref<1000x16xf32, #tpu.memory_space<hbm>>) target_semaphore(%run_scoped3A_242 : memref<!tpu.dma_semaphore, #tpu.memory_space<semaphore_mem>>)
        %dma_wait3A_257 = arith.constant 0 : i32
        %dma_wait3A_258 = arith.constant 0 : i32
        %dma_wait3A_259 = tpu.memref_slice %arg8[%run_scoped3A_241, %dma_wait3A_257, %dma_wait3A_258] : memref<3x1024x16xf32, #tpu.memory_space<vmem>> -> memref<1x1000x16xf32, #tpu.memory_space<vmem>>
        %dma_wait3A_260 = tpu.memref_squeeze %dma_wait3A_259 : memref<1x1000x16xf32, #tpu.memory_space<vmem>> -> memref<1000x16xf32, #tpu.memory_space<vmem>>
        %dma_wait3A_261 = arith.constant 0 : i32
        %dma_wait3A_262 = tpu.memref_slice %arg6[%arg0, %mul3A_232, %dma_wait3A_261] : memref<2x50000x16xf32, #tpu.memory_space<hbm>> -> memref<1x1000x16xf32, #tpu.memory_space<hbm>>
        %dma_wait3A_263 = tpu.memref_squeeze %dma_wait3A_262 : memref<1x1000x16xf32, #tpu.memory_space<hbm>> -> memref<1000x16xf32, #tpu.memory_space<hbm>>
        %dma_wait3A_264 = arith.constant 0 : i32
        %dma_wait3A_265 = tpu.memref_slice %arg6[%arg0, %mul3A_232, %dma_wait3A_264] : memref<2x50000x16xf32, #tpu.memory_space<hbm>> -> memref<1x1000x16xf32, #tpu.memory_space<hbm>>
        %dma_wait3A_266 = tpu.memref_squeeze %dma_wait3A_265 : memref<1x1000x16xf32, #tpu.memory_space<hbm>> -> memref<1000x16xf32, #tpu.memory_space<hbm>>
        %dma_wait3A_267 = arith.constant 0 : i32
        %dma_wait3A_268 = arith.constant 0 : i32
        %dma_wait3A_269 = tpu.memref_slice %arg8[%run_scoped3A_241, %dma_wait3A_267, %dma_wait3A_268] : memref<3x1024x16xf32, #tpu.memory_space<vmem>> -> memref<1x1000x16xf32, #tpu.memory_space<vmem>>
        %dma_wait3A_270 = tpu.memref_squeeze %dma_wait3A_269 : memref<1x1000x16xf32, #tpu.memory_space<vmem>> -> memref<1000x16xf32, #tpu.memory_space<vmem>>
        tpu.wait_dma2 semaphore(%run_scoped3A_242 : memref<!tpu.dma_semaphore, #tpu.memory_space<semaphore_mem>>) src(%dma_wait3A_270 : memref<1000x16xf32, #tpu.memory_space<vmem>>) dst(%dma_wait3A_266 : memref<1000x16xf32, #tpu.memory_space<hbm>>)
        tpu.yield
      }) : () -> ()
    } else {
    }
    %barrier3A = arith.constant 0 : index
    tpu.barrier barrier_id(%barrier3A)
    %mul3A_60 = arith.constant 48 : i32
    %mul3A_61 = arith.muli %add3A, %mul3A_60 : i32
    %add3A_62 = arith.constant 0 : i32
    %add3A_63 = arith.addi %mul3A_61, %add3A_62 : i32
    %mul3A_64 = arith.constant 1024 : i32
    %mul3A_65 = arith.muli %add3A_63, %mul3A_64 : i32
    %dma_start3A = arith.constant 0 : i32
    %dma_start3A_66 = arith.constant 0 : i32
    %dma_start3A_67 = arith.constant 0 : i32
    %dma_start3A_68 = tpu.memref_slice %arg7[%dma_start3A, %dma_start3A_66, %dma_start3A_67] : memref<6x2x1024xi32, #tpu.memory_space<vmem>> -> memref<1x2x1024xi32, #tpu.memory_space<vmem>>
    %dma_start3A_69 = tpu.memref_squeeze %dma_start3A_68 : memref<1x2x1024xi32, #tpu.memory_space<vmem>> -> memref<2x1024xi32, #tpu.memory_space<vmem>>
    %dma_start3A_70 = arith.constant 0 : i32
    %dma_start3A_71 = tpu.memref_slice %arg2[%dma_start3A_70, %mul3A_65] : memref<2x1600000xi32, #tpu.memory_space<hbm>> -> memref<2x1024xi32, #tpu.memory_space<hbm>>
    %dma_start3A_72 = arith.constant 0 : i32
    %dma_start3A_73 = arith.constant 0 : i32
    %dma_start3A_74 = tpu.memref_slice %arg7[%dma_start3A, %dma_start3A_72, %dma_start3A_73] : memref<6x2x1024xi32, #tpu.memory_space<vmem>> -> memref<1x2x1024xi32, #tpu.memory_space<vmem>>
    %dma_start3A_75 = tpu.memref_squeeze %dma_start3A_74 : memref<1x2x1024xi32, #tpu.memory_space<vmem>> -> memref<2x1024xi32, #tpu.memory_space<vmem>>
    %dma_start3A_76 = arith.constant 0 : i32
    %dma_start3A_77 = tpu.memref_slice %arg2[%dma_start3A_76, %mul3A_65] : memref<2x1600000xi32, #tpu.memory_space<hbm>> -> memref<2x1024xi32, #tpu.memory_space<hbm>>
    tpu.enqueue_dma source(%dma_start3A_77 : memref<2x1024xi32, #tpu.memory_space<hbm>>) target(%dma_start3A_75 : memref<2x1024xi32, #tpu.memory_space<vmem>>) target_semaphore(%arg10 : memref<!tpu.dma_semaphore, #tpu.memory_space<semaphore_mem>>)
    %add3A_78 = arith.constant 1 : i32
    %add3A_79 = arith.addi %mul3A_61, %add3A_78 : i32
    %mul3A_80 = arith.constant 1024 : i32
    %mul3A_81 = arith.muli %add3A_79, %mul3A_80 : i32
    %dma_start3A_82 = arith.constant 1 : i32
    %dma_start3A_83 = arith.constant 0 : i32
    %dma_start3A_84 = arith.constant 0 : i32
    %dma_start3A_85 = tpu.memref_slice %arg7[%dma_start3A_82, %dma_start3A_83, %dma_start3A_84] : memref<6x2x1024xi32, #tpu.memory_space<vmem>> -> memref<1x2x1024xi32, #tpu.memory_space<vmem>>
    %dma_start3A_86 = tpu.memref_squeeze %dma_start3A_85 : memref<1x2x1024xi32, #tpu.memory_space<vmem>> -> memref<2x1024xi32, #tpu.memory_space<vmem>>
    %dma_start3A_87 = arith.constant 0 : i32
    %dma_start3A_88 = tpu.memref_slice %arg2[%dma_start3A_87, %mul3A_81] : memref<2x1600000xi32, #tpu.memory_space<hbm>> -> memref<2x1024xi32, #tpu.memory_space<hbm>>
    %dma_start3A_89 = arith.constant 0 : i32
    %dma_start3A_90 = arith.constant 0 : i32
    %dma_start3A_91 = tpu.memref_slice %arg7[%dma_start3A_82, %dma_start3A_89, %dma_start3A_90] : memref<6x2x1024xi32, #tpu.memory_space<vmem>> -> memref<1x2x1024xi32, #tpu.memory_space<vmem>>
    %dma_start3A_92 = tpu.memref_squeeze %dma_start3A_91 : memref<1x2x1024xi32, #tpu.memory_space<vmem>> -> memref<2x1024xi32, #tpu.memory_space<vmem>>
    %dma_start3A_93 = arith.constant 0 : i32
    %dma_start3A_94 = tpu.memref_slice %arg2[%dma_start3A_93, %mul3A_81] : memref<2x1600000xi32, #tpu.memory_space<hbm>> -> memref<2x1024xi32, #tpu.memory_space<hbm>>
    tpu.enqueue_dma source(%dma_start3A_94 : memref<2x1024xi32, #tpu.memory_space<hbm>>) target(%dma_start3A_92 : memref<2x1024xi32, #tpu.memory_space<vmem>>) target_semaphore(%arg11 : memref<!tpu.dma_semaphore, #tpu.memory_space<semaphore_mem>>)
    %add3A_95 = arith.constant 2 : i32
    %add3A_96 = arith.addi %mul3A_61, %add3A_95 : i32
    %mul3A_97 = arith.constant 1024 : i32
    %mul3A_98 = arith.muli %add3A_96, %mul3A_97 : i32
    %dma_start3A_99 = arith.constant 2 : i32
    %dma_start3A_100 = arith.constant 0 : i32
    %dma_start3A_101 = arith.constant 0 : i32
    %dma_start3A_102 = tpu.memref_slice %arg7[%dma_start3A_99, %dma_start3A_100, %dma_start3A_101] : memref<6x2x1024xi32, #tpu.memory_space<vmem>> -> memref<1x2x1024xi32, #tpu.memory_space<vmem>>
    %dma_start3A_103 = tpu.memref_squeeze %dma_start3A_102 : memref<1x2x1024xi32, #tpu.memory_space<vmem>> -> memref<2x1024xi32, #tpu.memory_space<vmem>>
    %dma_start3A_104 = arith.constant 0 : i32
    %dma_start3A_105 = tpu.memref_slice %arg2[%dma_start3A_104, %mul3A_98] : memref<2x1600000xi32, #tpu.memory_space<hbm>> -> memref<2x1024xi32, #tpu.memory_space<hbm>>
    %dma_start3A_106 = arith.constant 0 : i32
    %dma_start3A_107 = arith.constant 0 : i32
    %dma_start3A_108 = tpu.memref_slice %arg7[%dma_start3A_99, %dma_start3A_106, %dma_start3A_107] : memref<6x2x1024xi32, #tpu.memory_space<vmem>> -> memref<1x2x1024xi32, #tpu.memory_space<vmem>>
    %dma_start3A_109 = tpu.memref_squeeze %dma_start3A_108 : memref<1x2x1024xi32, #tpu.memory_space<vmem>> -> memref<2x1024xi32, #tpu.memory_space<vmem>>
    %dma_start3A_110 = arith.constant 0 : i32
    %dma_start3A_111 = tpu.memref_slice %arg2[%dma_start3A_110, %mul3A_98] : memref<2x1600000xi32, #tpu.memory_space<hbm>> -> memref<2x1024xi32, #tpu.memory_space<hbm>>
    tpu.enqueue_dma source(%dma_start3A_111 : memref<2x1024xi32, #tpu.memory_space<hbm>>) target(%dma_start3A_109 : memref<2x1024xi32, #tpu.memory_space<vmem>>) target_semaphore(%arg12 : memref<!tpu.dma_semaphore, #tpu.memory_space<semaphore_mem>>)
    %scan3A_112 = arith.constant 0 : i32
    %scan3A_113 = arith.constant 0 : i32
    %scan3A_114 = arith.constant 8 : i32
    %scan3A_115 = arith.addi %scan3A_113, %scan3A_114 : i32
    %scan3A_116 = arith.constant 1 : i32
    %scan3A_117 = scf.for %scan3A_231 = %scan3A_113 to %scan3A_115 step %scan3A_116 iter_args(%scan3A_232 = %scan3A_112) -> (i32)  : i32 {
      %mul3A_233 = arith.constant 6 : i32
      %mul3A_234 = arith.muli %scan3A_231, %mul3A_233 : i32
      %add3A_235 = arith.constant 0 : i32
      %add3A_236 = arith.addi %mul3A_234, %add3A_235 : i32
      %ge3A = arith.constant 3 : i32
      %ge3A_237 = arith.cmpi sge, %add3A_236, %ge3A : i32
      %convert_element_type3A_238 = arith.extui %ge3A_237 : i1 to i32
      %cond3A_239 = arith.constant 0 : i32
      %cond3A_240 = arith.cmpi ne, %convert_element_type3A_238, %cond3A_239 : i32
      scf.if %cond3A_240 {
        %dma_wait3A_551 = arith.constant 0 : i32
        %dma_wait3A_552 = arith.constant 0 : i32
        %dma_wait3A_553 = arith.constant 0 : i32
        %dma_wait3A_554 = tpu.memref_slice %arg8[%dma_wait3A_551, %dma_wait3A_552, %dma_wait3A_553] : memref<3x1024x16xf32, #tpu.memory_space<vmem>> -> memref<1x1024x16xf32, #tpu.memory_space<vmem>>
        %dma_wait3A_555 = tpu.memref_squeeze %dma_wait3A_554 : memref<1x1024x16xf32, #tpu.memory_space<vmem>> -> memref<1024x16xf32, #tpu.memory_space<vmem>>
        %dma_wait3A_556 = arith.constant 0 : i32
        %dma_wait3A_557 = arith.constant 0 : i32
        %dma_wait3A_558 = tpu.memref_slice %arg9[%dma_wait3A_556, %dma_wait3A_557] : memref<50000x16xf32, #tpu.memory_space<vmem_shared>> -> memref<1024x16xf32, #tpu.memory_space<vmem_shared>>
        %dma_wait3A_559 = arith.constant 0 : i32
        %dma_wait3A_560 = arith.constant 0 : i32
        %dma_wait3A_561 = tpu.memref_slice %arg9[%dma_wait3A_559, %dma_wait3A_560] : memref<50000x16xf32, #tpu.memory_space<vmem_shared>> -> memref<1024x16xf32, #tpu.memory_space<vmem_shared>>
        %dma_wait3A_562 = arith.constant 0 : i32
        %dma_wait3A_563 = arith.constant 0 : i32
        %dma_wait3A_564 = tpu.memref_slice %arg8[%dma_wait3A_551, %dma_wait3A_562, %dma_wait3A_563] : memref<3x1024x16xf32, #tpu.memory_space<vmem>> -> memref<1x1024x16xf32, #tpu.memory_space<vmem>>
        %dma_wait3A_565 = tpu.memref_squeeze %dma_wait3A_564 : memref<1x1024x16xf32, #tpu.memory_space<vmem>> -> memref<1024x16xf32, #tpu.memory_space<vmem>>
        tpu.wait_dma2 semaphore(%arg18 : memref<!tpu.dma_semaphore, #tpu.memory_space<semaphore_mem>>) src(%dma_wait3A_565 : memref<1024x16xf32, #tpu.memory_space<vmem>>) dst(%dma_wait3A_561 : memref<1024x16xf32, #tpu.memory_space<vmem_shared>>)
      } else {
      }
      %dma_wait3A_241 = arith.constant 0 : i32
      %dma_wait3A_242 = arith.constant 0 : i32
      %dma_wait3A_243 = arith.constant 0 : i32
      %dma_wait3A_244 = tpu.memref_slice %arg7[%dma_wait3A_241, %dma_wait3A_242, %dma_wait3A_243] : memref<6x2x1024xi32, #tpu.memory_space<vmem>> -> memref<1x2x1024xi32, #tpu.memory_space<vmem>>
      %dma_wait3A_245 = tpu.memref_squeeze %dma_wait3A_244 : memref<1x2x1024xi32, #tpu.memory_space<vmem>> -> memref<2x1024xi32, #tpu.memory_space<vmem>>
      %dma_wait3A_246 = arith.constant 0 : i32
      %dma_wait3A_247 = arith.constant 0 : i32
      %dma_wait3A_248 = tpu.memref_slice %arg2[%dma_wait3A_246, %dma_wait3A_247] : memref<2x1600000xi32, #tpu.memory_space<hbm>> -> memref<2x1024xi32, #tpu.memory_space<hbm>>
      %dma_wait3A_249 = arith.constant 0 : i32
      %dma_wait3A_250 = arith.constant 0 : i32
      %dma_wait3A_251 = tpu.memref_slice %arg7[%dma_wait3A_241, %dma_wait3A_249, %dma_wait3A_250] : memref<6x2x1024xi32, #tpu.memory_space<vmem>> -> memref<1x2x1024xi32, #tpu.memory_space<vmem>>
      %dma_wait3A_252 = tpu.memref_squeeze %dma_wait3A_251 : memref<1x2x1024xi32, #tpu.memory_space<vmem>> -> memref<2x1024xi32, #tpu.memory_space<vmem>>
      %dma_wait3A_253 = arith.constant 0 : i32
      %dma_wait3A_254 = arith.constant 0 : i32
      %dma_wait3A_255 = tpu.memref_slice %arg2[%dma_wait3A_253, %dma_wait3A_254] : memref<2x1600000xi32, #tpu.memory_space<hbm>> -> memref<2x1024xi32, #tpu.memory_space<hbm>>
      tpu.wait_dma2 semaphore(%arg10 : memref<!tpu.dma_semaphore, #tpu.memory_space<semaphore_mem>>) src(%dma_wait3A_255 : memref<2x1024xi32, #tpu.memory_space<hbm>>) dst(%dma_wait3A_252 : memref<2x1024xi32, #tpu.memory_space<vmem>>)
      %dma_start3A_256 = arith.constant 0 : i32
      %dma_start3A_257 = arith.constant 0 : i32
      %dma_start3A_258 = arith.constant 0 : i32
      %dma_start3A_259 = arith.constant 0 : i32
      %dma_start3A_260 = arith.constant 0 : i32
      %dma_start3A_261 = tpu.memref_slice %arg8[%dma_start3A_258, %dma_start3A_259, %dma_start3A_260] : memref<3x1024x16xf32, #tpu.memory_space<vmem>> -> memref<1x1024x16xf32, #tpu.memory_space<vmem>>
      %dma_start3A_262 = tpu.memref_squeeze %dma_start3A_261 : memref<1x1024x16xf32, #tpu.memory_space<vmem>> -> memref<1024x16xf32, #tpu.memory_space<vmem>>
      %dma_start3A_263 = arith.constant 0 : i32
      %dma_start3A_264 = tpu.memref_slice %arg7[%dma_start3A_256, %dma_start3A_257, %dma_start3A_263] : memref<6x2x1024xi32, #tpu.memory_space<vmem>> -> memref<1x1x1024xi32, #tpu.memory_space<vmem>>
      %dma_start3A_265 = tpu.memref_squeeze %dma_start3A_264 : memref<1x1x1024xi32, #tpu.memory_space<vmem>> -> memref<1024xi32, #tpu.memory_space<vmem>>
      %dma_start3A_266 = arith.constant 0 : i32
      %dma_start3A_267 = arith.constant 0 : i32
      %dma_start3A_268 = tpu.memref_slice %arg6[%arg0, %dma_start3A_266, %dma_start3A_267] : memref<2x50000x16xf32, #tpu.memory_space<hbm>> -> memref<1x50000x16xf32, #tpu.memory_space<hbm>>
      %dma_start3A_269 = tpu.memref_squeeze %dma_start3A_268 : memref<1x50000x16xf32, #tpu.memory_space<hbm>> -> memref<50000x16xf32, #tpu.memory_space<hbm>>
      %dma_start3A_270 = arith.constant 0 : i32
      %dma_start3A_271 = arith.constant 0 : i32
      %dma_start3A_272 = tpu.memref_slice %dma_start3A_269[%dma_start3A_270, %dma_start3A_271] : memref<50000x16xf32, #tpu.memory_space<hbm>> -> memref<50000x16xf32, #tpu.memory_space<hbm>>
      tpu.enqueue_indirect_dma source(%dma_start3A_272 : memref<50000x16xf32, #tpu.memory_space<hbm>>) target(%dma_start3A_262 : memref<1024x16xf32, #tpu.memory_space<vmem>>) offsets(%dma_start3A_265 : memref<1024xi32, #tpu.memory_space<vmem>>) semaphore(%arg16 : memref<!tpu.dma_semaphore, #tpu.memory_space<semaphore_mem>>)
      %ge3A_273 = arith.constant 1 : i32
      %ge3A_274 = arith.cmpi sge, %add3A_236, %ge3A_273 : i32
      %convert_element_type3A_275 = arith.extui %ge3A_274 : i1 to i32
      %cond3A_276 = arith.constant 0 : i32
      %cond3A_277 = arith.cmpi ne, %convert_element_type3A_275, %cond3A_276 : i32
      scf.if %cond3A_277 {
        %dma_wait3A_551 = arith.constant 0 : i32
        %dma_wait3A_552 = arith.constant 0 : i32
        %dma_wait3A_553 = arith.constant 0 : i32
        %dma_wait3A_554 = tpu.memref_slice %arg8[%dma_wait3A_551, %dma_wait3A_552, %dma_wait3A_553] : memref<3x1024x16xf32, #tpu.memory_space<vmem>> -> memref<1x1024x16xf32, #tpu.memory_space<vmem>>
        %dma_wait3A_555 = tpu.memref_squeeze %dma_wait3A_554 : memref<1x1024x16xf32, #tpu.memory_space<vmem>> -> memref<1024x16xf32, #tpu.memory_space<vmem>>
        %dma_wait3A_556 = arith.constant 0 : i32
        %dma_wait3A_557 = arith.constant 0 : i32
        %dma_wait3A_558 = tpu.memref_slice %arg6[%arg0, %dma_wait3A_556, %dma_wait3A_557] : memref<2x50000x16xf32, #tpu.memory_space<hbm>> -> memref<1x1024x16xf32, #tpu.memory_space<hbm>>
        %dma_wait3A_559 = tpu.memref_squeeze %dma_wait3A_558 : memref<1x1024x16xf32, #tpu.memory_space<hbm>> -> memref<1024x16xf32, #tpu.memory_space<hbm>>
        %dma_wait3A_560 = arith.constant 0 : i32
        %dma_wait3A_561 = arith.constant 0 : i32
        %dma_wait3A_562 = tpu.memref_slice %arg8[%dma_wait3A_551, %dma_wait3A_560, %dma_wait3A_561] : memref<3x1024x16xf32, #tpu.memory_space<vmem>> -> memref<1x1024x16xf32, #tpu.memory_space<vmem>>
        %dma_wait3A_563 = tpu.memref_squeeze %dma_wait3A_562 : memref<1x1024x16xf32, #tpu.memory_space<vmem>> -> memref<1024x16xf32, #tpu.memory_space<vmem>>
        %dma_wait3A_564 = arith.constant 0 : i32
        %dma_wait3A_565 = arith.constant 0 : i32
        %dma_wait3A_566 = tpu.memref_slice %arg6[%arg0, %dma_wait3A_564, %dma_wait3A_565] : memref<2x50000x16xf32, #tpu.memory_space<hbm>> -> memref<1x1024x16xf32, #tpu.memory_space<hbm>>
        %dma_wait3A_567 = tpu.memref_squeeze %dma_wait3A_566 : memref<1x1024x16xf32, #tpu.memory_space<hbm>> -> memref<1024x16xf32, #tpu.memory_space<hbm>>
        tpu.wait_dma2 semaphore(%arg17 : memref<!tpu.dma_semaphore, #tpu.memory_space<semaphore_mem>>) src(%dma_wait3A_567 : memref<1024x16xf32, #tpu.memory_space<hbm>>) dst(%dma_wait3A_563 : memref<1024x16xf32, #tpu.memory_space<vmem>>)
        %dma_start3A_568 = arith.constant 2 : i32
        %dma_start3A_569 = arith.constant 5 : i32
        %dma_start3A_570 = arith.constant 1 : i32
        %dma_start3A_571 = arith.constant 0 : i32
        %dma_start3A_572 = arith.constant 0 : i32
        %dma_start3A_573 = tpu.memref_slice %arg8[%dma_start3A_568, %dma_start3A_571, %dma_start3A_572] : memref<3x1024x16xf32, #tpu.memory_space<vmem>> -> memref<1x1024x16xf32, #tpu.memory_space<vmem>>
        %dma_start3A_574 = tpu.memref_squeeze %dma_start3A_573 : memref<1x1024x16xf32, #tpu.memory_space<vmem>> -> memref<1024x16xf32, #tpu.memory_space<vmem>>
        %dma_start3A_575 = arith.constant 0 : i32
        %dma_start3A_576 = tpu.memref_slice %arg7[%dma_start3A_569, %dma_start3A_570, %dma_start3A_575] : memref<6x2x1024xi32, #tpu.memory_space<vmem>> -> memref<1x1x1024xi32, #tpu.memory_space<vmem>>
        %dma_start3A_577 = tpu.memref_squeeze %dma_start3A_576 : memref<1x1x1024xi32, #tpu.memory_space<vmem>> -> memref<1024xi32, #tpu.memory_space<vmem>>
        %dma_start3A_578 = arith.constant 0 : i32
        %dma_start3A_579 = arith.constant 0 : i32
        %dma_start3A_580 = tpu.memref_slice %arg9[%dma_start3A_578, %dma_start3A_579] : memref<50000x16xf32, #tpu.memory_space<vmem_shared>> -> memref<50000x16xf32, #tpu.memory_space<vmem_shared>>
        tpu.enqueue_indirect_dma source(%dma_start3A_574 : memref<1024x16xf32, #tpu.memory_space<vmem>>) target(%dma_start3A_580 : memref<50000x16xf32, #tpu.memory_space<vmem_shared>>) offsets(%dma_start3A_577 : memref<1024xi32, #tpu.memory_space<vmem>>) semaphore(%arg20 : memref<!tpu.dma_semaphore, #tpu.memory_space<semaphore_mem>>) {add = true}
      } else {
      }
      %add3A_278 = arith.constant 3 : i32
      %add3A_279 = arith.addi %add3A_236, %add3A_278 : i32
      %lt3A_280 = arith.constant 48 : i32
      %lt3A_281 = arith.cmpi slt, %add3A_279, %lt3A_280 : i32
      %convert_element_type3A_282 = arith.extui %lt3A_281 : i1 to i32
      %cond3A_283 = arith.constant 0 : i32
      %cond3A_284 = arith.cmpi ne, %convert_element_type3A_282, %cond3A_283 : i32
      scf.if %cond3A_284 {
        %add3A_551 = arith.addi %mul3A_61, %add3A_236 : i32
        %add3A_552 = arith.constant 3 : i32
        %add3A_553 = arith.addi %add3A_551, %add3A_552 : i32
        %mul3A_554 = arith.constant 1024 : i32
        %mul3A_555 = arith.muli %add3A_553, %mul3A_554 : i32
        %dma_start3A_556 = arith.constant 3 : i32
        %dma_start3A_557 = arith.constant 0 : i32
        %dma_start3A_558 = arith.constant 0 : i32
        %dma_start3A_559 = tpu.memref_slice %arg7[%dma_start3A_556, %dma_start3A_557, %dma_start3A_558] : memref<6x2x1024xi32, #tpu.memory_space<vmem>> -> memref<1x2x1024xi32, #tpu.memory_space<vmem>>
        %dma_start3A_560 = tpu.memref_squeeze %dma_start3A_559 : memref<1x2x1024xi32, #tpu.memory_space<vmem>> -> memref<2x1024xi32, #tpu.memory_space<vmem>>
        %dma_start3A_561 = arith.constant 0 : i32
        %dma_start3A_562 = tpu.memref_slice %arg2[%dma_start3A_561, %mul3A_555] : memref<2x1600000xi32, #tpu.memory_space<hbm>> -> memref<2x1024xi32, #tpu.memory_space<hbm>>
        %dma_start3A_563 = arith.constant 0 : i32
        %dma_start3A_564 = arith.constant 0 : i32
        %dma_start3A_565 = tpu.memref_slice %arg7[%dma_start3A_556, %dma_start3A_563, %dma_start3A_564] : memref<6x2x1024xi32, #tpu.memory_space<vmem>> -> memref<1x2x1024xi32, #tpu.memory_space<vmem>>
        %dma_start3A_566 = tpu.memref_squeeze %dma_start3A_565 : memref<1x2x1024xi32, #tpu.memory_space<vmem>> -> memref<2x1024xi32, #tpu.memory_space<vmem>>
        %dma_start3A_567 = arith.constant 0 : i32
        %dma_start3A_568 = tpu.memref_slice %arg2[%dma_start3A_567, %mul3A_555] : memref<2x1600000xi32, #tpu.memory_space<hbm>> -> memref<2x1024xi32, #tpu.memory_space<hbm>>
        tpu.enqueue_dma source(%dma_start3A_568 : memref<2x1024xi32, #tpu.memory_space<hbm>>) target(%dma_start3A_566 : memref<2x1024xi32, #tpu.memory_space<vmem>>) target_semaphore(%arg13 : memref<!tpu.dma_semaphore, #tpu.memory_space<semaphore_mem>>)
      } else {
      }
      %mul3A_285 = arith.constant 6 : i32
      %mul3A_286 = arith.muli %scan3A_231, %mul3A_285 : i32
      %add3A_287 = arith.constant 1 : i32
      %add3A_288 = arith.addi %mul3A_286, %add3A_287 : i32
      %ge3A_289 = arith.constant 3 : i32
      %ge3A_290 = arith.cmpi sge, %add3A_288, %ge3A_289 : i32
      %convert_element_type3A_291 = arith.extui %ge3A_290 : i1 to i32
      %cond3A_292 = arith.constant 0 : i32
      %cond3A_293 = arith.cmpi ne, %convert_element_type3A_291, %cond3A_292 : i32
      scf.if %cond3A_293 {
        %dma_wait3A_551 = arith.constant 1 : i32
        %dma_wait3A_552 = arith.constant 0 : i32
        %dma_wait3A_553 = arith.constant 0 : i32
        %dma_wait3A_554 = tpu.memref_slice %arg8[%dma_wait3A_551, %dma_wait3A_552, %dma_wait3A_553] : memref<3x1024x16xf32, #tpu.memory_space<vmem>> -> memref<1x1024x16xf32, #tpu.memory_space<vmem>>
        %dma_wait3A_555 = tpu.memref_squeeze %dma_wait3A_554 : memref<1x1024x16xf32, #tpu.memory_space<vmem>> -> memref<1024x16xf32, #tpu.memory_space<vmem>>
        %dma_wait3A_556 = arith.constant 0 : i32
        %dma_wait3A_557 = arith.constant 0 : i32
        %dma_wait3A_558 = tpu.memref_slice %arg9[%dma_wait3A_556, %dma_wait3A_557] : memref<50000x16xf32, #tpu.memory_space<vmem_shared>> -> memref<1024x16xf32, #tpu.memory_space<vmem_shared>>
        %dma_wait3A_559 = arith.constant 0 : i32
        %dma_wait3A_560 = arith.constant 0 : i32
        %dma_wait3A_561 = tpu.memref_slice %arg9[%dma_wait3A_559, %dma_wait3A_560] : memref<50000x16xf32, #tpu.memory_space<vmem_shared>> -> memref<1024x16xf32, #tpu.memory_space<vmem_shared>>
        %dma_wait3A_562 = arith.constant 0 : i32
        %dma_wait3A_563 = arith.constant 0 : i32
        %dma_wait3A_564 = tpu.memref_slice %arg8[%dma_wait3A_551, %dma_wait3A_562, %dma_wait3A_563] : memref<3x1024x16xf32, #tpu.memory_space<vmem>> -> memref<1x1024x16xf32, #tpu.memory_space<vmem>>
        %dma_wait3A_565 = tpu.memref_squeeze %dma_wait3A_564 : memref<1x1024x16xf32, #tpu.memory_space<vmem>> -> memref<1024x16xf32, #tpu.memory_space<vmem>>
        tpu.wait_dma2 semaphore(%arg19 : memref<!tpu.dma_semaphore, #tpu.memory_space<semaphore_mem>>) src(%dma_wait3A_565 : memref<1024x16xf32, #tpu.memory_space<vmem>>) dst(%dma_wait3A_561 : memref<1024x16xf32, #tpu.memory_space<vmem_shared>>)
      } else {
      }
      %dma_wait3A_294 = arith.constant 1 : i32
      %dma_wait3A_295 = arith.constant 0 : i32
      %dma_wait3A_296 = arith.constant 0 : i32
      %dma_wait3A_297 = tpu.memref_slice %arg7[%dma_wait3A_294, %dma_wait3A_295, %dma_wait3A_296] : memref<6x2x1024xi32, #tpu.memory_space<vmem>> -> memref<1x2x1024xi32, #tpu.memory_space<vmem>>
      %dma_wait3A_298 = tpu.memref_squeeze %dma_wait3A_297 : memref<1x2x1024xi32, #tpu.memory_space<vmem>> -> memref<2x1024xi32, #tpu.memory_space<vmem>>
      %dma_wait3A_299 = arith.constant 0 : i32
      %dma_wait3A_300 = arith.constant 0 : i32
      %dma_wait3A_301 = tpu.memref_slice %arg2[%dma_wait3A_299, %dma_wait3A_300] : memref<2x1600000xi32, #tpu.memory_space<hbm>> -> memref<2x1024xi32, #tpu.memory_space<hbm>>
      %dma_wait3A_302 = arith.constant 0 : i32
      %dma_wait3A_303 = arith.constant 0 : i32
      %dma_wait3A_304 = tpu.memref_slice %arg7[%dma_wait3A_294, %dma_wait3A_302, %dma_wait3A_303] : memref<6x2x1024xi32, #tpu.memory_space<vmem>> -> memref<1x2x1024xi32, #tpu.memory_space<vmem>>
      %dma_wait3A_305 = tpu.memref_squeeze %dma_wait3A_304 : memref<1x2x1024xi32, #tpu.memory_space<vmem>> -> memref<2x1024xi32, #tpu.memory_space<vmem>>
      %dma_wait3A_306 = arith.constant 0 : i32
      %dma_wait3A_307 = arith.constant 0 : i32
      %dma_wait3A_308 = tpu.memref_slice %arg2[%dma_wait3A_306, %dma_wait3A_307] : memref<2x1600000xi32, #tpu.memory_space<hbm>> -> memref<2x1024xi32, #tpu.memory_space<hbm>>
      tpu.wait_dma2 semaphore(%arg11 : memref<!tpu.dma_semaphore, #tpu.memory_space<semaphore_mem>>) src(%dma_wait3A_308 : memref<2x1024xi32, #tpu.memory_space<hbm>>) dst(%dma_wait3A_305 : memref<2x1024xi32, #tpu.memory_space<vmem>>)
      %dma_start3A_309 = arith.constant 1 : i32
      %dma_start3A_310 = arith.constant 0 : i32
      %dma_start3A_311 = arith.constant 1 : i32
      %dma_start3A_312 = arith.constant 0 : i32
      %dma_start3A_313 = arith.constant 0 : i32
      %dma_start3A_314 = tpu.memref_slice %arg8[%dma_start3A_311, %dma_start3A_312, %dma_start3A_313] : memref<3x1024x16xf32, #tpu.memory_space<vmem>> -> memref<1x1024x16xf32, #tpu.memory_space<vmem>>
      %dma_start3A_315 = tpu.memref_squeeze %dma_start3A_314 : memref<1x1024x16xf32, #tpu.memory_space<vmem>> -> memref<1024x16xf32, #tpu.memory_space<vmem>>
      %dma_start3A_316 = arith.constant 0 : i32
      %dma_start3A_317 = tpu.memref_slice %arg7[%dma_start3A_309, %dma_start3A_310, %dma_start3A_316] : memref<6x2x1024xi32, #tpu.memory_space<vmem>> -> memref<1x1x1024xi32, #tpu.memory_space<vmem>>
      %dma_start3A_318 = tpu.memref_squeeze %dma_start3A_317 : memref<1x1x1024xi32, #tpu.memory_space<vmem>> -> memref<1024xi32, #tpu.memory_space<vmem>>
      %dma_start3A_319 = arith.constant 0 : i32
      %dma_start3A_320 = arith.constant 0 : i32
      %dma_start3A_321 = tpu.memref_slice %arg6[%arg0, %dma_start3A_319, %dma_start3A_320] : memref<2x50000x16xf32, #tpu.memory_space<hbm>> -> memref<1x50000x16xf32, #tpu.memory_space<hbm>>
      %dma_start3A_322 = tpu.memref_squeeze %dma_start3A_321 : memref<1x50000x16xf32, #tpu.memory_space<hbm>> -> memref<50000x16xf32, #tpu.memory_space<hbm>>
      %dma_start3A_323 = arith.constant 0 : i32
      %dma_start3A_324 = arith.constant 0 : i32
      %dma_start3A_325 = tpu.memref_slice %dma_start3A_322[%dma_start3A_323, %dma_start3A_324] : memref<50000x16xf32, #tpu.memory_space<hbm>> -> memref<50000x16xf32, #tpu.memory_space<hbm>>
      tpu.enqueue_indirect_dma source(%dma_start3A_325 : memref<50000x16xf32, #tpu.memory_space<hbm>>) target(%dma_start3A_315 : memref<1024x16xf32, #tpu.memory_space<vmem>>) offsets(%dma_start3A_318 : memref<1024xi32, #tpu.memory_space<vmem>>) semaphore(%arg17 : memref<!tpu.dma_semaphore, #tpu.memory_space<semaphore_mem>>)
      %ge3A_326 = arith.constant 1 : i32
      %ge3A_327 = arith.cmpi sge, %add3A_288, %ge3A_326 : i32
      %convert_element_type3A_328 = arith.extui %ge3A_327 : i1 to i32
      %cond3A_329 = arith.constant 0 : i32
      %cond3A_330 = arith.cmpi ne, %convert_element_type3A_328, %cond3A_329 : i32
      scf.if %cond3A_330 {
        %dma_wait3A_551 = arith.constant 0 : i32
        %dma_wait3A_552 = arith.constant 0 : i32
        %dma_wait3A_553 = arith.constant 0 : i32
        %dma_wait3A_554 = tpu.memref_slice %arg8[%dma_wait3A_551, %dma_wait3A_552, %dma_wait3A_553] : memref<3x1024x16xf32, #tpu.memory_space<vmem>> -> memref<1x1024x16xf32, #tpu.memory_space<vmem>>
        %dma_wait3A_555 = tpu.memref_squeeze %dma_wait3A_554 : memref<1x1024x16xf32, #tpu.memory_space<vmem>> -> memref<1024x16xf32, #tpu.memory_space<vmem>>
        %dma_wait3A_556 = arith.constant 0 : i32
        %dma_wait3A_557 = arith.constant 0 : i32
        %dma_wait3A_558 = tpu.memref_slice %arg6[%arg0, %dma_wait3A_556, %dma_wait3A_557] : memref<2x50000x16xf32, #tpu.memory_space<hbm>> -> memref<1x1024x16xf32, #tpu.memory_space<hbm>>
        %dma_wait3A_559 = tpu.memref_squeeze %dma_wait3A_558 : memref<1x1024x16xf32, #tpu.memory_space<hbm>> -> memref<1024x16xf32, #tpu.memory_space<hbm>>
        %dma_wait3A_560 = arith.constant 0 : i32
        %dma_wait3A_561 = arith.constant 0 : i32
        %dma_wait3A_562 = tpu.memref_slice %arg8[%dma_wait3A_551, %dma_wait3A_560, %dma_wait3A_561] : memref<3x1024x16xf32, #tpu.memory_space<vmem>> -> memref<1x1024x16xf32, #tpu.memory_space<vmem>>
        %dma_wait3A_563 = tpu.memref_squeeze %dma_wait3A_562 : memref<1x1024x16xf32, #tpu.memory_space<vmem>> -> memref<1024x16xf32, #tpu.memory_space<vmem>>
        %dma_wait3A_564 = arith.constant 0 : i32
        %dma_wait3A_565 = arith.constant 0 : i32
        %dma_wait3A_566 = tpu.memref_slice %arg6[%arg0, %dma_wait3A_564, %dma_wait3A_565] : memref<2x50000x16xf32, #tpu.memory_space<hbm>> -> memref<1x1024x16xf32, #tpu.memory_space<hbm>>
        %dma_wait3A_567 = tpu.memref_squeeze %dma_wait3A_566 : memref<1x1024x16xf32, #tpu.memory_space<hbm>> -> memref<1024x16xf32, #tpu.memory_space<hbm>>
        tpu.wait_dma2 semaphore(%arg16 : memref<!tpu.dma_semaphore, #tpu.memory_space<semaphore_mem>>) src(%dma_wait3A_567 : memref<1024x16xf32, #tpu.memory_space<hbm>>) dst(%dma_wait3A_563 : memref<1024x16xf32, #tpu.memory_space<vmem>>)
        %dma_start3A_568 = arith.constant 0 : i32
        %dma_start3A_569 = arith.constant 0 : i32
        %dma_start3A_570 = arith.constant 1 : i32
        %dma_start3A_571 = arith.constant 0 : i32
        %dma_start3A_572 = arith.constant 0 : i32
        %dma_start3A_573 = tpu.memref_slice %arg8[%dma_start3A_568, %dma_start3A_571, %dma_start3A_572] : memref<3x1024x16xf32, #tpu.memory_space<vmem>> -> memref<1x1024x16xf32, #tpu.memory_space<vmem>>
        %dma_start3A_574 = tpu.memref_squeeze %dma_start3A_573 : memref<1x1024x16xf32, #tpu.memory_space<vmem>> -> memref<1024x16xf32, #tpu.memory_space<vmem>>
        %dma_start3A_575 = arith.constant 0 : i32
        %dma_start3A_576 = tpu.memref_slice %arg7[%dma_start3A_569, %dma_start3A_570, %dma_start3A_575] : memref<6x2x1024xi32, #tpu.memory_space<vmem>> -> memref<1x1x1024xi32, #tpu.memory_space<vmem>>
        %dma_start3A_577 = tpu.memref_squeeze %dma_start3A_576 : memref<1x1x1024xi32, #tpu.memory_space<vmem>> -> memref<1024xi32, #tpu.memory_space<vmem>>
        %dma_start3A_578 = arith.constant 0 : i32
        %dma_start3A_579 = arith.constant 0 : i32
        %dma_start3A_580 = tpu.memref_slice %arg9[%dma_start3A_578, %dma_start3A_579] : memref<50000x16xf32, #tpu.memory_space<vmem_shared>> -> memref<50000x16xf32, #tpu.memory_space<vmem_shared>>
        tpu.enqueue_indirect_dma source(%dma_start3A_574 : memref<1024x16xf32, #tpu.memory_space<vmem>>) target(%dma_start3A_580 : memref<50000x16xf32, #tpu.memory_space<vmem_shared>>) offsets(%dma_start3A_577 : memref<1024xi32, #tpu.memory_space<vmem>>) semaphore(%arg18 : memref<!tpu.dma_semaphore, #tpu.memory_space<semaphore_mem>>) {add = true}
      } else {
      }
      %add3A_331 = arith.constant 3 : i32
      %add3A_332 = arith.addi %add3A_288, %add3A_331 : i32
      %lt3A_333 = arith.constant 48 : i32
      %lt3A_334 = arith.cmpi slt, %add3A_332, %lt3A_333 : i32
      %convert_element_type3A_335 = arith.extui %lt3A_334 : i1 to i32
      %cond3A_336 = arith.constant 0 : i32
      %cond3A_337 = arith.cmpi ne, %convert_element_type3A_335, %cond3A_336 : i32
      scf.if %cond3A_337 {
        %add3A_551 = arith.addi %mul3A_61, %add3A_288 : i32
        %add3A_552 = arith.constant 3 : i32
        %add3A_553 = arith.addi %add3A_551, %add3A_552 : i32
        %mul3A_554 = arith.constant 1024 : i32
        %mul3A_555 = arith.muli %add3A_553, %mul3A_554 : i32
        %dma_start3A_556 = arith.constant 4 : i32
        %dma_start3A_557 = arith.constant 0 : i32
        %dma_start3A_558 = arith.constant 0 : i32
        %dma_start3A_559 = tpu.memref_slice %arg7[%dma_start3A_556, %dma_start3A_557, %dma_start3A_558] : memref<6x2x1024xi32, #tpu.memory_space<vmem>> -> memref<1x2x1024xi32, #tpu.memory_space<vmem>>
        %dma_start3A_560 = tpu.memref_squeeze %dma_start3A_559 : memref<1x2x1024xi32, #tpu.memory_space<vmem>> -> memref<2x1024xi32, #tpu.memory_space<vmem>>
        %dma_start3A_561 = arith.constant 0 : i32
        %dma_start3A_562 = tpu.memref_slice %arg2[%dma_start3A_561, %mul3A_555] : memref<2x1600000xi32, #tpu.memory_space<hbm>> -> memref<2x1024xi32, #tpu.memory_space<hbm>>
        %dma_start3A_563 = arith.constant 0 : i32
        %dma_start3A_564 = arith.constant 0 : i32
        %dma_start3A_565 = tpu.memref_slice %arg7[%dma_start3A_556, %dma_start3A_563, %dma_start3A_564] : memref<6x2x1024xi32, #tpu.memory_space<vmem>> -> memref<1x2x1024xi32, #tpu.memory_space<vmem>>
        %dma_start3A_566 = tpu.memref_squeeze %dma_start3A_565 : memref<1x2x1024xi32, #tpu.memory_space<vmem>> -> memref<2x1024xi32, #tpu.memory_space<vmem>>
        %dma_start3A_567 = arith.constant 0 : i32
        %dma_start3A_568 = tpu.memref_slice %arg2[%dma_start3A_567, %mul3A_555] : memref<2x1600000xi32, #tpu.memory_space<hbm>> -> memref<2x1024xi32, #tpu.memory_space<hbm>>
        tpu.enqueue_dma source(%dma_start3A_568 : memref<2x1024xi32, #tpu.memory_space<hbm>>) target(%dma_start3A_566 : memref<2x1024xi32, #tpu.memory_space<vmem>>) target_semaphore(%arg14 : memref<!tpu.dma_semaphore, #tpu.memory_space<semaphore_mem>>)
      } else {
      }
      %mul3A_338 = arith.constant 6 : i32
      %mul3A_339 = arith.muli %scan3A_231, %mul3A_338 : i32
      %add3A_340 = arith.constant 2 : i32
      %add3A_341 = arith.addi %mul3A_339, %add3A_340 : i32
      %ge3A_342 = arith.constant 3 : i32
      %ge3A_343 = arith.cmpi sge, %add3A_341, %ge3A_342 : i32
      %convert_element_type3A_344 = arith.extui %ge3A_343 : i1 to i32
      %cond3A_345 = arith.constant 0 : i32
      %cond3A_346 = arith.cmpi ne, %convert_element_type3A_344, %cond3A_345 : i32
      scf.if %cond3A_346 {
        %dma_wait3A_551 = arith.constant 2 : i32
        %dma_wait3A_552 = arith.constant 0 : i32
        %dma_wait3A_553 = arith.constant 0 : i32
        %dma_wait3A_554 = tpu.memref_slice %arg8[%dma_wait3A_551, %dma_wait3A_552, %dma_wait3A_553] : memref<3x1024x16xf32, #tpu.memory_space<vmem>> -> memref<1x1024x16xf32, #tpu.memory_space<vmem>>
        %dma_wait3A_555 = tpu.memref_squeeze %dma_wait3A_554 : memref<1x1024x16xf32, #tpu.memory_space<vmem>> -> memref<1024x16xf32, #tpu.memory_space<vmem>>
        %dma_wait3A_556 = arith.constant 0 : i32
        %dma_wait3A_557 = arith.constant 0 : i32
        %dma_wait3A_558 = tpu.memref_slice %arg9[%dma_wait3A_556, %dma_wait3A_557] : memref<50000x16xf32, #tpu.memory_space<vmem_shared>> -> memref<1024x16xf32, #tpu.memory_space<vmem_shared>>
        %dma_wait3A_559 = arith.constant 0 : i32
        %dma_wait3A_560 = arith.constant 0 : i32
        %dma_wait3A_561 = tpu.memref_slice %arg9[%dma_wait3A_559, %dma_wait3A_560] : memref<50000x16xf32, #tpu.memory_space<vmem_shared>> -> memref<1024x16xf32, #tpu.memory_space<vmem_shared>>
        %dma_wait3A_562 = arith.constant 0 : i32
        %dma_wait3A_563 = arith.constant 0 : i32
        %dma_wait3A_564 = tpu.memref_slice %arg8[%dma_wait3A_551, %dma_wait3A_562, %dma_wait3A_563] : memref<3x1024x16xf32, #tpu.memory_space<vmem>> -> memref<1x1024x16xf32, #tpu.memory_space<vmem>>
        %dma_wait3A_565 = tpu.memref_squeeze %dma_wait3A_564 : memref<1x1024x16xf32, #tpu.memory_space<vmem>> -> memref<1024x16xf32, #tpu.memory_space<vmem>>
        tpu.wait_dma2 semaphore(%arg20 : memref<!tpu.dma_semaphore, #tpu.memory_space<semaphore_mem>>) src(%dma_wait3A_565 : memref<1024x16xf32, #tpu.memory_space<vmem>>) dst(%dma_wait3A_561 : memref<1024x16xf32, #tpu.memory_space<vmem_shared>>)
      } else {
      }
      %dma_wait3A_347 = arith.constant 2 : i32
      %dma_wait3A_348 = arith.constant 0 : i32
      %dma_wait3A_349 = arith.constant 0 : i32
      %dma_wait3A_350 = tpu.memref_slice %arg7[%dma_wait3A_347, %dma_wait3A_348, %dma_wait3A_349] : memref<6x2x1024xi32, #tpu.memory_space<vmem>> -> memref<1x2x1024xi32, #tpu.memory_space<vmem>>
      %dma_wait3A_351 = tpu.memref_squeeze %dma_wait3A_350 : memref<1x2x1024xi32, #tpu.memory_space<vmem>> -> memref<2x1024xi32, #tpu.memory_space<vmem>>
      %dma_wait3A_352 = arith.constant 0 : i32
      %dma_wait3A_353 = arith.constant 0 : i32
      %dma_wait3A_354 = tpu.memref_slice %arg2[%dma_wait3A_352, %dma_wait3A_353] : memref<2x1600000xi32, #tpu.memory_space<hbm>> -> memref<2x1024xi32, #tpu.memory_space<hbm>>
      %dma_wait3A_355 = arith.constant 0 : i32
      %dma_wait3A_356 = arith.constant 0 : i32
      %dma_wait3A_357 = tpu.memref_slice %arg7[%dma_wait3A_347, %dma_wait3A_355, %dma_wait3A_356] : memref<6x2x1024xi32, #tpu.memory_space<vmem>> -> memref<1x2x1024xi32, #tpu.memory_space<vmem>>
      %dma_wait3A_358 = tpu.memref_squeeze %dma_wait3A_357 : memref<1x2x1024xi32, #tpu.memory_space<vmem>> -> memref<2x1024xi32, #tpu.memory_space<vmem>>
      %dma_wait3A_359 = arith.constant 0 : i32
      %dma_wait3A_360 = arith.constant 0 : i32
      %dma_wait3A_361 = tpu.memref_slice %arg2[%dma_wait3A_359, %dma_wait3A_360] : memref<2x1600000xi32, #tpu.memory_space<hbm>> -> memref<2x1024xi32, #tpu.memory_space<hbm>>
      tpu.wait_dma2 semaphore(%arg12 : memref<!tpu.dma_semaphore, #tpu.memory_space<semaphore_mem>>) src(%dma_wait3A_361 : memref<2x1024xi32, #tpu.memory_space<hbm>>) dst(%dma_wait3A_358 : memref<2x1024xi32, #tpu.memory_space<vmem>>)
      %dma_start3A_362 = arith.constant 2 : i32
      %dma_start3A_363 = arith.constant 0 : i32
      %dma_start3A_364 = arith.constant 2 : i32
      %dma_start3A_365 = arith.constant 0 : i32
      %dma_start3A_366 = arith.constant 0 : i32
      %dma_start3A_367 = tpu.memref_slice %arg8[%dma_start3A_364, %dma_start3A_365, %dma_start3A_366] : memref<3x1024x16xf32, #tpu.memory_space<vmem>> -> memref<1x1024x16xf32, #tpu.memory_space<vmem>>
      %dma_start3A_368 = tpu.memref_squeeze %dma_start3A_367 : memref<1x1024x16xf32, #tpu.memory_space<vmem>> -> memref<1024x16xf32, #tpu.memory_space<vmem>>
      %dma_start3A_369 = arith.constant 0 : i32
      %dma_start3A_370 = tpu.memref_slice %arg7[%dma_start3A_362, %dma_start3A_363, %dma_start3A_369] : memref<6x2x1024xi32, #tpu.memory_space<vmem>> -> memref<1x1x1024xi32, #tpu.memory_space<vmem>>
      %dma_start3A_371 = tpu.memref_squeeze %dma_start3A_370 : memref<1x1x1024xi32, #tpu.memory_space<vmem>> -> memref<1024xi32, #tpu.memory_space<vmem>>
      %dma_start3A_372 = arith.constant 0 : i32
      %dma_start3A_373 = arith.constant 0 : i32
      %dma_start3A_374 = tpu.memref_slice %arg6[%arg0, %dma_start3A_372, %dma_start3A_373] : memref<2x50000x16xf32, #tpu.memory_space<hbm>> -> memref<1x50000x16xf32, #tpu.memory_space<hbm>>
      %dma_start3A_375 = tpu.memref_squeeze %dma_start3A_374 : memref<1x50000x16xf32, #tpu.memory_space<hbm>> -> memref<50000x16xf32, #tpu.memory_space<hbm>>
      %dma_start3A_376 = arith.constant 0 : i32
      %dma_start3A_377 = arith.constant 0 : i32
      %dma_start3A_378 = tpu.memref_slice %dma_start3A_375[%dma_start3A_376, %dma_start3A_377] : memref<50000x16xf32, #tpu.memory_space<hbm>> -> memref<50000x16xf32, #tpu.memory_space<hbm>>
      tpu.enqueue_indirect_dma source(%dma_start3A_378 : memref<50000x16xf32, #tpu.memory_space<hbm>>) target(%dma_start3A_368 : memref<1024x16xf32, #tpu.memory_space<vmem>>) offsets(%dma_start3A_371 : memref<1024xi32, #tpu.memory_space<vmem>>) semaphore(%arg16 : memref<!tpu.dma_semaphore, #tpu.memory_space<semaphore_mem>>)
      %ge3A_379 = arith.constant 1 : i32
      %ge3A_380 = arith.cmpi sge, %add3A_341, %ge3A_379 : i32
      %convert_element_type3A_381 = arith.extui %ge3A_380 : i1 to i32
      %cond3A_382 = arith.constant 0 : i32
      %cond3A_383 = arith.cmpi ne, %convert_element_type3A_381, %cond3A_382 : i32
      scf.if %cond3A_383 {
        %dma_wait3A_551 = arith.constant 0 : i32
        %dma_wait3A_552 = arith.constant 0 : i32
        %dma_wait3A_553 = arith.constant 0 : i32
        %dma_wait3A_554 = tpu.memref_slice %arg8[%dma_wait3A_551, %dma_wait3A_552, %dma_wait3A_553] : memref<3x1024x16xf32, #tpu.memory_space<vmem>> -> memref<1x1024x16xf32, #tpu.memory_space<vmem>>
        %dma_wait3A_555 = tpu.memref_squeeze %dma_wait3A_554 : memref<1x1024x16xf32, #tpu.memory_space<vmem>> -> memref<1024x16xf32, #tpu.memory_space<vmem>>
        %dma_wait3A_556 = arith.constant 0 : i32
        %dma_wait3A_557 = arith.constant 0 : i32
        %dma_wait3A_558 = tpu.memref_slice %arg6[%arg0, %dma_wait3A_556, %dma_wait3A_557] : memref<2x50000x16xf32, #tpu.memory_space<hbm>> -> memref<1x1024x16xf32, #tpu.memory_space<hbm>>
        %dma_wait3A_559 = tpu.memref_squeeze %dma_wait3A_558 : memref<1x1024x16xf32, #tpu.memory_space<hbm>> -> memref<1024x16xf32, #tpu.memory_space<hbm>>
        %dma_wait3A_560 = arith.constant 0 : i32
        %dma_wait3A_561 = arith.constant 0 : i32
        %dma_wait3A_562 = tpu.memref_slice %arg8[%dma_wait3A_551, %dma_wait3A_560, %dma_wait3A_561] : memref<3x1024x16xf32, #tpu.memory_space<vmem>> -> memref<1x1024x16xf32, #tpu.memory_space<vmem>>
        %dma_wait3A_563 = tpu.memref_squeeze %dma_wait3A_562 : memref<1x1024x16xf32, #tpu.memory_space<vmem>> -> memref<1024x16xf32, #tpu.memory_space<vmem>>
        %dma_wait3A_564 = arith.constant 0 : i32
        %dma_wait3A_565 = arith.constant 0 : i32
        %dma_wait3A_566 = tpu.memref_slice %arg6[%arg0, %dma_wait3A_564, %dma_wait3A_565] : memref<2x50000x16xf32, #tpu.memory_space<hbm>> -> memref<1x1024x16xf32, #tpu.memory_space<hbm>>
        %dma_wait3A_567 = tpu.memref_squeeze %dma_wait3A_566 : memref<1x1024x16xf32, #tpu.memory_space<hbm>> -> memref<1024x16xf32, #tpu.memory_space<hbm>>
        tpu.wait_dma2 semaphore(%arg17 : memref<!tpu.dma_semaphore, #tpu.memory_space<semaphore_mem>>) src(%dma_wait3A_567 : memref<1024x16xf32, #tpu.memory_space<hbm>>) dst(%dma_wait3A_563 : memref<1024x16xf32, #tpu.memory_space<vmem>>)
        %dma_start3A_568 = arith.constant 1 : i32
        %dma_start3A_569 = arith.constant 1 : i32
        %dma_start3A_570 = arith.constant 1 : i32
        %dma_start3A_571 = arith.constant 0 : i32
        %dma_start3A_572 = arith.constant 0 : i32
        %dma_start3A_573 = tpu.memref_slice %arg8[%dma_start3A_568, %dma_start3A_571, %dma_start3A_572] : memref<3x1024x16xf32, #tpu.memory_space<vmem>> -> memref<1x1024x16xf32, #tpu.memory_space<vmem>>
        %dma_start3A_574 = tpu.memref_squeeze %dma_start3A_573 : memref<1x1024x16xf32, #tpu.memory_space<vmem>> -> memref<1024x16xf32, #tpu.memory_space<vmem>>
        %dma_start3A_575 = arith.constant 0 : i32
        %dma_start3A_576 = tpu.memref_slice %arg7[%dma_start3A_569, %dma_start3A_570, %dma_start3A_575] : memref<6x2x1024xi32, #tpu.memory_space<vmem>> -> memref<1x1x1024xi32, #tpu.memory_space<vmem>>
        %dma_start3A_577 = tpu.memref_squeeze %dma_start3A_576 : memref<1x1x1024xi32, #tpu.memory_space<vmem>> -> memref<1024xi32, #tpu.memory_space<vmem>>
        %dma_start3A_578 = arith.constant 0 : i32
        %dma_start3A_579 = arith.constant 0 : i32
        %dma_start3A_580 = tpu.memref_slice %arg9[%dma_start3A_578, %dma_start3A_579] : memref<50000x16xf32, #tpu.memory_space<vmem_shared>> -> memref<50000x16xf32, #tpu.memory_space<vmem_shared>>
        tpu.enqueue_indirect_dma source(%dma_start3A_574 : memref<1024x16xf32, #tpu.memory_space<vmem>>) target(%dma_start3A_580 : memref<50000x16xf32, #tpu.memory_space<vmem_shared>>) offsets(%dma_start3A_577 : memref<1024xi32, #tpu.memory_space<vmem>>) semaphore(%arg19 : memref<!tpu.dma_semaphore, #tpu.memory_space<semaphore_mem>>) {add = true}
      } else {
      }
      %add3A_384 = arith.constant 3 : i32
      %add3A_385 = arith.addi %add3A_341, %add3A_384 : i32
      %lt3A_386 = arith.constant 48 : i32
      %lt3A_387 = arith.cmpi slt, %add3A_385, %lt3A_386 : i32
      %convert_element_type3A_388 = arith.extui %lt3A_387 : i1 to i32
      %cond3A_389 = arith.constant 0 : i32
      %cond3A_390 = arith.cmpi ne, %convert_element_type3A_388, %cond3A_389 : i32
      scf.if %cond3A_390 {
        %add3A_551 = arith.addi %mul3A_61, %add3A_341 : i32
        %add3A_552 = arith.constant 3 : i32
        %add3A_553 = arith.addi %add3A_551, %add3A_552 : i32
        %mul3A_554 = arith.constant 1024 : i32
        %mul3A_555 = arith.muli %add3A_553, %mul3A_554 : i32
        %dma_start3A_556 = arith.constant 5 : i32
        %dma_start3A_557 = arith.constant 0 : i32
        %dma_start3A_558 = arith.constant 0 : i32
        %dma_start3A_559 = tpu.memref_slice %arg7[%dma_start3A_556, %dma_start3A_557, %dma_start3A_558] : memref<6x2x1024xi32, #tpu.memory_space<vmem>> -> memref<1x2x1024xi32, #tpu.memory_space<vmem>>
        %dma_start3A_560 = tpu.memref_squeeze %dma_start3A_559 : memref<1x2x1024xi32, #tpu.memory_space<vmem>> -> memref<2x1024xi32, #tpu.memory_space<vmem>>
        %dma_start3A_561 = arith.constant 0 : i32
        %dma_start3A_562 = tpu.memref_slice %arg2[%dma_start3A_561, %mul3A_555] : memref<2x1600000xi32, #tpu.memory_space<hbm>> -> memref<2x1024xi32, #tpu.memory_space<hbm>>
        %dma_start3A_563 = arith.constant 0 : i32
        %dma_start3A_564 = arith.constant 0 : i32
        %dma_start3A_565 = tpu.memref_slice %arg7[%dma_start3A_556, %dma_start3A_563, %dma_start3A_564] : memref<6x2x1024xi32, #tpu.memory_space<vmem>> -> memref<1x2x1024xi32, #tpu.memory_space<vmem>>
        %dma_start3A_566 = tpu.memref_squeeze %dma_start3A_565 : memref<1x2x1024xi32, #tpu.memory_space<vmem>> -> memref<2x1024xi32, #tpu.memory_space<vmem>>
        %dma_start3A_567 = arith.constant 0 : i32
        %dma_start3A_568 = tpu.memref_slice %arg2[%dma_start3A_567, %mul3A_555] : memref<2x1600000xi32, #tpu.memory_space<hbm>> -> memref<2x1024xi32, #tpu.memory_space<hbm>>
        tpu.enqueue_dma source(%dma_start3A_568 : memref<2x1024xi32, #tpu.memory_space<hbm>>) target(%dma_start3A_566 : memref<2x1024xi32, #tpu.memory_space<vmem>>) target_semaphore(%arg15 : memref<!tpu.dma_semaphore, #tpu.memory_space<semaphore_mem>>)
      } else {
      }
      %mul3A_391 = arith.constant 6 : i32
      %mul3A_392 = arith.muli %scan3A_231, %mul3A_391 : i32
      %add3A_393 = arith.constant 3 : i32
      %add3A_394 = arith.addi %mul3A_392, %add3A_393 : i32
      %ge3A_395 = arith.constant 3 : i32
      %ge3A_396 = arith.cmpi sge, %add3A_394, %ge3A_395 : i32
      %convert_element_type3A_397 = arith.extui %ge3A_396 : i1 to i32
      %cond3A_398 = arith.constant 0 : i32
      %cond3A_399 = arith.cmpi ne, %convert_element_type3A_397, %cond3A_398 : i32
      scf.if %cond3A_399 {
        %dma_wait3A_551 = arith.constant 0 : i32
        %dma_wait3A_552 = arith.constant 0 : i32
        %dma_wait3A_553 = arith.constant 0 : i32
        %dma_wait3A_554 = tpu.memref_slice %arg8[%dma_wait3A_551, %dma_wait3A_552, %dma_wait3A_553] : memref<3x1024x16xf32, #tpu.memory_space<vmem>> -> memref<1x1024x16xf32, #tpu.memory_space<vmem>>
        %dma_wait3A_555 = tpu.memref_squeeze %dma_wait3A_554 : memref<1x1024x16xf32, #tpu.memory_space<vmem>> -> memref<1024x16xf32, #tpu.memory_space<vmem>>
        %dma_wait3A_556 = arith.constant 0 : i32
        %dma_wait3A_557 = arith.constant 0 : i32
        %dma_wait3A_558 = tpu.memref_slice %arg9[%dma_wait3A_556, %dma_wait3A_557] : memref<50000x16xf32, #tpu.memory_space<vmem_shared>> -> memref<1024x16xf32, #tpu.memory_space<vmem_shared>>
        %dma_wait3A_559 = arith.constant 0 : i32
        %dma_wait3A_560 = arith.constant 0 : i32
        %dma_wait3A_561 = tpu.memref_slice %arg9[%dma_wait3A_559, %dma_wait3A_560] : memref<50000x16xf32, #tpu.memory_space<vmem_shared>> -> memref<1024x16xf32, #tpu.memory_space<vmem_shared>>
        %dma_wait3A_562 = arith.constant 0 : i32
        %dma_wait3A_563 = arith.constant 0 : i32
        %dma_wait3A_564 = tpu.memref_slice %arg8[%dma_wait3A_551, %dma_wait3A_562, %dma_wait3A_563] : memref<3x1024x16xf32, #tpu.memory_space<vmem>> -> memref<1x1024x16xf32, #tpu.memory_space<vmem>>
        %dma_wait3A_565 = tpu.memref_squeeze %dma_wait3A_564 : memref<1x1024x16xf32, #tpu.memory_space<vmem>> -> memref<1024x16xf32, #tpu.memory_space<vmem>>
        tpu.wait_dma2 semaphore(%arg18 : memref<!tpu.dma_semaphore, #tpu.memory_space<semaphore_mem>>) src(%dma_wait3A_565 : memref<1024x16xf32, #tpu.memory_space<vmem>>) dst(%dma_wait3A_561 : memref<1024x16xf32, #tpu.memory_space<vmem_shared>>)
      } else {
      }
      %dma_wait3A_400 = arith.constant 3 : i32
      %dma_wait3A_401 = arith.constant 0 : i32
      %dma_wait3A_402 = arith.constant 0 : i32
      %dma_wait3A_403 = tpu.memref_slice %arg7[%dma_wait3A_400, %dma_wait3A_401, %dma_wait3A_402] : memref<6x2x1024xi32, #tpu.memory_space<vmem>> -> memref<1x2x1024xi32, #tpu.memory_space<vmem>>
      %dma_wait3A_404 = tpu.memref_squeeze %dma_wait3A_403 : memref<1x2x1024xi32, #tpu.memory_space<vmem>> -> memref<2x1024xi32, #tpu.memory_space<vmem>>
      %dma_wait3A_405 = arith.constant 0 : i32
      %dma_wait3A_406 = arith.constant 0 : i32
      %dma_wait3A_407 = tpu.memref_slice %arg2[%dma_wait3A_405, %dma_wait3A_406] : memref<2x1600000xi32, #tpu.memory_space<hbm>> -> memref<2x1024xi32, #tpu.memory_space<hbm>>
      %dma_wait3A_408 = arith.constant 0 : i32
      %dma_wait3A_409 = arith.constant 0 : i32
      %dma_wait3A_410 = tpu.memref_slice %arg7[%dma_wait3A_400, %dma_wait3A_408, %dma_wait3A_409] : memref<6x2x1024xi32, #tpu.memory_space<vmem>> -> memref<1x2x1024xi32, #tpu.memory_space<vmem>>
      %dma_wait3A_411 = tpu.memref_squeeze %dma_wait3A_410 : memref<1x2x1024xi32, #tpu.memory_space<vmem>> -> memref<2x1024xi32, #tpu.memory_space<vmem>>
      %dma_wait3A_412 = arith.constant 0 : i32
      %dma_wait3A_413 = arith.constant 0 : i32
      %dma_wait3A_414 = tpu.memref_slice %arg2[%dma_wait3A_412, %dma_wait3A_413] : memref<2x1600000xi32, #tpu.memory_space<hbm>> -> memref<2x1024xi32, #tpu.memory_space<hbm>>
      tpu.wait_dma2 semaphore(%arg13 : memref<!tpu.dma_semaphore, #tpu.memory_space<semaphore_mem>>) src(%dma_wait3A_414 : memref<2x1024xi32, #tpu.memory_space<hbm>>) dst(%dma_wait3A_411 : memref<2x1024xi32, #tpu.memory_space<vmem>>)
      %dma_start3A_415 = arith.constant 3 : i32
      %dma_start3A_416 = arith.constant 0 : i32
      %dma_start3A_417 = arith.constant 0 : i32
      %dma_start3A_418 = arith.constant 0 : i32
      %dma_start3A_419 = arith.constant 0 : i32
      %dma_start3A_420 = tpu.memref_slice %arg8[%dma_start3A_417, %dma_start3A_418, %dma_start3A_419] : memref<3x1024x16xf32, #tpu.memory_space<vmem>> -> memref<1x1024x16xf32, #tpu.memory_space<vmem>>
      %dma_start3A_421 = tpu.memref_squeeze %dma_start3A_420 : memref<1x1024x16xf32, #tpu.memory_space<vmem>> -> memref<1024x16xf32, #tpu.memory_space<vmem>>
      %dma_start3A_422 = arith.constant 0 : i32
      %dma_start3A_423 = tpu.memref_slice %arg7[%dma_start3A_415, %dma_start3A_416, %dma_start3A_422] : memref<6x2x1024xi32, #tpu.memory_space<vmem>> -> memref<1x1x1024xi32, #tpu.memory_space<vmem>>
      %dma_start3A_424 = tpu.memref_squeeze %dma_start3A_423 : memref<1x1x1024xi32, #tpu.memory_space<vmem>> -> memref<1024xi32, #tpu.memory_space<vmem>>
      %dma_start3A_425 = arith.constant 0 : i32
      %dma_start3A_426 = arith.constant 0 : i32
      %dma_start3A_427 = tpu.memref_slice %arg6[%arg0, %dma_start3A_425, %dma_start3A_426] : memref<2x50000x16xf32, #tpu.memory_space<hbm>> -> memref<1x50000x16xf32, #tpu.memory_space<hbm>>
      %dma_start3A_428 = tpu.memref_squeeze %dma_start3A_427 : memref<1x50000x16xf32, #tpu.memory_space<hbm>> -> memref<50000x16xf32, #tpu.memory_space<hbm>>
      %dma_start3A_429 = arith.constant 0 : i32
      %dma_start3A_430 = arith.constant 0 : i32
      %dma_start3A_431 = tpu.memref_slice %dma_start3A_428[%dma_start3A_429, %dma_start3A_430] : memref<50000x16xf32, #tpu.memory_space<hbm>> -> memref<50000x16xf32, #tpu.memory_space<hbm>>
      tpu.enqueue_indirect_dma source(%dma_start3A_431 : memref<50000x16xf32, #tpu.memory_space<hbm>>) target(%dma_start3A_421 : memref<1024x16xf32, #tpu.memory_space<vmem>>) offsets(%dma_start3A_424 : memref<1024xi32, #tpu.memory_space<vmem>>) semaphore(%arg17 : memref<!tpu.dma_semaphore, #tpu.memory_space<semaphore_mem>>)
      %ge3A_432 = arith.constant 1 : i32
      %ge3A_433 = arith.cmpi sge, %add3A_394, %ge3A_432 : i32
      %convert_element_type3A_434 = arith.extui %ge3A_433 : i1 to i32
      %cond3A_435 = arith.constant 0 : i32
      %cond3A_436 = arith.cmpi ne, %convert_element_type3A_434, %cond3A_435 : i32
      scf.if %cond3A_436 {
        %dma_wait3A_551 = arith.constant 0 : i32
        %dma_wait3A_552 = arith.constant 0 : i32
        %dma_wait3A_553 = arith.constant 0 : i32
        %dma_wait3A_554 = tpu.memref_slice %arg8[%dma_wait3A_551, %dma_wait3A_552, %dma_wait3A_553] : memref<3x1024x16xf32, #tpu.memory_space<vmem>> -> memref<1x1024x16xf32, #tpu.memory_space<vmem>>
        %dma_wait3A_555 = tpu.memref_squeeze %dma_wait3A_554 : memref<1x1024x16xf32, #tpu.memory_space<vmem>> -> memref<1024x16xf32, #tpu.memory_space<vmem>>
        %dma_wait3A_556 = arith.constant 0 : i32
        %dma_wait3A_557 = arith.constant 0 : i32
        %dma_wait3A_558 = tpu.memref_slice %arg6[%arg0, %dma_wait3A_556, %dma_wait3A_557] : memref<2x50000x16xf32, #tpu.memory_space<hbm>> -> memref<1x1024x16xf32, #tpu.memory_space<hbm>>
        %dma_wait3A_559 = tpu.memref_squeeze %dma_wait3A_558 : memref<1x1024x16xf32, #tpu.memory_space<hbm>> -> memref<1024x16xf32, #tpu.memory_space<hbm>>
        %dma_wait3A_560 = arith.constant 0 : i32
        %dma_wait3A_561 = arith.constant 0 : i32
        %dma_wait3A_562 = tpu.memref_slice %arg8[%dma_wait3A_551, %dma_wait3A_560, %dma_wait3A_561] : memref<3x1024x16xf32, #tpu.memory_space<vmem>> -> memref<1x1024x16xf32, #tpu.memory_space<vmem>>
        %dma_wait3A_563 = tpu.memref_squeeze %dma_wait3A_562 : memref<1x1024x16xf32, #tpu.memory_space<vmem>> -> memref<1024x16xf32, #tpu.memory_space<vmem>>
        %dma_wait3A_564 = arith.constant 0 : i32
        %dma_wait3A_565 = arith.constant 0 : i32
        %dma_wait3A_566 = tpu.memref_slice %arg6[%arg0, %dma_wait3A_564, %dma_wait3A_565] : memref<2x50000x16xf32, #tpu.memory_space<hbm>> -> memref<1x1024x16xf32, #tpu.memory_space<hbm>>
        %dma_wait3A_567 = tpu.memref_squeeze %dma_wait3A_566 : memref<1x1024x16xf32, #tpu.memory_space<hbm>> -> memref<1024x16xf32, #tpu.memory_space<hbm>>
        tpu.wait_dma2 semaphore(%arg16 : memref<!tpu.dma_semaphore, #tpu.memory_space<semaphore_mem>>) src(%dma_wait3A_567 : memref<1024x16xf32, #tpu.memory_space<hbm>>) dst(%dma_wait3A_563 : memref<1024x16xf32, #tpu.memory_space<vmem>>)
        %dma_start3A_568 = arith.constant 2 : i32
        %dma_start3A_569 = arith.constant 2 : i32
        %dma_start3A_570 = arith.constant 1 : i32
        %dma_start3A_571 = arith.constant 0 : i32
        %dma_start3A_572 = arith.constant 0 : i32
        %dma_start3A_573 = tpu.memref_slice %arg8[%dma_start3A_568, %dma_start3A_571, %dma_start3A_572] : memref<3x1024x16xf32, #tpu.memory_space<vmem>> -> memref<1x1024x16xf32, #tpu.memory_space<vmem>>
        %dma_start3A_574 = tpu.memref_squeeze %dma_start3A_573 : memref<1x1024x16xf32, #tpu.memory_space<vmem>> -> memref<1024x16xf32, #tpu.memory_space<vmem>>
        %dma_start3A_575 = arith.constant 0 : i32
        %dma_start3A_576 = tpu.memref_slice %arg7[%dma_start3A_569, %dma_start3A_570, %dma_start3A_575] : memref<6x2x1024xi32, #tpu.memory_space<vmem>> -> memref<1x1x1024xi32, #tpu.memory_space<vmem>>
        %dma_start3A_577 = tpu.memref_squeeze %dma_start3A_576 : memref<1x1x1024xi32, #tpu.memory_space<vmem>> -> memref<1024xi32, #tpu.memory_space<vmem>>
        %dma_start3A_578 = arith.constant 0 : i32
        %dma_start3A_579 = arith.constant 0 : i32
        %dma_start3A_580 = tpu.memref_slice %arg9[%dma_start3A_578, %dma_start3A_579] : memref<50000x16xf32, #tpu.memory_space<vmem_shared>> -> memref<50000x16xf32, #tpu.memory_space<vmem_shared>>
        tpu.enqueue_indirect_dma source(%dma_start3A_574 : memref<1024x16xf32, #tpu.memory_space<vmem>>) target(%dma_start3A_580 : memref<50000x16xf32, #tpu.memory_space<vmem_shared>>) offsets(%dma_start3A_577 : memref<1024xi32, #tpu.memory_space<vmem>>) semaphore(%arg20 : memref<!tpu.dma_semaphore, #tpu.memory_space<semaphore_mem>>) {add = true}
      } else {
      }
      %add3A_437 = arith.constant 3 : i32
      %add3A_438 = arith.addi %add3A_394, %add3A_437 : i32
      %lt3A_439 = arith.constant 48 : i32
      %lt3A_440 = arith.cmpi slt, %add3A_438, %lt3A_439 : i32
      %convert_element_type3A_441 = arith.extui %lt3A_440 : i1 to i32
      %cond3A_442 = arith.constant 0 : i32
      %cond3A_443 = arith.cmpi ne, %convert_element_type3A_441, %cond3A_442 : i32
      scf.if %cond3A_443 {
        %add3A_551 = arith.addi %mul3A_61, %add3A_394 : i32
        %add3A_552 = arith.constant 3 : i32
        %add3A_553 = arith.addi %add3A_551, %add3A_552 : i32
        %mul3A_554 = arith.constant 1024 : i32
        %mul3A_555 = arith.muli %add3A_553, %mul3A_554 : i32
        %dma_start3A_556 = arith.constant 0 : i32
        %dma_start3A_557 = arith.constant 0 : i32
        %dma_start3A_558 = arith.constant 0 : i32
        %dma_start3A_559 = tpu.memref_slice %arg7[%dma_start3A_556, %dma_start3A_557, %dma_start3A_558] : memref<6x2x1024xi32, #tpu.memory_space<vmem>> -> memref<1x2x1024xi32, #tpu.memory_space<vmem>>
        %dma_start3A_560 = tpu.memref_squeeze %dma_start3A_559 : memref<1x2x1024xi32, #tpu.memory_space<vmem>> -> memref<2x1024xi32, #tpu.memory_space<vmem>>
        %dma_start3A_561 = arith.constant 0 : i32
        %dma_start3A_562 = tpu.memref_slice %arg2[%dma_start3A_561, %mul3A_555] : memref<2x1600000xi32, #tpu.memory_space<hbm>> -> memref<2x1024xi32, #tpu.memory_space<hbm>>
        %dma_start3A_563 = arith.constant 0 : i32
        %dma_start3A_564 = arith.constant 0 : i32
        %dma_start3A_565 = tpu.memref_slice %arg7[%dma_start3A_556, %dma_start3A_563, %dma_start3A_564] : memref<6x2x1024xi32, #tpu.memory_space<vmem>> -> memref<1x2x1024xi32, #tpu.memory_space<vmem>>
        %dma_start3A_566 = tpu.memref_squeeze %dma_start3A_565 : memref<1x2x1024xi32, #tpu.memory_space<vmem>> -> memref<2x1024xi32, #tpu.memory_space<vmem>>
        %dma_start3A_567 = arith.constant 0 : i32
        %dma_start3A_568 = tpu.memref_slice %arg2[%dma_start3A_567, %mul3A_555] : memref<2x1600000xi32, #tpu.memory_space<hbm>> -> memref<2x1024xi32, #tpu.memory_space<hbm>>
        tpu.enqueue_dma source(%dma_start3A_568 : memref<2x1024xi32, #tpu.memory_space<hbm>>) target(%dma_start3A_566 : memref<2x1024xi32, #tpu.memory_space<vmem>>) target_semaphore(%arg10 : memref<!tpu.dma_semaphore, #tpu.memory_space<semaphore_mem>>)
      } else {
      }
      %mul3A_444 = arith.constant 6 : i32
      %mul3A_445 = arith.muli %scan3A_231, %mul3A_444 : i32
      %add3A_446 = arith.constant 4 : i32
      %add3A_447 = arith.addi %mul3A_445, %add3A_446 : i32
      %ge3A_448 = arith.constant 3 : i32
      %ge3A_449 = arith.cmpi sge, %add3A_447, %ge3A_448 : i32
      %convert_element_type3A_450 = arith.extui %ge3A_449 : i1 to i32
      %cond3A_451 = arith.constant 0 : i32
      %cond3A_452 = arith.cmpi ne, %convert_element_type3A_450, %cond3A_451 : i32
      scf.if %cond3A_452 {
        %dma_wait3A_551 = arith.constant 1 : i32
        %dma_wait3A_552 = arith.constant 0 : i32
        %dma_wait3A_553 = arith.constant 0 : i32
        %dma_wait3A_554 = tpu.memref_slice %arg8[%dma_wait3A_551, %dma_wait3A_552, %dma_wait3A_553] : memref<3x1024x16xf32, #tpu.memory_space<vmem>> -> memref<1x1024x16xf32, #tpu.memory_space<vmem>>
        %dma_wait3A_555 = tpu.memref_squeeze %dma_wait3A_554 : memref<1x1024x16xf32, #tpu.memory_space<vmem>> -> memref<1024x16xf32, #tpu.memory_space<vmem>>
        %dma_wait3A_556 = arith.constant 0 : i32
        %dma_wait3A_557 = arith.constant 0 : i32
        %dma_wait3A_558 = tpu.memref_slice %arg9[%dma_wait3A_556, %dma_wait3A_557] : memref<50000x16xf32, #tpu.memory_space<vmem_shared>> -> memref<1024x16xf32, #tpu.memory_space<vmem_shared>>
        %dma_wait3A_559 = arith.constant 0 : i32
        %dma_wait3A_560 = arith.constant 0 : i32
        %dma_wait3A_561 = tpu.memref_slice %arg9[%dma_wait3A_559, %dma_wait3A_560] : memref<50000x16xf32, #tpu.memory_space<vmem_shared>> -> memref<1024x16xf32, #tpu.memory_space<vmem_shared>>
        %dma_wait3A_562 = arith.constant 0 : i32
        %dma_wait3A_563 = arith.constant 0 : i32
        %dma_wait3A_564 = tpu.memref_slice %arg8[%dma_wait3A_551, %dma_wait3A_562, %dma_wait3A_563] : memref<3x1024x16xf32, #tpu.memory_space<vmem>> -> memref<1x1024x16xf32, #tpu.memory_space<vmem>>
        %dma_wait3A_565 = tpu.memref_squeeze %dma_wait3A_564 : memref<1x1024x16xf32, #tpu.memory_space<vmem>> -> memref<1024x16xf32, #tpu.memory_space<vmem>>
        tpu.wait_dma2 semaphore(%arg19 : memref<!tpu.dma_semaphore, #tpu.memory_space<semaphore_mem>>) src(%dma_wait3A_565 : memref<1024x16xf32, #tpu.memory_space<vmem>>) dst(%dma_wait3A_561 : memref<1024x16xf32, #tpu.memory_space<vmem_shared>>)
      } else {
      }
      %dma_wait3A_453 = arith.constant 4 : i32
      %dma_wait3A_454 = arith.constant 0 : i32
      %dma_wait3A_455 = arith.constant 0 : i32
      %dma_wait3A_456 = tpu.memref_slice %arg7[%dma_wait3A_453, %dma_wait3A_454, %dma_wait3A_455] : memref<6x2x1024xi32, #tpu.memory_space<vmem>> -> memref<1x2x1024xi32, #tpu.memory_space<vmem>>
      %dma_wait3A_457 = tpu.memref_squeeze %dma_wait3A_456 : memref<1x2x1024xi32, #tpu.memory_space<vmem>> -> memref<2x1024xi32, #tpu.memory_space<vmem>>
      %dma_wait3A_458 = arith.constant 0 : i32
      %dma_wait3A_459 = arith.constant 0 : i32
      %dma_wait3A_460 = tpu.memref_slice %arg2[%dma_wait3A_458, %dma_wait3A_459] : memref<2x1600000xi32, #tpu.memory_space<hbm>> -> memref<2x1024xi32, #tpu.memory_space<hbm>>
      %dma_wait3A_461 = arith.constant 0 : i32
      %dma_wait3A_462 = arith.constant 0 : i32
      %dma_wait3A_463 = tpu.memref_slice %arg7[%dma_wait3A_453, %dma_wait3A_461, %dma_wait3A_462] : memref<6x2x1024xi32, #tpu.memory_space<vmem>> -> memref<1x2x1024xi32, #tpu.memory_space<vmem>>
      %dma_wait3A_464 = tpu.memref_squeeze %dma_wait3A_463 : memref<1x2x1024xi32, #tpu.memory_space<vmem>> -> memref<2x1024xi32, #tpu.memory_space<vmem>>
      %dma_wait3A_465 = arith.constant 0 : i32
      %dma_wait3A_466 = arith.constant 0 : i32
      %dma_wait3A_467 = tpu.memref_slice %arg2[%dma_wait3A_465, %dma_wait3A_466] : memref<2x1600000xi32, #tpu.memory_space<hbm>> -> memref<2x1024xi32, #tpu.memory_space<hbm>>
      tpu.wait_dma2 semaphore(%arg14 : memref<!tpu.dma_semaphore, #tpu.memory_space<semaphore_mem>>) src(%dma_wait3A_467 : memref<2x1024xi32, #tpu.memory_space<hbm>>) dst(%dma_wait3A_464 : memref<2x1024xi32, #tpu.memory_space<vmem>>)
      %dma_start3A_468 = arith.constant 4 : i32
      %dma_start3A_469 = arith.constant 0 : i32
      %dma_start3A_470 = arith.constant 1 : i32
      %dma_start3A_471 = arith.constant 0 : i32
      %dma_start3A_472 = arith.constant 0 : i32
      %dma_start3A_473 = tpu.memref_slice %arg8[%dma_start3A_470, %dma_start3A_471, %dma_start3A_472] : memref<3x1024x16xf32, #tpu.memory_space<vmem>> -> memref<1x1024x16xf32, #tpu.memory_space<vmem>>
      %dma_start3A_474 = tpu.memref_squeeze %dma_start3A_473 : memref<1x1024x16xf32, #tpu.memory_space<vmem>> -> memref<1024x16xf32, #tpu.memory_space<vmem>>
      %dma_start3A_475 = arith.constant 0 : i32
      %dma_start3A_476 = tpu.memref_slice %arg7[%dma_start3A_468, %dma_start3A_469, %dma_start3A_475] : memref<6x2x1024xi32, #tpu.memory_space<vmem>> -> memref<1x1x1024xi32, #tpu.memory_space<vmem>>
      %dma_start3A_477 = tpu.memref_squeeze %dma_start3A_476 : memref<1x1x1024xi32, #tpu.memory_space<vmem>> -> memref<1024xi32, #tpu.memory_space<vmem>>
      %dma_start3A_478 = arith.constant 0 : i32
      %dma_start3A_479 = arith.constant 0 : i32
      %dma_start3A_480 = tpu.memref_slice %arg6[%arg0, %dma_start3A_478, %dma_start3A_479] : memref<2x50000x16xf32, #tpu.memory_space<hbm>> -> memref<1x50000x16xf32, #tpu.memory_space<hbm>>
      %dma_start3A_481 = tpu.memref_squeeze %dma_start3A_480 : memref<1x50000x16xf32, #tpu.memory_space<hbm>> -> memref<50000x16xf32, #tpu.memory_space<hbm>>
      %dma_start3A_482 = arith.constant 0 : i32
      %dma_start3A_483 = arith.constant 0 : i32
      %dma_start3A_484 = tpu.memref_slice %dma_start3A_481[%dma_start3A_482, %dma_start3A_483] : memref<50000x16xf32, #tpu.memory_space<hbm>> -> memref<50000x16xf32, #tpu.memory_space<hbm>>
      tpu.enqueue_indirect_dma source(%dma_start3A_484 : memref<50000x16xf32, #tpu.memory_space<hbm>>) target(%dma_start3A_474 : memref<1024x16xf32, #tpu.memory_space<vmem>>) offsets(%dma_start3A_477 : memref<1024xi32, #tpu.memory_space<vmem>>) semaphore(%arg16 : memref<!tpu.dma_semaphore, #tpu.memory_space<semaphore_mem>>)
      %ge3A_485 = arith.constant 1 : i32
      %ge3A_486 = arith.cmpi sge, %add3A_447, %ge3A_485 : i32
      %convert_element_type3A_487 = arith.extui %ge3A_486 : i1 to i32
      %cond3A_488 = arith.constant 0 : i32
      %cond3A_489 = arith.cmpi ne, %convert_element_type3A_487, %cond3A_488 : i32
      scf.if %cond3A_489 {
        %dma_wait3A_551 = arith.constant 0 : i32
        %dma_wait3A_552 = arith.constant 0 : i32
        %dma_wait3A_553 = arith.constant 0 : i32
        %dma_wait3A_554 = tpu.memref_slice %arg8[%dma_wait3A_551, %dma_wait3A_552, %dma_wait3A_553] : memref<3x1024x16xf32, #tpu.memory_space<vmem>> -> memref<1x1024x16xf32, #tpu.memory_space<vmem>>
        %dma_wait3A_555 = tpu.memref_squeeze %dma_wait3A_554 : memref<1x1024x16xf32, #tpu.memory_space<vmem>> -> memref<1024x16xf32, #tpu.memory_space<vmem>>
        %dma_wait3A_556 = arith.constant 0 : i32
        %dma_wait3A_557 = arith.constant 0 : i32
        %dma_wait3A_558 = tpu.memref_slice %arg6[%arg0, %dma_wait3A_556, %dma_wait3A_557] : memref<2x50000x16xf32, #tpu.memory_space<hbm>> -> memref<1x1024x16xf32, #tpu.memory_space<hbm>>
        %dma_wait3A_559 = tpu.memref_squeeze %dma_wait3A_558 : memref<1x1024x16xf32, #tpu.memory_space<hbm>> -> memref<1024x16xf32, #tpu.memory_space<hbm>>
        %dma_wait3A_560 = arith.constant 0 : i32
        %dma_wait3A_561 = arith.constant 0 : i32
        %dma_wait3A_562 = tpu.memref_slice %arg8[%dma_wait3A_551, %dma_wait3A_560, %dma_wait3A_561] : memref<3x1024x16xf32, #tpu.memory_space<vmem>> -> memref<1x1024x16xf32, #tpu.memory_space<vmem>>
        %dma_wait3A_563 = tpu.memref_squeeze %dma_wait3A_562 : memref<1x1024x16xf32, #tpu.memory_space<vmem>> -> memref<1024x16xf32, #tpu.memory_space<vmem>>
        %dma_wait3A_564 = arith.constant 0 : i32
        %dma_wait3A_565 = arith.constant 0 : i32
        %dma_wait3A_566 = tpu.memref_slice %arg6[%arg0, %dma_wait3A_564, %dma_wait3A_565] : memref<2x50000x16xf32, #tpu.memory_space<hbm>> -> memref<1x1024x16xf32, #tpu.memory_space<hbm>>
        %dma_wait3A_567 = tpu.memref_squeeze %dma_wait3A_566 : memref<1x1024x16xf32, #tpu.memory_space<hbm>> -> memref<1024x16xf32, #tpu.memory_space<hbm>>
        tpu.wait_dma2 semaphore(%arg17 : memref<!tpu.dma_semaphore, #tpu.memory_space<semaphore_mem>>) src(%dma_wait3A_567 : memref<1024x16xf32, #tpu.memory_space<hbm>>) dst(%dma_wait3A_563 : memref<1024x16xf32, #tpu.memory_space<vmem>>)
        %dma_start3A_568 = arith.constant 0 : i32
        %dma_start3A_569 = arith.constant 3 : i32
        %dma_start3A_570 = arith.constant 1 : i32
        %dma_start3A_571 = arith.constant 0 : i32
        %dma_start3A_572 = arith.constant 0 : i32
        %dma_start3A_573 = tpu.memref_slice %arg8[%dma_start3A_568, %dma_start3A_571, %dma_start3A_572] : memref<3x1024x16xf32, #tpu.memory_space<vmem>> -> memref<1x1024x16xf32, #tpu.memory_space<vmem>>
        %dma_start3A_574 = tpu.memref_squeeze %dma_start3A_573 : memref<1x1024x16xf32, #tpu.memory_space<vmem>> -> memref<1024x16xf32, #tpu.memory_space<vmem>>
        %dma_start3A_575 = arith.constant 0 : i32
        %dma_start3A_576 = tpu.memref_slice %arg7[%dma_start3A_569, %dma_start3A_570, %dma_start3A_575] : memref<6x2x1024xi32, #tpu.memory_space<vmem>> -> memref<1x1x1024xi32, #tpu.memory_space<vmem>>
        %dma_start3A_577 = tpu.memref_squeeze %dma_start3A_576 : memref<1x1x1024xi32, #tpu.memory_space<vmem>> -> memref<1024xi32, #tpu.memory_space<vmem>>
        %dma_start3A_578 = arith.constant 0 : i32
        %dma_start3A_579 = arith.constant 0 : i32
        %dma_start3A_580 = tpu.memref_slice %arg9[%dma_start3A_578, %dma_start3A_579] : memref<50000x16xf32, #tpu.memory_space<vmem_shared>> -> memref<50000x16xf32, #tpu.memory_space<vmem_shared>>
        tpu.enqueue_indirect_dma source(%dma_start3A_574 : memref<1024x16xf32, #tpu.memory_space<vmem>>) target(%dma_start3A_580 : memref<50000x16xf32, #tpu.memory_space<vmem_shared>>) offsets(%dma_start3A_577 : memref<1024xi32, #tpu.memory_space<vmem>>) semaphore(%arg18 : memref<!tpu.dma_semaphore, #tpu.memory_space<semaphore_mem>>) {add = true}
      } else {
      }
      %add3A_490 = arith.constant 3 : i32
      %add3A_491 = arith.addi %add3A_447, %add3A_490 : i32
      %lt3A_492 = arith.constant 48 : i32
      %lt3A_493 = arith.cmpi slt, %add3A_491, %lt3A_492 : i32
      %convert_element_type3A_494 = arith.extui %lt3A_493 : i1 to i32
      %cond3A_495 = arith.constant 0 : i32
      %cond3A_496 = arith.cmpi ne, %convert_element_type3A_494, %cond3A_495 : i32
      scf.if %cond3A_496 {
        %add3A_551 = arith.addi %mul3A_61, %add3A_447 : i32
        %add3A_552 = arith.constant 3 : i32
        %add3A_553 = arith.addi %add3A_551, %add3A_552 : i32
        %mul3A_554 = arith.constant 1024 : i32
        %mul3A_555 = arith.muli %add3A_553, %mul3A_554 : i32
        %dma_start3A_556 = arith.constant 1 : i32
        %dma_start3A_557 = arith.constant 0 : i32
        %dma_start3A_558 = arith.constant 0 : i32
        %dma_start3A_559 = tpu.memref_slice %arg7[%dma_start3A_556, %dma_start3A_557, %dma_start3A_558] : memref<6x2x1024xi32, #tpu.memory_space<vmem>> -> memref<1x2x1024xi32, #tpu.memory_space<vmem>>
        %dma_start3A_560 = tpu.memref_squeeze %dma_start3A_559 : memref<1x2x1024xi32, #tpu.memory_space<vmem>> -> memref<2x1024xi32, #tpu.memory_space<vmem>>
        %dma_start3A_561 = arith.constant 0 : i32
        %dma_start3A_562 = tpu.memref_slice %arg2[%dma_start3A_561, %mul3A_555] : memref<2x1600000xi32, #tpu.memory_space<hbm>> -> memref<2x1024xi32, #tpu.memory_space<hbm>>
        %dma_start3A_563 = arith.constant 0 : i32
        %dma_start3A_564 = arith.constant 0 : i32
        %dma_start3A_565 = tpu.memref_slice %arg7[%dma_start3A_556, %dma_start3A_563, %dma_start3A_564] : memref<6x2x1024xi32, #tpu.memory_space<vmem>> -> memref<1x2x1024xi32, #tpu.memory_space<vmem>>
        %dma_start3A_566 = tpu.memref_squeeze %dma_start3A_565 : memref<1x2x1024xi32, #tpu.memory_space<vmem>> -> memref<2x1024xi32, #tpu.memory_space<vmem>>
        %dma_start3A_567 = arith.constant 0 : i32
        %dma_start3A_568 = tpu.memref_slice %arg2[%dma_start3A_567, %mul3A_555] : memref<2x1600000xi32, #tpu.memory_space<hbm>> -> memref<2x1024xi32, #tpu.memory_space<hbm>>
        tpu.enqueue_dma source(%dma_start3A_568 : memref<2x1024xi32, #tpu.memory_space<hbm>>) target(%dma_start3A_566 : memref<2x1024xi32, #tpu.memory_space<vmem>>) target_semaphore(%arg11 : memref<!tpu.dma_semaphore, #tpu.memory_space<semaphore_mem>>)
      } else {
      }
      %mul3A_497 = arith.constant 6 : i32
      %mul3A_498 = arith.muli %scan3A_231, %mul3A_497 : i32
      %add3A_499 = arith.constant 5 : i32
      %add3A_500 = arith.addi %mul3A_498, %add3A_499 : i32
      %ge3A_501 = arith.constant 3 : i32
      %ge3A_502 = arith.cmpi sge, %add3A_500, %ge3A_501 : i32
      %convert_element_type3A_503 = arith.extui %ge3A_502 : i1 to i32
      %cond3A_504 = arith.constant 0 : i32
      %cond3A_505 = arith.cmpi ne, %convert_element_type3A_503, %cond3A_504 : i32
      scf.if %cond3A_505 {
        %dma_wait3A_551 = arith.constant 2 : i32
        %dma_wait3A_552 = arith.constant 0 : i32
        %dma_wait3A_553 = arith.constant 0 : i32
        %dma_wait3A_554 = tpu.memref_slice %arg8[%dma_wait3A_551, %dma_wait3A_552, %dma_wait3A_553] : memref<3x1024x16xf32, #tpu.memory_space<vmem>> -> memref<1x1024x16xf32, #tpu.memory_space<vmem>>
        %dma_wait3A_555 = tpu.memref_squeeze %dma_wait3A_554 : memref<1x1024x16xf32, #tpu.memory_space<vmem>> -> memref<1024x16xf32, #tpu.memory_space<vmem>>
        %dma_wait3A_556 = arith.constant 0 : i32
        %dma_wait3A_557 = arith.constant 0 : i32
        %dma_wait3A_558 = tpu.memref_slice %arg9[%dma_wait3A_556, %dma_wait3A_557] : memref<50000x16xf32, #tpu.memory_space<vmem_shared>> -> memref<1024x16xf32, #tpu.memory_space<vmem_shared>>
        %dma_wait3A_559 = arith.constant 0 : i32
        %dma_wait3A_560 = arith.constant 0 : i32
        %dma_wait3A_561 = tpu.memref_slice %arg9[%dma_wait3A_559, %dma_wait3A_560] : memref<50000x16xf32, #tpu.memory_space<vmem_shared>> -> memref<1024x16xf32, #tpu.memory_space<vmem_shared>>
        %dma_wait3A_562 = arith.constant 0 : i32
        %dma_wait3A_563 = arith.constant 0 : i32
        %dma_wait3A_564 = tpu.memref_slice %arg8[%dma_wait3A_551, %dma_wait3A_562, %dma_wait3A_563] : memref<3x1024x16xf32, #tpu.memory_space<vmem>> -> memref<1x1024x16xf32, #tpu.memory_space<vmem>>
        %dma_wait3A_565 = tpu.memref_squeeze %dma_wait3A_564 : memref<1x1024x16xf32, #tpu.memory_space<vmem>> -> memref<1024x16xf32, #tpu.memory_space<vmem>>
        tpu.wait_dma2 semaphore(%arg20 : memref<!tpu.dma_semaphore, #tpu.memory_space<semaphore_mem>>) src(%dma_wait3A_565 : memref<1024x16xf32, #tpu.memory_space<vmem>>) dst(%dma_wait3A_561 : memref<1024x16xf32, #tpu.memory_space<vmem_shared>>)
      } else {
      }
      %dma_wait3A_506 = arith.constant 5 : i32
      %dma_wait3A_507 = arith.constant 0 : i32
      %dma_wait3A_508 = arith.constant 0 : i32
      %dma_wait3A_509 = tpu.memref_slice %arg7[%dma_wait3A_506, %dma_wait3A_507, %dma_wait3A_508] : memref<6x2x1024xi32, #tpu.memory_space<vmem>> -> memref<1x2x1024xi32, #tpu.memory_space<vmem>>
      %dma_wait3A_510 = tpu.memref_squeeze %dma_wait3A_509 : memref<1x2x1024xi32, #tpu.memory_space<vmem>> -> memref<2x1024xi32, #tpu.memory_space<vmem>>
      %dma_wait3A_511 = arith.constant 0 : i32
      %dma_wait3A_512 = arith.constant 0 : i32
      %dma_wait3A_513 = tpu.memref_slice %arg2[%dma_wait3A_511, %dma_wait3A_512] : memref<2x1600000xi32, #tpu.memory_space<hbm>> -> memref<2x1024xi32, #tpu.memory_space<hbm>>
      %dma_wait3A_514 = arith.constant 0 : i32
      %dma_wait3A_515 = arith.constant 0 : i32
      %dma_wait3A_516 = tpu.memref_slice %arg7[%dma_wait3A_506, %dma_wait3A_514, %dma_wait3A_515] : memref<6x2x1024xi32, #tpu.memory_space<vmem>> -> memref<1x2x1024xi32, #tpu.memory_space<vmem>>
      %dma_wait3A_517 = tpu.memref_squeeze %dma_wait3A_516 : memref<1x2x1024xi32, #tpu.memory_space<vmem>> -> memref<2x1024xi32, #tpu.memory_space<vmem>>
      %dma_wait3A_518 = arith.constant 0 : i32
      %dma_wait3A_519 = arith.constant 0 : i32
      %dma_wait3A_520 = tpu.memref_slice %arg2[%dma_wait3A_518, %dma_wait3A_519] : memref<2x1600000xi32, #tpu.memory_space<hbm>> -> memref<2x1024xi32, #tpu.memory_space<hbm>>
      tpu.wait_dma2 semaphore(%arg15 : memref<!tpu.dma_semaphore, #tpu.memory_space<semaphore_mem>>) src(%dma_wait3A_520 : memref<2x1024xi32, #tpu.memory_space<hbm>>) dst(%dma_wait3A_517 : memref<2x1024xi32, #tpu.memory_space<vmem>>)
      %dma_start3A_521 = arith.constant 5 : i32
      %dma_start3A_522 = arith.constant 0 : i32
      %dma_start3A_523 = arith.constant 2 : i32
      %dma_start3A_524 = arith.constant 0 : i32
      %dma_start3A_525 = arith.constant 0 : i32
      %dma_start3A_526 = tpu.memref_slice %arg8[%dma_start3A_523, %dma_start3A_524, %dma_start3A_525] : memref<3x1024x16xf32, #tpu.memory_space<vmem>> -> memref<1x1024x16xf32, #tpu.memory_space<vmem>>
      %dma_start3A_527 = tpu.memref_squeeze %dma_start3A_526 : memref<1x1024x16xf32, #tpu.memory_space<vmem>> -> memref<1024x16xf32, #tpu.memory_space<vmem>>
      %dma_start3A_528 = arith.constant 0 : i32
      %dma_start3A_529 = tpu.memref_slice %arg7[%dma_start3A_521, %dma_start3A_522, %dma_start3A_528] : memref<6x2x1024xi32, #tpu.memory_space<vmem>> -> memref<1x1x1024xi32, #tpu.memory_space<vmem>>
      %dma_start3A_530 = tpu.memref_squeeze %dma_start3A_529 : memref<1x1x1024xi32, #tpu.memory_space<vmem>> -> memref<1024xi32, #tpu.memory_space<vmem>>
      %dma_start3A_531 = arith.constant 0 : i32
      %dma_start3A_532 = arith.constant 0 : i32
      %dma_start3A_533 = tpu.memref_slice %arg6[%arg0, %dma_start3A_531, %dma_start3A_532] : memref<2x50000x16xf32, #tpu.memory_space<hbm>> -> memref<1x50000x16xf32, #tpu.memory_space<hbm>>
      %dma_start3A_534 = tpu.memref_squeeze %dma_start3A_533 : memref<1x50000x16xf32, #tpu.memory_space<hbm>> -> memref<50000x16xf32, #tpu.memory_space<hbm>>
      %dma_start3A_535 = arith.constant 0 : i32
      %dma_start3A_536 = arith.constant 0 : i32
      %dma_start3A_537 = tpu.memref_slice %dma_start3A_534[%dma_start3A_535, %dma_start3A_536] : memref<50000x16xf32, #tpu.memory_space<hbm>> -> memref<50000x16xf32, #tpu.memory_space<hbm>>
      tpu.enqueue_indirect_dma source(%dma_start3A_537 : memref<50000x16xf32, #tpu.memory_space<hbm>>) target(%dma_start3A_527 : memref<1024x16xf32, #tpu.memory_space<vmem>>) offsets(%dma_start3A_530 : memref<1024xi32, #tpu.memory_space<vmem>>) semaphore(%arg17 : memref<!tpu.dma_semaphore, #tpu.memory_space<semaphore_mem>>)
      %ge3A_538 = arith.constant 1 : i32
      %ge3A_539 = arith.cmpi sge, %add3A_500, %ge3A_538 : i32
      %convert_element_type3A_540 = arith.extui %ge3A_539 : i1 to i32
      %cond3A_541 = arith.constant 0 : i32
      %cond3A_542 = arith.cmpi ne, %convert_element_type3A_540, %cond3A_541 : i32
      scf.if %cond3A_542 {
        %dma_wait3A_551 = arith.constant 0 : i32
        %dma_wait3A_552 = arith.constant 0 : i32
        %dma_wait3A_553 = arith.constant 0 : i32
        %dma_wait3A_554 = tpu.memref_slice %arg8[%dma_wait3A_551, %dma_wait3A_552, %dma_wait3A_553] : memref<3x1024x16xf32, #tpu.memory_space<vmem>> -> memref<1x1024x16xf32, #tpu.memory_space<vmem>>
        %dma_wait3A_555 = tpu.memref_squeeze %dma_wait3A_554 : memref<1x1024x16xf32, #tpu.memory_space<vmem>> -> memref<1024x16xf32, #tpu.memory_space<vmem>>
        %dma_wait3A_556 = arith.constant 0 : i32
        %dma_wait3A_557 = arith.constant 0 : i32
        %dma_wait3A_558 = tpu.memref_slice %arg6[%arg0, %dma_wait3A_556, %dma_wait3A_557] : memref<2x50000x16xf32, #tpu.memory_space<hbm>> -> memref<1x1024x16xf32, #tpu.memory_space<hbm>>
        %dma_wait3A_559 = tpu.memref_squeeze %dma_wait3A_558 : memref<1x1024x16xf32, #tpu.memory_space<hbm>> -> memref<1024x16xf32, #tpu.memory_space<hbm>>
        %dma_wait3A_560 = arith.constant 0 : i32
        %dma_wait3A_561 = arith.constant 0 : i32
        %dma_wait3A_562 = tpu.memref_slice %arg8[%dma_wait3A_551, %dma_wait3A_560, %dma_wait3A_561] : memref<3x1024x16xf32, #tpu.memory_space<vmem>> -> memref<1x1024x16xf32, #tpu.memory_space<vmem>>
        %dma_wait3A_563 = tpu.memref_squeeze %dma_wait3A_562 : memref<1x1024x16xf32, #tpu.memory_space<vmem>> -> memref<1024x16xf32, #tpu.memory_space<vmem>>
        %dma_wait3A_564 = arith.constant 0 : i32
        %dma_wait3A_565 = arith.constant 0 : i32
        %dma_wait3A_566 = tpu.memref_slice %arg6[%arg0, %dma_wait3A_564, %dma_wait3A_565] : memref<2x50000x16xf32, #tpu.memory_space<hbm>> -> memref<1x1024x16xf32, #tpu.memory_space<hbm>>
        %dma_wait3A_567 = tpu.memref_squeeze %dma_wait3A_566 : memref<1x1024x16xf32, #tpu.memory_space<hbm>> -> memref<1024x16xf32, #tpu.memory_space<hbm>>
        tpu.wait_dma2 semaphore(%arg16 : memref<!tpu.dma_semaphore, #tpu.memory_space<semaphore_mem>>) src(%dma_wait3A_567 : memref<1024x16xf32, #tpu.memory_space<hbm>>) dst(%dma_wait3A_563 : memref<1024x16xf32, #tpu.memory_space<vmem>>)
        %dma_start3A_568 = arith.constant 1 : i32
        %dma_start3A_569 = arith.constant 4 : i32
        %dma_start3A_570 = arith.constant 1 : i32
        %dma_start3A_571 = arith.constant 0 : i32
        %dma_start3A_572 = arith.constant 0 : i32
        %dma_start3A_573 = tpu.memref_slice %arg8[%dma_start3A_568, %dma_start3A_571, %dma_start3A_572] : memref<3x1024x16xf32, #tpu.memory_space<vmem>> -> memref<1x1024x16xf32, #tpu.memory_space<vmem>>
        %dma_start3A_574 = tpu.memref_squeeze %dma_start3A_573 : memref<1x1024x16xf32, #tpu.memory_space<vmem>> -> memref<1024x16xf32, #tpu.memory_space<vmem>>
        %dma_start3A_575 = arith.constant 0 : i32
        %dma_start3A_576 = tpu.memref_slice %arg7[%dma_start3A_569, %dma_start3A_570, %dma_start3A_575] : memref<6x2x1024xi32, #tpu.memory_space<vmem>> -> memref<1x1x1024xi32, #tpu.memory_space<vmem>>
        %dma_start3A_577 = tpu.memref_squeeze %dma_start3A_576 : memref<1x1x1024xi32, #tpu.memory_space<vmem>> -> memref<1024xi32, #tpu.memory_space<vmem>>
        %dma_start3A_578 = arith.constant 0 : i32
        %dma_start3A_579 = arith.constant 0 : i32
        %dma_start3A_580 = tpu.memref_slice %arg9[%dma_start3A_578, %dma_start3A_579] : memref<50000x16xf32, #tpu.memory_space<vmem_shared>> -> memref<50000x16xf32, #tpu.memory_space<vmem_shared>>
        tpu.enqueue_indirect_dma source(%dma_start3A_574 : memref<1024x16xf32, #tpu.memory_space<vmem>>) target(%dma_start3A_580 : memref<50000x16xf32, #tpu.memory_space<vmem_shared>>) offsets(%dma_start3A_577 : memref<1024xi32, #tpu.memory_space<vmem>>) semaphore(%arg19 : memref<!tpu.dma_semaphore, #tpu.memory_space<semaphore_mem>>) {add = true}
      } else {
      }
      %add3A_543 = arith.constant 3 : i32
      %add3A_544 = arith.addi %add3A_500, %add3A_543 : i32
      %lt3A_545 = arith.constant 48 : i32
      %lt3A_546 = arith.cmpi slt, %add3A_544, %lt3A_545 : i32
      %convert_element_type3A_547 = arith.extui %lt3A_546 : i1 to i32
      %cond3A_548 = arith.constant 0 : i32
      %cond3A_549 = arith.cmpi ne, %convert_element_type3A_547, %cond3A_548 : i32
      scf.if %cond3A_549 {
        %add3A_551 = arith.addi %mul3A_61, %add3A_500 : i32
        %add3A_552 = arith.constant 3 : i32
        %add3A_553 = arith.addi %add3A_551, %add3A_552 : i32
        %mul3A_554 = arith.constant 1024 : i32
        %mul3A_555 = arith.muli %add3A_553, %mul3A_554 : i32
        %dma_start3A_556 = arith.constant 2 : i32
        %dma_start3A_557 = arith.constant 0 : i32
        %dma_start3A_558 = arith.constant 0 : i32
        %dma_start3A_559 = tpu.memref_slice %arg7[%dma_start3A_556, %dma_start3A_557, %dma_start3A_558] : memref<6x2x1024xi32, #tpu.memory_space<vmem>> -> memref<1x2x1024xi32, #tpu.memory_space<vmem>>
        %dma_start3A_560 = tpu.memref_squeeze %dma_start3A_559 : memref<1x2x1024xi32, #tpu.memory_space<vmem>> -> memref<2x1024xi32, #tpu.memory_space<vmem>>
        %dma_start3A_561 = arith.constant 0 : i32
        %dma_start3A_562 = tpu.memref_slice %arg2[%dma_start3A_561, %mul3A_555] : memref<2x1600000xi32, #tpu.memory_space<hbm>> -> memref<2x1024xi32, #tpu.memory_space<hbm>>
        %dma_start3A_563 = arith.constant 0 : i32
        %dma_start3A_564 = arith.constant 0 : i32
        %dma_start3A_565 = tpu.memref_slice %arg7[%dma_start3A_556, %dma_start3A_563, %dma_start3A_564] : memref<6x2x1024xi32, #tpu.memory_space<vmem>> -> memref<1x2x1024xi32, #tpu.memory_space<vmem>>
        %dma_start3A_566 = tpu.memref_squeeze %dma_start3A_565 : memref<1x2x1024xi32, #tpu.memory_space<vmem>> -> memref<2x1024xi32, #tpu.memory_space<vmem>>
        %dma_start3A_567 = arith.constant 0 : i32
        %dma_start3A_568 = tpu.memref_slice %arg2[%dma_start3A_567, %mul3A_555] : memref<2x1600000xi32, #tpu.memory_space<hbm>> -> memref<2x1024xi32, #tpu.memory_space<hbm>>
        tpu.enqueue_dma source(%dma_start3A_568 : memref<2x1024xi32, #tpu.memory_space<hbm>>) target(%dma_start3A_566 : memref<2x1024xi32, #tpu.memory_space<vmem>>) target_semaphore(%arg12 : memref<!tpu.dma_semaphore, #tpu.memory_space<semaphore_mem>>)
      } else {
      }
      %scan3A_550 = arith.constant 0 : i32
      scf.yield %scan3A_550 : i32
    }
    %scan3A_118 = arith.constant 8 : i32
    %dma_wait3A = arith.constant 0 : i32
    %dma_wait3A_119 = arith.constant 0 : i32
    %dma_wait3A_120 = arith.constant 0 : i32
    %dma_wait3A_121 = tpu.memref_slice %arg8[%dma_wait3A, %dma_wait3A_119, %dma_wait3A_120] : memref<3x1024x16xf32, #tpu.memory_space<vmem>> -> memref<1x1024x16xf32, #tpu.memory_space<vmem>>
    %dma_wait3A_122 = tpu.memref_squeeze %dma_wait3A_121 : memref<1x1024x16xf32, #tpu.memory_space<vmem>> -> memref<1024x16xf32, #tpu.memory_space<vmem>>
    %dma_wait3A_123 = arith.constant 0 : i32
    %dma_wait3A_124 = arith.constant 0 : i32
    %dma_wait3A_125 = tpu.memref_slice %arg6[%arg0, %dma_wait3A_123, %dma_wait3A_124] : memref<2x50000x16xf32, #tpu.memory_space<hbm>> -> memref<1x1024x16xf32, #tpu.memory_space<hbm>>
    %dma_wait3A_126 = tpu.memref_squeeze %dma_wait3A_125 : memref<1x1024x16xf32, #tpu.memory_space<hbm>> -> memref<1024x16xf32, #tpu.memory_space<hbm>>
    %dma_wait3A_127 = arith.constant 0 : i32
    %dma_wait3A_128 = arith.constant 0 : i32
    %dma_wait3A_129 = tpu.memref_slice %arg8[%dma_wait3A, %dma_wait3A_127, %dma_wait3A_128] : memref<3x1024x16xf32, #tpu.memory_space<vmem>> -> memref<1x1024x16xf32, #tpu.memory_space<vmem>>
    %dma_wait3A_130 = tpu.memref_squeeze %dma_wait3A_129 : memref<1x1024x16xf32, #tpu.memory_space<vmem>> -> memref<1024x16xf32, #tpu.memory_space<vmem>>
    %dma_wait3A_131 = arith.constant 0 : i32
    %dma_wait3A_132 = arith.constant 0 : i32
    %dma_wait3A_133 = tpu.memref_slice %arg6[%arg0, %dma_wait3A_131, %dma_wait3A_132] : memref<2x50000x16xf32, #tpu.memory_space<hbm>> -> memref<1x1024x16xf32, #tpu.memory_space<hbm>>
    %dma_wait3A_134 = tpu.memref_squeeze %dma_wait3A_133 : memref<1x1024x16xf32, #tpu.memory_space<hbm>> -> memref<1024x16xf32, #tpu.memory_space<hbm>>
    tpu.wait_dma2 semaphore(%arg17 : memref<!tpu.dma_semaphore, #tpu.memory_space<semaphore_mem>>) src(%dma_wait3A_134 : memref<1024x16xf32, #tpu.memory_space<hbm>>) dst(%dma_wait3A_130 : memref<1024x16xf32, #tpu.memory_space<vmem>>)
    %dma_start3A_135 = arith.constant 2 : i32
    %dma_start3A_136 = arith.constant 5 : i32
    %dma_start3A_137 = arith.constant 1 : i32
    %dma_start3A_138 = arith.constant 0 : i32
    %dma_start3A_139 = arith.constant 0 : i32
    %dma_start3A_140 = tpu.memref_slice %arg8[%dma_start3A_135, %dma_start3A_138, %dma_start3A_139] : memref<3x1024x16xf32, #tpu.memory_space<vmem>> -> memref<1x1024x16xf32, #tpu.memory_space<vmem>>
    %dma_start3A_141 = tpu.memref_squeeze %dma_start3A_140 : memref<1x1024x16xf32, #tpu.memory_space<vmem>> -> memref<1024x16xf32, #tpu.memory_space<vmem>>
    %dma_start3A_142 = arith.constant 0 : i32
    %dma_start3A_143 = tpu.memref_slice %arg7[%dma_start3A_136, %dma_start3A_137, %dma_start3A_142] : memref<6x2x1024xi32, #tpu.memory_space<vmem>> -> memref<1x1x1024xi32, #tpu.memory_space<vmem>>
    %dma_start3A_144 = tpu.memref_squeeze %dma_start3A_143 : memref<1x1x1024xi32, #tpu.memory_space<vmem>> -> memref<1024xi32, #tpu.memory_space<vmem>>
    %dma_start3A_145 = arith.constant 0 : i32
    %dma_start3A_146 = arith.constant 0 : i32
    %dma_start3A_147 = tpu.memref_slice %arg9[%dma_start3A_145, %dma_start3A_146] : memref<50000x16xf32, #tpu.memory_space<vmem_shared>> -> memref<50000x16xf32, #tpu.memory_space<vmem_shared>>
    tpu.enqueue_indirect_dma source(%dma_start3A_141 : memref<1024x16xf32, #tpu.memory_space<vmem>>) target(%dma_start3A_147 : memref<50000x16xf32, #tpu.memory_space<vmem_shared>>) offsets(%dma_start3A_144 : memref<1024xi32, #tpu.memory_space<vmem>>) semaphore(%arg20 : memref<!tpu.dma_semaphore, #tpu.memory_space<semaphore_mem>>) {add = true}
    %dma_wait3A_148 = arith.constant 0 : i32
    %dma_wait3A_149 = arith.constant 0 : i32
    %dma_wait3A_150 = arith.constant 0 : i32
    %dma_wait3A_151 = tpu.memref_slice %arg8[%dma_wait3A_148, %dma_wait3A_149, %dma_wait3A_150] : memref<3x1024x16xf32, #tpu.memory_space<vmem>> -> memref<1x1024x16xf32, #tpu.memory_space<vmem>>
    %dma_wait3A_152 = tpu.memref_squeeze %dma_wait3A_151 : memref<1x1024x16xf32, #tpu.memory_space<vmem>> -> memref<1024x16xf32, #tpu.memory_space<vmem>>
    %dma_wait3A_153 = arith.constant 0 : i32
    %dma_wait3A_154 = arith.constant 0 : i32
    %dma_wait3A_155 = tpu.memref_slice %arg9[%dma_wait3A_153, %dma_wait3A_154] : memref<50000x16xf32, #tpu.memory_space<vmem_shared>> -> memref<1024x16xf32, #tpu.memory_space<vmem_shared>>
    %dma_wait3A_156 = arith.constant 0 : i32
    %dma_wait3A_157 = arith.constant 0 : i32
    %dma_wait3A_158 = tpu.memref_slice %arg9[%dma_wait3A_156, %dma_wait3A_157] : memref<50000x16xf32, #tpu.memory_space<vmem_shared>> -> memref<1024x16xf32, #tpu.memory_space<vmem_shared>>
    %dma_wait3A_159 = arith.constant 0 : i32
    %dma_wait3A_160 = arith.constant 0 : i32
    %dma_wait3A_161 = tpu.memref_slice %arg8[%dma_wait3A_148, %dma_wait3A_159, %dma_wait3A_160] : memref<3x1024x16xf32, #tpu.memory_space<vmem>> -> memref<1x1024x16xf32, #tpu.memory_space<vmem>>
    %dma_wait3A_162 = tpu.memref_squeeze %dma_wait3A_161 : memref<1x1024x16xf32, #tpu.memory_space<vmem>> -> memref<1024x16xf32, #tpu.memory_space<vmem>>
    tpu.wait_dma2 semaphore(%arg18 : memref<!tpu.dma_semaphore, #tpu.memory_space<semaphore_mem>>) src(%dma_wait3A_162 : memref<1024x16xf32, #tpu.memory_space<vmem>>) dst(%dma_wait3A_158 : memref<1024x16xf32, #tpu.memory_space<vmem_shared>>)
    %dma_wait3A_163 = arith.constant 1 : i32
    %dma_wait3A_164 = arith.constant 0 : i32
    %dma_wait3A_165 = arith.constant 0 : i32
    %dma_wait3A_166 = tpu.memref_slice %arg8[%dma_wait3A_163, %dma_wait3A_164, %dma_wait3A_165] : memref<3x1024x16xf32, #tpu.memory_space<vmem>> -> memref<1x1024x16xf32, #tpu.memory_space<vmem>>
    %dma_wait3A_167 = tpu.memref_squeeze %dma_wait3A_166 : memref<1x1024x16xf32, #tpu.memory_space<vmem>> -> memref<1024x16xf32, #tpu.memory_space<vmem>>
    %dma_wait3A_168 = arith.constant 0 : i32
    %dma_wait3A_169 = arith.constant 0 : i32
    %dma_wait3A_170 = tpu.memref_slice %arg9[%dma_wait3A_168, %dma_wait3A_169] : memref<50000x16xf32, #tpu.memory_space<vmem_shared>> -> memref<1024x16xf32, #tpu.memory_space<vmem_shared>>
    %dma_wait3A_171 = arith.constant 0 : i32
    %dma_wait3A_172 = arith.constant 0 : i32
    %dma_wait3A_173 = tpu.memref_slice %arg9[%dma_wait3A_171, %dma_wait3A_172] : memref<50000x16xf32, #tpu.memory_space<vmem_shared>> -> memref<1024x16xf32, #tpu.memory_space<vmem_shared>>
    %dma_wait3A_174 = arith.constant 0 : i32
    %dma_wait3A_175 = arith.constant 0 : i32
    %dma_wait3A_176 = tpu.memref_slice %arg8[%dma_wait3A_163, %dma_wait3A_174, %dma_wait3A_175] : memref<3x1024x16xf32, #tpu.memory_space<vmem>> -> memref<1x1024x16xf32, #tpu.memory_space<vmem>>
    %dma_wait3A_177 = tpu.memref_squeeze %dma_wait3A_176 : memref<1x1024x16xf32, #tpu.memory_space<vmem>> -> memref<1024x16xf32, #tpu.memory_space<vmem>>
    tpu.wait_dma2 semaphore(%arg19 : memref<!tpu.dma_semaphore, #tpu.memory_space<semaphore_mem>>) src(%dma_wait3A_177 : memref<1024x16xf32, #tpu.memory_space<vmem>>) dst(%dma_wait3A_173 : memref<1024x16xf32, #tpu.memory_space<vmem_shared>>)
    %dma_wait3A_178 = arith.constant 2 : i32
    %dma_wait3A_179 = arith.constant 0 : i32
    %dma_wait3A_180 = arith.constant 0 : i32
    %dma_wait3A_181 = tpu.memref_slice %arg8[%dma_wait3A_178, %dma_wait3A_179, %dma_wait3A_180] : memref<3x1024x16xf32, #tpu.memory_space<vmem>> -> memref<1x1024x16xf32, #tpu.memory_space<vmem>>
    %dma_wait3A_182 = tpu.memref_squeeze %dma_wait3A_181 : memref<1x1024x16xf32, #tpu.memory_space<vmem>> -> memref<1024x16xf32, #tpu.memory_space<vmem>>
    %dma_wait3A_183 = arith.constant 0 : i32
    %dma_wait3A_184 = arith.constant 0 : i32
    %dma_wait3A_185 = tpu.memref_slice %arg9[%dma_wait3A_183, %dma_wait3A_184] : memref<50000x16xf32, #tpu.memory_space<vmem_shared>> -> memref<1024x16xf32, #tpu.memory_space<vmem_shared>>
    %dma_wait3A_186 = arith.constant 0 : i32
    %dma_wait3A_187 = arith.constant 0 : i32
    %dma_wait3A_188 = tpu.memref_slice %arg9[%dma_wait3A_186, %dma_wait3A_187] : memref<50000x16xf32, #tpu.memory_space<vmem_shared>> -> memref<1024x16xf32, #tpu.memory_space<vmem_shared>>
    %dma_wait3A_189 = arith.constant 0 : i32
    %dma_wait3A_190 = arith.constant 0 : i32
    %dma_wait3A_191 = tpu.memref_slice %arg8[%dma_wait3A_178, %dma_wait3A_189, %dma_wait3A_190] : memref<3x1024x16xf32, #tpu.memory_space<vmem>> -> memref<1x1024x16xf32, #tpu.memory_space<vmem>>
    %dma_wait3A_192 = tpu.memref_squeeze %dma_wait3A_191 : memref<1x1024x16xf32, #tpu.memory_space<vmem>> -> memref<1024x16xf32, #tpu.memory_space<vmem>>
    tpu.wait_dma2 semaphore(%arg20 : memref<!tpu.dma_semaphore, #tpu.memory_space<semaphore_mem>>) src(%dma_wait3A_192 : memref<1024x16xf32, #tpu.memory_space<vmem>>) dst(%dma_wait3A_188 : memref<1024x16xf32, #tpu.memory_space<vmem_shared>>)
    %lt3A_193 = arith.constant 26 : i32
    %lt3A_194 = arith.cmpi slt, %add3A, %lt3A_193 : i32
    %convert_element_type3A_195 = arith.extui %lt3A_194 : i1 to i32
    %cond3A_196 = arith.constant 0 : i32
    %cond3A_197 = arith.cmpi ne, %convert_element_type3A_195, %cond3A_196 : i32
    scf.if %cond3A_197 {
      %add3A_231 = arith.constant 1536 : i32
      %add3A_232 = arith.addi %add3A_231, %add3A : i32
      %mul3A_233 = arith.constant 1024 : i32
      %mul3A_234 = arith.muli %add3A_232, %mul3A_233 : i32
      %run_scoped3A = arith.constant 0 : i32
      "tpu.region"() ({
        %run_scoped3A_297 = tpu.sem_alloc : memref<!tpu.dma_semaphore, #tpu.memory_space<semaphore_mem>>
        %dma_start3A_298 = arith.constant 0 : i32
        %dma_start3A_299 = arith.constant 0 : i32
        %dma_start3A_300 = tpu.memref_slice %arg7[%run_scoped3A, %dma_start3A_298, %dma_start3A_299] : memref<6x2x1024xi32, #tpu.memory_space<vmem>> -> memref<1x2x1024xi32, #tpu.memory_space<vmem>>
        %dma_start3A_301 = tpu.memref_squeeze %dma_start3A_300 : memref<1x2x1024xi32, #tpu.memory_space<vmem>> -> memref<2x1024xi32, #tpu.memory_space<vmem>>
        %dma_start3A_302 = arith.constant 0 : i32
        %dma_start3A_303 = tpu.memref_slice %arg2[%dma_start3A_302, %mul3A_234] : memref<2x1600000xi32, #tpu.memory_space<hbm>> -> memref<2x1024xi32, #tpu.memory_space<hbm>>
        %dma_start3A_304 = arith.constant 0 : i32
        %dma_start3A_305 = arith.constant 0 : i32
        %dma_start3A_306 = tpu.memref_slice %arg7[%run_scoped3A, %dma_start3A_304, %dma_start3A_305] : memref<6x2x1024xi32, #tpu.memory_space<vmem>> -> memref<1x2x1024xi32, #tpu.memory_space<vmem>>
        %dma_start3A_307 = tpu.memref_squeeze %dma_start3A_306 : memref<1x2x1024xi32, #tpu.memory_space<vmem>> -> memref<2x1024xi32, #tpu.memory_space<vmem>>
        %dma_start3A_308 = arith.constant 0 : i32
        %dma_start3A_309 = tpu.memref_slice %arg2[%dma_start3A_308, %mul3A_234] : memref<2x1600000xi32, #tpu.memory_space<hbm>> -> memref<2x1024xi32, #tpu.memory_space<hbm>>
        tpu.enqueue_dma source(%dma_start3A_309 : memref<2x1024xi32, #tpu.memory_space<hbm>>) target(%dma_start3A_307 : memref<2x1024xi32, #tpu.memory_space<vmem>>) target_semaphore(%run_scoped3A_297 : memref<!tpu.dma_semaphore, #tpu.memory_space<semaphore_mem>>)
        %dma_wait3A_310 = arith.constant 0 : i32
        %dma_wait3A_311 = arith.constant 0 : i32
        %dma_wait3A_312 = tpu.memref_slice %arg7[%run_scoped3A, %dma_wait3A_310, %dma_wait3A_311] : memref<6x2x1024xi32, #tpu.memory_space<vmem>> -> memref<1x2x1024xi32, #tpu.memory_space<vmem>>
        %dma_wait3A_313 = tpu.memref_squeeze %dma_wait3A_312 : memref<1x2x1024xi32, #tpu.memory_space<vmem>> -> memref<2x1024xi32, #tpu.memory_space<vmem>>
        %dma_wait3A_314 = arith.constant 0 : i32
        %dma_wait3A_315 = tpu.memref_slice %arg2[%dma_wait3A_314, %mul3A_234] : memref<2x1600000xi32, #tpu.memory_space<hbm>> -> memref<2x1024xi32, #tpu.memory_space<hbm>>
        %dma_wait3A_316 = arith.constant 0 : i32
        %dma_wait3A_317 = arith.constant 0 : i32
        %dma_wait3A_318 = tpu.memref_slice %arg7[%run_scoped3A, %dma_wait3A_316, %dma_wait3A_317] : memref<6x2x1024xi32, #tpu.memory_space<vmem>> -> memref<1x2x1024xi32, #tpu.memory_space<vmem>>
        %dma_wait3A_319 = tpu.memref_squeeze %dma_wait3A_318 : memref<1x2x1024xi32, #tpu.memory_space<vmem>> -> memref<2x1024xi32, #tpu.memory_space<vmem>>
        %dma_wait3A_320 = arith.constant 0 : i32
        %dma_wait3A_321 = tpu.memref_slice %arg2[%dma_wait3A_320, %mul3A_234] : memref<2x1600000xi32, #tpu.memory_space<hbm>> -> memref<2x1024xi32, #tpu.memory_space<hbm>>
        tpu.wait_dma2 semaphore(%run_scoped3A_297 : memref<!tpu.dma_semaphore, #tpu.memory_space<semaphore_mem>>) src(%dma_wait3A_321 : memref<2x1024xi32, #tpu.memory_space<hbm>>) dst(%dma_wait3A_319 : memref<2x1024xi32, #tpu.memory_space<vmem>>)
        tpu.yield
      }) : () -> ()
      %dma_start3A_235 = arith.constant 0 : i32
      %dma_start3A_236 = arith.constant 0 : i32
      %dma_start3A_237 = arith.constant 0 : i32
      %dma_start3A_238 = arith.constant 0 : i32
      %dma_start3A_239 = arith.constant 0 : i32
      %dma_start3A_240 = tpu.memref_slice %arg8[%dma_start3A_237, %dma_start3A_238, %dma_start3A_239] : memref<3x1024x16xf32, #tpu.memory_space<vmem>> -> memref<1x1024x16xf32, #tpu.memory_space<vmem>>
      %dma_start3A_241 = tpu.memref_squeeze %dma_start3A_240 : memref<1x1024x16xf32, #tpu.memory_space<vmem>> -> memref<1024x16xf32, #tpu.memory_space<vmem>>
      %dma_start3A_242 = arith.constant 0 : i32
      %dma_start3A_243 = tpu.memref_slice %arg7[%dma_start3A_235, %dma_start3A_236, %dma_start3A_242] : memref<6x2x1024xi32, #tpu.memory_space<vmem>> -> memref<1x1x1024xi32, #tpu.memory_space<vmem>>
      %dma_start3A_244 = tpu.memref_squeeze %dma_start3A_243 : memref<1x1x1024xi32, #tpu.memory_space<vmem>> -> memref<1024xi32, #tpu.memory_space<vmem>>
      %dma_start3A_245 = arith.constant 0 : i32
      %dma_start3A_246 = arith.constant 0 : i32
      %dma_start3A_247 = tpu.memref_slice %arg6[%arg0, %dma_start3A_245, %dma_start3A_246] : memref<2x50000x16xf32, #tpu.memory_space<hbm>> -> memref<1x50000x16xf32, #tpu.memory_space<hbm>>
      %dma_start3A_248 = tpu.memref_squeeze %dma_start3A_247 : memref<1x50000x16xf32, #tpu.memory_space<hbm>> -> memref<50000x16xf32, #tpu.memory_space<hbm>>
      %dma_start3A_249 = arith.constant 0 : i32
      %dma_start3A_250 = arith.constant 0 : i32
      %dma_start3A_251 = tpu.memref_slice %dma_start3A_248[%dma_start3A_249, %dma_start3A_250] : memref<50000x16xf32, #tpu.memory_space<hbm>> -> memref<50000x16xf32, #tpu.memory_space<hbm>>
      tpu.enqueue_indirect_dma source(%dma_start3A_251 : memref<50000x16xf32, #tpu.memory_space<hbm>>) target(%dma_start3A_241 : memref<1024x16xf32, #tpu.memory_space<vmem>>) offsets(%dma_start3A_244 : memref<1024xi32, #tpu.memory_space<vmem>>) semaphore(%arg16 : memref<!tpu.dma_semaphore, #tpu.memory_space<semaphore_mem>>)
      %dma_wait3A_252 = arith.constant 0 : i32
      %dma_wait3A_253 = arith.constant 0 : i32
      %dma_wait3A_254 = arith.constant 0 : i32
      %dma_wait3A_255 = tpu.memref_slice %arg8[%dma_wait3A_252, %dma_wait3A_253, %dma_wait3A_254] : memref<3x1024x16xf32, #tpu.memory_space<vmem>> -> memref<1x1024x16xf32, #tpu.memory_space<vmem>>
      %dma_wait3A_256 = tpu.memref_squeeze %dma_wait3A_255 : memref<1x1024x16xf32, #tpu.memory_space<vmem>> -> memref<1024x16xf32, #tpu.memory_space<vmem>>
      %dma_wait3A_257 = arith.constant 0 : i32
      %dma_wait3A_258 = arith.constant 0 : i32
      %dma_wait3A_259 = tpu.memref_slice %arg6[%arg0, %dma_wait3A_257, %dma_wait3A_258] : memref<2x50000x16xf32, #tpu.memory_space<hbm>> -> memref<1x1024x16xf32, #tpu.memory_space<hbm>>
      %dma_wait3A_260 = tpu.memref_squeeze %dma_wait3A_259 : memref<1x1024x16xf32, #tpu.memory_space<hbm>> -> memref<1024x16xf32, #tpu.memory_space<hbm>>
      %dma_wait3A_261 = arith.constant 0 : i32
      %dma_wait3A_262 = arith.constant 0 : i32
      %dma_wait3A_263 = tpu.memref_slice %arg8[%dma_wait3A_252, %dma_wait3A_261, %dma_wait3A_262] : memref<3x1024x16xf32, #tpu.memory_space<vmem>> -> memref<1x1024x16xf32, #tpu.memory_space<vmem>>
      %dma_wait3A_264 = tpu.memref_squeeze %dma_wait3A_263 : memref<1x1024x16xf32, #tpu.memory_space<vmem>> -> memref<1024x16xf32, #tpu.memory_space<vmem>>
      %dma_wait3A_265 = arith.constant 0 : i32
      %dma_wait3A_266 = arith.constant 0 : i32
      %dma_wait3A_267 = tpu.memref_slice %arg6[%arg0, %dma_wait3A_265, %dma_wait3A_266] : memref<2x50000x16xf32, #tpu.memory_space<hbm>> -> memref<1x1024x16xf32, #tpu.memory_space<hbm>>
      %dma_wait3A_268 = tpu.memref_squeeze %dma_wait3A_267 : memref<1x1024x16xf32, #tpu.memory_space<hbm>> -> memref<1024x16xf32, #tpu.memory_space<hbm>>
      tpu.wait_dma2 semaphore(%arg16 : memref<!tpu.dma_semaphore, #tpu.memory_space<semaphore_mem>>) src(%dma_wait3A_268 : memref<1024x16xf32, #tpu.memory_space<hbm>>) dst(%dma_wait3A_264 : memref<1024x16xf32, #tpu.memory_space<vmem>>)
      %dma_start3A_269 = arith.constant 0 : i32
      %dma_start3A_270 = arith.constant 0 : i32
      %dma_start3A_271 = arith.constant 1 : i32
      %dma_start3A_272 = arith.constant 0 : i32
      %dma_start3A_273 = arith.constant 0 : i32
      %dma_start3A_274 = tpu.memref_slice %arg8[%dma_start3A_269, %dma_start3A_272, %dma_start3A_273] : memref<3x1024x16xf32, #tpu.memory_space<vmem>> -> memref<1x1024x16xf32, #tpu.memory_space<vmem>>
      %dma_start3A_275 = tpu.memref_squeeze %dma_start3A_274 : memref<1x1024x16xf32, #tpu.memory_space<vmem>> -> memref<1024x16xf32, #tpu.memory_space<vmem>>
      %dma_start3A_276 = arith.constant 0 : i32
      %dma_start3A_277 = tpu.memref_slice %arg7[%dma_start3A_270, %dma_start3A_271, %dma_start3A_276] : memref<6x2x1024xi32, #tpu.memory_space<vmem>> -> memref<1x1x1024xi32, #tpu.memory_space<vmem>>
      %dma_start3A_278 = tpu.memref_squeeze %dma_start3A_277 : memref<1x1x1024xi32, #tpu.memory_space<vmem>> -> memref<1024xi32, #tpu.memory_space<vmem>>
      %dma_start3A_279 = arith.constant 0 : i32
      %dma_start3A_280 = arith.constant 0 : i32
      %dma_start3A_281 = tpu.memref_slice %arg9[%dma_start3A_279, %dma_start3A_280] : memref<50000x16xf32, #tpu.memory_space<vmem_shared>> -> memref<50000x16xf32, #tpu.memory_space<vmem_shared>>
      tpu.enqueue_indirect_dma source(%dma_start3A_275 : memref<1024x16xf32, #tpu.memory_space<vmem>>) target(%dma_start3A_281 : memref<50000x16xf32, #tpu.memory_space<vmem_shared>>) offsets(%dma_start3A_278 : memref<1024xi32, #tpu.memory_space<vmem>>) semaphore(%arg18 : memref<!tpu.dma_semaphore, #tpu.memory_space<semaphore_mem>>) {add = true}
      %dma_wait3A_282 = arith.constant 0 : i32
      %dma_wait3A_283 = arith.constant 0 : i32
      %dma_wait3A_284 = arith.constant 0 : i32
      %dma_wait3A_285 = tpu.memref_slice %arg8[%dma_wait3A_282, %dma_wait3A_283, %dma_wait3A_284] : memref<3x1024x16xf32, #tpu.memory_space<vmem>> -> memref<1x1024x16xf32, #tpu.memory_space<vmem>>
      %dma_wait3A_286 = tpu.memref_squeeze %dma_wait3A_285 : memref<1x1024x16xf32, #tpu.memory_space<vmem>> -> memref<1024x16xf32, #tpu.memory_space<vmem>>
      %dma_wait3A_287 = arith.constant 0 : i32
      %dma_wait3A_288 = arith.constant 0 : i32
      %dma_wait3A_289 = tpu.memref_slice %arg9[%dma_wait3A_287, %dma_wait3A_288] : memref<50000x16xf32, #tpu.memory_space<vmem_shared>> -> memref<1024x16xf32, #tpu.memory_space<vmem_shared>>
      %dma_wait3A_290 = arith.constant 0 : i32
      %dma_wait3A_291 = arith.constant 0 : i32
      %dma_wait3A_292 = tpu.memref_slice %arg9[%dma_wait3A_290, %dma_wait3A_291] : memref<50000x16xf32, #tpu.memory_space<vmem_shared>> -> memref<1024x16xf32, #tpu.memory_space<vmem_shared>>
      %dma_wait3A_293 = arith.constant 0 : i32
      %dma_wait3A_294 = arith.constant 0 : i32
      %dma_wait3A_295 = tpu.memref_slice %arg8[%dma_wait3A_282, %dma_wait3A_293, %dma_wait3A_294] : memref<3x1024x16xf32, #tpu.memory_space<vmem>> -> memref<1x1024x16xf32, #tpu.memory_space<vmem>>
      %dma_wait3A_296 = tpu.memref_squeeze %dma_wait3A_295 : memref<1x1024x16xf32, #tpu.memory_space<vmem>> -> memref<1024x16xf32, #tpu.memory_space<vmem>>
      tpu.wait_dma2 semaphore(%arg18 : memref<!tpu.dma_semaphore, #tpu.memory_space<semaphore_mem>>) src(%dma_wait3A_296 : memref<1024x16xf32, #tpu.memory_space<vmem>>) dst(%dma_wait3A_292 : memref<1024x16xf32, #tpu.memory_space<vmem_shared>>)
    } else {
    }
    %eq3A = arith.constant 26 : i32
    %eq3A_198 = arith.cmpi eq, %add3A, %eq3A : i32
    %convert_element_type3A_199 = arith.extui %eq3A_198 : i1 to i32
    %cond3A_200 = arith.constant 0 : i32
    %cond3A_201 = arith.cmpi ne, %convert_element_type3A_199, %cond3A_200 : i32
    scf.if %cond3A_201 {
      %run_scoped3A = arith.constant 0 : i32
      "tpu.region"() ({
        %run_scoped3A_293 = tpu.sem_alloc : memref<!tpu.dma_semaphore, #tpu.memory_space<semaphore_mem>>
        %dma_start3A_294 = arith.constant 0 : i32
        %dma_start3A_295 = arith.constant 0 : i32
        %dma_start3A_296 = tpu.memref_slice %arg7[%run_scoped3A, %dma_start3A_294, %dma_start3A_295] : memref<6x2x1024xi32, #tpu.memory_space<vmem>> -> memref<1x2x512xi32, #tpu.memory_space<vmem>>
        %dma_start3A_297 = tpu.memref_squeeze %dma_start3A_296 : memref<1x2x512xi32, #tpu.memory_space<vmem>> -> memref<2x512xi32, #tpu.memory_space<vmem>>
        %dma_start3A_298 = arith.constant 0 : i32
        %dma_start3A_299 = arith.constant 1599488 : i32
        %dma_start3A_300 = tpu.memref_slice %arg2[%dma_start3A_298, %dma_start3A_299] : memref<2x1600000xi32, #tpu.memory_space<hbm>> -> memref<2x512xi32, #tpu.memory_space<hbm>>
        %dma_start3A_301 = arith.constant 0 : i32
        %dma_start3A_302 = arith.constant 0 : i32
        %dma_start3A_303 = tpu.memref_slice %arg7[%run_scoped3A, %dma_start3A_301, %dma_start3A_302] : memref<6x2x1024xi32, #tpu.memory_space<vmem>> -> memref<1x2x512xi32, #tpu.memory_space<vmem>>
        %dma_start3A_304 = tpu.memref_squeeze %dma_start3A_303 : memref<1x2x512xi32, #tpu.memory_space<vmem>> -> memref<2x512xi32, #tpu.memory_space<vmem>>
        %dma_start3A_305 = arith.constant 0 : i32
        %dma_start3A_306 = arith.constant 1599488 : i32
        %dma_start3A_307 = tpu.memref_slice %arg2[%dma_start3A_305, %dma_start3A_306] : memref<2x1600000xi32, #tpu.memory_space<hbm>> -> memref<2x512xi32, #tpu.memory_space<hbm>>
        tpu.enqueue_dma source(%dma_start3A_307 : memref<2x512xi32, #tpu.memory_space<hbm>>) target(%dma_start3A_304 : memref<2x512xi32, #tpu.memory_space<vmem>>) target_semaphore(%run_scoped3A_293 : memref<!tpu.dma_semaphore, #tpu.memory_space<semaphore_mem>>)
        %dma_wait3A_308 = arith.constant 0 : i32
        %dma_wait3A_309 = arith.constant 0 : i32
        %dma_wait3A_310 = tpu.memref_slice %arg7[%run_scoped3A, %dma_wait3A_308, %dma_wait3A_309] : memref<6x2x1024xi32, #tpu.memory_space<vmem>> -> memref<1x2x512xi32, #tpu.memory_space<vmem>>
        %dma_wait3A_311 = tpu.memref_squeeze %dma_wait3A_310 : memref<1x2x512xi32, #tpu.memory_space<vmem>> -> memref<2x512xi32, #tpu.memory_space<vmem>>
        %dma_wait3A_312 = arith.constant 0 : i32
        %dma_wait3A_313 = arith.constant 1599488 : i32
        %dma_wait3A_314 = tpu.memref_slice %arg2[%dma_wait3A_312, %dma_wait3A_313] : memref<2x1600000xi32, #tpu.memory_space<hbm>> -> memref<2x512xi32, #tpu.memory_space<hbm>>
        %dma_wait3A_315 = arith.constant 0 : i32
        %dma_wait3A_316 = arith.constant 0 : i32
        %dma_wait3A_317 = tpu.memref_slice %arg7[%run_scoped3A, %dma_wait3A_315, %dma_wait3A_316] : memref<6x2x1024xi32, #tpu.memory_space<vmem>> -> memref<1x2x512xi32, #tpu.memory_space<vmem>>
        %dma_wait3A_318 = tpu.memref_squeeze %dma_wait3A_317 : memref<1x2x512xi32, #tpu.memory_space<vmem>> -> memref<2x512xi32, #tpu.memory_space<vmem>>
        %dma_wait3A_319 = arith.constant 0 : i32
        %dma_wait3A_320 = arith.constant 1599488 : i32
        %dma_wait3A_321 = tpu.memref_slice %arg2[%dma_wait3A_319, %dma_wait3A_320] : memref<2x1600000xi32, #tpu.memory_space<hbm>> -> memref<2x512xi32, #tpu.memory_space<hbm>>
        tpu.wait_dma2 semaphore(%run_scoped3A_293 : memref<!tpu.dma_semaphore, #tpu.memory_space<semaphore_mem>>) src(%dma_wait3A_321 : memref<2x512xi32, #tpu.memory_space<hbm>>) dst(%dma_wait3A_318 : memref<2x512xi32, #tpu.memory_space<vmem>>)
        tpu.yield
      }) : () -> ()
      %dma_start3A_231 = arith.constant 0 : i32
      %dma_start3A_232 = arith.constant 0 : i32
      %dma_start3A_233 = arith.constant 0 : i32
      %dma_start3A_234 = arith.constant 0 : i32
      %dma_start3A_235 = arith.constant 0 : i32
      %dma_start3A_236 = tpu.memref_slice %arg8[%dma_start3A_233, %dma_start3A_234, %dma_start3A_235] : memref<3x1024x16xf32, #tpu.memory_space<vmem>> -> memref<1x512x16xf32, #tpu.memory_space<vmem>>
      %dma_start3A_237 = tpu.memref_squeeze %dma_start3A_236 : memref<1x512x16xf32, #tpu.memory_space<vmem>> -> memref<512x16xf32, #tpu.memory_space<vmem>>
      %dma_start3A_238 = arith.constant 0 : i32
      %dma_start3A_239 = tpu.memref_slice %arg7[%dma_start3A_231, %dma_start3A_232, %dma_start3A_238] : memref<6x2x1024xi32, #tpu.memory_space<vmem>> -> memref<1x1x512xi32, #tpu.memory_space<vmem>>
      %dma_start3A_240 = tpu.memref_squeeze %dma_start3A_239 : memref<1x1x512xi32, #tpu.memory_space<vmem>> -> memref<512xi32, #tpu.memory_space<vmem>>
      %dma_start3A_241 = arith.constant 0 : i32
      %dma_start3A_242 = arith.constant 0 : i32
      %dma_start3A_243 = tpu.memref_slice %arg6[%arg0, %dma_start3A_241, %dma_start3A_242] : memref<2x50000x16xf32, #tpu.memory_space<hbm>> -> memref<1x50000x16xf32, #tpu.memory_space<hbm>>
      %dma_start3A_244 = tpu.memref_squeeze %dma_start3A_243 : memref<1x50000x16xf32, #tpu.memory_space<hbm>> -> memref<50000x16xf32, #tpu.memory_space<hbm>>
      %dma_start3A_245 = arith.constant 0 : i32
      %dma_start3A_246 = arith.constant 0 : i32
      %dma_start3A_247 = tpu.memref_slice %dma_start3A_244[%dma_start3A_245, %dma_start3A_246] : memref<50000x16xf32, #tpu.memory_space<hbm>> -> memref<50000x16xf32, #tpu.memory_space<hbm>>
      tpu.enqueue_indirect_dma source(%dma_start3A_247 : memref<50000x16xf32, #tpu.memory_space<hbm>>) target(%dma_start3A_237 : memref<512x16xf32, #tpu.memory_space<vmem>>) offsets(%dma_start3A_240 : memref<512xi32, #tpu.memory_space<vmem>>) semaphore(%arg16 : memref<!tpu.dma_semaphore, #tpu.memory_space<semaphore_mem>>)
      %dma_wait3A_248 = arith.constant 0 : i32
      %dma_wait3A_249 = arith.constant 0 : i32
      %dma_wait3A_250 = arith.constant 0 : i32
      %dma_wait3A_251 = arith.constant 0 : i32
      %dma_wait3A_252 = arith.constant 0 : i32
      %dma_wait3A_253 = tpu.memref_slice %arg8[%dma_wait3A_250, %dma_wait3A_251, %dma_wait3A_252] : memref<3x1024x16xf32, #tpu.memory_space<vmem>> -> memref<1x512x16xf32, #tpu.memory_space<vmem>>
      %dma_wait3A_254 = tpu.memref_squeeze %dma_wait3A_253 : memref<1x512x16xf32, #tpu.memory_space<vmem>> -> memref<512x16xf32, #tpu.memory_space<vmem>>
      %dma_wait3A_255 = arith.constant 0 : i32
      %dma_wait3A_256 = tpu.memref_slice %arg7[%dma_wait3A_248, %dma_wait3A_249, %dma_wait3A_255] : memref<6x2x1024xi32, #tpu.memory_space<vmem>> -> memref<1x1x512xi32, #tpu.memory_space<vmem>>
      %dma_wait3A_257 = tpu.memref_squeeze %dma_wait3A_256 : memref<1x1x512xi32, #tpu.memory_space<vmem>> -> memref<512xi32, #tpu.memory_space<vmem>>
      %dma_wait3A_258 = arith.constant 0 : i32
      %dma_wait3A_259 = arith.constant 0 : i32
      %dma_wait3A_260 = tpu.memref_slice %arg6[%arg0, %dma_wait3A_258, %dma_wait3A_259] : memref<2x50000x16xf32, #tpu.memory_space<hbm>> -> memref<1x50000x16xf32, #tpu.memory_space<hbm>>
      %dma_wait3A_261 = tpu.memref_squeeze %dma_wait3A_260 : memref<1x50000x16xf32, #tpu.memory_space<hbm>> -> memref<50000x16xf32, #tpu.memory_space<hbm>>
      %dma_wait3A_262 = arith.constant 0 : i32
      %dma_wait3A_263 = arith.constant 0 : i32
      %dma_wait3A_264 = tpu.memref_slice %dma_wait3A_261[%dma_wait3A_262, %dma_wait3A_263] : memref<50000x16xf32, #tpu.memory_space<hbm>> -> memref<50000x16xf32, #tpu.memory_space<hbm>>
      tpu.wait_indirect_dma semaphore(%arg16 : memref<!tpu.dma_semaphore, #tpu.memory_space<semaphore_mem>>) src(%dma_wait3A_264 : memref<50000x16xf32, #tpu.memory_space<hbm>>) dst(%dma_wait3A_254 : memref<512x16xf32, #tpu.memory_space<vmem>>)
      %dma_start3A_265 = arith.constant 0 : i32
      %dma_start3A_266 = arith.constant 0 : i32
      %dma_start3A_267 = arith.constant 1 : i32
      %dma_start3A_268 = arith.constant 0 : i32
      %dma_start3A_269 = arith.constant 0 : i32
      %dma_start3A_270 = tpu.memref_slice %arg8[%dma_start3A_265, %dma_start3A_268, %dma_start3A_269] : memref<3x1024x16xf32, #tpu.memory_space<vmem>> -> memref<1x512x16xf32, #tpu.memory_space<vmem>>
      %dma_start3A_271 = tpu.memref_squeeze %dma_start3A_270 : memref<1x512x16xf32, #tpu.memory_space<vmem>> -> memref<512x16xf32, #tpu.memory_space<vmem>>
      %dma_start3A_272 = arith.constant 0 : i32
      %dma_start3A_273 = tpu.memref_slice %arg7[%dma_start3A_266, %dma_start3A_267, %dma_start3A_272] : memref<6x2x1024xi32, #tpu.memory_space<vmem>> -> memref<1x1x512xi32, #tpu.memory_space<vmem>>
      %dma_start3A_274 = tpu.memref_squeeze %dma_start3A_273 : memref<1x1x512xi32, #tpu.memory_space<vmem>> -> memref<512xi32, #tpu.memory_space<vmem>>
      %dma_start3A_275 = arith.constant 0 : i32
      %dma_start3A_276 = arith.constant 0 : i32
      %dma_start3A_277 = tpu.memref_slice %arg9[%dma_start3A_275, %dma_start3A_276] : memref<50000x16xf32, #tpu.memory_space<vmem_shared>> -> memref<50000x16xf32, #tpu.memory_space<vmem_shared>>
      tpu.enqueue_indirect_dma source(%dma_start3A_271 : memref<512x16xf32, #tpu.memory_space<vmem>>) target(%dma_start3A_277 : memref<50000x16xf32, #tpu.memory_space<vmem_shared>>) offsets(%dma_start3A_274 : memref<512xi32, #tpu.memory_space<vmem>>) semaphore(%arg18 : memref<!tpu.dma_semaphore, #tpu.memory_space<semaphore_mem>>) {add = true}
      %dma_wait3A_278 = arith.constant 0 : i32
      %dma_wait3A_279 = arith.constant 0 : i32
      %dma_wait3A_280 = arith.constant 0 : i32
      %dma_wait3A_281 = tpu.memref_slice %arg8[%dma_wait3A_278, %dma_wait3A_279, %dma_wait3A_280] : memref<3x1024x16xf32, #tpu.memory_space<vmem>> -> memref<1x512x16xf32, #tpu.memory_space<vmem>>
      %dma_wait3A_282 = tpu.memref_squeeze %dma_wait3A_281 : memref<1x512x16xf32, #tpu.memory_space<vmem>> -> memref<512x16xf32, #tpu.memory_space<vmem>>
      %dma_wait3A_283 = arith.constant 0 : i32
      %dma_wait3A_284 = arith.constant 0 : i32
      %dma_wait3A_285 = tpu.memref_slice %arg9[%dma_wait3A_283, %dma_wait3A_284] : memref<50000x16xf32, #tpu.memory_space<vmem_shared>> -> memref<512x16xf32, #tpu.memory_space<vmem_shared>>
      %dma_wait3A_286 = arith.constant 0 : i32
      %dma_wait3A_287 = arith.constant 0 : i32
      %dma_wait3A_288 = tpu.memref_slice %arg9[%dma_wait3A_286, %dma_wait3A_287] : memref<50000x16xf32, #tpu.memory_space<vmem_shared>> -> memref<512x16xf32, #tpu.memory_space<vmem_shared>>
      %dma_wait3A_289 = arith.constant 0 : i32
      %dma_wait3A_290 = arith.constant 0 : i32
      %dma_wait3A_291 = tpu.memref_slice %arg8[%dma_wait3A_278, %dma_wait3A_289, %dma_wait3A_290] : memref<3x1024x16xf32, #tpu.memory_space<vmem>> -> memref<1x512x16xf32, #tpu.memory_space<vmem>>
      %dma_wait3A_292 = tpu.memref_squeeze %dma_wait3A_291 : memref<1x512x16xf32, #tpu.memory_space<vmem>> -> memref<512x16xf32, #tpu.memory_space<vmem>>
      tpu.wait_dma2 semaphore(%arg18 : memref<!tpu.dma_semaphore, #tpu.memory_space<semaphore_mem>>) src(%dma_wait3A_292 : memref<512x16xf32, #tpu.memory_space<vmem>>) dst(%dma_wait3A_288 : memref<512x16xf32, #tpu.memory_space<vmem_shared>>)
    } else {
    }
    %barrier3A_202 = arith.constant 0 : index
    tpu.barrier barrier_id(%barrier3A_202)
    %add3A_203 = arith.constant 0 : i32
    %add3A_204 = arith.addi %arg1, %add3A_203 : i32
    %lt3A_205 = arith.constant 50 : i32
    %lt3A_206 = arith.cmpi slt, %add3A_204, %lt3A_205 : i32
    %convert_element_type3A_207 = arith.extui %lt3A_206 : i1 to i32
    %cond3A_208 = arith.constant 0 : i32
    %cond3A_209 = arith.cmpi ne, %convert_element_type3A_207, %cond3A_208 : i32
    scf.if %cond3A_209 {
      %mul3A_231 = arith.constant 1000 : i32
      %mul3A_232 = arith.muli %add3A_204, %mul3A_231 : i32
      "tpu.region"() ({
        %run_scoped3A = tpu.sem_alloc : memref<!tpu.dma_semaphore, #tpu.memory_space<semaphore_mem>>
        %dma_start3A_233 = arith.constant 0 : i32
        %dma_start3A_234 = tpu.memref_slice %arg5[%arg0, %mul3A_232, %dma_start3A_233] : memref<2x50000x16xf32, #tpu.memory_space<hbm>> -> memref<1x1000x16xf32, #tpu.memory_space<hbm>>
        %dma_start3A_235 = tpu.memref_squeeze %dma_start3A_234 : memref<1x1000x16xf32, #tpu.memory_space<hbm>> -> memref<1000x16xf32, #tpu.memory_space<hbm>>
        %dma_start3A_236 = arith.constant 0 : i32
        %dma_start3A_237 = tpu.memref_slice %arg9[%mul3A_232, %dma_start3A_236] : memref<50000x16xf32, #tpu.memory_space<vmem_shared>> -> memref<1000x16xf32, #tpu.memory_space<vmem_shared>>
        tpu.enqueue_dma source(%dma_start3A_237 : memref<1000x16xf32, #tpu.memory_space<vmem_shared>>) target(%dma_start3A_235 : memref<1000x16xf32, #tpu.memory_space<hbm>>) target_semaphore(%run_scoped3A : memref<!tpu.dma_semaphore, #tpu.memory_space<semaphore_mem>>)
        %dma_wait3A_238 = arith.constant 0 : i32
        %dma_wait3A_239 = tpu.memref_slice %arg5[%arg0, %mul3A_232, %dma_wait3A_238] : memref<2x50000x16xf32, #tpu.memory_space<hbm>> -> memref<1x1000x16xf32, #tpu.memory_space<hbm>>
        %dma_wait3A_240 = tpu.memref_squeeze %dma_wait3A_239 : memref<1x1000x16xf32, #tpu.memory_space<hbm>> -> memref<1000x16xf32, #tpu.memory_space<hbm>>
        %dma_wait3A_241 = arith.constant 0 : i32
        %dma_wait3A_242 = tpu.memref_slice %arg9[%mul3A_232, %dma_wait3A_241] : memref<50000x16xf32, #tpu.memory_space<vmem_shared>> -> memref<1000x16xf32, #tpu.memory_space<vmem_shared>>
        tpu.wait_dma2 semaphore(%run_scoped3A : memref<!tpu.dma_semaphore, #tpu.memory_space<semaphore_mem>>) src(%dma_wait3A_242 : memref<1000x16xf32, #tpu.memory_space<vmem_shared>>) dst(%dma_wait3A_240 : memref<1000x16xf32, #tpu.memory_space<hbm>>)
        tpu.yield
      }) : () -> ()
    } else {
    }
    %add3A_210 = arith.constant 16 : i32
    %add3A_211 = arith.addi %arg1, %add3A_210 : i32
    %lt3A_212 = arith.constant 50 : i32
    %lt3A_213 = arith.cmpi slt, %add3A_211, %lt3A_212 : i32
    %convert_element_type3A_214 = arith.extui %lt3A_213 : i1 to i32
    %cond3A_215 = arith.constant 0 : i32
    %cond3A_216 = arith.cmpi ne, %convert_element_type3A_214, %cond3A_215 : i32
    scf.if %cond3A_216 {
      %mul3A_231 = arith.constant 1000 : i32
      %mul3A_232 = arith.muli %add3A_211, %mul3A_231 : i32
      "tpu.region"() ({
        %run_scoped3A = tpu.sem_alloc : memref<!tpu.dma_semaphore, #tpu.memory_space<semaphore_mem>>
        %dma_start3A_233 = arith.constant 0 : i32
        %dma_start3A_234 = tpu.memref_slice %arg5[%arg0, %mul3A_232, %dma_start3A_233] : memref<2x50000x16xf32, #tpu.memory_space<hbm>> -> memref<1x1000x16xf32, #tpu.memory_space<hbm>>
        %dma_start3A_235 = tpu.memref_squeeze %dma_start3A_234 : memref<1x1000x16xf32, #tpu.memory_space<hbm>> -> memref<1000x16xf32, #tpu.memory_space<hbm>>
        %dma_start3A_236 = arith.constant 0 : i32
        %dma_start3A_237 = tpu.memref_slice %arg9[%mul3A_232, %dma_start3A_236] : memref<50000x16xf32, #tpu.memory_space<vmem_shared>> -> memref<1000x16xf32, #tpu.memory_space<vmem_shared>>
        tpu.enqueue_dma source(%dma_start3A_237 : memref<1000x16xf32, #tpu.memory_space<vmem_shared>>) target(%dma_start3A_235 : memref<1000x16xf32, #tpu.memory_space<hbm>>) target_semaphore(%run_scoped3A : memref<!tpu.dma_semaphore, #tpu.memory_space<semaphore_mem>>)
        %dma_wait3A_238 = arith.constant 0 : i32
        %dma_wait3A_239 = tpu.memref_slice %arg5[%arg0, %mul3A_232, %dma_wait3A_238] : memref<2x50000x16xf32, #tpu.memory_space<hbm>> -> memref<1x1000x16xf32, #tpu.memory_space<hbm>>
        %dma_wait3A_240 = tpu.memref_squeeze %dma_wait3A_239 : memref<1x1000x16xf32, #tpu.memory_space<hbm>> -> memref<1000x16xf32, #tpu.memory_space<hbm>>
        %dma_wait3A_241 = arith.constant 0 : i32
        %dma_wait3A_242 = tpu.memref_slice %arg9[%mul3A_232, %dma_wait3A_241] : memref<50000x16xf32, #tpu.memory_space<vmem_shared>> -> memref<1000x16xf32, #tpu.memory_space<vmem_shared>>
        tpu.wait_dma2 semaphore(%run_scoped3A : memref<!tpu.dma_semaphore, #tpu.memory_space<semaphore_mem>>) src(%dma_wait3A_242 : memref<1000x16xf32, #tpu.memory_space<vmem_shared>>) dst(%dma_wait3A_240 : memref<1000x16xf32, #tpu.memory_space<hbm>>)
        tpu.yield
      }) : () -> ()
    } else {
    }
    %add3A_217 = arith.constant 32 : i32
    %add3A_218 = arith.addi %arg1, %add3A_217 : i32
    %lt3A_219 = arith.constant 50 : i32
    %lt3A_220 = arith.cmpi slt, %add3A_218, %lt3A_219 : i32
    %convert_element_type3A_221 = arith.extui %lt3A_220 : i1 to i32
    %cond3A_222 = arith.constant 0 : i32
    %cond3A_223 = arith.cmpi ne, %convert_element_type3A_221, %cond3A_222 : i32
    scf.if %cond3A_223 {
      %mul3A_231 = arith.constant 1000 : i32
      %mul3A_232 = arith.muli %add3A_218, %mul3A_231 : i32
      "tpu.region"() ({
        %run_scoped3A = tpu.sem_alloc : memref<!tpu.dma_semaphore, #tpu.memory_space<semaphore_mem>>
        %dma_start3A_233 = arith.constant 0 : i32
        %dma_start3A_234 = tpu.memref_slice %arg5[%arg0, %mul3A_232, %dma_start3A_233] : memref<2x50000x16xf32, #tpu.memory_space<hbm>> -> memref<1x1000x16xf32, #tpu.memory_space<hbm>>
        %dma_start3A_235 = tpu.memref_squeeze %dma_start3A_234 : memref<1x1000x16xf32, #tpu.memory_space<hbm>> -> memref<1000x16xf32, #tpu.memory_space<hbm>>
        %dma_start3A_236 = arith.constant 0 : i32
        %dma_start3A_237 = tpu.memref_slice %arg9[%mul3A_232, %dma_start3A_236] : memref<50000x16xf32, #tpu.memory_space<vmem_shared>> -> memref<1000x16xf32, #tpu.memory_space<vmem_shared>>
        tpu.enqueue_dma source(%dma_start3A_237 : memref<1000x16xf32, #tpu.memory_space<vmem_shared>>) target(%dma_start3A_235 : memref<1000x16xf32, #tpu.memory_space<hbm>>) target_semaphore(%run_scoped3A : memref<!tpu.dma_semaphore, #tpu.memory_space<semaphore_mem>>)
        %dma_wait3A_238 = arith.constant 0 : i32
        %dma_wait3A_239 = tpu.memref_slice %arg5[%arg0, %mul3A_232, %dma_wait3A_238] : memref<2x50000x16xf32, #tpu.memory_space<hbm>> -> memref<1x1000x16xf32, #tpu.memory_space<hbm>>
        %dma_wait3A_240 = tpu.memref_squeeze %dma_wait3A_239 : memref<1x1000x16xf32, #tpu.memory_space<hbm>> -> memref<1000x16xf32, #tpu.memory_space<hbm>>
        %dma_wait3A_241 = arith.constant 0 : i32
        %dma_wait3A_242 = tpu.memref_slice %arg9[%mul3A_232, %dma_wait3A_241] : memref<50000x16xf32, #tpu.memory_space<vmem_shared>> -> memref<1000x16xf32, #tpu.memory_space<vmem_shared>>
        tpu.wait_dma2 semaphore(%run_scoped3A : memref<!tpu.dma_semaphore, #tpu.memory_space<semaphore_mem>>) src(%dma_wait3A_242 : memref<1000x16xf32, #tpu.memory_space<vmem_shared>>) dst(%dma_wait3A_240 : memref<1000x16xf32, #tpu.memory_space<hbm>>)
        tpu.yield
      }) : () -> ()
    } else {
    }
    %add3A_224 = arith.constant 48 : i32
    %add3A_225 = arith.addi %arg1, %add3A_224 : i32
    %lt3A_226 = arith.constant 50 : i32
    %lt3A_227 = arith.cmpi slt, %add3A_225, %lt3A_226 : i32
    %convert_element_type3A_228 = arith.extui %lt3A_227 : i1 to i32
    %cond3A_229 = arith.constant 0 : i32
    %cond3A_230 = arith.cmpi ne, %convert_element_type3A_228, %cond3A_229 : i32
    scf.if %cond3A_230 {
      %mul3A_231 = arith.constant 1000 : i32
      %mul3A_232 = arith.muli %add3A_225, %mul3A_231 : i32
      "tpu.region"() ({
        %run_scoped3A = tpu.sem_alloc : memref<!tpu.dma_semaphore, #tpu.memory_space<semaphore_mem>>
        %dma_start3A_233 = arith.constant 0 : i32
        %dma_start3A_234 = tpu.memref_slice %arg5[%arg0, %mul3A_232, %dma_start3A_233] : memref<2x50000x16xf32, #tpu.memory_space<hbm>> -> memref<1x1000x16xf32, #tpu.memory_space<hbm>>
        %dma_start3A_235 = tpu.memref_squeeze %dma_start3A_234 : memref<1x1000x16xf32, #tpu.memory_space<hbm>> -> memref<1000x16xf32, #tpu.memory_space<hbm>>
        %dma_start3A_236 = arith.constant 0 : i32
        %dma_start3A_237 = tpu.memref_slice %arg9[%mul3A_232, %dma_start3A_236] : memref<50000x16xf32, #tpu.memory_space<vmem_shared>> -> memref<1000x16xf32, #tpu.memory_space<vmem_shared>>
        tpu.enqueue_dma source(%dma_start3A_237 : memref<1000x16xf32, #tpu.memory_space<vmem_shared>>) target(%dma_start3A_235 : memref<1000x16xf32, #tpu.memory_space<hbm>>) target_semaphore(%run_scoped3A : memref<!tpu.dma_semaphore, #tpu.memory_space<semaphore_mem>>)
        %dma_wait3A_238 = arith.constant 0 : i32
        %dma_wait3A_239 = tpu.memref_slice %arg5[%arg0, %mul3A_232, %dma_wait3A_238] : memref<2x50000x16xf32, #tpu.memory_space<hbm>> -> memref<1x1000x16xf32, #tpu.memory_space<hbm>>
        %dma_wait3A_240 = tpu.memref_squeeze %dma_wait3A_239 : memref<1x1000x16xf32, #tpu.memory_space<hbm>> -> memref<1000x16xf32, #tpu.memory_space<hbm>>
        %dma_wait3A_241 = arith.constant 0 : i32
        %dma_wait3A_242 = tpu.memref_slice %arg9[%mul3A_232, %dma_wait3A_241] : memref<50000x16xf32, #tpu.memory_space<vmem_shared>> -> memref<1000x16xf32, #tpu.memory_space<vmem_shared>>
        tpu.wait_dma2 semaphore(%run_scoped3A : memref<!tpu.dma_semaphore, #tpu.memory_space<semaphore_mem>>) src(%dma_wait3A_242 : memref<1000x16xf32, #tpu.memory_space<vmem_shared>>) dst(%dma_wait3A_240 : memref<1000x16xf32, #tpu.memory_space<hbm>>)
        tpu.yield
      }) : () -> ()
    } else {
    }
    return
  }
}

#map = affine_map<(d0, d1) -> (0, 0)>
module attributes {stable_mosaic.version = 14 : i64} {
  func.func @_deg_body(%arg0: i32, %arg1: i32, %arg2: memref<2x1600000xi32, #tpu.memory_space<hbm>>, %arg3: memref<50000x16xf32, #tpu.memory_space<hbm>>, %arg4: memref<4x2x8192xi32, #tpu.memory_space<vmem>>, %arg5: memref<8192xf32, #tpu.memory_space<vmem>>, %arg6: memref<2000xf32, #tpu.memory_space<vmem>>, %arg7: memref<1000xf32, #tpu.memory_space<vmem>>, %arg8: memref<1000x16xf32, #tpu.memory_space<vmem>>, %arg9: memref<50000xf32, #tpu.memory_space<vmem_shared>>, %arg10: memref<!tpu.dma_semaphore, #tpu.memory_space<semaphore_mem>>, %arg11: memref<!tpu.dma_semaphore, #tpu.memory_space<semaphore_mem>>, %arg12: memref<!tpu.dma_semaphore, #tpu.memory_space<semaphore_mem>>, %arg13: memref<!tpu.dma_semaphore, #tpu.memory_space<semaphore_mem>>, %arg14: memref<!tpu.dma_semaphore, #tpu.memory_space<semaphore_mem>>, %arg15: memref<!tpu.dma_semaphore, #tpu.memory_space<semaphore_mem>>) attributes {dimension_semantics = [#tpu.dimension_semantics<core_parallel>, #tpu.dimension_semantics<subcore_parallel>], iteration_bounds = array<i64: 2, 16>, scalar_prefetch = 0 : i64, scratch_operands = 12 : i64, tpu.core_type = #tpu.core_type<sc_vector_subcore>, window_params = [{transform_indices = #map}, {transform_indices = #map}]} {
    %scan3A = arith.constant 0 : i32
    %scan3A_0 = arith.constant 0 : i32
    %scan3A_1 = arith.constant 512 : i32
    %scan3A_2 = arith.addi %scan3A_0, %scan3A_1 : i32
    %scan3A_3 = arith.constant 1 : i32
    %scan3A_4 = scf.for %scan3A_95 = %scan3A_0 to %scan3A_2 step %scan3A_3 iter_args(%scan3A_96 = %scan3A) -> (i32)  : i32 {
      %broadcast_in_dim3A = arith.constant 1.000000e+00 : f32
      %broadcast_in_dim3A_97 = vector.broadcast %broadcast_in_dim3A : f32 to vector<16xf32>
      %mul3A_98 = arith.constant 16 : i32
      %mul3A_99 = arith.muli %scan3A_95, %mul3A_98 : i32
      %swap3A = arith.index_cast %mul3A_99 : i32 to index
      %swap3A_100 = tpu.vector_load %arg5[%swap3A] {strides = array<i32>} : memref<8192xf32, #tpu.memory_space<vmem>>, vector<16xf32>,
      %swap3A_101 = vector.shape_cast %swap3A_100 : vector<16xf32> to vector<16xf32>
      %swap3A_102 = vector.shape_cast %broadcast_in_dim3A_97 : vector<16xf32> to vector<16xf32>
      tpu.vector_store %arg5[%swap3A], %swap3A_102 {strides = array<i32>} : memref<8192xf32, #tpu.memory_space<vmem>>, vector<16xf32>,
      %scan3A_103 = arith.constant 0 : i32
      scf.yield %scan3A_103 : i32
    }
    %scan3A_5 = arith.constant 512 : i32
    %scan3A_6 = arith.constant 0 : i32
    %scan3A_7 = arith.constant 0 : i32
    %scan3A_8 = arith.constant 125 : i32
    %scan3A_9 = arith.addi %scan3A_7, %scan3A_8 : i32
    %scan3A_10 = arith.constant 1 : i32
    %scan3A_11 = scf.for %scan3A_95 = %scan3A_7 to %scan3A_9 step %scan3A_10 iter_args(%scan3A_96 = %scan3A_6) -> (i32)  : i32 {
      %broadcast_in_dim3A = arith.constant 0.000000e+00 : f32
      %broadcast_in_dim3A_97 = vector.broadcast %broadcast_in_dim3A : f32 to vector<16xf32>
      %mul3A_98 = arith.constant 16 : i32
      %mul3A_99 = arith.muli %scan3A_95, %mul3A_98 : i32
      %swap3A = arith.index_cast %mul3A_99 : i32 to index
      %swap3A_100 = tpu.vector_load %arg6[%swap3A] {strides = array<i32>} : memref<2000xf32, #tpu.memory_space<vmem>>, vector<16xf32>,
      %swap3A_101 = vector.shape_cast %swap3A_100 : vector<16xf32> to vector<16xf32>
      %swap3A_102 = vector.shape_cast %broadcast_in_dim3A_97 : vector<16xf32> to vector<16xf32>
      tpu.vector_store %arg6[%swap3A], %swap3A_102 {strides = array<i32>} : memref<2000xf32, #tpu.memory_space<vmem>>, vector<16xf32>,
      %scan3A_103 = arith.constant 0 : i32
      scf.yield %scan3A_103 : i32
    }
    %scan3A_12 = arith.constant 125 : i32
    %add3A = arith.constant 0 : i32
    %add3A_13 = arith.addi %arg1, %add3A : i32
    %lt3A = arith.constant 25 : i32
    %lt3A_14 = arith.cmpi slt, %add3A_13, %lt3A : i32
    %convert_element_type3A = arith.extui %lt3A_14 : i1 to i32
    %cond3A = arith.constant 0 : i32
    %cond3A_15 = arith.cmpi ne, %convert_element_type3A, %cond3A : i32
    scf.if %cond3A_15 {
      %mul3A_95 = arith.constant 2000 : i32
      %mul3A_96 = arith.muli %add3A_13, %mul3A_95 : i32
      "tpu.region"() ({
        %run_scoped3A = tpu.sem_alloc : memref<!tpu.dma_semaphore, #tpu.memory_space<semaphore_mem>>
        %dma_start3A_97 = tpu.memref_slice %arg9[%mul3A_96] : memref<50000xf32, #tpu.memory_space<vmem_shared>> -> memref<2000xf32, #tpu.memory_space<vmem_shared>>
        %dma_start3A_98 = tpu.memref_slice %arg9[%mul3A_96] : memref<50000xf32, #tpu.memory_space<vmem_shared>> -> memref<2000xf32, #tpu.memory_space<vmem_shared>>
        tpu.enqueue_dma source(%arg6 : memref<2000xf32, #tpu.memory_space<vmem>>) target(%dma_start3A_98 : memref<2000xf32, #tpu.memory_space<vmem_shared>>) target_semaphore(%run_scoped3A : memref<!tpu.dma_semaphore, #tpu.memory_space<semaphore_mem>>)
        %dma_wait3A_99 = tpu.memref_slice %arg9[%mul3A_96] : memref<50000xf32, #tpu.memory_space<vmem_shared>> -> memref<2000xf32, #tpu.memory_space<vmem_shared>>
        %dma_wait3A_100 = tpu.memref_slice %arg9[%mul3A_96] : memref<50000xf32, #tpu.memory_space<vmem_shared>> -> memref<2000xf32, #tpu.memory_space<vmem_shared>>
        tpu.wait_dma2 semaphore(%run_scoped3A : memref<!tpu.dma_semaphore, #tpu.memory_space<semaphore_mem>>) src(%arg6 : memref<2000xf32, #tpu.memory_space<vmem>>) dst(%dma_wait3A_100 : memref<2000xf32, #tpu.memory_space<vmem_shared>>)
        tpu.yield
      }) : () -> ()
    } else {
    }
    %add3A_16 = arith.constant 16 : i32
    %add3A_17 = arith.addi %arg1, %add3A_16 : i32
    %lt3A_18 = arith.constant 25 : i32
    %lt3A_19 = arith.cmpi slt, %add3A_17, %lt3A_18 : i32
    %convert_element_type3A_20 = arith.extui %lt3A_19 : i1 to i32
    %cond3A_21 = arith.constant 0 : i32
    %cond3A_22 = arith.cmpi ne, %convert_element_type3A_20, %cond3A_21 : i32
    scf.if %cond3A_22 {
      %mul3A_95 = arith.constant 2000 : i32
      %mul3A_96 = arith.muli %add3A_17, %mul3A_95 : i32
      "tpu.region"() ({
        %run_scoped3A = tpu.sem_alloc : memref<!tpu.dma_semaphore, #tpu.memory_space<semaphore_mem>>
        %dma_start3A_97 = tpu.memref_slice %arg9[%mul3A_96] : memref<50000xf32, #tpu.memory_space<vmem_shared>> -> memref<2000xf32, #tpu.memory_space<vmem_shared>>
        %dma_start3A_98 = tpu.memref_slice %arg9[%mul3A_96] : memref<50000xf32, #tpu.memory_space<vmem_shared>> -> memref<2000xf32, #tpu.memory_space<vmem_shared>>
        tpu.enqueue_dma source(%arg6 : memref<2000xf32, #tpu.memory_space<vmem>>) target(%dma_start3A_98 : memref<2000xf32, #tpu.memory_space<vmem_shared>>) target_semaphore(%run_scoped3A : memref<!tpu.dma_semaphore, #tpu.memory_space<semaphore_mem>>)
        %dma_wait3A_99 = tpu.memref_slice %arg9[%mul3A_96] : memref<50000xf32, #tpu.memory_space<vmem_shared>> -> memref<2000xf32, #tpu.memory_space<vmem_shared>>
        %dma_wait3A_100 = tpu.memref_slice %arg9[%mul3A_96] : memref<50000xf32, #tpu.memory_space<vmem_shared>> -> memref<2000xf32, #tpu.memory_space<vmem_shared>>
        tpu.wait_dma2 semaphore(%run_scoped3A : memref<!tpu.dma_semaphore, #tpu.memory_space<semaphore_mem>>) src(%arg6 : memref<2000xf32, #tpu.memory_space<vmem>>) dst(%dma_wait3A_100 : memref<2000xf32, #tpu.memory_space<vmem_shared>>)
        tpu.yield
      }) : () -> ()
    } else {
    }
    %barrier3A = arith.constant 0 : index
    tpu.barrier barrier_id(%barrier3A)
    %mul3A = arith.constant 12 : i32
    %mul3A_23 = arith.muli %arg1, %mul3A : i32
    %add3A_24 = arith.constant 0 : i32
    %add3A_25 = arith.addi %mul3A_23, %add3A_24 : i32
    %mul3A_26 = arith.constant 8192 : i32
    %mul3A_27 = arith.muli %add3A_25, %mul3A_26 : i32
    %dma_start3A = arith.constant 0 : i32
    %dma_start3A_28 = arith.constant 0 : i32
    %dma_start3A_29 = arith.constant 0 : i32
    %dma_start3A_30 = tpu.memref_slice %arg4[%dma_start3A, %dma_start3A_28, %dma_start3A_29] : memref<4x2x8192xi32, #tpu.memory_space<vmem>> -> memref<1x2x8192xi32, #tpu.memory_space<vmem>>
    %dma_start3A_31 = tpu.memref_squeeze %dma_start3A_30 : memref<1x2x8192xi32, #tpu.memory_space<vmem>> -> memref<2x8192xi32, #tpu.memory_space<vmem>>
    %dma_start3A_32 = arith.constant 0 : i32
    %dma_start3A_33 = tpu.memref_slice %arg2[%dma_start3A_32, %mul3A_27] : memref<2x1600000xi32, #tpu.memory_space<hbm>> -> memref<2x8192xi32, #tpu.memory_space<hbm>>
    %dma_start3A_34 = arith.constant 0 : i32
    %dma_start3A_35 = arith.constant 0 : i32
    %dma_start3A_36 = tpu.memref_slice %arg4[%dma_start3A, %dma_start3A_34, %dma_start3A_35] : memref<4x2x8192xi32, #tpu.memory_space<vmem>> -> memref<1x2x8192xi32, #tpu.memory_space<vmem>>
    %dma_start3A_37 = tpu.memref_squeeze %dma_start3A_36 : memref<1x2x8192xi32, #tpu.memory_space<vmem>> -> memref<2x8192xi32, #tpu.memory_space<vmem>>
    %dma_start3A_38 = arith.constant 0 : i32
    %dma_start3A_39 = tpu.memref_slice %arg2[%dma_start3A_38, %mul3A_27] : memref<2x1600000xi32, #tpu.memory_space<hbm>> -> memref<2x8192xi32, #tpu.memory_space<hbm>>
    tpu.enqueue_dma source(%dma_start3A_39 : memref<2x8192xi32, #tpu.memory_space<hbm>>) target(%dma_start3A_37 : memref<2x8192xi32, #tpu.memory_space<vmem>>) target_semaphore(%arg10 : memref<!tpu.dma_semaphore, #tpu.memory_space<semaphore_mem>>)
    %add3A_40 = arith.constant 1 : i32
    %add3A_41 = arith.addi %mul3A_23, %add3A_40 : i32
    %mul3A_42 = arith.constant 8192 : i32
    %mul3A_43 = arith.muli %add3A_41, %mul3A_42 : i32
    %dma_start3A_44 = arith.constant 1 : i32
    %dma_start3A_45 = arith.constant 0 : i32
    %dma_start3A_46 = arith.constant 0 : i32
    %dma_start3A_47 = tpu.memref_slice %arg4[%dma_start3A_44, %dma_start3A_45, %dma_start3A_46] : memref<4x2x8192xi32, #tpu.memory_space<vmem>> -> memref<1x2x8192xi32, #tpu.memory_space<vmem>>
    %dma_start3A_48 = tpu.memref_squeeze %dma_start3A_47 : memref<1x2x8192xi32, #tpu.memory_space<vmem>> -> memref<2x8192xi32, #tpu.memory_space<vmem>>
    %dma_start3A_49 = arith.constant 0 : i32
    %dma_start3A_50 = tpu.memref_slice %arg2[%dma_start3A_49, %mul3A_43] : memref<2x1600000xi32, #tpu.memory_space<hbm>> -> memref<2x8192xi32, #tpu.memory_space<hbm>>
    %dma_start3A_51 = arith.constant 0 : i32
    %dma_start3A_52 = arith.constant 0 : i32
    %dma_start3A_53 = tpu.memref_slice %arg4[%dma_start3A_44, %dma_start3A_51, %dma_start3A_52] : memref<4x2x8192xi32, #tpu.memory_space<vmem>> -> memref<1x2x8192xi32, #tpu.memory_space<vmem>>
    %dma_start3A_54 = tpu.memref_squeeze %dma_start3A_53 : memref<1x2x8192xi32, #tpu.memory_space<vmem>> -> memref<2x8192xi32, #tpu.memory_space<vmem>>
    %dma_start3A_55 = arith.constant 0 : i32
    %dma_start3A_56 = tpu.memref_slice %arg2[%dma_start3A_55, %mul3A_43] : memref<2x1600000xi32, #tpu.memory_space<hbm>> -> memref<2x8192xi32, #tpu.memory_space<hbm>>
    tpu.enqueue_dma source(%dma_start3A_56 : memref<2x8192xi32, #tpu.memory_space<hbm>>) target(%dma_start3A_54 : memref<2x8192xi32, #tpu.memory_space<vmem>>) target_semaphore(%arg11 : memref<!tpu.dma_semaphore, #tpu.memory_space<semaphore_mem>>)
    %scan3A_57 = arith.constant 0 : i32
    %scan3A_58 = arith.constant 0 : i32
    %scan3A_59 = arith.constant 3 : i32
    %scan3A_60 = arith.addi %scan3A_58, %scan3A_59 : i32
    %scan3A_61 = arith.constant 1 : i32
    %scan3A_62 = scf.for %scan3A_95 = %scan3A_58 to %scan3A_60 step %scan3A_61 iter_args(%scan3A_96 = %scan3A_57) -> (i32)  : i32 {
      %mul3A_97 = arith.constant 4 : i32
      %mul3A_98 = arith.muli %scan3A_95, %mul3A_97 : i32
      %add3A_99 = arith.constant 0 : i32
      %add3A_100 = arith.addi %mul3A_98, %add3A_99 : i32
      %ge3A = arith.constant 2 : i32
      %ge3A_101 = arith.cmpi sge, %add3A_100, %ge3A : i32
      %convert_element_type3A_102 = arith.extui %ge3A_101 : i1 to i32
      %cond3A_103 = arith.constant 0 : i32
      %cond3A_104 = arith.cmpi ne, %convert_element_type3A_102, %cond3A_103 : i32
      scf.if %cond3A_104 {
        %dma_wait3A_249 = arith.constant 0 : i32
        %dma_wait3A_250 = tpu.memref_slice %arg9[%dma_wait3A_249] : memref<50000xf32, #tpu.memory_space<vmem_shared>> -> memref<8192xf32, #tpu.memory_space<vmem_shared>>
        %dma_wait3A_251 = arith.constant 0 : i32
        %dma_wait3A_252 = tpu.memref_slice %arg9[%dma_wait3A_251] : memref<50000xf32, #tpu.memory_space<vmem_shared>> -> memref<8192xf32, #tpu.memory_space<vmem_shared>>
        tpu.wait_dma2 semaphore(%arg14 : memref<!tpu.dma_semaphore, #tpu.memory_space<semaphore_mem>>) src(%arg5 : memref<8192xf32, #tpu.memory_space<vmem>>) dst(%dma_wait3A_252 : memref<8192xf32, #tpu.memory_space<vmem_shared>>)
      } else {
      }
      %dma_wait3A_105 = arith.constant 0 : i32
      %dma_wait3A_106 = arith.constant 0 : i32
      %dma_wait3A_107 = arith.constant 0 : i32
      %dma_wait3A_108 = tpu.memref_slice %arg4[%dma_wait3A_105, %dma_wait3A_106, %dma_wait3A_107] : memref<4x2x8192xi32, #tpu.memory_space<vmem>> -> memref<1x2x8192xi32, #tpu.memory_space<vmem>>
      %dma_wait3A_109 = tpu.memref_squeeze %dma_wait3A_108 : memref<1x2x8192xi32, #tpu.memory_space<vmem>> -> memref<2x8192xi32, #tpu.memory_space<vmem>>
      %dma_wait3A_110 = arith.constant 0 : i32
      %dma_wait3A_111 = arith.constant 0 : i32
      %dma_wait3A_112 = tpu.memref_slice %arg2[%dma_wait3A_110, %dma_wait3A_111] : memref<2x1600000xi32, #tpu.memory_space<hbm>> -> memref<2x8192xi32, #tpu.memory_space<hbm>>
      %dma_wait3A_113 = arith.constant 0 : i32
      %dma_wait3A_114 = arith.constant 0 : i32
      %dma_wait3A_115 = tpu.memref_slice %arg4[%dma_wait3A_105, %dma_wait3A_113, %dma_wait3A_114] : memref<4x2x8192xi32, #tpu.memory_space<vmem>> -> memref<1x2x8192xi32, #tpu.memory_space<vmem>>
      %dma_wait3A_116 = tpu.memref_squeeze %dma_wait3A_115 : memref<1x2x8192xi32, #tpu.memory_space<vmem>> -> memref<2x8192xi32, #tpu.memory_space<vmem>>
      %dma_wait3A_117 = arith.constant 0 : i32
      %dma_wait3A_118 = arith.constant 0 : i32
      %dma_wait3A_119 = tpu.memref_slice %arg2[%dma_wait3A_117, %dma_wait3A_118] : memref<2x1600000xi32, #tpu.memory_space<hbm>> -> memref<2x8192xi32, #tpu.memory_space<hbm>>
      tpu.wait_dma2 semaphore(%arg10 : memref<!tpu.dma_semaphore, #tpu.memory_space<semaphore_mem>>) src(%dma_wait3A_119 : memref<2x8192xi32, #tpu.memory_space<hbm>>) dst(%dma_wait3A_116 : memref<2x8192xi32, #tpu.memory_space<vmem>>)
      %dma_start3A_120 = arith.constant 0 : i32
      %dma_start3A_121 = arith.constant 0 : i32
      %dma_start3A_122 = arith.constant 0 : i32
      %dma_start3A_123 = tpu.memref_slice %arg4[%dma_start3A_120, %dma_start3A_121, %dma_start3A_122] : memref<4x2x8192xi32, #tpu.memory_space<vmem>> -> memref<1x1x8192xi32, #tpu.memory_space<vmem>>
      %dma_start3A_124 = tpu.memref_squeeze %dma_start3A_123 : memref<1x1x8192xi32, #tpu.memory_space<vmem>> -> memref<8192xi32, #tpu.memory_space<vmem>>
      %dma_start3A_125 = arith.constant 0 : i32
      %dma_start3A_126 = tpu.memref_slice %arg9[%dma_start3A_125] : memref<50000xf32, #tpu.memory_space<vmem_shared>> -> memref<50000xf32, #tpu.memory_space<vmem_shared>>
      tpu.enqueue_indirect_dma source(%arg5 : memref<8192xf32, #tpu.memory_space<vmem>>) target(%dma_start3A_126 : memref<50000xf32, #tpu.memory_space<vmem_shared>>) offsets(%dma_start3A_124 : memref<8192xi32, #tpu.memory_space<vmem>>) semaphore(%arg14 : memref<!tpu.dma_semaphore, #tpu.memory_space<semaphore_mem>>) {add = true}
      %add3A_127 = arith.constant 2 : i32
      %add3A_128 = arith.addi %add3A_100, %add3A_127 : i32
      %lt3A_129 = arith.constant 12 : i32
      %lt3A_130 = arith.cmpi slt, %add3A_128, %lt3A_129 : i32
      %convert_element_type3A_131 = arith.extui %lt3A_130 : i1 to i32
      %cond3A_132 = arith.constant 0 : i32
      %cond3A_133 = arith.cmpi ne, %convert_element_type3A_131, %cond3A_132 : i32
      scf.if %cond3A_133 {
        %add3A_249 = arith.addi %mul3A_23, %add3A_100 : i32
        %add3A_250 = arith.constant 2 : i32
        %add3A_251 = arith.addi %add3A_249, %add3A_250 : i32
        %mul3A_252 = arith.constant 8192 : i32
        %mul3A_253 = arith.muli %add3A_251, %mul3A_252 : i32
        %dma_start3A_254 = arith.constant 2 : i32
        %dma_start3A_255 = arith.constant 0 : i32
        %dma_start3A_256 = arith.constant 0 : i32
        %dma_start3A_257 = tpu.memref_slice %arg4[%dma_start3A_254, %dma_start3A_255, %dma_start3A_256] : memref<4x2x8192xi32, #tpu.memory_space<vmem>> -> memref<1x2x8192xi32, #tpu.memory_space<vmem>>
        %dma_start3A_258 = tpu.memref_squeeze %dma_start3A_257 : memref<1x2x8192xi32, #tpu.memory_space<vmem>> -> memref<2x8192xi32, #tpu.memory_space<vmem>>
        %dma_start3A_259 = arith.constant 0 : i32
        %dma_start3A_260 = tpu.memref_slice %arg2[%dma_start3A_259, %mul3A_253] : memref<2x1600000xi32, #tpu.memory_space<hbm>> -> memref<2x8192xi32, #tpu.memory_space<hbm>>
        %dma_start3A_261 = arith.constant 0 : i32
        %dma_start3A_262 = arith.constant 0 : i32
        %dma_start3A_263 = tpu.memref_slice %arg4[%dma_start3A_254, %dma_start3A_261, %dma_start3A_262] : memref<4x2x8192xi32, #tpu.memory_space<vmem>> -> memref<1x2x8192xi32, #tpu.memory_space<vmem>>
        %dma_start3A_264 = tpu.memref_squeeze %dma_start3A_263 : memref<1x2x8192xi32, #tpu.memory_space<vmem>> -> memref<2x8192xi32, #tpu.memory_space<vmem>>
        %dma_start3A_265 = arith.constant 0 : i32
        %dma_start3A_266 = tpu.memref_slice %arg2[%dma_start3A_265, %mul3A_253] : memref<2x1600000xi32, #tpu.memory_space<hbm>> -> memref<2x8192xi32, #tpu.memory_space<hbm>>
        tpu.enqueue_dma source(%dma_start3A_266 : memref<2x8192xi32, #tpu.memory_space<hbm>>) target(%dma_start3A_264 : memref<2x8192xi32, #tpu.memory_space<vmem>>) target_semaphore(%arg12 : memref<!tpu.dma_semaphore, #tpu.memory_space<semaphore_mem>>)
      } else {
      }
      %mul3A_134 = arith.constant 4 : i32
      %mul3A_135 = arith.muli %scan3A_95, %mul3A_134 : i32
      %add3A_136 = arith.constant 1 : i32
      %add3A_137 = arith.addi %mul3A_135, %add3A_136 : i32
      %ge3A_138 = arith.constant 2 : i32
      %ge3A_139 = arith.cmpi sge, %add3A_137, %ge3A_138 : i32
      %convert_element_type3A_140 = arith.extui %ge3A_139 : i1 to i32
      %cond3A_141 = arith.constant 0 : i32
      %cond3A_142 = arith.cmpi ne, %convert_element_type3A_140, %cond3A_141 : i32
      scf.if %cond3A_142 {
        %dma_wait3A_249 = arith.constant 0 : i32
        %dma_wait3A_250 = tpu.memref_slice %arg9[%dma_wait3A_249] : memref<50000xf32, #tpu.memory_space<vmem_shared>> -> memref<8192xf32, #tpu.memory_space<vmem_shared>>
        %dma_wait3A_251 = arith.constant 0 : i32
        %dma_wait3A_252 = tpu.memref_slice %arg9[%dma_wait3A_251] : memref<50000xf32, #tpu.memory_space<vmem_shared>> -> memref<8192xf32, #tpu.memory_space<vmem_shared>>
        tpu.wait_dma2 semaphore(%arg15 : memref<!tpu.dma_semaphore, #tpu.memory_space<semaphore_mem>>) src(%arg5 : memref<8192xf32, #tpu.memory_space<vmem>>) dst(%dma_wait3A_252 : memref<8192xf32, #tpu.memory_space<vmem_shared>>)
      } else {
      }
      %dma_wait3A_143 = arith.constant 1 : i32
      %dma_wait3A_144 = arith.constant 0 : i32
      %dma_wait3A_145 = arith.constant 0 : i32
      %dma_wait3A_146 = tpu.memref_slice %arg4[%dma_wait3A_143, %dma_wait3A_144, %dma_wait3A_145] : memref<4x2x8192xi32, #tpu.memory_space<vmem>> -> memref<1x2x8192xi32, #tpu.memory_space<vmem>>
      %dma_wait3A_147 = tpu.memref_squeeze %dma_wait3A_146 : memref<1x2x8192xi32, #tpu.memory_space<vmem>> -> memref<2x8192xi32, #tpu.memory_space<vmem>>
      %dma_wait3A_148 = arith.constant 0 : i32
      %dma_wait3A_149 = arith.constant 0 : i32
      %dma_wait3A_150 = tpu.memref_slice %arg2[%dma_wait3A_148, %dma_wait3A_149] : memref<2x1600000xi32, #tpu.memory_space<hbm>> -> memref<2x8192xi32, #tpu.memory_space<hbm>>
      %dma_wait3A_151 = arith.constant 0 : i32
      %dma_wait3A_152 = arith.constant 0 : i32
      %dma_wait3A_153 = tpu.memref_slice %arg4[%dma_wait3A_143, %dma_wait3A_151, %dma_wait3A_152] : memref<4x2x8192xi32, #tpu.memory_space<vmem>> -> memref<1x2x8192xi32, #tpu.memory_space<vmem>>
      %dma_wait3A_154 = tpu.memref_squeeze %dma_wait3A_153 : memref<1x2x8192xi32, #tpu.memory_space<vmem>> -> memref<2x8192xi32, #tpu.memory_space<vmem>>
      %dma_wait3A_155 = arith.constant 0 : i32
      %dma_wait3A_156 = arith.constant 0 : i32
      %dma_wait3A_157 = tpu.memref_slice %arg2[%dma_wait3A_155, %dma_wait3A_156] : memref<2x1600000xi32, #tpu.memory_space<hbm>> -> memref<2x8192xi32, #tpu.memory_space<hbm>>
      tpu.wait_dma2 semaphore(%arg11 : memref<!tpu.dma_semaphore, #tpu.memory_space<semaphore_mem>>) src(%dma_wait3A_157 : memref<2x8192xi32, #tpu.memory_space<hbm>>) dst(%dma_wait3A_154 : memref<2x8192xi32, #tpu.memory_space<vmem>>)
      %dma_start3A_158 = arith.constant 1 : i32
      %dma_start3A_159 = arith.constant 0 : i32
      %dma_start3A_160 = arith.constant 0 : i32
      %dma_start3A_161 = tpu.memref_slice %arg4[%dma_start3A_158, %dma_start3A_159, %dma_start3A_160] : memref<4x2x8192xi32, #tpu.memory_space<vmem>> -> memref<1x1x8192xi32, #tpu.memory_space<vmem>>
      %dma_start3A_162 = tpu.memref_squeeze %dma_start3A_161 : memref<1x1x8192xi32, #tpu.memory_space<vmem>> -> memref<8192xi32, #tpu.memory_space<vmem>>
      %dma_start3A_163 = arith.constant 0 : i32
      %dma_start3A_164 = tpu.memref_slice %arg9[%dma_start3A_163] : memref<50000xf32, #tpu.memory_space<vmem_shared>> -> memref<50000xf32, #tpu.memory_space<vmem_shared>>
      tpu.enqueue_indirect_dma source(%arg5 : memref<8192xf32, #tpu.memory_space<vmem>>) target(%dma_start3A_164 : memref<50000xf32, #tpu.memory_space<vmem_shared>>) offsets(%dma_start3A_162 : memref<8192xi32, #tpu.memory_space<vmem>>) semaphore(%arg15 : memref<!tpu.dma_semaphore, #tpu.memory_space<semaphore_mem>>) {add = true}
      %add3A_165 = arith.constant 2 : i32
      %add3A_166 = arith.addi %add3A_137, %add3A_165 : i32
      %lt3A_167 = arith.constant 12 : i32
      %lt3A_168 = arith.cmpi slt, %add3A_166, %lt3A_167 : i32
      %convert_element_type3A_169 = arith.extui %lt3A_168 : i1 to i32
      %cond3A_170 = arith.constant 0 : i32
      %cond3A_171 = arith.cmpi ne, %convert_element_type3A_169, %cond3A_170 : i32
      scf.if %cond3A_171 {
        %add3A_249 = arith.addi %mul3A_23, %add3A_137 : i32
        %add3A_250 = arith.constant 2 : i32
        %add3A_251 = arith.addi %add3A_249, %add3A_250 : i32
        %mul3A_252 = arith.constant 8192 : i32
        %mul3A_253 = arith.muli %add3A_251, %mul3A_252 : i32
        %dma_start3A_254 = arith.constant 3 : i32
        %dma_start3A_255 = arith.constant 0 : i32
        %dma_start3A_256 = arith.constant 0 : i32
        %dma_start3A_257 = tpu.memref_slice %arg4[%dma_start3A_254, %dma_start3A_255, %dma_start3A_256] : memref<4x2x8192xi32, #tpu.memory_space<vmem>> -> memref<1x2x8192xi32, #tpu.memory_space<vmem>>
        %dma_start3A_258 = tpu.memref_squeeze %dma_start3A_257 : memref<1x2x8192xi32, #tpu.memory_space<vmem>> -> memref<2x8192xi32, #tpu.memory_space<vmem>>
        %dma_start3A_259 = arith.constant 0 : i32
        %dma_start3A_260 = tpu.memref_slice %arg2[%dma_start3A_259, %mul3A_253] : memref<2x1600000xi32, #tpu.memory_space<hbm>> -> memref<2x8192xi32, #tpu.memory_space<hbm>>
        %dma_start3A_261 = arith.constant 0 : i32
        %dma_start3A_262 = arith.constant 0 : i32
        %dma_start3A_263 = tpu.memref_slice %arg4[%dma_start3A_254, %dma_start3A_261, %dma_start3A_262] : memref<4x2x8192xi32, #tpu.memory_space<vmem>> -> memref<1x2x8192xi32, #tpu.memory_space<vmem>>
        %dma_start3A_264 = tpu.memref_squeeze %dma_start3A_263 : memref<1x2x8192xi32, #tpu.memory_space<vmem>> -> memref<2x8192xi32, #tpu.memory_space<vmem>>
        %dma_start3A_265 = arith.constant 0 : i32
        %dma_start3A_266 = tpu.memref_slice %arg2[%dma_start3A_265, %mul3A_253] : memref<2x1600000xi32, #tpu.memory_space<hbm>> -> memref<2x8192xi32, #tpu.memory_space<hbm>>
        tpu.enqueue_dma source(%dma_start3A_266 : memref<2x8192xi32, #tpu.memory_space<hbm>>) target(%dma_start3A_264 : memref<2x8192xi32, #tpu.memory_space<vmem>>) target_semaphore(%arg13 : memref<!tpu.dma_semaphore, #tpu.memory_space<semaphore_mem>>)
      } else {
      }
      %mul3A_172 = arith.constant 4 : i32
      %mul3A_173 = arith.muli %scan3A_95, %mul3A_172 : i32
      %add3A_174 = arith.constant 2 : i32
      %add3A_175 = arith.addi %mul3A_173, %add3A_174 : i32
      %ge3A_176 = arith.constant 2 : i32
      %ge3A_177 = arith.cmpi sge, %add3A_175, %ge3A_176 : i32
      %convert_element_type3A_178 = arith.extui %ge3A_177 : i1 to i32
      %cond3A_179 = arith.constant 0 : i32
      %cond3A_180 = arith.cmpi ne, %convert_element_type3A_178, %cond3A_179 : i32
      scf.if %cond3A_180 {
        %dma_wait3A_249 = arith.constant 0 : i32
        %dma_wait3A_250 = tpu.memref_slice %arg9[%dma_wait3A_249] : memref<50000xf32, #tpu.memory_space<vmem_shared>> -> memref<8192xf32, #tpu.memory_space<vmem_shared>>
        %dma_wait3A_251 = arith.constant 0 : i32
        %dma_wait3A_252 = tpu.memref_slice %arg9[%dma_wait3A_251] : memref<50000xf32, #tpu.memory_space<vmem_shared>> -> memref<8192xf32, #tpu.memory_space<vmem_shared>>
        tpu.wait_dma2 semaphore(%arg14 : memref<!tpu.dma_semaphore, #tpu.memory_space<semaphore_mem>>) src(%arg5 : memref<8192xf32, #tpu.memory_space<vmem>>) dst(%dma_wait3A_252 : memref<8192xf32, #tpu.memory_space<vmem_shared>>)
      } else {
      }
      %dma_wait3A_181 = arith.constant 2 : i32
      %dma_wait3A_182 = arith.constant 0 : i32
      %dma_wait3A_183 = arith.constant 0 : i32
      %dma_wait3A_184 = tpu.memref_slice %arg4[%dma_wait3A_181, %dma_wait3A_182, %dma_wait3A_183] : memref<4x2x8192xi32, #tpu.memory_space<vmem>> -> memref<1x2x8192xi32, #tpu.memory_space<vmem>>
      %dma_wait3A_185 = tpu.memref_squeeze %dma_wait3A_184 : memref<1x2x8192xi32, #tpu.memory_space<vmem>> -> memref<2x8192xi32, #tpu.memory_space<vmem>>
      %dma_wait3A_186 = arith.constant 0 : i32
      %dma_wait3A_187 = arith.constant 0 : i32
      %dma_wait3A_188 = tpu.memref_slice %arg2[%dma_wait3A_186, %dma_wait3A_187] : memref<2x1600000xi32, #tpu.memory_space<hbm>> -> memref<2x8192xi32, #tpu.memory_space<hbm>>
      %dma_wait3A_189 = arith.constant 0 : i32
      %dma_wait3A_190 = arith.constant 0 : i32
      %dma_wait3A_191 = tpu.memref_slice %arg4[%dma_wait3A_181, %dma_wait3A_189, %dma_wait3A_190] : memref<4x2x8192xi32, #tpu.memory_space<vmem>> -> memref<1x2x8192xi32, #tpu.memory_space<vmem>>
      %dma_wait3A_192 = tpu.memref_squeeze %dma_wait3A_191 : memref<1x2x8192xi32, #tpu.memory_space<vmem>> -> memref<2x8192xi32, #tpu.memory_space<vmem>>
      %dma_wait3A_193 = arith.constant 0 : i32
      %dma_wait3A_194 = arith.constant 0 : i32
      %dma_wait3A_195 = tpu.memref_slice %arg2[%dma_wait3A_193, %dma_wait3A_194] : memref<2x1600000xi32, #tpu.memory_space<hbm>> -> memref<2x8192xi32, #tpu.memory_space<hbm>>
      tpu.wait_dma2 semaphore(%arg12 : memref<!tpu.dma_semaphore, #tpu.memory_space<semaphore_mem>>) src(%dma_wait3A_195 : memref<2x8192xi32, #tpu.memory_space<hbm>>) dst(%dma_wait3A_192 : memref<2x8192xi32, #tpu.memory_space<vmem>>)
      %dma_start3A_196 = arith.constant 2 : i32
      %dma_start3A_197 = arith.constant 0 : i32
      %dma_start3A_198 = arith.constant 0 : i32
      %dma_start3A_199 = tpu.memref_slice %arg4[%dma_start3A_196, %dma_start3A_197, %dma_start3A_198] : memref<4x2x8192xi32, #tpu.memory_space<vmem>> -> memref<1x1x8192xi32, #tpu.memory_space<vmem>>
      %dma_start3A_200 = tpu.memref_squeeze %dma_start3A_199 : memref<1x1x8192xi32, #tpu.memory_space<vmem>> -> memref<8192xi32, #tpu.memory_space<vmem>>
      %dma_start3A_201 = arith.constant 0 : i32
      %dma_start3A_202 = tpu.memref_slice %arg9[%dma_start3A_201] : memref<50000xf32, #tpu.memory_space<vmem_shared>> -> memref<50000xf32, #tpu.memory_space<vmem_shared>>
      tpu.enqueue_indirect_dma source(%arg5 : memref<8192xf32, #tpu.memory_space<vmem>>) target(%dma_start3A_202 : memref<50000xf32, #tpu.memory_space<vmem_shared>>) offsets(%dma_start3A_200 : memref<8192xi32, #tpu.memory_space<vmem>>) semaphore(%arg14 : memref<!tpu.dma_semaphore, #tpu.memory_space<semaphore_mem>>) {add = true}
      %add3A_203 = arith.constant 2 : i32
      %add3A_204 = arith.addi %add3A_175, %add3A_203 : i32
      %lt3A_205 = arith.constant 12 : i32
      %lt3A_206 = arith.cmpi slt, %add3A_204, %lt3A_205 : i32
      %convert_element_type3A_207 = arith.extui %lt3A_206 : i1 to i32
      %cond3A_208 = arith.constant 0 : i32
      %cond3A_209 = arith.cmpi ne, %convert_element_type3A_207, %cond3A_208 : i32
      scf.if %cond3A_209 {
        %add3A_249 = arith.addi %mul3A_23, %add3A_175 : i32
        %add3A_250 = arith.constant 2 : i32
        %add3A_251 = arith.addi %add3A_249, %add3A_250 : i32
        %mul3A_252 = arith.constant 8192 : i32
        %mul3A_253 = arith.muli %add3A_251, %mul3A_252 : i32
        %dma_start3A_254 = arith.constant 0 : i32
        %dma_start3A_255 = arith.constant 0 : i32
        %dma_start3A_256 = arith.constant 0 : i32
        %dma_start3A_257 = tpu.memref_slice %arg4[%dma_start3A_254, %dma_start3A_255, %dma_start3A_256] : memref<4x2x8192xi32, #tpu.memory_space<vmem>> -> memref<1x2x8192xi32, #tpu.memory_space<vmem>>
        %dma_start3A_258 = tpu.memref_squeeze %dma_start3A_257 : memref<1x2x8192xi32, #tpu.memory_space<vmem>> -> memref<2x8192xi32, #tpu.memory_space<vmem>>
        %dma_start3A_259 = arith.constant 0 : i32
        %dma_start3A_260 = tpu.memref_slice %arg2[%dma_start3A_259, %mul3A_253] : memref<2x1600000xi32, #tpu.memory_space<hbm>> -> memref<2x8192xi32, #tpu.memory_space<hbm>>
        %dma_start3A_261 = arith.constant 0 : i32
        %dma_start3A_262 = arith.constant 0 : i32
        %dma_start3A_263 = tpu.memref_slice %arg4[%dma_start3A_254, %dma_start3A_261, %dma_start3A_262] : memref<4x2x8192xi32, #tpu.memory_space<vmem>> -> memref<1x2x8192xi32, #tpu.memory_space<vmem>>
        %dma_start3A_264 = tpu.memref_squeeze %dma_start3A_263 : memref<1x2x8192xi32, #tpu.memory_space<vmem>> -> memref<2x8192xi32, #tpu.memory_space<vmem>>
        %dma_start3A_265 = arith.constant 0 : i32
        %dma_start3A_266 = tpu.memref_slice %arg2[%dma_start3A_265, %mul3A_253] : memref<2x1600000xi32, #tpu.memory_space<hbm>> -> memref<2x8192xi32, #tpu.memory_space<hbm>>
        tpu.enqueue_dma source(%dma_start3A_266 : memref<2x8192xi32, #tpu.memory_space<hbm>>) target(%dma_start3A_264 : memref<2x8192xi32, #tpu.memory_space<vmem>>) target_semaphore(%arg10 : memref<!tpu.dma_semaphore, #tpu.memory_space<semaphore_mem>>)
      } else {
      }
      %mul3A_210 = arith.constant 4 : i32
      %mul3A_211 = arith.muli %scan3A_95, %mul3A_210 : i32
      %add3A_212 = arith.constant 3 : i32
      %add3A_213 = arith.addi %mul3A_211, %add3A_212 : i32
      %ge3A_214 = arith.constant 2 : i32
      %ge3A_215 = arith.cmpi sge, %add3A_213, %ge3A_214 : i32
      %convert_element_type3A_216 = arith.extui %ge3A_215 : i1 to i32
      %cond3A_217 = arith.constant 0 : i32
      %cond3A_218 = arith.cmpi ne, %convert_element_type3A_216, %cond3A_217 : i32
      scf.if %cond3A_218 {
        %dma_wait3A_249 = arith.constant 0 : i32
        %dma_wait3A_250 = tpu.memref_slice %arg9[%dma_wait3A_249] : memref<50000xf32, #tpu.memory_space<vmem_shared>> -> memref<8192xf32, #tpu.memory_space<vmem_shared>>
        %dma_wait3A_251 = arith.constant 0 : i32
        %dma_wait3A_252 = tpu.memref_slice %arg9[%dma_wait3A_251] : memref<50000xf32, #tpu.memory_space<vmem_shared>> -> memref<8192xf32, #tpu.memory_space<vmem_shared>>
        tpu.wait_dma2 semaphore(%arg15 : memref<!tpu.dma_semaphore, #tpu.memory_space<semaphore_mem>>) src(%arg5 : memref<8192xf32, #tpu.memory_space<vmem>>) dst(%dma_wait3A_252 : memref<8192xf32, #tpu.memory_space<vmem_shared>>)
      } else {
      }
      %dma_wait3A_219 = arith.constant 3 : i32
      %dma_wait3A_220 = arith.constant 0 : i32
      %dma_wait3A_221 = arith.constant 0 : i32
      %dma_wait3A_222 = tpu.memref_slice %arg4[%dma_wait3A_219, %dma_wait3A_220, %dma_wait3A_221] : memref<4x2x8192xi32, #tpu.memory_space<vmem>> -> memref<1x2x8192xi32, #tpu.memory_space<vmem>>
      %dma_wait3A_223 = tpu.memref_squeeze %dma_wait3A_222 : memref<1x2x8192xi32, #tpu.memory_space<vmem>> -> memref<2x8192xi32, #tpu.memory_space<vmem>>
      %dma_wait3A_224 = arith.constant 0 : i32
      %dma_wait3A_225 = arith.constant 0 : i32
      %dma_wait3A_226 = tpu.memref_slice %arg2[%dma_wait3A_224, %dma_wait3A_225] : memref<2x1600000xi32, #tpu.memory_space<hbm>> -> memref<2x8192xi32, #tpu.memory_space<hbm>>
      %dma_wait3A_227 = arith.constant 0 : i32
      %dma_wait3A_228 = arith.constant 0 : i32
      %dma_wait3A_229 = tpu.memref_slice %arg4[%dma_wait3A_219, %dma_wait3A_227, %dma_wait3A_228] : memref<4x2x8192xi32, #tpu.memory_space<vmem>> -> memref<1x2x8192xi32, #tpu.memory_space<vmem>>
      %dma_wait3A_230 = tpu.memref_squeeze %dma_wait3A_229 : memref<1x2x8192xi32, #tpu.memory_space<vmem>> -> memref<2x8192xi32, #tpu.memory_space<vmem>>
      %dma_wait3A_231 = arith.constant 0 : i32
      %dma_wait3A_232 = arith.constant 0 : i32
      %dma_wait3A_233 = tpu.memref_slice %arg2[%dma_wait3A_231, %dma_wait3A_232] : memref<2x1600000xi32, #tpu.memory_space<hbm>> -> memref<2x8192xi32, #tpu.memory_space<hbm>>
      tpu.wait_dma2 semaphore(%arg13 : memref<!tpu.dma_semaphore, #tpu.memory_space<semaphore_mem>>) src(%dma_wait3A_233 : memref<2x8192xi32, #tpu.memory_space<hbm>>) dst(%dma_wait3A_230 : memref<2x8192xi32, #tpu.memory_space<vmem>>)
      %dma_start3A_234 = arith.constant 3 : i32
      %dma_start3A_235 = arith.constant 0 : i32
      %dma_start3A_236 = arith.constant 0 : i32
      %dma_start3A_237 = tpu.memref_slice %arg4[%dma_start3A_234, %dma_start3A_235, %dma_start3A_236] : memref<4x2x8192xi32, #tpu.memory_space<vmem>> -> memref<1x1x8192xi32, #tpu.memory_space<vmem>>
      %dma_start3A_238 = tpu.memref_squeeze %dma_start3A_237 : memref<1x1x8192xi32, #tpu.memory_space<vmem>> -> memref<8192xi32, #tpu.memory_space<vmem>>
      %dma_start3A_239 = arith.constant 0 : i32
      %dma_start3A_240 = tpu.memref_slice %arg9[%dma_start3A_239] : memref<50000xf32, #tpu.memory_space<vmem_shared>> -> memref<50000xf32, #tpu.memory_space<vmem_shared>>
      tpu.enqueue_indirect_dma source(%arg5 : memref<8192xf32, #tpu.memory_space<vmem>>) target(%dma_start3A_240 : memref<50000xf32, #tpu.memory_space<vmem_shared>>) offsets(%dma_start3A_238 : memref<8192xi32, #tpu.memory_space<vmem>>) semaphore(%arg15 : memref<!tpu.dma_semaphore, #tpu.memory_space<semaphore_mem>>) {add = true}
      %add3A_241 = arith.constant 2 : i32
      %add3A_242 = arith.addi %add3A_213, %add3A_241 : i32
      %lt3A_243 = arith.constant 12 : i32
      %lt3A_244 = arith.cmpi slt, %add3A_242, %lt3A_243 : i32
      %convert_element_type3A_245 = arith.extui %lt3A_244 : i1 to i32
      %cond3A_246 = arith.constant 0 : i32
      %cond3A_247 = arith.cmpi ne, %convert_element_type3A_245, %cond3A_246 : i32
      scf.if %cond3A_247 {
        %add3A_249 = arith.addi %mul3A_23, %add3A_213 : i32
        %add3A_250 = arith.constant 2 : i32
        %add3A_251 = arith.addi %add3A_249, %add3A_250 : i32
        %mul3A_252 = arith.constant 8192 : i32
        %mul3A_253 = arith.muli %add3A_251, %mul3A_252 : i32
        %dma_start3A_254 = arith.constant 1 : i32
        %dma_start3A_255 = arith.constant 0 : i32
        %dma_start3A_256 = arith.constant 0 : i32
        %dma_start3A_257 = tpu.memref_slice %arg4[%dma_start3A_254, %dma_start3A_255, %dma_start3A_256] : memref<4x2x8192xi32, #tpu.memory_space<vmem>> -> memref<1x2x8192xi32, #tpu.memory_space<vmem>>
        %dma_start3A_258 = tpu.memref_squeeze %dma_start3A_257 : memref<1x2x8192xi32, #tpu.memory_space<vmem>> -> memref<2x8192xi32, #tpu.memory_space<vmem>>
        %dma_start3A_259 = arith.constant 0 : i32
        %dma_start3A_260 = tpu.memref_slice %arg2[%dma_start3A_259, %mul3A_253] : memref<2x1600000xi32, #tpu.memory_space<hbm>> -> memref<2x8192xi32, #tpu.memory_space<hbm>>
        %dma_start3A_261 = arith.constant 0 : i32
        %dma_start3A_262 = arith.constant 0 : i32
        %dma_start3A_263 = tpu.memref_slice %arg4[%dma_start3A_254, %dma_start3A_261, %dma_start3A_262] : memref<4x2x8192xi32, #tpu.memory_space<vmem>> -> memref<1x2x8192xi32, #tpu.memory_space<vmem>>
        %dma_start3A_264 = tpu.memref_squeeze %dma_start3A_263 : memref<1x2x8192xi32, #tpu.memory_space<vmem>> -> memref<2x8192xi32, #tpu.memory_space<vmem>>
        %dma_start3A_265 = arith.constant 0 : i32
        %dma_start3A_266 = tpu.memref_slice %arg2[%dma_start3A_265, %mul3A_253] : memref<2x1600000xi32, #tpu.memory_space<hbm>> -> memref<2x8192xi32, #tpu.memory_space<hbm>>
        tpu.enqueue_dma source(%dma_start3A_266 : memref<2x8192xi32, #tpu.memory_space<hbm>>) target(%dma_start3A_264 : memref<2x8192xi32, #tpu.memory_space<vmem>>) target_semaphore(%arg11 : memref<!tpu.dma_semaphore, #tpu.memory_space<semaphore_mem>>)
      } else {
      }
      %scan3A_248 = arith.constant 0 : i32
      scf.yield %scan3A_248 : i32
    }
    %scan3A_63 = arith.constant 3 : i32
    %dma_wait3A = arith.constant 0 : i32
    %dma_wait3A_64 = tpu.memref_slice %arg9[%dma_wait3A] : memref<50000xf32, #tpu.memory_space<vmem_shared>> -> memref<8192xf32, #tpu.memory_space<vmem_shared>>
    %dma_wait3A_65 = arith.constant 0 : i32
    %dma_wait3A_66 = tpu.memref_slice %arg9[%dma_wait3A_65] : memref<50000xf32, #tpu.memory_space<vmem_shared>> -> memref<8192xf32, #tpu.memory_space<vmem_shared>>
    tpu.wait_dma2 semaphore(%arg14 : memref<!tpu.dma_semaphore, #tpu.memory_space<semaphore_mem>>) src(%arg5 : memref<8192xf32, #tpu.memory_space<vmem>>) dst(%dma_wait3A_66 : memref<8192xf32, #tpu.memory_space<vmem_shared>>)
    %dma_wait3A_67 = arith.constant 0 : i32
    %dma_wait3A_68 = tpu.memref_slice %arg9[%dma_wait3A_67] : memref<50000xf32, #tpu.memory_space<vmem_shared>> -> memref<8192xf32, #tpu.memory_space<vmem_shared>>
    %dma_wait3A_69 = arith.constant 0 : i32
    %dma_wait3A_70 = tpu.memref_slice %arg9[%dma_wait3A_69] : memref<50000xf32, #tpu.memory_space<vmem_shared>> -> memref<8192xf32, #tpu.memory_space<vmem_shared>>
    tpu.wait_dma2 semaphore(%arg15 : memref<!tpu.dma_semaphore, #tpu.memory_space<semaphore_mem>>) src(%arg5 : memref<8192xf32, #tpu.memory_space<vmem>>) dst(%dma_wait3A_70 : memref<8192xf32, #tpu.memory_space<vmem_shared>>)
    %lt3A_71 = arith.constant 3 : i32
    %lt3A_72 = arith.cmpi slt, %arg1, %lt3A_71 : i32
    %convert_element_type3A_73 = arith.extui %lt3A_72 : i1 to i32
    %cond3A_74 = arith.constant 0 : i32
    %cond3A_75 = arith.cmpi ne, %convert_element_type3A_73, %cond3A_74 : i32
    scf.if %cond3A_75 {
      %add3A_95 = arith.constant 192 : i32
      %add3A_96 = arith.addi %add3A_95, %arg1 : i32
      %mul3A_97 = arith.constant 8192 : i32
      %mul3A_98 = arith.muli %add3A_96, %mul3A_97 : i32
      %run_scoped3A = arith.constant 0 : i32
      "tpu.region"() ({
        %run_scoped3A_110 = tpu.sem_alloc : memref<!tpu.dma_semaphore, #tpu.memory_space<semaphore_mem>>
        %dma_start3A_111 = arith.constant 0 : i32
        %dma_start3A_112 = arith.constant 0 : i32
        %dma_start3A_113 = tpu.memref_slice %arg4[%run_scoped3A, %dma_start3A_111, %dma_start3A_112] : memref<4x2x8192xi32, #tpu.memory_space<vmem>> -> memref<1x2x8192xi32, #tpu.memory_space<vmem>>
        %dma_start3A_114 = tpu.memref_squeeze %dma_start3A_113 : memref<1x2x8192xi32, #tpu.memory_space<vmem>> -> memref<2x8192xi32, #tpu.memory_space<vmem>>
        %dma_start3A_115 = arith.constant 0 : i32
        %dma_start3A_116 = tpu.memref_slice %arg2[%dma_start3A_115, %mul3A_98] : memref<2x1600000xi32, #tpu.memory_space<hbm>> -> memref<2x8192xi32, #tpu.memory_space<hbm>>
        %dma_start3A_117 = arith.constant 0 : i32
        %dma_start3A_118 = arith.constant 0 : i32
        %dma_start3A_119 = tpu.memref_slice %arg4[%run_scoped3A, %dma_start3A_117, %dma_start3A_118] : memref<4x2x8192xi32, #tpu.memory_space<vmem>> -> memref<1x2x8192xi32, #tpu.memory_space<vmem>>
        %dma_start3A_120 = tpu.memref_squeeze %dma_start3A_119 : memref<1x2x8192xi32, #tpu.memory_space<vmem>> -> memref<2x8192xi32, #tpu.memory_space<vmem>>
        %dma_start3A_121 = arith.constant 0 : i32
        %dma_start3A_122 = tpu.memref_slice %arg2[%dma_start3A_121, %mul3A_98] : memref<2x1600000xi32, #tpu.memory_space<hbm>> -> memref<2x8192xi32, #tpu.memory_space<hbm>>
        tpu.enqueue_dma source(%dma_start3A_122 : memref<2x8192xi32, #tpu.memory_space<hbm>>) target(%dma_start3A_120 : memref<2x8192xi32, #tpu.memory_space<vmem>>) target_semaphore(%run_scoped3A_110 : memref<!tpu.dma_semaphore, #tpu.memory_space<semaphore_mem>>)
        %dma_wait3A_123 = arith.constant 0 : i32
        %dma_wait3A_124 = arith.constant 0 : i32
        %dma_wait3A_125 = tpu.memref_slice %arg4[%run_scoped3A, %dma_wait3A_123, %dma_wait3A_124] : memref<4x2x8192xi32, #tpu.memory_space<vmem>> -> memref<1x2x8192xi32, #tpu.memory_space<vmem>>
        %dma_wait3A_126 = tpu.memref_squeeze %dma_wait3A_125 : memref<1x2x8192xi32, #tpu.memory_space<vmem>> -> memref<2x8192xi32, #tpu.memory_space<vmem>>
        %dma_wait3A_127 = arith.constant 0 : i32
        %dma_wait3A_128 = tpu.memref_slice %arg2[%dma_wait3A_127, %mul3A_98] : memref<2x1600000xi32, #tpu.memory_space<hbm>> -> memref<2x8192xi32, #tpu.memory_space<hbm>>
        %dma_wait3A_129 = arith.constant 0 : i32
        %dma_wait3A_130 = arith.constant 0 : i32
        %dma_wait3A_131 = tpu.memref_slice %arg4[%run_scoped3A, %dma_wait3A_129, %dma_wait3A_130] : memref<4x2x8192xi32, #tpu.memory_space<vmem>> -> memref<1x2x8192xi32, #tpu.memory_space<vmem>>
        %dma_wait3A_132 = tpu.memref_squeeze %dma_wait3A_131 : memref<1x2x8192xi32, #tpu.memory_space<vmem>> -> memref<2x8192xi32, #tpu.memory_space<vmem>>
        %dma_wait3A_133 = arith.constant 0 : i32
        %dma_wait3A_134 = tpu.memref_slice %arg2[%dma_wait3A_133, %mul3A_98] : memref<2x1600000xi32, #tpu.memory_space<hbm>> -> memref<2x8192xi32, #tpu.memory_space<hbm>>
        tpu.wait_dma2 semaphore(%run_scoped3A_110 : memref<!tpu.dma_semaphore, #tpu.memory_space<semaphore_mem>>) src(%dma_wait3A_134 : memref<2x8192xi32, #tpu.memory_space<hbm>>) dst(%dma_wait3A_132 : memref<2x8192xi32, #tpu.memory_space<vmem>>)
        tpu.yield
      }) : () -> ()
      %dma_start3A_99 = arith.constant 0 : i32
      %dma_start3A_100 = arith.constant 0 : i32
      %dma_start3A_101 = arith.constant 0 : i32
      %dma_start3A_102 = tpu.memref_slice %arg4[%dma_start3A_99, %dma_start3A_100, %dma_start3A_101] : memref<4x2x8192xi32, #tpu.memory_space<vmem>> -> memref<1x1x8192xi32, #tpu.memory_space<vmem>>
      %dma_start3A_103 = tpu.memref_squeeze %dma_start3A_102 : memref<1x1x8192xi32, #tpu.memory_space<vmem>> -> memref<8192xi32, #tpu.memory_space<vmem>>
      %dma_start3A_104 = arith.constant 0 : i32
      %dma_start3A_105 = tpu.memref_slice %arg9[%dma_start3A_104] : memref<50000xf32, #tpu.memory_space<vmem_shared>> -> memref<50000xf32, #tpu.memory_space<vmem_shared>>
      tpu.enqueue_indirect_dma source(%arg5 : memref<8192xf32, #tpu.memory_space<vmem>>) target(%dma_start3A_105 : memref<50000xf32, #tpu.memory_space<vmem_shared>>) offsets(%dma_start3A_103 : memref<8192xi32, #tpu.memory_space<vmem>>) semaphore(%arg14 : memref<!tpu.dma_semaphore, #tpu.memory_space<semaphore_mem>>) {add = true}
      %dma_wait3A_106 = arith.constant 0 : i32
      %dma_wait3A_107 = tpu.memref_slice %arg9[%dma_wait3A_106] : memref<50000xf32, #tpu.memory_space<vmem_shared>> -> memref<8192xf32, #tpu.memory_space<vmem_shared>>
      %dma_wait3A_108 = arith.constant 0 : i32
      %dma_wait3A_109 = tpu.memref_slice %arg9[%dma_wait3A_108] : memref<50000xf32, #tpu.memory_space<vmem_shared>> -> memref<8192xf32, #tpu.memory_space<vmem_shared>>
      tpu.wait_dma2 semaphore(%arg14 : memref<!tpu.dma_semaphore, #tpu.memory_space<semaphore_mem>>) src(%arg5 : memref<8192xf32, #tpu.memory_space<vmem>>) dst(%dma_wait3A_109 : memref<8192xf32, #tpu.memory_space<vmem_shared>>)
    } else {
    }
    %eq3A = arith.constant 3 : i32
    %eq3A_76 = arith.cmpi eq, %arg1, %eq3A : i32
    %convert_element_type3A_77 = arith.extui %eq3A_76 : i1 to i32
    %cond3A_78 = arith.constant 0 : i32
    %cond3A_79 = arith.cmpi ne, %convert_element_type3A_77, %cond3A_78 : i32
    scf.if %cond3A_79 {
      %run_scoped3A = arith.constant 0 : i32
      "tpu.region"() ({
        %run_scoped3A_112 = tpu.sem_alloc : memref<!tpu.dma_semaphore, #tpu.memory_space<semaphore_mem>>
        %dma_start3A_113 = arith.constant 0 : i32
        %dma_start3A_114 = arith.constant 0 : i32
        %dma_start3A_115 = tpu.memref_slice %arg4[%run_scoped3A, %dma_start3A_113, %dma_start3A_114] : memref<4x2x8192xi32, #tpu.memory_space<vmem>> -> memref<1x2x2560xi32, #tpu.memory_space<vmem>>
        %dma_start3A_116 = tpu.memref_squeeze %dma_start3A_115 : memref<1x2x2560xi32, #tpu.memory_space<vmem>> -> memref<2x2560xi32, #tpu.memory_space<vmem>>
        %dma_start3A_117 = arith.constant 0 : i32
        %dma_start3A_118 = arith.constant 1597440 : i32
        %dma_start3A_119 = tpu.memref_slice %arg2[%dma_start3A_117, %dma_start3A_118] : memref<2x1600000xi32, #tpu.memory_space<hbm>> -> memref<2x2560xi32, #tpu.memory_space<hbm>>
        %dma_start3A_120 = arith.constant 0 : i32
        %dma_start3A_121 = arith.constant 0 : i32
        %dma_start3A_122 = tpu.memref_slice %arg4[%run_scoped3A, %dma_start3A_120, %dma_start3A_121] : memref<4x2x8192xi32, #tpu.memory_space<vmem>> -> memref<1x2x2560xi32, #tpu.memory_space<vmem>>
        %dma_start3A_123 = tpu.memref_squeeze %dma_start3A_122 : memref<1x2x2560xi32, #tpu.memory_space<vmem>> -> memref<2x2560xi32, #tpu.memory_space<vmem>>
        %dma_start3A_124 = arith.constant 0 : i32
        %dma_start3A_125 = arith.constant 1597440 : i32
        %dma_start3A_126 = tpu.memref_slice %arg2[%dma_start3A_124, %dma_start3A_125] : memref<2x1600000xi32, #tpu.memory_space<hbm>> -> memref<2x2560xi32, #tpu.memory_space<hbm>>
        tpu.enqueue_dma source(%dma_start3A_126 : memref<2x2560xi32, #tpu.memory_space<hbm>>) target(%dma_start3A_123 : memref<2x2560xi32, #tpu.memory_space<vmem>>) target_semaphore(%run_scoped3A_112 : memref<!tpu.dma_semaphore, #tpu.memory_space<semaphore_mem>>)
        %dma_wait3A_127 = arith.constant 0 : i32
        %dma_wait3A_128 = arith.constant 0 : i32
        %dma_wait3A_129 = tpu.memref_slice %arg4[%run_scoped3A, %dma_wait3A_127, %dma_wait3A_128] : memref<4x2x8192xi32, #tpu.memory_space<vmem>> -> memref<1x2x2560xi32, #tpu.memory_space<vmem>>
        %dma_wait3A_130 = tpu.memref_squeeze %dma_wait3A_129 : memref<1x2x2560xi32, #tpu.memory_space<vmem>> -> memref<2x2560xi32, #tpu.memory_space<vmem>>
        %dma_wait3A_131 = arith.constant 0 : i32
        %dma_wait3A_132 = arith.constant 1597440 : i32
        %dma_wait3A_133 = tpu.memref_slice %arg2[%dma_wait3A_131, %dma_wait3A_132] : memref<2x1600000xi32, #tpu.memory_space<hbm>> -> memref<2x2560xi32, #tpu.memory_space<hbm>>
        %dma_wait3A_134 = arith.constant 0 : i32
        %dma_wait3A_135 = arith.constant 0 : i32
        %dma_wait3A_136 = tpu.memref_slice %arg4[%run_scoped3A, %dma_wait3A_134, %dma_wait3A_135] : memref<4x2x8192xi32, #tpu.memory_space<vmem>> -> memref<1x2x2560xi32, #tpu.memory_space<vmem>>
        %dma_wait3A_137 = tpu.memref_squeeze %dma_wait3A_136 : memref<1x2x2560xi32, #tpu.memory_space<vmem>> -> memref<2x2560xi32, #tpu.memory_space<vmem>>
        %dma_wait3A_138 = arith.constant 0 : i32
        %dma_wait3A_139 = arith.constant 1597440 : i32
        %dma_wait3A_140 = tpu.memref_slice %arg2[%dma_wait3A_138, %dma_wait3A_139] : memref<2x1600000xi32, #tpu.memory_space<hbm>> -> memref<2x2560xi32, #tpu.memory_space<hbm>>
        tpu.wait_dma2 semaphore(%run_scoped3A_112 : memref<!tpu.dma_semaphore, #tpu.memory_space<semaphore_mem>>) src(%dma_wait3A_140 : memref<2x2560xi32, #tpu.memory_space<hbm>>) dst(%dma_wait3A_137 : memref<2x2560xi32, #tpu.memory_space<vmem>>)
        tpu.yield
      }) : () -> ()
      %dma_start3A_95 = arith.constant 0 : i32
      %dma_start3A_96 = arith.constant 0 : i32
      %dma_start3A_97 = arith.constant 0 : i32
      %dma_start3A_98 = tpu.memref_slice %arg5[%dma_start3A_97] : memref<8192xf32, #tpu.memory_space<vmem>> -> memref<2560xf32, #tpu.memory_space<vmem>>
      %dma_start3A_99 = arith.constant 0 : i32
      %dma_start3A_100 = tpu.memref_slice %arg4[%dma_start3A_95, %dma_start3A_96, %dma_start3A_99] : memref<4x2x8192xi32, #tpu.memory_space<vmem>> -> memref<1x1x2560xi32, #tpu.memory_space<vmem>>
      %dma_start3A_101 = tpu.memref_squeeze %dma_start3A_100 : memref<1x1x2560xi32, #tpu.memory_space<vmem>> -> memref<2560xi32, #tpu.memory_space<vmem>>
      %dma_start3A_102 = arith.constant 0 : i32
      %dma_start3A_103 = tpu.memref_slice %arg9[%dma_start3A_102] : memref<50000xf32, #tpu.memory_space<vmem_shared>> -> memref<50000xf32, #tpu.memory_space<vmem_shared>>
      tpu.enqueue_indirect_dma source(%dma_start3A_98 : memref<2560xf32, #tpu.memory_space<vmem>>) target(%dma_start3A_103 : memref<50000xf32, #tpu.memory_space<vmem_shared>>) offsets(%dma_start3A_101 : memref<2560xi32, #tpu.memory_space<vmem>>) semaphore(%arg14 : memref<!tpu.dma_semaphore, #tpu.memory_space<semaphore_mem>>) {add = true}
      %dma_wait3A_104 = arith.constant 0 : i32
      %dma_wait3A_105 = tpu.memref_slice %arg5[%dma_wait3A_104] : memref<8192xf32, #tpu.memory_space<vmem>> -> memref<2560xf32, #tpu.memory_space<vmem>>
      %dma_wait3A_106 = arith.constant 0 : i32
      %dma_wait3A_107 = tpu.memref_slice %arg9[%dma_wait3A_106] : memref<50000xf32, #tpu.memory_space<vmem_shared>> -> memref<2560xf32, #tpu.memory_space<vmem_shared>>
      %dma_wait3A_108 = arith.constant 0 : i32
      %dma_wait3A_109 = tpu.memref_slice %arg9[%dma_wait3A_108] : memref<50000xf32, #tpu.memory_space<vmem_shared>> -> memref<2560xf32, #tpu.memory_space<vmem_shared>>
      %dma_wait3A_110 = arith.constant 0 : i32
      %dma_wait3A_111 = tpu.memref_slice %arg5[%dma_wait3A_110] : memref<8192xf32, #tpu.memory_space<vmem>> -> memref<2560xf32, #tpu.memory_space<vmem>>
      tpu.wait_dma2 semaphore(%arg14 : memref<!tpu.dma_semaphore, #tpu.memory_space<semaphore_mem>>) src(%dma_wait3A_111 : memref<2560xf32, #tpu.memory_space<vmem>>) dst(%dma_wait3A_109 : memref<2560xf32, #tpu.memory_space<vmem_shared>>)
    } else {
    }
    %barrier3A_80 = arith.constant 0 : index
    tpu.barrier barrier_id(%barrier3A_80)
    %add3A_81 = arith.constant 0 : i32
    %add3A_82 = arith.addi %arg1, %add3A_81 : i32
    %lt3A_83 = arith.constant 25 : i32
    %lt3A_84 = arith.cmpi slt, %add3A_82, %lt3A_83 : i32
    %convert_element_type3A_85 = arith.extui %lt3A_84 : i1 to i32
    %cond3A_86 = arith.constant 0 : i32
    %cond3A_87 = arith.cmpi ne, %convert_element_type3A_85, %cond3A_86 : i32
    scf.if %cond3A_87 {
      %mul3A_95 = arith.constant 25000 : i32
      %mul3A_96 = arith.muli %arg0, %mul3A_95 : i32
      %mul3A_97 = arith.constant 1000 : i32
      %mul3A_98 = arith.muli %add3A_82, %mul3A_97 : i32
      %add3A_99 = arith.addi %mul3A_96, %mul3A_98 : i32
      "tpu.region"() ({
        %run_scoped3A = tpu.sem_alloc : memref<!tpu.dma_semaphore, #tpu.memory_space<semaphore_mem>>
        %dma_start3A_107 = tpu.memref_slice %arg9[%add3A_99] : memref<50000xf32, #tpu.memory_space<vmem_shared>> -> memref<1000xf32, #tpu.memory_space<vmem_shared>>
        %dma_start3A_108 = tpu.memref_slice %arg9[%add3A_99] : memref<50000xf32, #tpu.memory_space<vmem_shared>> -> memref<1000xf32, #tpu.memory_space<vmem_shared>>
        tpu.enqueue_dma source(%dma_start3A_108 : memref<1000xf32, #tpu.memory_space<vmem_shared>>) target(%arg7 : memref<1000xf32, #tpu.memory_space<vmem>>) target_semaphore(%run_scoped3A : memref<!tpu.dma_semaphore, #tpu.memory_space<semaphore_mem>>)
        %dma_wait3A_109 = tpu.memref_slice %arg9[%add3A_99] : memref<50000xf32, #tpu.memory_space<vmem_shared>> -> memref<1000xf32, #tpu.memory_space<vmem_shared>>
        %dma_wait3A_110 = tpu.memref_slice %arg9[%add3A_99] : memref<50000xf32, #tpu.memory_space<vmem_shared>> -> memref<1000xf32, #tpu.memory_space<vmem_shared>>
        tpu.wait_dma2 semaphore(%run_scoped3A : memref<!tpu.dma_semaphore, #tpu.memory_space<semaphore_mem>>) src(%dma_wait3A_110 : memref<1000xf32, #tpu.memory_space<vmem_shared>>) dst(%arg7 : memref<1000xf32, #tpu.memory_space<vmem>>)
        tpu.yield
      }) : () -> ()
      %scan3A_100 = arith.constant 0 : i32
      %scan3A_101 = arith.constant 0 : i32
      %scan3A_102 = arith.constant 63 : i32
      %scan3A_103 = arith.addi %scan3A_101, %scan3A_102 : i32
      %scan3A_104 = arith.constant 1 : i32
      %scan3A_105 = scf.for %scan3A_107 = %scan3A_101 to %scan3A_103 step %scan3A_104 iter_args(%scan3A_108 = %scan3A_100) -> (i32)  : i32 {
        %mul3A_109 = arith.constant 16 : i32
        %mul3A_110 = arith.muli %scan3A_107, %mul3A_109 : i32
        %min3A = arith.constant 984 : i32
        %min3A_111 = arith.minsi %mul3A_110, %min3A : i32
        %get3A = arith.index_cast %min3A_111 : i32 to index
        %get3A_112 = tpu.vector_load %arg7[%get3A] {strides = array<i32>} : memref<1000xf32, #tpu.memory_space<vmem>>, vector<16xf32>,
        %get3A_113 = vector.shape_cast %get3A_112 : vector<16xf32> to vector<16xf32>
        %bitcast_convert_type3A = tpu.bitcast %get3A_113 : vector<16xf32> -> vector<16xi32>
        %shift_right_arithmetic3A = arith.constant 1 : i32
        %shift_right_arithmetic3A_114 = vector.broadcast %shift_right_arithmetic3A : i32 to vector<16xi32>
        %shift_right_arithmetic3A_115 = arith.shrsi %bitcast_convert_type3A, %shift_right_arithmetic3A_114 : vector<16xi32>
        %sub3A = arith.constant 1597463007 : i32
        %sub3A_116 = vector.broadcast %sub3A : i32 to vector<16xi32>
        %sub3A_117 = arith.subi %sub3A_116, %shift_right_arithmetic3A_115 : vector<16xi32>
        %bitcast_convert_type3A_118 = tpu.bitcast %sub3A_117 : vector<16xi32> -> vector<16xf32>
        %mul3A_119 = arith.constant 5.000000e-01 : f32
        %mul3A_120 = vector.broadcast %mul3A_119 : f32 to vector<16xf32>
        %mul3A_121 = arith.mulf %mul3A_120, %get3A_113 : vector<16xf32>
        %mul3A_122 = arith.mulf %mul3A_121, %bitcast_convert_type3A_118 : vector<16xf32>
        %mul3A_123 = arith.mulf %mul3A_122, %bitcast_convert_type3A_118 : vector<16xf32>
        %sub3A_124 = arith.constant 1.500000e+00 : f32
        %sub3A_125 = vector.broadcast %sub3A_124 : f32 to vector<16xf32>
        %sub3A_126 = arith.subf %sub3A_125, %mul3A_123 : vector<16xf32>
        %mul3A_127 = arith.mulf %bitcast_convert_type3A_118, %sub3A_126 : vector<16xf32>
        %mul3A_128 = arith.constant 5.000000e-01 : f32
        %mul3A_129 = vector.broadcast %mul3A_128 : f32 to vector<16xf32>
        %mul3A_130 = arith.mulf %mul3A_129, %get3A_113 : vector<16xf32>
        %mul3A_131 = arith.mulf %mul3A_130, %mul3A_127 : vector<16xf32>
        %mul3A_132 = arith.mulf %mul3A_131, %mul3A_127 : vector<16xf32>
        %sub3A_133 = arith.constant 1.500000e+00 : f32
        %sub3A_134 = vector.broadcast %sub3A_133 : f32 to vector<16xf32>
        %sub3A_135 = arith.subf %sub3A_134, %mul3A_132 : vector<16xf32>
        %mul3A_136 = arith.mulf %mul3A_127, %sub3A_135 : vector<16xf32>
        %mul3A_137 = arith.constant 5.000000e-01 : f32
        %mul3A_138 = vector.broadcast %mul3A_137 : f32 to vector<16xf32>
        %mul3A_139 = arith.mulf %mul3A_138, %get3A_113 : vector<16xf32>
        %mul3A_140 = arith.mulf %mul3A_139, %mul3A_136 : vector<16xf32>
        %mul3A_141 = arith.mulf %mul3A_140, %mul3A_136 : vector<16xf32>
        %sub3A_142 = arith.constant 1.500000e+00 : f32
        %sub3A_143 = vector.broadcast %sub3A_142 : f32 to vector<16xf32>
        %sub3A_144 = arith.subf %sub3A_143, %mul3A_141 : vector<16xf32>
        %mul3A_145 = arith.mulf %mul3A_136, %sub3A_144 : vector<16xf32>
        %gt3A = arith.constant 0.000000e+00 : f32
        %gt3A_146 = vector.broadcast %gt3A : f32 to vector<16xf32>
        %gt3A_147 = arith.cmpf ogt, %get3A_113, %gt3A_146 : vector<16xf32>
        %jit3A = arith.constant 0.000000e+00 : f32
        %broadcast_in_dim3A = vector.broadcast %jit3A : f32 to vector<16xf32>
        %select_n3A = arith.select %gt3A_147, %mul3A_145, %broadcast_in_dim3A : vector<16xi1>, vector<16xf32>
        %broadcast_in_dim3A_148 = arith.constant 1.000000e+00 : f32
        %broadcast_in_dim3A_149 = vector.broadcast %broadcast_in_dim3A_148 : f32 to vector<16xf32>
        %slice3A = vector.extract_strided_slice %select_n3A {offsets = [0], sizes = [1], strides = [1]} : vector<16xf32> to vector<1xf32>
        %squeeze3A = vector.extract %slice3A[0] : f32 from vector<1xf32>
        %mul3A_150 = vector.broadcast %squeeze3A : f32 to vector<16xf32>
        %mul3A_151 = arith.mulf %broadcast_in_dim3A_149, %mul3A_150 : vector<16xf32>
        %add3A_152 = arith.constant 0 : i32
        %add3A_153 = arith.addi %min3A_111, %add3A_152 : i32
        %swap3A = arith.index_cast %add3A_153 : i32 to index
        %swap3A_154 = arith.constant 0 : index
        %swap3A_155 = tpu.vector_load %arg8[%swap3A, %swap3A_154] {strides = array<i32>} : memref<1000x16xf32, #tpu.memory_space<vmem>>, vector<1x16xf32>,
        %swap3A_156 = vector.shape_cast %swap3A_155 : vector<1x16xf32> to vector<16xf32>
        %swap3A_157 = vector.shape_cast %mul3A_151 : vector<16xf32> to vector<1x16xf32>
        tpu.vector_store %arg8[%swap3A, %swap3A_154], %swap3A_157 {strides = array<i32>} : memref<1000x16xf32, #tpu.memory_space<vmem>>, vector<1x16xf32>,
        %broadcast_in_dim3A_158 = arith.constant 1.000000e+00 : f32
        %broadcast_in_dim3A_159 = vector.broadcast %broadcast_in_dim3A_158 : f32 to vector<16xf32>
        %slice3A_160 = vector.extract_strided_slice %select_n3A {offsets = [1], sizes = [1], strides = [1]} : vector<16xf32> to vector<1xf32>
        %squeeze3A_161 = vector.extract %slice3A_160[0] : f32 from vector<1xf32>
        %mul3A_162 = vector.broadcast %squeeze3A_161 : f32 to vector<16xf32>
        %mul3A_163 = arith.mulf %broadcast_in_dim3A_159, %mul3A_162 : vector<16xf32>
        %add3A_164 = arith.constant 1 : i32
        %add3A_165 = arith.addi %min3A_111, %add3A_164 : i32
        %swap3A_166 = arith.index_cast %add3A_165 : i32 to index
        %swap3A_167 = arith.constant 0 : index
        %swap3A_168 = tpu.vector_load %arg8[%swap3A_166, %swap3A_167] {strides = array<i32>} : memref<1000x16xf32, #tpu.memory_space<vmem>>, vector<1x16xf32>,
        %swap3A_169 = vector.shape_cast %swap3A_168 : vector<1x16xf32> to vector<16xf32>
        %swap3A_170 = vector.shape_cast %mul3A_163 : vector<16xf32> to vector<1x16xf32>
        tpu.vector_store %arg8[%swap3A_166, %swap3A_167], %swap3A_170 {strides = array<i32>} : memref<1000x16xf32, #tpu.memory_space<vmem>>, vector<1x16xf32>,
        %broadcast_in_dim3A_171 = arith.constant 1.000000e+00 : f32
        %broadcast_in_dim3A_172 = vector.broadcast %broadcast_in_dim3A_171 : f32 to vector<16xf32>
        %slice3A_173 = vector.extract_strided_slice %select_n3A {offsets = [2], sizes = [1], strides = [1]} : vector<16xf32> to vector<1xf32>
        %squeeze3A_174 = vector.extract %slice3A_173[0] : f32 from vector<1xf32>
        %mul3A_175 = vector.broadcast %squeeze3A_174 : f32 to vector<16xf32>
        %mul3A_176 = arith.mulf %broadcast_in_dim3A_172, %mul3A_175 : vector<16xf32>
        %add3A_177 = arith.constant 2 : i32
        %add3A_178 = arith.addi %min3A_111, %add3A_177 : i32
        %swap3A_179 = arith.index_cast %add3A_178 : i32 to index
        %swap3A_180 = arith.constant 0 : index
        %swap3A_181 = tpu.vector_load %arg8[%swap3A_179, %swap3A_180] {strides = array<i32>} : memref<1000x16xf32, #tpu.memory_space<vmem>>, vector<1x16xf32>,
        %swap3A_182 = vector.shape_cast %swap3A_181 : vector<1x16xf32> to vector<16xf32>
        %swap3A_183 = vector.shape_cast %mul3A_176 : vector<16xf32> to vector<1x16xf32>
        tpu.vector_store %arg8[%swap3A_179, %swap3A_180], %swap3A_183 {strides = array<i32>} : memref<1000x16xf32, #tpu.memory_space<vmem>>, vector<1x16xf32>,
        %broadcast_in_dim3A_184 = arith.constant 1.000000e+00 : f32
        %broadcast_in_dim3A_185 = vector.broadcast %broadcast_in_dim3A_184 : f32 to vector<16xf32>
        %slice3A_186 = vector.extract_strided_slice %select_n3A {offsets = [3], sizes = [1], strides = [1]} : vector<16xf32> to vector<1xf32>
        %squeeze3A_187 = vector.extract %slice3A_186[0] : f32 from vector<1xf32>
        %mul3A_188 = vector.broadcast %squeeze3A_187 : f32 to vector<16xf32>
        %mul3A_189 = arith.mulf %broadcast_in_dim3A_185, %mul3A_188 : vector<16xf32>
        %add3A_190 = arith.constant 3 : i32
        %add3A_191 = arith.addi %min3A_111, %add3A_190 : i32
        %swap3A_192 = arith.index_cast %add3A_191 : i32 to index
        %swap3A_193 = arith.constant 0 : index
        %swap3A_194 = tpu.vector_load %arg8[%swap3A_192, %swap3A_193] {strides = array<i32>} : memref<1000x16xf32, #tpu.memory_space<vmem>>, vector<1x16xf32>,
        %swap3A_195 = vector.shape_cast %swap3A_194 : vector<1x16xf32> to vector<16xf32>
        %swap3A_196 = vector.shape_cast %mul3A_189 : vector<16xf32> to vector<1x16xf32>
        tpu.vector_store %arg8[%swap3A_192, %swap3A_193], %swap3A_196 {strides = array<i32>} : memref<1000x16xf32, #tpu.memory_space<vmem>>, vector<1x16xf32>,
        %broadcast_in_dim3A_197 = arith.constant 1.000000e+00 : f32
        %broadcast_in_dim3A_198 = vector.broadcast %broadcast_in_dim3A_197 : f32 to vector<16xf32>
        %slice3A_199 = vector.extract_strided_slice %select_n3A {offsets = [4], sizes = [1], strides = [1]} : vector<16xf32> to vector<1xf32>
        %squeeze3A_200 = vector.extract %slice3A_199[0] : f32 from vector<1xf32>
        %mul3A_201 = vector.broadcast %squeeze3A_200 : f32 to vector<16xf32>
        %mul3A_202 = arith.mulf %broadcast_in_dim3A_198, %mul3A_201 : vector<16xf32>
        %add3A_203 = arith.constant 4 : i32
        %add3A_204 = arith.addi %min3A_111, %add3A_203 : i32
        %swap3A_205 = arith.index_cast %add3A_204 : i32 to index
        %swap3A_206 = arith.constant 0 : index
        %swap3A_207 = tpu.vector_load %arg8[%swap3A_205, %swap3A_206] {strides = array<i32>} : memref<1000x16xf32, #tpu.memory_space<vmem>>, vector<1x16xf32>,
        %swap3A_208 = vector.shape_cast %swap3A_207 : vector<1x16xf32> to vector<16xf32>
        %swap3A_209 = vector.shape_cast %mul3A_202 : vector<16xf32> to vector<1x16xf32>
        tpu.vector_store %arg8[%swap3A_205, %swap3A_206], %swap3A_209 {strides = array<i32>} : memref<1000x16xf32, #tpu.memory_space<vmem>>, vector<1x16xf32>,
        %broadcast_in_dim3A_210 = arith.constant 1.000000e+00 : f32
        %broadcast_in_dim3A_211 = vector.broadcast %broadcast_in_dim3A_210 : f32 to vector<16xf32>
        %slice3A_212 = vector.extract_strided_slice %select_n3A {offsets = [5], sizes = [1], strides = [1]} : vector<16xf32> to vector<1xf32>
        %squeeze3A_213 = vector.extract %slice3A_212[0] : f32 from vector<1xf32>
        %mul3A_214 = vector.broadcast %squeeze3A_213 : f32 to vector<16xf32>
        %mul3A_215 = arith.mulf %broadcast_in_dim3A_211, %mul3A_214 : vector<16xf32>
        %add3A_216 = arith.constant 5 : i32
        %add3A_217 = arith.addi %min3A_111, %add3A_216 : i32
        %swap3A_218 = arith.index_cast %add3A_217 : i32 to index
        %swap3A_219 = arith.constant 0 : index
        %swap3A_220 = tpu.vector_load %arg8[%swap3A_218, %swap3A_219] {strides = array<i32>} : memref<1000x16xf32, #tpu.memory_space<vmem>>, vector<1x16xf32>,
        %swap3A_221 = vector.shape_cast %swap3A_220 : vector<1x16xf32> to vector<16xf32>
        %swap3A_222 = vector.shape_cast %mul3A_215 : vector<16xf32> to vector<1x16xf32>
        tpu.vector_store %arg8[%swap3A_218, %swap3A_219], %swap3A_222 {strides = array<i32>} : memref<1000x16xf32, #tpu.memory_space<vmem>>, vector<1x16xf32>,
        %broadcast_in_dim3A_223 = arith.constant 1.000000e+00 : f32
        %broadcast_in_dim3A_224 = vector.broadcast %broadcast_in_dim3A_223 : f32 to vector<16xf32>
        %slice3A_225 = vector.extract_strided_slice %select_n3A {offsets = [6], sizes = [1], strides = [1]} : vector<16xf32> to vector<1xf32>
        %squeeze3A_226 = vector.extract %slice3A_225[0] : f32 from vector<1xf32>
        %mul3A_227 = vector.broadcast %squeeze3A_226 : f32 to vector<16xf32>
        %mul3A_228 = arith.mulf %broadcast_in_dim3A_224, %mul3A_227 : vector<16xf32>
        %add3A_229 = arith.constant 6 : i32
        %add3A_230 = arith.addi %min3A_111, %add3A_229 : i32
        %swap3A_231 = arith.index_cast %add3A_230 : i32 to index
        %swap3A_232 = arith.constant 0 : index
        %swap3A_233 = tpu.vector_load %arg8[%swap3A_231, %swap3A_232] {strides = array<i32>} : memref<1000x16xf32, #tpu.memory_space<vmem>>, vector<1x16xf32>,
        %swap3A_234 = vector.shape_cast %swap3A_233 : vector<1x16xf32> to vector<16xf32>
        %swap3A_235 = vector.shape_cast %mul3A_228 : vector<16xf32> to vector<1x16xf32>
        tpu.vector_store %arg8[%swap3A_231, %swap3A_232], %swap3A_235 {strides = array<i32>} : memref<1000x16xf32, #tpu.memory_space<vmem>>, vector<1x16xf32>,
        %broadcast_in_dim3A_236 = arith.constant 1.000000e+00 : f32
        %broadcast_in_dim3A_237 = vector.broadcast %broadcast_in_dim3A_236 : f32 to vector<16xf32>
        %slice3A_238 = vector.extract_strided_slice %select_n3A {offsets = [7], sizes = [1], strides = [1]} : vector<16xf32> to vector<1xf32>
        %squeeze3A_239 = vector.extract %slice3A_238[0] : f32 from vector<1xf32>
        %mul3A_240 = vector.broadcast %squeeze3A_239 : f32 to vector<16xf32>
        %mul3A_241 = arith.mulf %broadcast_in_dim3A_237, %mul3A_240 : vector<16xf32>
        %add3A_242 = arith.constant 7 : i32
        %add3A_243 = arith.addi %min3A_111, %add3A_242 : i32
        %swap3A_244 = arith.index_cast %add3A_243 : i32 to index
        %swap3A_245 = arith.constant 0 : index
        %swap3A_246 = tpu.vector_load %arg8[%swap3A_244, %swap3A_245] {strides = array<i32>} : memref<1000x16xf32, #tpu.memory_space<vmem>>, vector<1x16xf32>,
        %swap3A_247 = vector.shape_cast %swap3A_246 : vector<1x16xf32> to vector<16xf32>
        %swap3A_248 = vector.shape_cast %mul3A_241 : vector<16xf32> to vector<1x16xf32>
        tpu.vector_store %arg8[%swap3A_244, %swap3A_245], %swap3A_248 {strides = array<i32>} : memref<1000x16xf32, #tpu.memory_space<vmem>>, vector<1x16xf32>,
        %broadcast_in_dim3A_249 = arith.constant 1.000000e+00 : f32
        %broadcast_in_dim3A_250 = vector.broadcast %broadcast_in_dim3A_249 : f32 to vector<16xf32>
        %slice3A_251 = vector.extract_strided_slice %select_n3A {offsets = [8], sizes = [1], strides = [1]} : vector<16xf32> to vector<1xf32>
        %squeeze3A_252 = vector.extract %slice3A_251[0] : f32 from vector<1xf32>
        %mul3A_253 = vector.broadcast %squeeze3A_252 : f32 to vector<16xf32>
        %mul3A_254 = arith.mulf %broadcast_in_dim3A_250, %mul3A_253 : vector<16xf32>
        %add3A_255 = arith.constant 8 : i32
        %add3A_256 = arith.addi %min3A_111, %add3A_255 : i32
        %swap3A_257 = arith.index_cast %add3A_256 : i32 to index
        %swap3A_258 = arith.constant 0 : index
        %swap3A_259 = tpu.vector_load %arg8[%swap3A_257, %swap3A_258] {strides = array<i32>} : memref<1000x16xf32, #tpu.memory_space<vmem>>, vector<1x16xf32>,
        %swap3A_260 = vector.shape_cast %swap3A_259 : vector<1x16xf32> to vector<16xf32>
        %swap3A_261 = vector.shape_cast %mul3A_254 : vector<16xf32> to vector<1x16xf32>
        tpu.vector_store %arg8[%swap3A_257, %swap3A_258], %swap3A_261 {strides = array<i32>} : memref<1000x16xf32, #tpu.memory_space<vmem>>, vector<1x16xf32>,
        %broadcast_in_dim3A_262 = arith.constant 1.000000e+00 : f32
        %broadcast_in_dim3A_263 = vector.broadcast %broadcast_in_dim3A_262 : f32 to vector<16xf32>
        %slice3A_264 = vector.extract_strided_slice %select_n3A {offsets = [9], sizes = [1], strides = [1]} : vector<16xf32> to vector<1xf32>
        %squeeze3A_265 = vector.extract %slice3A_264[0] : f32 from vector<1xf32>
        %mul3A_266 = vector.broadcast %squeeze3A_265 : f32 to vector<16xf32>
        %mul3A_267 = arith.mulf %broadcast_in_dim3A_263, %mul3A_266 : vector<16xf32>
        %add3A_268 = arith.constant 9 : i32
        %add3A_269 = arith.addi %min3A_111, %add3A_268 : i32
        %swap3A_270 = arith.index_cast %add3A_269 : i32 to index
        %swap3A_271 = arith.constant 0 : index
        %swap3A_272 = tpu.vector_load %arg8[%swap3A_270, %swap3A_271] {strides = array<i32>} : memref<1000x16xf32, #tpu.memory_space<vmem>>, vector<1x16xf32>,
        %swap3A_273 = vector.shape_cast %swap3A_272 : vector<1x16xf32> to vector<16xf32>
        %swap3A_274 = vector.shape_cast %mul3A_267 : vector<16xf32> to vector<1x16xf32>
        tpu.vector_store %arg8[%swap3A_270, %swap3A_271], %swap3A_274 {strides = array<i32>} : memref<1000x16xf32, #tpu.memory_space<vmem>>, vector<1x16xf32>,
        %broadcast_in_dim3A_275 = arith.constant 1.000000e+00 : f32
        %broadcast_in_dim3A_276 = vector.broadcast %broadcast_in_dim3A_275 : f32 to vector<16xf32>
        %slice3A_277 = vector.extract_strided_slice %select_n3A {offsets = [10], sizes = [1], strides = [1]} : vector<16xf32> to vector<1xf32>
        %squeeze3A_278 = vector.extract %slice3A_277[0] : f32 from vector<1xf32>
        %mul3A_279 = vector.broadcast %squeeze3A_278 : f32 to vector<16xf32>
        %mul3A_280 = arith.mulf %broadcast_in_dim3A_276, %mul3A_279 : vector<16xf32>
        %add3A_281 = arith.constant 10 : i32
        %add3A_282 = arith.addi %min3A_111, %add3A_281 : i32
        %swap3A_283 = arith.index_cast %add3A_282 : i32 to index
        %swap3A_284 = arith.constant 0 : index
        %swap3A_285 = tpu.vector_load %arg8[%swap3A_283, %swap3A_284] {strides = array<i32>} : memref<1000x16xf32, #tpu.memory_space<vmem>>, vector<1x16xf32>,
        %swap3A_286 = vector.shape_cast %swap3A_285 : vector<1x16xf32> to vector<16xf32>
        %swap3A_287 = vector.shape_cast %mul3A_280 : vector<16xf32> to vector<1x16xf32>
        tpu.vector_store %arg8[%swap3A_283, %swap3A_284], %swap3A_287 {strides = array<i32>} : memref<1000x16xf32, #tpu.memory_space<vmem>>, vector<1x16xf32>,
        %broadcast_in_dim3A_288 = arith.constant 1.000000e+00 : f32
        %broadcast_in_dim3A_289 = vector.broadcast %broadcast_in_dim3A_288 : f32 to vector<16xf32>
        %slice3A_290 = vector.extract_strided_slice %select_n3A {offsets = [11], sizes = [1], strides = [1]} : vector<16xf32> to vector<1xf32>
        %squeeze3A_291 = vector.extract %slice3A_290[0] : f32 from vector<1xf32>
        %mul3A_292 = vector.broadcast %squeeze3A_291 : f32 to vector<16xf32>
        %mul3A_293 = arith.mulf %broadcast_in_dim3A_289, %mul3A_292 : vector<16xf32>
        %add3A_294 = arith.constant 11 : i32
        %add3A_295 = arith.addi %min3A_111, %add3A_294 : i32
        %swap3A_296 = arith.index_cast %add3A_295 : i32 to index
        %swap3A_297 = arith.constant 0 : index
        %swap3A_298 = tpu.vector_load %arg8[%swap3A_296, %swap3A_297] {strides = array<i32>} : memref<1000x16xf32, #tpu.memory_space<vmem>>, vector<1x16xf32>,
        %swap3A_299 = vector.shape_cast %swap3A_298 : vector<1x16xf32> to vector<16xf32>
        %swap3A_300 = vector.shape_cast %mul3A_293 : vector<16xf32> to vector<1x16xf32>
        tpu.vector_store %arg8[%swap3A_296, %swap3A_297], %swap3A_300 {strides = array<i32>} : memref<1000x16xf32, #tpu.memory_space<vmem>>, vector<1x16xf32>,
        %broadcast_in_dim3A_301 = arith.constant 1.000000e+00 : f32
        %broadcast_in_dim3A_302 = vector.broadcast %broadcast_in_dim3A_301 : f32 to vector<16xf32>
        %slice3A_303 = vector.extract_strided_slice %select_n3A {offsets = [12], sizes = [1], strides = [1]} : vector<16xf32> to vector<1xf32>
        %squeeze3A_304 = vector.extract %slice3A_303[0] : f32 from vector<1xf32>
        %mul3A_305 = vector.broadcast %squeeze3A_304 : f32 to vector<16xf32>
        %mul3A_306 = arith.mulf %broadcast_in_dim3A_302, %mul3A_305 : vector<16xf32>
        %add3A_307 = arith.constant 12 : i32
        %add3A_308 = arith.addi %min3A_111, %add3A_307 : i32
        %swap3A_309 = arith.index_cast %add3A_308 : i32 to index
        %swap3A_310 = arith.constant 0 : index
        %swap3A_311 = tpu.vector_load %arg8[%swap3A_309, %swap3A_310] {strides = array<i32>} : memref<1000x16xf32, #tpu.memory_space<vmem>>, vector<1x16xf32>,
        %swap3A_312 = vector.shape_cast %swap3A_311 : vector<1x16xf32> to vector<16xf32>
        %swap3A_313 = vector.shape_cast %mul3A_306 : vector<16xf32> to vector<1x16xf32>
        tpu.vector_store %arg8[%swap3A_309, %swap3A_310], %swap3A_313 {strides = array<i32>} : memref<1000x16xf32, #tpu.memory_space<vmem>>, vector<1x16xf32>,
        %broadcast_in_dim3A_314 = arith.constant 1.000000e+00 : f32
        %broadcast_in_dim3A_315 = vector.broadcast %broadcast_in_dim3A_314 : f32 to vector<16xf32>
        %slice3A_316 = vector.extract_strided_slice %select_n3A {offsets = [13], sizes = [1], strides = [1]} : vector<16xf32> to vector<1xf32>
        %squeeze3A_317 = vector.extract %slice3A_316[0] : f32 from vector<1xf32>
        %mul3A_318 = vector.broadcast %squeeze3A_317 : f32 to vector<16xf32>
        %mul3A_319 = arith.mulf %broadcast_in_dim3A_315, %mul3A_318 : vector<16xf32>
        %add3A_320 = arith.constant 13 : i32
        %add3A_321 = arith.addi %min3A_111, %add3A_320 : i32
        %swap3A_322 = arith.index_cast %add3A_321 : i32 to index
        %swap3A_323 = arith.constant 0 : index
        %swap3A_324 = tpu.vector_load %arg8[%swap3A_322, %swap3A_323] {strides = array<i32>} : memref<1000x16xf32, #tpu.memory_space<vmem>>, vector<1x16xf32>,
        %swap3A_325 = vector.shape_cast %swap3A_324 : vector<1x16xf32> to vector<16xf32>
        %swap3A_326 = vector.shape_cast %mul3A_319 : vector<16xf32> to vector<1x16xf32>
        tpu.vector_store %arg8[%swap3A_322, %swap3A_323], %swap3A_326 {strides = array<i32>} : memref<1000x16xf32, #tpu.memory_space<vmem>>, vector<1x16xf32>,
        %broadcast_in_dim3A_327 = arith.constant 1.000000e+00 : f32
        %broadcast_in_dim3A_328 = vector.broadcast %broadcast_in_dim3A_327 : f32 to vector<16xf32>
        %slice3A_329 = vector.extract_strided_slice %select_n3A {offsets = [14], sizes = [1], strides = [1]} : vector<16xf32> to vector<1xf32>
        %squeeze3A_330 = vector.extract %slice3A_329[0] : f32 from vector<1xf32>
        %mul3A_331 = vector.broadcast %squeeze3A_330 : f32 to vector<16xf32>
        %mul3A_332 = arith.mulf %broadcast_in_dim3A_328, %mul3A_331 : vector<16xf32>
        %add3A_333 = arith.constant 14 : i32
        %add3A_334 = arith.addi %min3A_111, %add3A_333 : i32
        %swap3A_335 = arith.index_cast %add3A_334 : i32 to index
        %swap3A_336 = arith.constant 0 : index
        %swap3A_337 = tpu.vector_load %arg8[%swap3A_335, %swap3A_336] {strides = array<i32>} : memref<1000x16xf32, #tpu.memory_space<vmem>>, vector<1x16xf32>,
        %swap3A_338 = vector.shape_cast %swap3A_337 : vector<1x16xf32> to vector<16xf32>
        %swap3A_339 = vector.shape_cast %mul3A_332 : vector<16xf32> to vector<1x16xf32>
        tpu.vector_store %arg8[%swap3A_335, %swap3A_336], %swap3A_339 {strides = array<i32>} : memref<1000x16xf32, #tpu.memory_space<vmem>>, vector<1x16xf32>,
        %broadcast_in_dim3A_340 = arith.constant 1.000000e+00 : f32
        %broadcast_in_dim3A_341 = vector.broadcast %broadcast_in_dim3A_340 : f32 to vector<16xf32>
        %slice3A_342 = vector.extract_strided_slice %select_n3A {offsets = [15], sizes = [1], strides = [1]} : vector<16xf32> to vector<1xf32>
        %squeeze3A_343 = vector.extract %slice3A_342[0] : f32 from vector<1xf32>
        %mul3A_344 = vector.broadcast %squeeze3A_343 : f32 to vector<16xf32>
        %mul3A_345 = arith.mulf %broadcast_in_dim3A_341, %mul3A_344 : vector<16xf32>
        %add3A_346 = arith.constant 15 : i32
        %add3A_347 = arith.addi %min3A_111, %add3A_346 : i32
        %swap3A_348 = arith.index_cast %add3A_347 : i32 to index
        %swap3A_349 = arith.constant 0 : index
        %swap3A_350 = tpu.vector_load %arg8[%swap3A_348, %swap3A_349] {strides = array<i32>} : memref<1000x16xf32, #tpu.memory_space<vmem>>, vector<1x16xf32>,
        %swap3A_351 = vector.shape_cast %swap3A_350 : vector<1x16xf32> to vector<16xf32>
        %swap3A_352 = vector.shape_cast %mul3A_345 : vector<16xf32> to vector<1x16xf32>
        tpu.vector_store %arg8[%swap3A_348, %swap3A_349], %swap3A_352 {strides = array<i32>} : memref<1000x16xf32, #tpu.memory_space<vmem>>, vector<1x16xf32>,
        %scan3A_353 = arith.constant 0 : i32
        scf.yield %scan3A_353 : i32
      }
      %scan3A_106 = arith.constant 63 : i32
      "tpu.region"() ({
        %run_scoped3A = tpu.sem_alloc : memref<!tpu.dma_semaphore, #tpu.memory_space<semaphore_mem>>
        %dma_start3A_107 = arith.constant 0 : i32
        %dma_start3A_108 = tpu.memref_slice %arg3[%add3A_99, %dma_start3A_107] : memref<50000x16xf32, #tpu.memory_space<hbm>> -> memref<1000x16xf32, #tpu.memory_space<hbm>>
        %dma_start3A_109 = arith.constant 0 : i32
        %dma_start3A_110 = tpu.memref_slice %arg3[%add3A_99, %dma_start3A_109] : memref<50000x16xf32, #tpu.memory_space<hbm>> -> memref<1000x16xf32, #tpu.memory_space<hbm>>
        tpu.enqueue_dma source(%arg8 : memref<1000x16xf32, #tpu.memory_space<vmem>>) target(%dma_start3A_110 : memref<1000x16xf32, #tpu.memory_space<hbm>>) target_semaphore(%run_scoped3A : memref<!tpu.dma_semaphore, #tpu.memory_space<semaphore_mem>>)
        %dma_wait3A_111 = arith.constant 0 : i32
        %dma_wait3A_112 = tpu.memref_slice %arg3[%add3A_99, %dma_wait3A_111] : memref<50000x16xf32, #tpu.memory_space<hbm>> -> memref<1000x16xf32, #tpu.memory_space<hbm>>
        %dma_wait3A_113 = arith.constant 0 : i32
        %dma_wait3A_114 = tpu.memref_slice %arg3[%add3A_99, %dma_wait3A_113] : memref<50000x16xf32, #tpu.memory_space<hbm>> -> memref<1000x16xf32, #tpu.memory_space<hbm>>
        tpu.wait_dma2 semaphore(%run_scoped3A : memref<!tpu.dma_semaphore, #tpu.memory_space<semaphore_mem>>) src(%arg8 : memref<1000x16xf32, #tpu.memory_space<vmem>>) dst(%dma_wait3A_114 : memref<1000x16xf32, #tpu.memory_space<hbm>>)
        tpu.yield
      }) : () -> ()
    } else {
    }
    %add3A_88 = arith.constant 16 : i32
    %add3A_89 = arith.addi %arg1, %add3A_88 : i32
    %lt3A_90 = arith.constant 25 : i32
    %lt3A_91 = arith.cmpi slt, %add3A_89, %lt3A_90 : i32
    %convert_element_type3A_92 = arith.extui %lt3A_91 : i1 to i32
    %cond3A_93 = arith.constant 0 : i32
    %cond3A_94 = arith.cmpi ne, %convert_element_type3A_92, %cond3A_93 : i32
    scf.if %cond3A_94 {
      %mul3A_95 = arith.constant 25000 : i32
      %mul3A_96 = arith.muli %arg0, %mul3A_95 : i32
      %mul3A_97 = arith.constant 1000 : i32
      %mul3A_98 = arith.muli %add3A_89, %mul3A_97 : i32
      %add3A_99 = arith.addi %mul3A_96, %mul3A_98 : i32
      "tpu.region"() ({
        %run_scoped3A = tpu.sem_alloc : memref<!tpu.dma_semaphore, #tpu.memory_space<semaphore_mem>>
        %dma_start3A_107 = tpu.memref_slice %arg9[%add3A_99] : memref<50000xf32, #tpu.memory_space<vmem_shared>> -> memref<1000xf32, #tpu.memory_space<vmem_shared>>
        %dma_start3A_108 = tpu.memref_slice %arg9[%add3A_99] : memref<50000xf32, #tpu.memory_space<vmem_shared>> -> memref<1000xf32, #tpu.memory_space<vmem_shared>>
        tpu.enqueue_dma source(%dma_start3A_108 : memref<1000xf32, #tpu.memory_space<vmem_shared>>) target(%arg7 : memref<1000xf32, #tpu.memory_space<vmem>>) target_semaphore(%run_scoped3A : memref<!tpu.dma_semaphore, #tpu.memory_space<semaphore_mem>>)
        %dma_wait3A_109 = tpu.memref_slice %arg9[%add3A_99] : memref<50000xf32, #tpu.memory_space<vmem_shared>> -> memref<1000xf32, #tpu.memory_space<vmem_shared>>
        %dma_wait3A_110 = tpu.memref_slice %arg9[%add3A_99] : memref<50000xf32, #tpu.memory_space<vmem_shared>> -> memref<1000xf32, #tpu.memory_space<vmem_shared>>
        tpu.wait_dma2 semaphore(%run_scoped3A : memref<!tpu.dma_semaphore, #tpu.memory_space<semaphore_mem>>) src(%dma_wait3A_110 : memref<1000xf32, #tpu.memory_space<vmem_shared>>) dst(%arg7 : memref<1000xf32, #tpu.memory_space<vmem>>)
        tpu.yield
      }) : () -> ()
      %scan3A_100 = arith.constant 0 : i32
      %scan3A_101 = arith.constant 0 : i32
      %scan3A_102 = arith.constant 63 : i32
      %scan3A_103 = arith.addi %scan3A_101, %scan3A_102 : i32
      %scan3A_104 = arith.constant 1 : i32
      %scan3A_105 = scf.for %scan3A_107 = %scan3A_101 to %scan3A_103 step %scan3A_104 iter_args(%scan3A_108 = %scan3A_100) -> (i32)  : i32 {
        %mul3A_109 = arith.constant 16 : i32
        %mul3A_110 = arith.muli %scan3A_107, %mul3A_109 : i32
        %min3A = arith.constant 984 : i32
        %min3A_111 = arith.minsi %mul3A_110, %min3A : i32
        %get3A = arith.index_cast %min3A_111 : i32 to index
        %get3A_112 = tpu.vector_load %arg7[%get3A] {strides = array<i32>} : memref<1000xf32, #tpu.memory_space<vmem>>, vector<16xf32>,
        %get3A_113 = vector.shape_cast %get3A_112 : vector<16xf32> to vector<16xf32>
        %bitcast_convert_type3A = tpu.bitcast %get3A_113 : vector<16xf32> -> vector<16xi32>
        %shift_right_arithmetic3A = arith.constant 1 : i32
        %shift_right_arithmetic3A_114 = vector.broadcast %shift_right_arithmetic3A : i32 to vector<16xi32>
        %shift_right_arithmetic3A_115 = arith.shrsi %bitcast_convert_type3A, %shift_right_arithmetic3A_114 : vector<16xi32>
        %sub3A = arith.constant 1597463007 : i32
        %sub3A_116 = vector.broadcast %sub3A : i32 to vector<16xi32>
        %sub3A_117 = arith.subi %sub3A_116, %shift_right_arithmetic3A_115 : vector<16xi32>
        %bitcast_convert_type3A_118 = tpu.bitcast %sub3A_117 : vector<16xi32> -> vector<16xf32>
        %mul3A_119 = arith.constant 5.000000e-01 : f32
        %mul3A_120 = vector.broadcast %mul3A_119 : f32 to vector<16xf32>
        %mul3A_121 = arith.mulf %mul3A_120, %get3A_113 : vector<16xf32>
        %mul3A_122 = arith.mulf %mul3A_121, %bitcast_convert_type3A_118 : vector<16xf32>
        %mul3A_123 = arith.mulf %mul3A_122, %bitcast_convert_type3A_118 : vector<16xf32>
        %sub3A_124 = arith.constant 1.500000e+00 : f32
        %sub3A_125 = vector.broadcast %sub3A_124 : f32 to vector<16xf32>
        %sub3A_126 = arith.subf %sub3A_125, %mul3A_123 : vector<16xf32>
        %mul3A_127 = arith.mulf %bitcast_convert_type3A_118, %sub3A_126 : vector<16xf32>
        %mul3A_128 = arith.constant 5.000000e-01 : f32
        %mul3A_129 = vector.broadcast %mul3A_128 : f32 to vector<16xf32>
        %mul3A_130 = arith.mulf %mul3A_129, %get3A_113 : vector<16xf32>
        %mul3A_131 = arith.mulf %mul3A_130, %mul3A_127 : vector<16xf32>
        %mul3A_132 = arith.mulf %mul3A_131, %mul3A_127 : vector<16xf32>
        %sub3A_133 = arith.constant 1.500000e+00 : f32
        %sub3A_134 = vector.broadcast %sub3A_133 : f32 to vector<16xf32>
        %sub3A_135 = arith.subf %sub3A_134, %mul3A_132 : vector<16xf32>
        %mul3A_136 = arith.mulf %mul3A_127, %sub3A_135 : vector<16xf32>
        %mul3A_137 = arith.constant 5.000000e-01 : f32
        %mul3A_138 = vector.broadcast %mul3A_137 : f32 to vector<16xf32>
        %mul3A_139 = arith.mulf %mul3A_138, %get3A_113 : vector<16xf32>
        %mul3A_140 = arith.mulf %mul3A_139, %mul3A_136 : vector<16xf32>
        %mul3A_141 = arith.mulf %mul3A_140, %mul3A_136 : vector<16xf32>
        %sub3A_142 = arith.constant 1.500000e+00 : f32
        %sub3A_143 = vector.broadcast %sub3A_142 : f32 to vector<16xf32>
        %sub3A_144 = arith.subf %sub3A_143, %mul3A_141 : vector<16xf32>
        %mul3A_145 = arith.mulf %mul3A_136, %sub3A_144 : vector<16xf32>
        %gt3A = arith.constant 0.000000e+00 : f32
        %gt3A_146 = vector.broadcast %gt3A : f32 to vector<16xf32>
        %gt3A_147 = arith.cmpf ogt, %get3A_113, %gt3A_146 : vector<16xf32>
        %jit3A = arith.constant 0.000000e+00 : f32
        %broadcast_in_dim3A = vector.broadcast %jit3A : f32 to vector<16xf32>
        %select_n3A = arith.select %gt3A_147, %mul3A_145, %broadcast_in_dim3A : vector<16xi1>, vector<16xf32>
        %broadcast_in_dim3A_148 = arith.constant 1.000000e+00 : f32
        %broadcast_in_dim3A_149 = vector.broadcast %broadcast_in_dim3A_148 : f32 to vector<16xf32>
        %slice3A = vector.extract_strided_slice %select_n3A {offsets = [0], sizes = [1], strides = [1]} : vector<16xf32> to vector<1xf32>
        %squeeze3A = vector.extract %slice3A[0] : f32 from vector<1xf32>
        %mul3A_150 = vector.broadcast %squeeze3A : f32 to vector<16xf32>
        %mul3A_151 = arith.mulf %broadcast_in_dim3A_149, %mul3A_150 : vector<16xf32>
        %add3A_152 = arith.constant 0 : i32
        %add3A_153 = arith.addi %min3A_111, %add3A_152 : i32
        %swap3A = arith.index_cast %add3A_153 : i32 to index
        %swap3A_154 = arith.constant 0 : index
        %swap3A_155 = tpu.vector_load %arg8[%swap3A, %swap3A_154] {strides = array<i32>} : memref<1000x16xf32, #tpu.memory_space<vmem>>, vector<1x16xf32>,
        %swap3A_156 = vector.shape_cast %swap3A_155 : vector<1x16xf32> to vector<16xf32>
        %swap3A_157 = vector.shape_cast %mul3A_151 : vector<16xf32> to vector<1x16xf32>
        tpu.vector_store %arg8[%swap3A, %swap3A_154], %swap3A_157 {strides = array<i32>} : memref<1000x16xf32, #tpu.memory_space<vmem>>, vector<1x16xf32>,
        %broadcast_in_dim3A_158 = arith.constant 1.000000e+00 : f32
        %broadcast_in_dim3A_159 = vector.broadcast %broadcast_in_dim3A_158 : f32 to vector<16xf32>
        %slice3A_160 = vector.extract_strided_slice %select_n3A {offsets = [1], sizes = [1], strides = [1]} : vector<16xf32> to vector<1xf32>
        %squeeze3A_161 = vector.extract %slice3A_160[0] : f32 from vector<1xf32>
        %mul3A_162 = vector.broadcast %squeeze3A_161 : f32 to vector<16xf32>
        %mul3A_163 = arith.mulf %broadcast_in_dim3A_159, %mul3A_162 : vector<16xf32>
        %add3A_164 = arith.constant 1 : i32
        %add3A_165 = arith.addi %min3A_111, %add3A_164 : i32
        %swap3A_166 = arith.index_cast %add3A_165 : i32 to index
        %swap3A_167 = arith.constant 0 : index
        %swap3A_168 = tpu.vector_load %arg8[%swap3A_166, %swap3A_167] {strides = array<i32>} : memref<1000x16xf32, #tpu.memory_space<vmem>>, vector<1x16xf32>,
        %swap3A_169 = vector.shape_cast %swap3A_168 : vector<1x16xf32> to vector<16xf32>
        %swap3A_170 = vector.shape_cast %mul3A_163 : vector<16xf32> to vector<1x16xf32>
        tpu.vector_store %arg8[%swap3A_166, %swap3A_167], %swap3A_170 {strides = array<i32>} : memref<1000x16xf32, #tpu.memory_space<vmem>>, vector<1x16xf32>,
        %broadcast_in_dim3A_171 = arith.constant 1.000000e+00 : f32
        %broadcast_in_dim3A_172 = vector.broadcast %broadcast_in_dim3A_171 : f32 to vector<16xf32>
        %slice3A_173 = vector.extract_strided_slice %select_n3A {offsets = [2], sizes = [1], strides = [1]} : vector<16xf32> to vector<1xf32>
        %squeeze3A_174 = vector.extract %slice3A_173[0] : f32 from vector<1xf32>
        %mul3A_175 = vector.broadcast %squeeze3A_174 : f32 to vector<16xf32>
        %mul3A_176 = arith.mulf %broadcast_in_dim3A_172, %mul3A_175 : vector<16xf32>
        %add3A_177 = arith.constant 2 : i32
        %add3A_178 = arith.addi %min3A_111, %add3A_177 : i32
        %swap3A_179 = arith.index_cast %add3A_178 : i32 to index
        %swap3A_180 = arith.constant 0 : index
        %swap3A_181 = tpu.vector_load %arg8[%swap3A_179, %swap3A_180] {strides = array<i32>} : memref<1000x16xf32, #tpu.memory_space<vmem>>, vector<1x16xf32>,
        %swap3A_182 = vector.shape_cast %swap3A_181 : vector<1x16xf32> to vector<16xf32>
        %swap3A_183 = vector.shape_cast %mul3A_176 : vector<16xf32> to vector<1x16xf32>
        tpu.vector_store %arg8[%swap3A_179, %swap3A_180], %swap3A_183 {strides = array<i32>} : memref<1000x16xf32, #tpu.memory_space<vmem>>, vector<1x16xf32>,
        %broadcast_in_dim3A_184 = arith.constant 1.000000e+00 : f32
        %broadcast_in_dim3A_185 = vector.broadcast %broadcast_in_dim3A_184 : f32 to vector<16xf32>
        %slice3A_186 = vector.extract_strided_slice %select_n3A {offsets = [3], sizes = [1], strides = [1]} : vector<16xf32> to vector<1xf32>
        %squeeze3A_187 = vector.extract %slice3A_186[0] : f32 from vector<1xf32>
        %mul3A_188 = vector.broadcast %squeeze3A_187 : f32 to vector<16xf32>
        %mul3A_189 = arith.mulf %broadcast_in_dim3A_185, %mul3A_188 : vector<16xf32>
        %add3A_190 = arith.constant 3 : i32
        %add3A_191 = arith.addi %min3A_111, %add3A_190 : i32
        %swap3A_192 = arith.index_cast %add3A_191 : i32 to index
        %swap3A_193 = arith.constant 0 : index
        %swap3A_194 = tpu.vector_load %arg8[%swap3A_192, %swap3A_193] {strides = array<i32>} : memref<1000x16xf32, #tpu.memory_space<vmem>>, vector<1x16xf32>,
        %swap3A_195 = vector.shape_cast %swap3A_194 : vector<1x16xf32> to vector<16xf32>
        %swap3A_196 = vector.shape_cast %mul3A_189 : vector<16xf32> to vector<1x16xf32>
        tpu.vector_store %arg8[%swap3A_192, %swap3A_193], %swap3A_196 {strides = array<i32>} : memref<1000x16xf32, #tpu.memory_space<vmem>>, vector<1x16xf32>,
        %broadcast_in_dim3A_197 = arith.constant 1.000000e+00 : f32
        %broadcast_in_dim3A_198 = vector.broadcast %broadcast_in_dim3A_197 : f32 to vector<16xf32>
        %slice3A_199 = vector.extract_strided_slice %select_n3A {offsets = [4], sizes = [1], strides = [1]} : vector<16xf32> to vector<1xf32>
        %squeeze3A_200 = vector.extract %slice3A_199[0] : f32 from vector<1xf32>
        %mul3A_201 = vector.broadcast %squeeze3A_200 : f32 to vector<16xf32>
        %mul3A_202 = arith.mulf %broadcast_in_dim3A_198, %mul3A_201 : vector<16xf32>
        %add3A_203 = arith.constant 4 : i32
        %add3A_204 = arith.addi %min3A_111, %add3A_203 : i32
        %swap3A_205 = arith.index_cast %add3A_204 : i32 to index
        %swap3A_206 = arith.constant 0 : index
        %swap3A_207 = tpu.vector_load %arg8[%swap3A_205, %swap3A_206] {strides = array<i32>} : memref<1000x16xf32, #tpu.memory_space<vmem>>, vector<1x16xf32>,
        %swap3A_208 = vector.shape_cast %swap3A_207 : vector<1x16xf32> to vector<16xf32>
        %swap3A_209 = vector.shape_cast %mul3A_202 : vector<16xf32> to vector<1x16xf32>
        tpu.vector_store %arg8[%swap3A_205, %swap3A_206], %swap3A_209 {strides = array<i32>} : memref<1000x16xf32, #tpu.memory_space<vmem>>, vector<1x16xf32>,
        %broadcast_in_dim3A_210 = arith.constant 1.000000e+00 : f32
        %broadcast_in_dim3A_211 = vector.broadcast %broadcast_in_dim3A_210 : f32 to vector<16xf32>
        %slice3A_212 = vector.extract_strided_slice %select_n3A {offsets = [5], sizes = [1], strides = [1]} : vector<16xf32> to vector<1xf32>
        %squeeze3A_213 = vector.extract %slice3A_212[0] : f32 from vector<1xf32>
        %mul3A_214 = vector.broadcast %squeeze3A_213 : f32 to vector<16xf32>
        %mul3A_215 = arith.mulf %broadcast_in_dim3A_211, %mul3A_214 : vector<16xf32>
        %add3A_216 = arith.constant 5 : i32
        %add3A_217 = arith.addi %min3A_111, %add3A_216 : i32
        %swap3A_218 = arith.index_cast %add3A_217 : i32 to index
        %swap3A_219 = arith.constant 0 : index
        %swap3A_220 = tpu.vector_load %arg8[%swap3A_218, %swap3A_219] {strides = array<i32>} : memref<1000x16xf32, #tpu.memory_space<vmem>>, vector<1x16xf32>,
        %swap3A_221 = vector.shape_cast %swap3A_220 : vector<1x16xf32> to vector<16xf32>
        %swap3A_222 = vector.shape_cast %mul3A_215 : vector<16xf32> to vector<1x16xf32>
        tpu.vector_store %arg8[%swap3A_218, %swap3A_219], %swap3A_222 {strides = array<i32>} : memref<1000x16xf32, #tpu.memory_space<vmem>>, vector<1x16xf32>,
        %broadcast_in_dim3A_223 = arith.constant 1.000000e+00 : f32
        %broadcast_in_dim3A_224 = vector.broadcast %broadcast_in_dim3A_223 : f32 to vector<16xf32>
        %slice3A_225 = vector.extract_strided_slice %select_n3A {offsets = [6], sizes = [1], strides = [1]} : vector<16xf32> to vector<1xf32>
        %squeeze3A_226 = vector.extract %slice3A_225[0] : f32 from vector<1xf32>
        %mul3A_227 = vector.broadcast %squeeze3A_226 : f32 to vector<16xf32>
        %mul3A_228 = arith.mulf %broadcast_in_dim3A_224, %mul3A_227 : vector<16xf32>
        %add3A_229 = arith.constant 6 : i32
        %add3A_230 = arith.addi %min3A_111, %add3A_229 : i32
        %swap3A_231 = arith.index_cast %add3A_230 : i32 to index
        %swap3A_232 = arith.constant 0 : index
        %swap3A_233 = tpu.vector_load %arg8[%swap3A_231, %swap3A_232] {strides = array<i32>} : memref<1000x16xf32, #tpu.memory_space<vmem>>, vector<1x16xf32>,
        %swap3A_234 = vector.shape_cast %swap3A_233 : vector<1x16xf32> to vector<16xf32>
        %swap3A_235 = vector.shape_cast %mul3A_228 : vector<16xf32> to vector<1x16xf32>
        tpu.vector_store %arg8[%swap3A_231, %swap3A_232], %swap3A_235 {strides = array<i32>} : memref<1000x16xf32, #tpu.memory_space<vmem>>, vector<1x16xf32>,
        %broadcast_in_dim3A_236 = arith.constant 1.000000e+00 : f32
        %broadcast_in_dim3A_237 = vector.broadcast %broadcast_in_dim3A_236 : f32 to vector<16xf32>
        %slice3A_238 = vector.extract_strided_slice %select_n3A {offsets = [7], sizes = [1], strides = [1]} : vector<16xf32> to vector<1xf32>
        %squeeze3A_239 = vector.extract %slice3A_238[0] : f32 from vector<1xf32>
        %mul3A_240 = vector.broadcast %squeeze3A_239 : f32 to vector<16xf32>
        %mul3A_241 = arith.mulf %broadcast_in_dim3A_237, %mul3A_240 : vector<16xf32>
        %add3A_242 = arith.constant 7 : i32
        %add3A_243 = arith.addi %min3A_111, %add3A_242 : i32
        %swap3A_244 = arith.index_cast %add3A_243 : i32 to index
        %swap3A_245 = arith.constant 0 : index
        %swap3A_246 = tpu.vector_load %arg8[%swap3A_244, %swap3A_245] {strides = array<i32>} : memref<1000x16xf32, #tpu.memory_space<vmem>>, vector<1x16xf32>,
        %swap3A_247 = vector.shape_cast %swap3A_246 : vector<1x16xf32> to vector<16xf32>
        %swap3A_248 = vector.shape_cast %mul3A_241 : vector<16xf32> to vector<1x16xf32>
        tpu.vector_store %arg8[%swap3A_244, %swap3A_245], %swap3A_248 {strides = array<i32>} : memref<1000x16xf32, #tpu.memory_space<vmem>>, vector<1x16xf32>,
        %broadcast_in_dim3A_249 = arith.constant 1.000000e+00 : f32
        %broadcast_in_dim3A_250 = vector.broadcast %broadcast_in_dim3A_249 : f32 to vector<16xf32>
        %slice3A_251 = vector.extract_strided_slice %select_n3A {offsets = [8], sizes = [1], strides = [1]} : vector<16xf32> to vector<1xf32>
        %squeeze3A_252 = vector.extract %slice3A_251[0] : f32 from vector<1xf32>
        %mul3A_253 = vector.broadcast %squeeze3A_252 : f32 to vector<16xf32>
        %mul3A_254 = arith.mulf %broadcast_in_dim3A_250, %mul3A_253 : vector<16xf32>
        %add3A_255 = arith.constant 8 : i32
        %add3A_256 = arith.addi %min3A_111, %add3A_255 : i32
        %swap3A_257 = arith.index_cast %add3A_256 : i32 to index
        %swap3A_258 = arith.constant 0 : index
        %swap3A_259 = tpu.vector_load %arg8[%swap3A_257, %swap3A_258] {strides = array<i32>} : memref<1000x16xf32, #tpu.memory_space<vmem>>, vector<1x16xf32>,
        %swap3A_260 = vector.shape_cast %swap3A_259 : vector<1x16xf32> to vector<16xf32>
        %swap3A_261 = vector.shape_cast %mul3A_254 : vector<16xf32> to vector<1x16xf32>
        tpu.vector_store %arg8[%swap3A_257, %swap3A_258], %swap3A_261 {strides = array<i32>} : memref<1000x16xf32, #tpu.memory_space<vmem>>, vector<1x16xf32>,
        %broadcast_in_dim3A_262 = arith.constant 1.000000e+00 : f32
        %broadcast_in_dim3A_263 = vector.broadcast %broadcast_in_dim3A_262 : f32 to vector<16xf32>
        %slice3A_264 = vector.extract_strided_slice %select_n3A {offsets = [9], sizes = [1], strides = [1]} : vector<16xf32> to vector<1xf32>
        %squeeze3A_265 = vector.extract %slice3A_264[0] : f32 from vector<1xf32>
        %mul3A_266 = vector.broadcast %squeeze3A_265 : f32 to vector<16xf32>
        %mul3A_267 = arith.mulf %broadcast_in_dim3A_263, %mul3A_266 : vector<16xf32>
        %add3A_268 = arith.constant 9 : i32
        %add3A_269 = arith.addi %min3A_111, %add3A_268 : i32
        %swap3A_270 = arith.index_cast %add3A_269 : i32 to index
        %swap3A_271 = arith.constant 0 : index
        %swap3A_272 = tpu.vector_load %arg8[%swap3A_270, %swap3A_271] {strides = array<i32>} : memref<1000x16xf32, #tpu.memory_space<vmem>>, vector<1x16xf32>,
        %swap3A_273 = vector.shape_cast %swap3A_272 : vector<1x16xf32> to vector<16xf32>
        %swap3A_274 = vector.shape_cast %mul3A_267 : vector<16xf32> to vector<1x16xf32>
        tpu.vector_store %arg8[%swap3A_270, %swap3A_271], %swap3A_274 {strides = array<i32>} : memref<1000x16xf32, #tpu.memory_space<vmem>>, vector<1x16xf32>,
        %broadcast_in_dim3A_275 = arith.constant 1.000000e+00 : f32
        %broadcast_in_dim3A_276 = vector.broadcast %broadcast_in_dim3A_275 : f32 to vector<16xf32>
        %slice3A_277 = vector.extract_strided_slice %select_n3A {offsets = [10], sizes = [1], strides = [1]} : vector<16xf32> to vector<1xf32>
        %squeeze3A_278 = vector.extract %slice3A_277[0] : f32 from vector<1xf32>
        %mul3A_279 = vector.broadcast %squeeze3A_278 : f32 to vector<16xf32>
        %mul3A_280 = arith.mulf %broadcast_in_dim3A_276, %mul3A_279 : vector<16xf32>
        %add3A_281 = arith.constant 10 : i32
        %add3A_282 = arith.addi %min3A_111, %add3A_281 : i32
        %swap3A_283 = arith.index_cast %add3A_282 : i32 to index
        %swap3A_284 = arith.constant 0 : index
        %swap3A_285 = tpu.vector_load %arg8[%swap3A_283, %swap3A_284] {strides = array<i32>} : memref<1000x16xf32, #tpu.memory_space<vmem>>, vector<1x16xf32>,
        %swap3A_286 = vector.shape_cast %swap3A_285 : vector<1x16xf32> to vector<16xf32>
        %swap3A_287 = vector.shape_cast %mul3A_280 : vector<16xf32> to vector<1x16xf32>
        tpu.vector_store %arg8[%swap3A_283, %swap3A_284], %swap3A_287 {strides = array<i32>} : memref<1000x16xf32, #tpu.memory_space<vmem>>, vector<1x16xf32>,
        %broadcast_in_dim3A_288 = arith.constant 1.000000e+00 : f32
        %broadcast_in_dim3A_289 = vector.broadcast %broadcast_in_dim3A_288 : f32 to vector<16xf32>
        %slice3A_290 = vector.extract_strided_slice %select_n3A {offsets = [11], sizes = [1], strides = [1]} : vector<16xf32> to vector<1xf32>
        %squeeze3A_291 = vector.extract %slice3A_290[0] : f32 from vector<1xf32>
        %mul3A_292 = vector.broadcast %squeeze3A_291 : f32 to vector<16xf32>
        %mul3A_293 = arith.mulf %broadcast_in_dim3A_289, %mul3A_292 : vector<16xf32>
        %add3A_294 = arith.constant 11 : i32
        %add3A_295 = arith.addi %min3A_111, %add3A_294 : i32
        %swap3A_296 = arith.index_cast %add3A_295 : i32 to index
        %swap3A_297 = arith.constant 0 : index
        %swap3A_298 = tpu.vector_load %arg8[%swap3A_296, %swap3A_297] {strides = array<i32>} : memref<1000x16xf32, #tpu.memory_space<vmem>>, vector<1x16xf32>,
        %swap3A_299 = vector.shape_cast %swap3A_298 : vector<1x16xf32> to vector<16xf32>
        %swap3A_300 = vector.shape_cast %mul3A_293 : vector<16xf32> to vector<1x16xf32>
        tpu.vector_store %arg8[%swap3A_296, %swap3A_297], %swap3A_300 {strides = array<i32>} : memref<1000x16xf32, #tpu.memory_space<vmem>>, vector<1x16xf32>,
        %broadcast_in_dim3A_301 = arith.constant 1.000000e+00 : f32
        %broadcast_in_dim3A_302 = vector.broadcast %broadcast_in_dim3A_301 : f32 to vector<16xf32>
        %slice3A_303 = vector.extract_strided_slice %select_n3A {offsets = [12], sizes = [1], strides = [1]} : vector<16xf32> to vector<1xf32>
        %squeeze3A_304 = vector.extract %slice3A_303[0] : f32 from vector<1xf32>
        %mul3A_305 = vector.broadcast %squeeze3A_304 : f32 to vector<16xf32>
        %mul3A_306 = arith.mulf %broadcast_in_dim3A_302, %mul3A_305 : vector<16xf32>
        %add3A_307 = arith.constant 12 : i32
        %add3A_308 = arith.addi %min3A_111, %add3A_307 : i32
        %swap3A_309 = arith.index_cast %add3A_308 : i32 to index
        %swap3A_310 = arith.constant 0 : index
        %swap3A_311 = tpu.vector_load %arg8[%swap3A_309, %swap3A_310] {strides = array<i32>} : memref<1000x16xf32, #tpu.memory_space<vmem>>, vector<1x16xf32>,
        %swap3A_312 = vector.shape_cast %swap3A_311 : vector<1x16xf32> to vector<16xf32>
        %swap3A_313 = vector.shape_cast %mul3A_306 : vector<16xf32> to vector<1x16xf32>
        tpu.vector_store %arg8[%swap3A_309, %swap3A_310], %swap3A_313 {strides = array<i32>} : memref<1000x16xf32, #tpu.memory_space<vmem>>, vector<1x16xf32>,
        %broadcast_in_dim3A_314 = arith.constant 1.000000e+00 : f32
        %broadcast_in_dim3A_315 = vector.broadcast %broadcast_in_dim3A_314 : f32 to vector<16xf32>
        %slice3A_316 = vector.extract_strided_slice %select_n3A {offsets = [13], sizes = [1], strides = [1]} : vector<16xf32> to vector<1xf32>
        %squeeze3A_317 = vector.extract %slice3A_316[0] : f32 from vector<1xf32>
        %mul3A_318 = vector.broadcast %squeeze3A_317 : f32 to vector<16xf32>
        %mul3A_319 = arith.mulf %broadcast_in_dim3A_315, %mul3A_318 : vector<16xf32>
        %add3A_320 = arith.constant 13 : i32
        %add3A_321 = arith.addi %min3A_111, %add3A_320 : i32
        %swap3A_322 = arith.index_cast %add3A_321 : i32 to index
        %swap3A_323 = arith.constant 0 : index
        %swap3A_324 = tpu.vector_load %arg8[%swap3A_322, %swap3A_323] {strides = array<i32>} : memref<1000x16xf32, #tpu.memory_space<vmem>>, vector<1x16xf32>,
        %swap3A_325 = vector.shape_cast %swap3A_324 : vector<1x16xf32> to vector<16xf32>
        %swap3A_326 = vector.shape_cast %mul3A_319 : vector<16xf32> to vector<1x16xf32>
        tpu.vector_store %arg8[%swap3A_322, %swap3A_323], %swap3A_326 {strides = array<i32>} : memref<1000x16xf32, #tpu.memory_space<vmem>>, vector<1x16xf32>,
        %broadcast_in_dim3A_327 = arith.constant 1.000000e+00 : f32
        %broadcast_in_dim3A_328 = vector.broadcast %broadcast_in_dim3A_327 : f32 to vector<16xf32>
        %slice3A_329 = vector.extract_strided_slice %select_n3A {offsets = [14], sizes = [1], strides = [1]} : vector<16xf32> to vector<1xf32>
        %squeeze3A_330 = vector.extract %slice3A_329[0] : f32 from vector<1xf32>
        %mul3A_331 = vector.broadcast %squeeze3A_330 : f32 to vector<16xf32>
        %mul3A_332 = arith.mulf %broadcast_in_dim3A_328, %mul3A_331 : vector<16xf32>
        %add3A_333 = arith.constant 14 : i32
        %add3A_334 = arith.addi %min3A_111, %add3A_333 : i32
        %swap3A_335 = arith.index_cast %add3A_334 : i32 to index
        %swap3A_336 = arith.constant 0 : index
        %swap3A_337 = tpu.vector_load %arg8[%swap3A_335, %swap3A_336] {strides = array<i32>} : memref<1000x16xf32, #tpu.memory_space<vmem>>, vector<1x16xf32>,
        %swap3A_338 = vector.shape_cast %swap3A_337 : vector<1x16xf32> to vector<16xf32>
        %swap3A_339 = vector.shape_cast %mul3A_332 : vector<16xf32> to vector<1x16xf32>
        tpu.vector_store %arg8[%swap3A_335, %swap3A_336], %swap3A_339 {strides = array<i32>} : memref<1000x16xf32, #tpu.memory_space<vmem>>, vector<1x16xf32>,
        %broadcast_in_dim3A_340 = arith.constant 1.000000e+00 : f32
        %broadcast_in_dim3A_341 = vector.broadcast %broadcast_in_dim3A_340 : f32 to vector<16xf32>
        %slice3A_342 = vector.extract_strided_slice %select_n3A {offsets = [15], sizes = [1], strides = [1]} : vector<16xf32> to vector<1xf32>
        %squeeze3A_343 = vector.extract %slice3A_342[0] : f32 from vector<1xf32>
        %mul3A_344 = vector.broadcast %squeeze3A_343 : f32 to vector<16xf32>
        %mul3A_345 = arith.mulf %broadcast_in_dim3A_341, %mul3A_344 : vector<16xf32>
        %add3A_346 = arith.constant 15 : i32
        %add3A_347 = arith.addi %min3A_111, %add3A_346 : i32
        %swap3A_348 = arith.index_cast %add3A_347 : i32 to index
        %swap3A_349 = arith.constant 0 : index
        %swap3A_350 = tpu.vector_load %arg8[%swap3A_348, %swap3A_349] {strides = array<i32>} : memref<1000x16xf32, #tpu.memory_space<vmem>>, vector<1x16xf32>,
        %swap3A_351 = vector.shape_cast %swap3A_350 : vector<1x16xf32> to vector<16xf32>
        %swap3A_352 = vector.shape_cast %mul3A_345 : vector<16xf32> to vector<1x16xf32>
        tpu.vector_store %arg8[%swap3A_348, %swap3A_349], %swap3A_352 {strides = array<i32>} : memref<1000x16xf32, #tpu.memory_space<vmem>>, vector<1x16xf32>,
        %scan3A_353 = arith.constant 0 : i32
        scf.yield %scan3A_353 : i32
      }
      %scan3A_106 = arith.constant 63 : i32
      "tpu.region"() ({
        %run_scoped3A = tpu.sem_alloc : memref<!tpu.dma_semaphore, #tpu.memory_space<semaphore_mem>>
        %dma_start3A_107 = arith.constant 0 : i32
        %dma_start3A_108 = tpu.memref_slice %arg3[%add3A_99, %dma_start3A_107] : memref<50000x16xf32, #tpu.memory_space<hbm>> -> memref<1000x16xf32, #tpu.memory_space<hbm>>
        %dma_start3A_109 = arith.constant 0 : i32
        %dma_start3A_110 = tpu.memref_slice %arg3[%add3A_99, %dma_start3A_109] : memref<50000x16xf32, #tpu.memory_space<hbm>> -> memref<1000x16xf32, #tpu.memory_space<hbm>>
        tpu.enqueue_dma source(%arg8 : memref<1000x16xf32, #tpu.memory_space<vmem>>) target(%dma_start3A_110 : memref<1000x16xf32, #tpu.memory_space<hbm>>) target_semaphore(%run_scoped3A : memref<!tpu.dma_semaphore, #tpu.memory_space<semaphore_mem>>)
        %dma_wait3A_111 = arith.constant 0 : i32
        %dma_wait3A_112 = tpu.memref_slice %arg3[%add3A_99, %dma_wait3A_111] : memref<50000x16xf32, #tpu.memory_space<hbm>> -> memref<1000x16xf32, #tpu.memory_space<hbm>>
        %dma_wait3A_113 = arith.constant 0 : i32
        %dma_wait3A_114 = tpu.memref_slice %arg3[%add3A_99, %dma_wait3A_113] : memref<50000x16xf32, #tpu.memory_space<hbm>> -> memref<1000x16xf32, #tpu.memory_space<hbm>>
        tpu.wait_dma2 semaphore(%run_scoped3A : memref<!tpu.dma_semaphore, #tpu.memory_space<semaphore_mem>>) src(%arg8 : memref<1000x16xf32, #tpu.memory_space<vmem>>) dst(%dma_wait3A_114 : memref<1000x16xf32, #tpu.memory_space<hbm>>)
        tpu.yield
      }) : () -> ()
    } else {
    }
    return
  }
}

module attributes {stable_mosaic.version = 14 : i64} {
  func.func @_enc_body(%arg0: i32, %arg1: memref<630x4096xf32, #tpu.memory_space<vmem>>, %arg2: memref<630x16xf32, #tpu.memory_space<vmem>>, %arg3: memref<1x16xf32, #tpu.memory_space<vmem>>, %arg4: memref<4096x16xf32, #tpu.memory_space<vmem>>) attributes {dimension_semantics = [#tpu.dimension_semantics<arbitrary>], iteration_bounds = array<i64: 13>, scalar_prefetch = 0 : i64, scratch_operands = 0 : i64, tpu.core_type = #tpu.core_type<tc>, window_params = [{transform_indices = @transform_0, window_bounds = array<i64: 630, 4096>}, {pipeline_mode = #tpu.pipeline_mode<synchronous>, transform_indices = @transform_1, window_bounds = array<i64: 630, 16>}, {pipeline_mode = #tpu.pipeline_mode<synchronous>, transform_indices = @transform_2, window_bounds = array<i64: 1, 16>}, {transform_indices = @transform_3, window_bounds = array<i64: 4096, 16>}]} {
    %get3A = arith.constant 0 : index
    %get3A_0 = arith.constant 0 : index
    %get3A_1 = vector.load %arg1[%get3A, %get3A_0] : memref<630x4096xf32, #tpu.memory_space<vmem>>, vector<630x4096xf32>
    %get3A_2 = arith.constant 0 : index
    %get3A_3 = arith.constant 0 : index
    %get3A_4 = vector.load %arg2[%get3A_2, %get3A_3] : memref<630x16xf32, #tpu.memory_space<vmem>>, vector<630x16xf32>
    %dot_general3A = arith.constant dense<0.000000e+00> : vector<4096x16xf32>
    %dot_general3A_5 = tpu.matmul %get3A_1, %get3A_4, %dot_general3A {dimension_numbers = #tpu.dot_dimension_numbers<[0], [0], [1], [1], [0, 1, 1, 1], [], []>, transpose_lhs_hint = false} : vector<630x4096xf32>, vector<630x16xf32>, vector<4096x16xf32> -> vector<4096x16xf32>
    %get3A_6 = arith.constant 0 : index
    %get3A_7 = arith.constant 0 : index
    %get3A_8 = vector.load %arg3[%get3A_6, %get3A_7] : memref<1x16xf32, #tpu.memory_space<vmem>>, vector<1x16xf32>
    %add3A = vector.broadcast %get3A_8 : vector<1x16xf32> to vector<4096x16xf32>
    %add3A_9 = arith.addf %dot_general3A_5, %add3A : vector<4096x16xf32>
    %swap3A = arith.constant 0 : index
    %swap3A_10 = arith.constant 0 : index
    %swap3A_11 = vector.load %arg4[%swap3A, %swap3A_10] : memref<4096x16xf32, #tpu.memory_space<vmem>>, vector<4096x16xf32>
    tpu.vector_store %arg4[%swap3A, %swap3A_10], %add3A_9 {strides = array<i32>} : memref<4096x16xf32, #tpu.memory_space<vmem>>, vector<4096x16xf32>,
    return
  }
  func.func @transform_0(%arg0: i32) -> (i32, i32) {
    %c0_i32 = arith.constant 0 : i32
    %c0_i32_0 = arith.constant 0 : i32
    return %c0_i32, %arg0 : i32, i32
  }
  func.func @transform_1(%arg0: i32) -> (i32, i32) {
    %c0_i32 = arith.constant 0 : i32
    %c0_i32_0 = arith.constant 0 : i32
    %c0_i32_1 = arith.constant 0 : i32
    return %c0_i32, %c0_i32_0 : i32, i32
  }
  func.func @transform_2(%arg0: i32) -> (i32, i32) {
    %c0_i32 = arith.constant 0 : i32
    %c0_i32_0 = arith.constant 0 : i32
    %c0_i32_1 = arith.constant 0 : i32
    return %c0_i32, %c0_i32_0 : i32, i32
  }
  func.func @transform_3(%arg0: i32) -> (i32, i32) {
    %c0_i32 = arith.constant 0 : i32
    %c0_i32_0 = arith.constant 0 : i32
    return %arg0, %c0_i32 : i32, i32
  }
}

module attributes {stable_mosaic.version = 14 : i64} {
  func.func @_fin_body(%arg0: i32, %arg1: memref<4096x16xf32, #tpu.memory_space<vmem>>, %arg2: memref<4096x16xf32, #tpu.memory_space<vmem>>, %arg3: memref<2x4096x16xf32, #tpu.memory_space<vmem>>, %arg4: memref<16x64xf32, #tpu.memory_space<vmem>>, %arg5: memref<16x64xf32, #tpu.memory_space<vmem>>, %arg6: memref<1x64xf32, #tpu.memory_space<vmem>>, %arg7: memref<16x64xf32, #tpu.memory_space<vmem>>, %arg8: memref<16x64xf32, #tpu.memory_space<vmem>>, %arg9: memref<1x64xf32, #tpu.memory_space<vmem>>, %arg10: memref<64x1xf32, #tpu.memory_space<vmem>>, %arg11: memref<1x1xf32, #tpu.memory_space<vmem>>, %arg12: memref<1x4096xf32, #tpu.memory_space<vmem>>) attributes {dimension_semantics = [#tpu.dimension_semantics<arbitrary>], iteration_bounds = array<i64: 13>, scalar_prefetch = 0 : i64, scratch_operands = 0 : i64, tpu.core_type = #tpu.core_type<tc>, window_params = [{transform_indices = @transform_0, window_bounds = array<i64: 4096, 16>}, {transform_indices = @transform_1, window_bounds = array<i64: 4096, 16>}, {transform_indices = @transform_2, window_bounds = array<i64: 2, 4096, 16>}, {pipeline_mode = #tpu.pipeline_mode<synchronous>, transform_indices = @transform_3, window_bounds = array<i64: 16, 64>}, {pipeline_mode = #tpu.pipeline_mode<synchronous>, transform_indices = @transform_4, window_bounds = array<i64: 16, 64>}, {pipeline_mode = #tpu.pipeline_mode<synchronous>, transform_indices = @transform_5, window_bounds = array<i64: 1, 64>}, {pipeline_mode = #tpu.pipeline_mode<synchronous>, transform_indices = @transform_6, window_bounds = array<i64: 16, 64>}, {pipeline_mode = #tpu.pipeline_mode<synchronous>, transform_indices = @transform_7, window_bounds = array<i64: 16, 64>}, {pipeline_mode = #tpu.pipeline_mode<synchronous>, transform_indices = @transform_8, window_bounds = array<i64: 1, 64>}, {pipeline_mode = #tpu.pipeline_mode<synchronous>, transform_indices = @transform_9, window_bounds = array<i64: 64, 1>}, {pipeline_mode = #tpu.pipeline_mode<synchronous>, transform_indices = @transform_10, window_bounds = array<i64: 1, 1>}, {transform_indices = @transform_11, window_bounds = array<i64: 1, 4096>}]} {
    %get3A = arith.constant 0 : index
    %get3A_0 = arith.constant 0 : index
    %get3A_1 = vector.load %arg1[%get3A, %get3A_0] : memref<4096x16xf32, #tpu.memory_space<vmem>>, vector<4096x16xf32>
    %get3A_2 = arith.constant 0 : index
    %get3A_3 = arith.constant 0 : index
    %get3A_4 = vector.load %arg2[%get3A_2, %get3A_3] : memref<4096x16xf32, #tpu.memory_space<vmem>>, vector<4096x16xf32>
    %sub3A = arith.constant 0.000000e+00 : f32
    %sub3A_5 = vector.broadcast %sub3A : f32 to vector<4096x16xf32>
    %sub3A_6 = arith.subf %sub3A_5, %get3A_4 : vector<4096x16xf32>
    %get3A_7 = arith.constant 0 : index
    %get3A_8 = arith.constant 0 : index
    %get3A_9 = arith.constant 0 : index
    %get3A_10 = vector.load %arg3[%get3A_7, %get3A_8, %get3A_9] : memref<2x4096x16xf32, #tpu.memory_space<vmem>>, vector<1x4096x16xf32>
    %get3A_11 = vector.shape_cast %get3A_10 : vector<1x4096x16xf32> to vector<4096x16xf32>
    %get3A_12 = arith.constant 1 : index
    %get3A_13 = arith.constant 0 : index
    %get3A_14 = arith.constant 0 : index
    %get3A_15 = vector.load %arg3[%get3A_12, %get3A_13, %get3A_14] : memref<2x4096x16xf32, #tpu.memory_space<vmem>>, vector<1x4096x16xf32>
    %get3A_16 = vector.shape_cast %get3A_15 : vector<1x4096x16xf32> to vector<4096x16xf32>
    %add3A = arith.addf %get3A_11, %get3A_16 : vector<4096x16xf32>
    %mul3A = arith.mulf %sub3A_6, %add3A : vector<4096x16xf32>
    %get3A_17 = arith.constant 0 : index
    %get3A_18 = arith.constant 0 : index
    %get3A_19 = vector.load %arg4[%get3A_17, %get3A_18] : memref<16x64xf32, #tpu.memory_space<vmem>>, vector<16x64xf32>
    %dot_general3A = arith.constant dense<0.000000e+00> : vector<4096x64xf32>
    %dot_general3A_20 = tpu.matmul %get3A_1, %get3A_19, %dot_general3A {dimension_numbers = #tpu.dot_dimension_numbers<[1], [0], [0], [1], [0, 0, 1, 1], [], []>, transpose_lhs_hint = false} : vector<4096x16xf32>, vector<16x64xf32>, vector<4096x64xf32> -> vector<4096x64xf32>
    %get3A_21 = arith.constant 0 : index
    %get3A_22 = arith.constant 0 : index
    %get3A_23 = vector.load %arg5[%get3A_21, %get3A_22] : memref<16x64xf32, #tpu.memory_space<vmem>>, vector<16x64xf32>
    %dot_general3A_24 = arith.constant dense<0.000000e+00> : vector<4096x64xf32>
    %dot_general3A_25 = tpu.matmul %mul3A, %get3A_23, %dot_general3A_24 {dimension_numbers = #tpu.dot_dimension_numbers<[1], [0], [0], [1], [0, 0, 1, 1], [], []>, transpose_lhs_hint = false} : vector<4096x16xf32>, vector<16x64xf32>, vector<4096x64xf32> -> vector<4096x64xf32>
    %add3A_26 = arith.addf %dot_general3A_20, %dot_general3A_25 : vector<4096x64xf32>
    %get3A_27 = arith.constant 0 : index
    %get3A_28 = arith.constant 0 : index
    %get3A_29 = vector.load %arg6[%get3A_27, %get3A_28] : memref<1x64xf32, #tpu.memory_space<vmem>>, vector<1x64xf32>
    %add3A_30 = vector.broadcast %get3A_29 : vector<1x64xf32> to vector<4096x64xf32>
    %add3A_31 = arith.addf %add3A_26, %add3A_30 : vector<4096x64xf32>
    %logistic3A = arith.negf %add3A_31 : vector<4096x64xf32>
    %logistic3A_32 = math.exp %logistic3A : vector<4096x64xf32>
    %logistic3A_33 = arith.constant 1.000000e+00 : f32
    %logistic3A_34 = vector.broadcast %logistic3A_33 : f32 to vector<4096x64xf32>
    %logistic3A_35 = arith.addf %logistic3A_34, %logistic3A_32 : vector<4096x64xf32>
    %logistic3A_36 = arith.divf %logistic3A_34, %logistic3A_35 : vector<4096x64xf32>
    %get3A_37 = arith.constant 0 : index
    %get3A_38 = arith.constant 0 : index
    %get3A_39 = vector.load %arg7[%get3A_37, %get3A_38] : memref<16x64xf32, #tpu.memory_space<vmem>>, vector<16x64xf32>
    %dot_general3A_40 = arith.constant dense<0.000000e+00> : vector<4096x64xf32>
    %dot_general3A_41 = tpu.matmul %get3A_1, %get3A_39, %dot_general3A_40 {dimension_numbers = #tpu.dot_dimension_numbers<[1], [0], [0], [1], [0, 0, 1, 1], [], []>, transpose_lhs_hint = false} : vector<4096x16xf32>, vector<16x64xf32>, vector<4096x64xf32> -> vector<4096x64xf32>
    %get3A_42 = arith.constant 0 : index
    %get3A_43 = arith.constant 0 : index
    %get3A_44 = vector.load %arg8[%get3A_42, %get3A_43] : memref<16x64xf32, #tpu.memory_space<vmem>>, vector<16x64xf32>
    %dot_general3A_45 = arith.constant dense<0.000000e+00> : vector<4096x64xf32>
    %dot_general3A_46 = tpu.matmul %mul3A, %get3A_44, %dot_general3A_45 {dimension_numbers = #tpu.dot_dimension_numbers<[1], [0], [0], [1], [0, 0, 1, 1], [], []>, transpose_lhs_hint = false} : vector<4096x16xf32>, vector<16x64xf32>, vector<4096x64xf32> -> vector<4096x64xf32>
    %add3A_47 = arith.addf %dot_general3A_41, %dot_general3A_46 : vector<4096x64xf32>
    %get3A_48 = arith.constant 0 : index
    %get3A_49 = arith.constant 0 : index
    %get3A_50 = vector.load %arg9[%get3A_48, %get3A_49] : memref<1x64xf32, #tpu.memory_space<vmem>>, vector<1x64xf32>
    %add3A_51 = vector.broadcast %get3A_50 : vector<1x64xf32> to vector<4096x64xf32>
    %add3A_52 = arith.addf %add3A_47, %add3A_51 : vector<4096x64xf32>
    %tanh3A = math.tanh %add3A_52 : vector<4096x64xf32>
    %sub3A_53 = arith.constant 1.000000e+00 : f32
    %sub3A_54 = vector.broadcast %sub3A_53 : f32 to vector<4096x64xf32>
    %sub3A_55 = arith.subf %sub3A_54, %logistic3A_36 : vector<4096x64xf32>
    %mul3A_56 = arith.mulf %sub3A_55, %tanh3A : vector<4096x64xf32>
    %max3A = arith.constant 0.000000e+00 : f32
    %max3A_57 = vector.broadcast %max3A : f32 to vector<4096x64xf32>
    %max3A_58 = arith.maximumf %mul3A_56, %max3A_57 : vector<4096x64xf32>
    %get3A_59 = arith.constant 0 : index
    %get3A_60 = arith.constant 0 : index
    %get3A_61 = vector.load %arg10[%get3A_59, %get3A_60] : memref<64x1xf32, #tpu.memory_space<vmem>>, vector<64x1xf32>
    %dot_general3A_62 = arith.constant dense<0.000000e+00> : vector<1x4096xf32>
    %dot_general3A_63 = tpu.matmul %get3A_61, %max3A_58, %dot_general3A_62 {dimension_numbers = #tpu.dot_dimension_numbers<[0], [1], [1], [0], [0, 1, 1, 0], [], []>, transpose_lhs_hint = false} : vector<64x1xf32>, vector<4096x64xf32>, vector<1x4096xf32> -> vector<1x4096xf32>
    %get3A_64 = arith.constant 0 : index
    %get3A_65 = arith.constant 0 : index
    %get3A_66 = vector.load %arg11[%get3A_64, %get3A_65] : memref<1x1xf32, #tpu.memory_space<vmem>>, vector<1x1xf32>
    %add3A_67 = vector.broadcast %get3A_66 : vector<1x1xf32> to vector<1x4096xf32>
    %add3A_68 = arith.addf %dot_general3A_63, %add3A_67 : vector<1x4096xf32>
    %logistic3A_69 = arith.negf %add3A_68 : vector<1x4096xf32>
    %logistic3A_70 = math.exp %logistic3A_69 : vector<1x4096xf32>
    %logistic3A_71 = arith.constant 1.000000e+00 : f32
    %logistic3A_72 = vector.broadcast %logistic3A_71 : f32 to vector<1x4096xf32>
    %logistic3A_73 = arith.addf %logistic3A_72, %logistic3A_70 : vector<1x4096xf32>
    %logistic3A_74 = arith.divf %logistic3A_72, %logistic3A_73 : vector<1x4096xf32>
    %swap3A = arith.constant 0 : index
    %swap3A_75 = arith.constant 0 : index
    %swap3A_76 = vector.load %arg12[%swap3A, %swap3A_75] : memref<1x4096xf32, #tpu.memory_space<vmem>>, vector<1x4096xf32>
    tpu.vector_store %arg12[%swap3A, %swap3A_75], %logistic3A_74 {strides = array<i32>} : memref<1x4096xf32, #tpu.memory_space<vmem>>, vector<1x4096xf32>,
    return
  }
  func.func @transform_0(%arg0: i32) -> (i32, i32) {
    %c0_i32 = arith.constant 0 : i32
    %c0_i32_0 = arith.constant 0 : i32
    return %arg0, %c0_i32 : i32, i32
  }
  func.func @transform_1(%arg0: i32) -> (i32, i32) {
    %c0_i32 = arith.constant 0 : i32
    %c0_i32_0 = arith.constant 0 : i32
    return %arg0, %c0_i32 : i32, i32
  }
  func.func @transform_2(%arg0: i32) -> (i32, i32, i32) {
    %c0_i32 = arith.constant 0 : i32
    %c0_i32_0 = arith.constant 0 : i32
    %c0_i32_1 = arith.constant 0 : i32
    return %c0_i32, %arg0, %c0_i32_0 : i32, i32, i32
  }
  func.func @transform_3(%arg0: i32) -> (i32, i32) {
    %c0_i32 = arith.constant 0 : i32
    %c0_i32_0 = arith.constant 0 : i32
    %c0_i32_1 = arith.constant 0 : i32
    return %c0_i32, %c0_i32_0 : i32, i32
  }
  func.func @transform_4(%arg0: i32) -> (i32, i32) {
    %c0_i32 = arith.constant 0 : i32
    %c0_i32_0 = arith.constant 0 : i32
    %c0_i32_1 = arith.constant 0 : i32
    return %c0_i32, %c0_i32_0 : i32, i32
  }
  func.func @transform_5(%arg0: i32) -> (i32, i32) {
    %c0_i32 = arith.constant 0 : i32
    %c0_i32_0 = arith.constant 0 : i32
    %c0_i32_1 = arith.constant 0 : i32
    return %c0_i32, %c0_i32_0 : i32, i32
  }
  func.func @transform_6(%arg0: i32) -> (i32, i32) {
    %c0_i32 = arith.constant 0 : i32
    %c0_i32_0 = arith.constant 0 : i32
    %c0_i32_1 = arith.constant 0 : i32
    return %c0_i32, %c0_i32_0 : i32, i32
  }
  func.func @transform_7(%arg0: i32) -> (i32, i32) {
    %c0_i32 = arith.constant 0 : i32
    %c0_i32_0 = arith.constant 0 : i32
    %c0_i32_1 = arith.constant 0 : i32
    return %c0_i32, %c0_i32_0 : i32, i32
  }
  func.func @transform_8(%arg0: i32) -> (i32, i32) {
    %c0_i32 = arith.constant 0 : i32
    %c0_i32_0 = arith.constant 0 : i32
    %c0_i32_1 = arith.constant 0 : i32
    return %c0_i32, %c0_i32_0 : i32, i32
  }
  func.func @transform_9(%arg0: i32) -> (i32, i32) {
    %c0_i32 = arith.constant 0 : i32
    %c0_i32_0 = arith.constant 0 : i32
    %c0_i32_1 = arith.constant 0 : i32
    return %c0_i32, %c0_i32_0 : i32, i32
  }
  func.func @transform_10(%arg0: i32) -> (i32, i32) {
    %c0_i32 = arith.constant 0 : i32
    %c0_i32_0 = arith.constant 0 : i32
    %c0_i32_1 = arith.constant 0 : i32
    return %c0_i32, %c0_i32_0 : i32, i32
  }
  func.func @transform_11(%arg0: i32) -> (i32, i32) {
    %c0_i32 = arith.constant 0 : i32
    %c0_i32_0 = arith.constant 0 : i32
    return %c0_i32, %arg0 : i32, i32
  }
}

</mosaic_0001>

<sc_bundles>
// kernel: kernel.6.cloned.1.call-start
scs
__scs_entry_jumppad:
0x0: {  	(pc) =	sbr.rel $0x88, $3  }
0x1: {  	(tag) =	ssettag $0x0;
	lr =	simm.s32 $0x1  }
0x2: {  	[smem:$0x3F95] =	sst lr;
	_ =	strace $0xD0000000  }
0x3: {  	_ = 	snop  }
0x4: {  	_ = 	snop  }
0x5: {  	_ = 	snop  }
0x6: {  	_ = 	snop  }
0x7: {  	_ = 	snop  }
__scs_overlays_trampoline_lowered:
0x8: {  	[smem:$0x3FA4] =	sst s0  }
0x9: {  	[smem:$0x3FA5] =	sst s1  }
0xa: {  	[smem:$0x3FA6] =	sst s2  }
0xb: {  	[smem:$0x3FA7] =	sst s3  }
0xc: {  	[smem:$0x3FA8] =	sst s4  }
0xd: {  	[smem:$0x3FA9] =	sst s5  }
0xe: {  	[smem:$0x3FAA] =	sst s6  }
0xf: {  	[smem:$0x3FAB] =	sst s7  }
0x10: {  	[smem:$0x3FAC] =	sst s8  }
0x11: {  	[smem:$0x3FAD] =	sst s9;
	s0 =	simm.s32 @!p0 $0x0  }
0x12: {  	s1 =	sld [smem:$0x3F93];
	s0 =	simm.s32 @p0 $0x1  }
0x13: {  	[smem:$0x3FAE] =	sst s0;
	s0 =	simm.s32 @!p1 $0x0  }
0x14: {  	s2 =	sld [smem:$0x3F92];
	s0 =	simm.s32 @p1 $0x1  }
0x15: {  	[smem:$0x3FAF] =	sst s0;
	s0 =	simm.s32 @!p2 $0x0  }
0x16: {  	s3 =	sld [smem:$0x3FDB];
	s0 =	simm.s32 @p2 $0x1  }
0x17: {  	s4 =	simm.s32 $0x1BF5;
	[smem:$0x3FB1] =	sst s0  }
0x18: {  	s0 =	sld [smem:$0x3F94];
	_ =	swait.ge [sflag:s4], $0x0  }
0x19: {  	s7 =	sld [smem:$0x3F95]  }
0x1a: {  	s8 =	sadd.s32 $0xFFFFE003, lr  }
0x1b: {  	s9 =	sadd.s32 $0xFFFFFEF7, lr;
	s5 =	simm.s32 $0xFFFFFFFF;
	p2 =	slt.u32 s8, $0xFFFFF086  }
0x1c: {  	p1 =	slt.u32 s9, $0xF7A;
	s5 =	simm.s32 @!p2 $0x0  }
0x1d: {  	s5 =	simm.s32 @p1 $0x1;
	p0 =	seq.s32 s7, s2  }
0x1e: {  	s7 =	smul.u32 @!p0 $0xF7A, s2;
	p2 =	seq.s32 @!p0 s5, $0x0  }
0x1f: {  	s9 =	smul.u32 $0xF7A, s1;
	s8 =	simm.s32 @!p0 $0x1BF5;
	p2 =	por !p2, p0  }
0x20: {  	[sflag:s8] =	ssyncset.s32 @!p0 $0xFFFFF086;
	s6 =	sadd.s32 @!p0 s3, s7;
	s7 =	simm.s32 @!p0 $0x108  }
0x21: {  	s3 =	sadd.s32 s3, s9;
	s6 =	sadd.s32 @!p0 $0x88, s6;
	s7 =	simm.s32 @p2 $0x1082  }
0x22: {  	[simem:s7], [sflag:s8] =	dma.local @!p0 [hbm:s6], $0xF7A  }
0x23: {  	s9 =	sor.u32 $0xD0000000, s2;
	s6 =	simm.s32 $0x108;
	_ =	swait.ge @!p0 [sflag:s8], $0x0  }
0x24: {  	s3 =	sadd.s32 $0x88, s3;
	s6 =	simm.s32 @!p1 $0x1082;
	[sflag:s4] =	ssyncset.s32 $0xFFFFF086  }
0x25: {  	[simem:s6], [sflag:s4] =	dma.local [hbm:s3], $0xF7A  }
0x26: {  	[smem:$0x3F95] =	sst s1;
	(tag) =	ssettag s2;
	_ =	strace s9  }
0x27: {  	s1 =	sld [smem:$0x3FA5]  }
0x28: {  	s2 =	sld [smem:$0x3FA6]  }
0x29: {  	s4 =	sld [smem:$0x3FA8]  }
0x2a: {  	p0 =	seq.s32 s5, $0x0;
	s5 =	sld [smem:$0x3FA9]  }
0x2b: {  	s6 =	sld [smem:$0x3FAA]  }
0x2c: {  	s7 =	sld [smem:$0x3FAB]  }
0x2d: {  	s3 =	simm.s32 $0x108;
	s8 =	sld [smem:$0x3FAC]  }
0x2e: {  	s3 =	simm.s32 @!p0 $0x1082;
	s9 =	sld [smem:$0x3FAD]  }
0x2f: {  	lr =	sadd.s32 s0, s3;
	s0 =	sld [smem:$0x3FA4]  }
0x30: {  	s3 =	sld [smem:$0x3FA7]  }
0x31: {  	[smem:$0x3FB0] =	sst s10  }
0x32: {  	s10 =	sld [smem:$0x3FAE];
	_ =	sdelay $0x3  }
0x33: {  	p0 =	seq.s32 s10, $0x1;
	s10 =	sld [smem:$0x3FB0];
	_ =	sdelay $0x3  }
0x34: {  	[smem:$0x3FB0] =	sst s10  }
0x35: {  	s10 =	sld [smem:$0x3FAF];
	_ =	sdelay $0x3  }
0x36: {  	p1 =	seq.s32 s10, $0x1;
	s10 =	sld [smem:$0x3FB0];
	_ =	sdelay $0x3  }
0x37: {  	[smem:$0x3FB0] =	sst s10  }
0x38: {  	s10 =	sld [smem:$0x3FB1]  }
0x39: {  	_ = 	snop;
	(pc) =	sbr.ind lr, $3  }
0x3a: {  	_ = 	snop  }
0x3b: {  	_ = 	snop  }
0x3c: {  	p2 =	seq.s32 s10, $0x1;
	s10 =	sld [smem:$0x3FB0]  }
0x3d: {  	_ =	shalt  }
0x3e: {  	_ =	shalt  }
0x3f: {  	_ =	shalt  }
0x40: {  	_ =	shalt  }
0x41: {  	_ =	shalt  }
0x42: {  	_ =	shalt  }
0x43: {  	_ =	shalt  }
0x44: {  	_ =	shalt  }
0x45: {  	_ =	shalt  }
0x46: {  	_ =	shalt  }
0x47: {  	_ =	shalt  }
0x48: {  	_ =	shalt  }
0x49: {  	_ =	shalt  }
0x4a: {  	_ =	shalt  }
0x4b: {  	_ =	shalt  }
0x4c: {  	_ =	shalt  }
0x4d: {  	_ =	shalt  }
0x4e: {  	_ =	shalt  }
0x4f: {  	_ =	shalt  }
0x50: {  	_ =	shalt  }
0x51: {  	_ =	shalt  }
0x52: {  	_ =	shalt  }
0x53: {  	_ =	shalt  }
0x54: {  	_ =	shalt  }
0x55: {  	_ =	shalt  }
0x56: {  	_ =	shalt  }
0x57: {  	_ =	shalt  }
0x58: {  	_ =	shalt  }
0x59: {  	_ =	shalt  }
0x5a: {  	_ =	shalt  }
0x5b: {  	_ =	shalt  }
0x5c: {  	_ =	shalt  }
0x5d: {  	_ =	shalt  }
0x5e: {  	_ =	shalt  }
0x5f: {  	_ =	shalt  }
0x60: {  	_ =	shalt  }
0x61: {  	_ =	shalt  }
0x62: {  	_ =	shalt  }
0x63: {  	_ =	shalt  }
0x64: {  	_ =	shalt  }
0x65: {  	_ =	shalt  }
0x66: {  	_ =	shalt  }
0x67: {  	_ =	shalt  }
0x68: {  	_ =	shalt  }
0x69: {  	_ =	shalt  }
0x6a: {  	_ =	shalt  }
0x6b: {  	_ =	shalt  }
0x6c: {  	_ =	shalt  }
0x6d: {  	_ =	shalt  }
0x6e: {  	_ =	shalt  }
0x6f: {  	_ =	shalt  }
0x70: {  	_ =	shalt  }
0x71: {  	_ =	shalt  }
0x72: {  	_ =	shalt  }
0x73: {  	_ =	shalt  }
0x74: {  	_ =	shalt  }
0x75: {  	_ =	shalt  }
0x76: {  	_ =	shalt  }
0x77: {  	_ =	shalt  }
0x78: {  	_ =	shalt  }
0x79: {  	_ =	shalt  }
0x7a: {  	_ =	shalt  }
0x7b: {  	_ =	shalt  }
0x7c: {  	_ =	shalt  }
0x7d: {  	_ =	shalt  }
0x7e: {  	_ =	shalt  }
0x7f: {  	_ =	shalt  }
0x80: {  	_ =	shalt  }
0x81: {  	_ =	shalt  }
0x82: {  	_ =	shalt  }
0x83: {  	_ =	shalt  }
0x84: {  	_ =	shalt  }
0x85: {  	_ =	shalt  }
0x86: {  	_ =	shalt  }
0x87: {  	_ =	shalt  }
.Lfunc_end0:
.L_simem_size_0:
called_computation_lowered:
.L_overlay_start_0:
0x88: {  	s2 =	sld [smem:$0x3FD9]  }
0x89: {  	s3 =	sld [smem:$0x3FFE];
	_ =	sdelay $0x1  }
0x8a: {  	s1 =	srdreg.scid  }
0x8b: {  	s0 =	sand.u32 $0x1, s1  }
0x8c: {  	s16 =	sshll.u32 s0, $0xA;
	s2 =	sadd.s32 s3, s2  }
0x8d: {  	s2 =	sadd.s32 s2, s16  }
0x8e: {  	[smem:$0x3FBC] =	sst s2  }
0x8f: {  	_ = 	snop  }
0x90: {  	(tm) =	ssettm $0x1  }
0x91: {  	s17 =	sld [smem:$0x3FFB];
	_ =	sdelay $0x3  }
0x92: {  	_ =	strace s17  }
0x93: {  	s2 =	sld [smem:$0x3FFC];
	_ =	sdelay $0x3  }
0x94: {  	_ =	strace s2  }
0x95: {  	s2 =	sld [smem:$0x3FFD];
	_ =	sdelay $0x3  }
0x96: {  	_ =	strace s2  }
0x97: {  	_ =	strace $0x8FFFFFFF  }
0x98: {  	s18 =	sld [smem:$0x3FDB];
	_ =	sdelay $0x1  }
0x99: {  	s19 =	simm.s32 $_scs_section_size  }
0x9a: {  	s4 =	simm.s32 $_size__tile_overlayer_lowered;
	s5 =	simm.s32 $_tile_overlayer_lowered  }
0x9b: {  	s22 =	simm.s32 $0x1BFF;
	s21 =	sshll.u32 s5, $0x1;
	s2 =	sadd.s32 s19, s18  }
0x9c: {  	s6 =	simm.s32 $0x0;
	s20 =	sshll.u32 s4, $0x1;
	s4 =	sadd.s32 s21, s2  }
0x9d: {  	[timem:s6], [sflag:s22] =	dma.local [hbm:s4], s20  }
0x9e: {  	_ =	swait.ge [sflag:s22], s20  }
0x9f: {  	s3 =	ssub.s32 $0x0, s20;
	[sflag:s22] =	ssyncset.done $0x0  }
0xa0: {  	[sflag:s22] =	ssyncadd.s32 s3;
	_ =	sdelay $0x1  }
0xa1: {  	s23 =	simm.s32 $0x1B8B  }
0xa2: {  	_ =	swait.ge [sflag:s23], $0x1  }
0xa3: {  	[sflag:s23] =	ssyncset.done $0x0  }
0xa4: {  	s25 =	simm.s32 $0x1B8E;
	s24 =	sld [smem:$0x3FFE];
	[sflag:s23] =	ssyncadd.s32 $0xFFFFFFFF  }
0xa5: {  	s26 =	simm.s32 $execute0_lowered;
	[smem:$0x3FD2] =	sst s25  }
0xa6: {  	s4 =	sshll.u32 s26, $0x1;
	_ =	strace $0x80000046;
	[dreg:$0x1] =	wrdreg $0xFFFFFFFF  }
0xa7: {  	s28 =	simm.s32 $_size_execute0_lowered;
	s2 =	sadd.s32 s2, s4;
	[dreg:$0x0] =	wrdreg $0x0  }
0xa8: {  	s4 =	sshll.u32 s28, $0x1;
	[dreg:$0x2] =	wrdreg s2  }
0xa9: {  	[dreg:$0x3] =	wrdreg s4  }
0xaa: {  	[dreg:$0x4] =	wrdreg $0xC0  }
0xab: {  	_ =	task [dreg:s6], $0x5FFFF  }
0xac: {  	[dreg:$0x1] =	wrdreg $0xFFFFFFFF  }
0xad: {  	[dreg:$0x0] =	wrdreg $0x60  }
0xae: {  	[dreg:$0x2] =	wrdreg s24  }
0xaf: {  	[dreg:$0x3] =	wrdreg $0x16A380  }
0xb0: {  	[dreg:$0x4] =	wrdreg $0x9  }
0xb1: {  	_ =	task.clear_ibuf [dreg:s6], $0x5FFFF;
	_ =	strace $0x90000046  }
0xb2: {  	s29 =	simm.s32 $0x9;
	_ =	strace $0x80000048  }
0xb3: {  	_ =	swait.ge [sflag:s29], $0x1  }
0xb4: {  	[sflag:s29] =	ssyncadd.s32 $0xFFFFFFFF  }
0xb5: {  	_ =	strace $0x90000048  }
0xb6: {  	_ =	sfence  }
0xb7: {  	s30 =	sld [smem:$0x0];
	_ =	sdelay $0x2  }
0xb8: {  	s31 =	sshll.u32 s1, $0xD;
	s1 =	sshrl.u32 s1, $0x2  }
0xb9: {  	s3 =	sand.u32 $0x4000, s31;
	s1 =	sadd.s32 s1, s30  }
0xba: {  	s0 =	sor.u32 s3, s0;
	s1 =	sshll.u32 s1, $0x11  }
0xbb: {  	s0 =	sor.u32 s1, s0  }
0xbc: {  	s0 =	sadd.s32 $0x8F2B, s0  }
0xbd: {  	[sflag:s0] =	ssyncadd.remote.s32 $0x1  }
0xbe: {  	_ =	sfence.sel $0xFFFF  }
0xbf: {  	[dreg:$0x0] =	wrdreg $0xFFFFFFFF;
	(pc) =	sbr.abs _section_cstart, $3  }
0xc0: {  	[dreg:$0x1] =	wrdreg $0xFFFFFFFF  }
0xc1: {  	_ =	task.clear_ibuf [dreg:s6], $0x2FFFF;
	_ =	strace $0x9FFFFFFF  }
0xc2: {  	(tm) =	ssettm $0x7FFFFFFF  }
0xc3: {  	_ =	shalt  }
tec
execute0_lowered:
.L_overlay_start_1:
0x0: {  	(tag) =	ssettag $0x1  }
0x1: {  	s0 =	rddreg [dreg:$0x0]  }
0x2: {  	s1 =	rddreg [dreg:$0x1];
	s3 =	simm.s32 $0x0  }
0x3: {  	s2 =	srdreg.scid;
	s12 =	stileid.u32;
	s28 =	simm.s32 $0x2000  }
0x4: {  	s29 =	simm.s32 $0x186A00;
	s30 =	simm.s32 $0x4000;
	s31 =	simm.s32 $0x1  }
0x5: {  	s13 =	simm.s32 $0x5;
	[smem:$0x7FF] =	sst s3;
	s5 =	smul.u32 $0x1F40, s12  }
0x6: {  	s2 =	sand.u32 $0x1, s2;
	s7 =	sor.u32 $0x10, s12;
	s17 =	smul.u32 $0x3000, s12  }
0x7: {  	s9 =	sadd.s32 $0x2000, s0;
	s10 =	sadd.s32 $0x63C00, s0;
	s11 =	smul.u32 $0x3E8, s12  }
0x8: {  	s19 =	sshll.u32 s12, $0xA;
	p0 =	sgt.u32 s12, $0x2;
	s8 =	smul.u32 $0x1F40, s7  }
0x9: {  	p1 =	sgt.u32 s12, $0x8;
	s4 =	ssub.s32 $0x2, s2;
	s2 =	smul.u32 $0x61A8, s2  }
0xa: {  	_ =	strace $0x80000047;
	s7 =	smul.u32 $0x3E8, s7;
	p2 =	sne.s32 @p0 s12, $0x3  }
0xb: {  	s12 =	simm.s32 $0x2;
	s6 =	sshrl.u32 s4, $0x1;
	s5 =	sshrl.u32 s5, $0x2  }
0xc: {  	p2 =	por p2, !p0;
	s4 =	ssub.s32 s4, s6;
	s16 =	sshrl.u32 s8, $0x2  }
0xd: {  	s5 =	sadd.s32 s5, s1;
	s6 =	sadd.s32 s9, s17;
	s21 =	sadd.s32 s11, s2  }
0xe: {  	s2 =	sadd.s32 s2, s7;
	s7 =	simm.s32 $0x4;
	[dreg:$0x3] =	wrdreg s5  }
0xf: {  	s18 =	sadd.s32 s16, s1;
	s8 =	sadd.s32 $0x400, s6;
	s5 =	sadd.s32 s19, s9  }
0x10: {  	s22 =	sadd.s32 s21, s1;
	s23 =	sadd.s32 s2, s1;
	s24 =	sshll.u32 s2, $0x1  }
0x11: {  	s25 =	smax.u32 s4, $0x1;
	s26 =	sadd.s32 $0x800, s6;
	[dreg:$0x4] =	wrdreg s18  }
0x12: {  	s16 =	sadd.s32 $0xC00, s6;
	s17 =	sadd.s32 $0x1000, s6;
	[dreg:$0x5] =	wrdreg s8  }
0x13: {  	s19 =	sadd.s32 $0x1800, s6;
	s2 =	simm.s32 $0x8000;
	[dreg:$0x7] =	wrdreg s22  }
0x14: {  	s4 =	simm.s32 $0x3;
	s9 =	simm.s32 $0x0;
	[dreg:$0x9] =	wrdreg s23  }
0x15: {  	s8 =	sadd.s32 $0x32C00, s0;
	s20 =	sadd.s32 $0x30000, s5;
	[dreg:$0xb] =	wrdreg s25  }
0x16: {  	s0 =	sshll.u32 s21, $0x1;
	[dreg:$0xc] =	wrdreg s26;
	s18 =	sadd.s32 $0x1400, s6  }
.Ltmp0:
0x17: {  	s21 =	sadd.s32 $0x2000, s6;
	s22 =	sadd.s32 $0x2400, s6;
	(pc) =	sbr.rel .LBB2_1-.Ltmp0, $4  }
0x18: {  	s23 =	sadd.s32 $0x2800, s6;
	s26 =	simm.s32 $0x7;
	s25 =	simm.s32 $0xC000  }
0x19: {  	s5 =	simm.s32 $0x6;
	[dreg:$0x6] =	wrdreg s20;
	s0 =	sadd.s32 s10, s0  }
0x1a: {  	s20 =	sadd.s32 $0x1C00, s6;
	[dreg:$0x8] =	wrdreg s0;
	s0 =	sadd.s32 s10, s24  }
0x1b: {  	v0 =	vimm.f32 $1.000000000e+00;
	v1 =	vimm.f32 $0.0e+00;
	s24 =	sadd.s32 $0x2C00, s6;
	[dreg:$0xa] =	wrdreg s0;
	s0 =	simm.s32 $0x10000  }
.LBB2_10:
0x1c: {  	v2 =	vld [tilespmem:s11+$0x127D0];
	_ =	sdelay $0x4  }
0x1d: {  	v3 =	vshra.s32 v2, $0x1;
	v4 =	vmul.f32 $5.000000000e-01, v2  }
0x1e: {  	v3 =	vsub.s32 $0x5F3759DF, v3  }
0x1f: {  	v5 =	vmul.f32 v3, v4;
	_ =	sdelay $0x1  }
0x20: {  	v5 =	vmul.f32 v3, v5;
	_ =	sdelay $0x1  }
0x21: {  	v5 =	vsub.f32 $1.500000000e+00, v5;
	_ =	sdelay $0x1  }
0x22: {  	v3 =	vmul.f32 v3, v5;
	_ =	sdelay $0x1  }
0x23: {  	v5 =	vmul.f32 v3, v4;
	_ =	sdelay $0x1  }
0x24: {  	v5 =	vmul.f32 v5, v3;
	_ =	sdelay $0x1  }
0x25: {  	v5 =	vsub.f32 $1.500000000e+00, v5;
	_ =	sdelay $0x1  }
0x26: {  	v3 =	vmul.f32 v5, v3;
	_ =	sdelay $0x1  }
0x27: {  	v4 =	vmul.f32 v3, v4;
	_ =	sdelay $0x1  }
0x28: {  	v4 =	vmul.f32 v4, v3;
	_ =	sdelay $0x1  }
0x29: {  	v4 =	vsub.f32 $1.500000000e+00, v4;
	_ =	sdelay $0x1  }
0x2a: {  	v3 =	vmul.f32 v4, v3  }
0x2b: {  	vm0 =	vgt.f32 v2, $0.0e+00  }
0x2c: {  	v2 =	vnsel vm0, $0x0, v3  }
0x2d: {  	v3 =	vbroadcast v2, $0x0  }
0x2e: {  	s10 =	sshll.u32 s11, $0x4;
	v54 =	vbroadcast v2, $0x1  }
0x2f: {  	v55 =	vbroadcast v2, $0x2;
	[tilespmem:s10+$0x12BB8] =	vst v3  }
0x30: {  	v56 =	vbroadcast v2, $0x4;
	[tilespmem:s10+$0x12BC8] =	vst v54  }
0x31: {  	v57 =	vbroadcast v2, $0x5;
	[tilespmem:s10+$0x12BD8] =	vst v55  }
0x32: {  	v58 =	vbroadcast v2, $0x7;
	[tilespmem:s10+$0x12BF8] =	vst v56  }
0x33: {  	v59 =	vbroadcast v2, $0x8;
	[tilespmem:s10+$0x12C08] =	vst v57  }
0x34: {  	v60 =	vbroadcast v2, $0xA;
	[tilespmem:s10+$0x12C28] =	vst v58  }
0x35: {  	v3 =	vbroadcast v2, $0x3;
	[tilespmem:s10+$0x12C38] =	vst v59  }
0x36: {  	v61 =	vbroadcast v2, $0xB;
	[tilespmem:s10+$0x12C58] =	vst v60  }
0x37: {  	[tilespmem:s10+$0x12BE8] =	vst v3;
	v3 =	vbroadcast v2, $0x6  }
0x38: {  	v62 =	vbroadcast v2, $0xD;
	[tilespmem:s10+$0x12C68] =	vst v61  }
0x39: {  	[tilespmem:s10+$0x12C18] =	vst v3;
	v3 =	vbroadcast v2, $0x9  }
0x3a: {  	v63 =	vbroadcast v2, $0xE;
	[tilespmem:s10+$0x12C88] =	vst v62  }
0x3b: {  	[tilespmem:s10+$0x12C48] =	vst v3;
	v3 =	vbroadcast v2, $0xC  }
0x3c: {  	[tilespmem:s10+$0x12C98] =	vst v63;
	v2 =	vbroadcast v2, $0xF  }
0x3d: {  	[tilespmem:s10+$0x12C78] =	vst v3  }
0x3e: {  	s14 =	rddreg [dreg:$0xa];
	s15 =	simm.s32 $0x12BB8;
	[tilespmem:s10+$0x12CA8] =	vst v2  }
0x3f: {  	[hbm4b:s14+s3] =	stream.linear.scatter [tilespmem:s15], [sflag:$0x7], $0x3E80, $0x38;
	[tilespmem:$0x17670] =	vst v63  }
0x40: {  	_ =	swait.ge [sflag:s26], $0x3E80  }
0x41: {  	[sflag:s26] =	ssyncset.done $0x0  }
0x42: {  	[sflag:s26] =	ssyncadd.s32 $0xFFFFC180  }
.LBB2_11:
0x43: {  	s9 =	sadd.s32 $0x1, s9;
	s10 =	rddreg [dreg:$0xb]  }
0x44: {  	p3 =	sne.s32 s9, s10  }
.Ltmp1:
0x45: {  	_ = 	snop;
	(pc) =	sbr.rel @!p3 .LBB2_12-.Ltmp1, $1  }
0x46: {  	_ =	sdelay $0x3  }
.LBB2_1:
0x47: {  	s10 =	simm.s32 $0x0  }
.LBB2_2:
0x48: {  	p3 =	sne.s32 s10, $0x7FC0  }
.Ltmp2:
0x49: {  	_ = 	snop;
	(pc) =	sbr.rel @p3 .LBB2_2-.Ltmp2, $3  }
0x4a: {  	_ =	sdelay $0x1  }
0x4b: {  	s11 =	sshra.s32 s10, $0x2  }
0x4c: {  	s10 =	sadd.s32 $0x40, s10;
	[tilespmem:s11+$0x10000] =	vst v0  }
0x4d: {  	s10 =	simm.s32 $0x40;
	s11 =	simm.s32 $0x0  }
.LBB2_4:
0x4e: {  	p3 =	sne.s32 s10, $0x1F00;
	[tilespmem:s11+$0x12000] =	vst v1;
	s11 =	smov.u32 s10;
	s10 =	sadd.s32 $0x40, s10  }
.Ltmp3:
0x4f: {  	(pc) =	sbr.rel @p3 .LBB2_4-.Ltmp3, $2  }
0x50: {  	_ =	sdelay $0x2  }
0x51: {  	s11 =	sshra.s32 s11, $0x2  }
0x52: {  	[tilespmem:s11+$0x12000] =	vst v1;
	s10 =	rddreg [dreg:$0x3];
	s15 =	simm.s32 $0x12000  }
0x53: {  	[spmem:s10] =	stream.linear.scatter [tilespmem:s15], [sflag:$0x7], $0x7D0, $0x38;
	[tilespmem:$0x17670] =	vst v63  }
0x54: {  	_ =	swait.ge [sflag:s26], $0x7D0  }
0x55: {  	[sflag:s26] =	ssyncset.done $0x0  }
0x56: {  	s10 =	simm.s32 @!p1 $0x12000;
	s11 =	rddreg [dreg:$0x4];
	[sflag:s26] =	ssyncadd.s32 $0xFFFFF830  }
0x57: {  	[spmem:s11] =	stream.linear.scatter @!p1 [tilespmem:s10], [sflag:$0x7], $0x7D0, $0x38;
	[tilespmem:$0x17670] =	vst v63  }
0x58: {  	s10 =	simm.s32 @!p1 $0x7  }
0x59: {  	_ =	swait.ge @!p1 [sflag:s10], $0x7D0  }
0x5a: {  	[sflag:s10] =	ssyncset.done @!p1 $0x0  }
0x5b: {  	[sflag:s10] =	ssyncadd.s32 @!p1 $0xFFFFF830  }
0x5c: {  	[bflag:$0x0] =	sbarrier.arrive $0xFFFF  }
0x5d: {  	[tilespmem:s3], [sflag:$0x1] =	stream.strided.gather [hbm4b:s6+s28], $0x4000, s29, s28, $0x38;
	[tilespmem:$0x17670] =	vst v63  }
0x5e: {  	s14 =	rddreg [dreg:$0x5]  }
0x5f: {  	[tilespmem:s30], [sflag:$0x2] =	stream.strided.gather [hbm4b:s14+s28], $0x4000, s29, s28, $0x38;
	[tilespmem:$0x17670] =	vst v63  }
0x60: {  	_ =	swait.ge [sflag:s31], $0x4000  }
0x61: {  	[sflag:s31] =	ssyncset.done $0x0  }
0x62: {  	[sflag:s31] =	ssyncadd.s32 $0xFFFFC000  }
0x63: {  	[spmem:s1] =	stream.indirect.scatter.add.f32 [tilespmem:s0], [sflag:$0x5], $0x1, s3, s28, $0xb8;
	[tilespmem:$0x17670] =	vst v63  }
0x64: {  	s15 =	rddreg [dreg:$0xc]  }
0x65: {  	[tilespmem:s2], [sflag:$0x3] =	stream.strided.gather [hbm4b:s15+s28], $0x4000, s29, s28, $0x38;
	[tilespmem:$0x17670] =	vst v63  }
0x66: {  	_ =	swait.ge [sflag:s12], $0x4000  }
0x67: {  	[sflag:s12] =	ssyncset.done $0x0  }
0x68: {  	[sflag:s12] =	ssyncadd.s32 $0xFFFFC000  }
0x69: {  	[spmem:s1] =	stream.indirect.scatter.add.f32 [tilespmem:s0], [sflag:$0x6], $0x1, s30, s28, $0xb8;
	[tilespmem:$0x17670] =	vst v63  }
0x6a: {  	_ = 	snop  }
0x6b: {  	[tilespmem:s25], [sflag:$0x4] =	stream.strided.gather [hbm4b:s16+s28], $0x4000, s29, s28, $0x38;
	[tilespmem:$0x17670] =	vst v63  }
0x6c: {  	_ =	swait.ge [sflag:s13], $0x2000  }
0x6d: {  	[sflag:s13] =	ssyncset.done $0x0  }
0x6e: {  	[sflag:s13] =	ssyncadd.s32 $0xFFFFE000  }
0x6f: {  	_ =	swait.ge [sflag:s4], $0x4000  }
0x70: {  	[sflag:s4] =	ssyncset.done $0x0  }
0x71: {  	[sflag:s4] =	ssyncadd.s32 $0xFFFFC000  }
0x72: {  	[spmem:s1] =	stream.indirect.scatter.add.f32 [tilespmem:s0], [sflag:$0x5], $0x1, s2, s28, $0xb8;
	[tilespmem:$0x17670] =	vst v63  }
0x73: {  	_ = 	snop  }
0x74: {  	[tilespmem:s3], [sflag:$0x1] =	stream.strided.gather [hbm4b:s17+s28], $0x4000, s29, s28, $0x38;
	[tilespmem:$0x17670] =	vst v63  }
0x75: {  	_ =	swait.ge [sflag:s5], $0x2000  }
0x76: {  	[sflag:s5] =	ssyncset.done $0x0  }
0x77: {  	[sflag:s5] =	ssyncadd.s32 $0xFFFFE000  }
0x78: {  	_ =	swait.ge [sflag:s7], $0x4000  }
0x79: {  	[sflag:s7] =	ssyncset.done $0x0  }
0x7a: {  	[sflag:s7] =	ssyncadd.s32 $0xFFFFC000  }
0x7b: {  	[spmem:s1] =	stream.indirect.scatter.add.f32 [tilespmem:s0], [sflag:$0x6], $0x1, s25, s28, $0xb8;
	[tilespmem:$0x17670] =	vst v63  }
0x7c: {  	_ = 	snop  }
0x7d: {  	[tilespmem:s30], [sflag:$0x2] =	stream.strided.gather [hbm4b:s18+s28], $0x4000, s29, s28, $0x38;
	[tilespmem:$0x17670] =	vst v63  }
0x7e: {  	_ =	swait.ge [sflag:s13], $0x2000  }
0x7f: {  	[sflag:s13] =	ssyncset.done $0x0  }
0x80: {  	[sflag:s13] =	ssyncadd.s32 $0xFFFFE000  }
0x81: {  	_ =	swait.ge [sflag:s31], $0x4000  }
0x82: {  	[sflag:s31] =	ssyncset.done $0x0  }
0x83: {  	[sflag:s31] =	ssyncadd.s32 $0xFFFFC000  }
0x84: {  	[spmem:s1] =	stream.indirect.scatter.add.f32 [tilespmem:s0], [sflag:$0x5], $0x1, s3, s28, $0xb8;
	[tilespmem:$0x17670] =	vst v63  }
0x85: {  	_ = 	snop  }
0x86: {  	[tilespmem:s2], [sflag:$0x3] =	stream.strided.gather [hbm4b:s19+s28], $0x4000, s29, s28, $0x38;
	[tilespmem:$0x17670] =	vst v63  }
0x87: {  	_ =	swait.ge [sflag:s5], $0x2000  }
0x88: {  	[sflag:s5] =	ssyncset.done $0x0  }
0x89: {  	[sflag:s5] =	ssyncadd.s32 $0xFFFFE000  }
0x8a: {  	_ =	swait.ge [sflag:s12], $0x4000  }
0x8b: {  	[sflag:s12] =	ssyncset.done $0x0  }
0x8c: {  	[sflag:s12] =	ssyncadd.s32 $0xFFFFC000  }
0x8d: {  	[spmem:s1] =	stream.indirect.scatter.add.f32 [tilespmem:s0], [sflag:$0x6], $0x1, s30, s28, $0xb8;
	[tilespmem:$0x17670] =	vst v63  }
0x8e: {  	_ = 	snop  }
0x8f: {  	[tilespmem:s25], [sflag:$0x4] =	stream.strided.gather [hbm4b:s20+s28], $0x4000, s29, s28, $0x38;
	[tilespmem:$0x17670] =	vst v63  }
0x90: {  	_ =	swait.ge [sflag:s13], $0x2000  }
0x91: {  	[sflag:s13] =	ssyncset.done $0x0  }
0x92: {  	[sflag:s13] =	ssyncadd.s32 $0xFFFFE000  }
0x93: {  	_ =	swait.ge [sflag:s4], $0x4000  }
0x94: {  	[sflag:s4] =	ssyncset.done $0x0  }
0x95: {  	[sflag:s4] =	ssyncadd.s32 $0xFFFFC000  }
0x96: {  	[spmem:s1] =	stream.indirect.scatter.add.f32 [tilespmem:s0], [sflag:$0x5], $0x1, s2, s28, $0xb8;
	[tilespmem:$0x17670] =	vst v63  }
0x97: {  	_ = 	snop  }
0x98: {  	[tilespmem:s3], [sflag:$0x1] =	stream.strided.gather [hbm4b:s21+s28], $0x4000, s29, s28, $0x38;
	[tilespmem:$0x17670] =	vst v63  }
0x99: {  	_ =	swait.ge [sflag:s5], $0x2000  }
0x9a: {  	[sflag:s5] =	ssyncset.done $0x0  }
0x9b: {  	[sflag:s5] =	ssyncadd.s32 $0xFFFFE000  }
0x9c: {  	_ =	swait.ge [sflag:s7], $0x4000  }
0x9d: {  	[sflag:s7] =	ssyncset.done $0x0  }
0x9e: {  	[sflag:s7] =	ssyncadd.s32 $0xFFFFC000  }
0x9f: {  	[spmem:s1] =	stream.indirect.scatter.add.f32 [tilespmem:s0], [sflag:$0x6], $0x1, s25, s28, $0xb8;
	[tilespmem:$0x17670] =	vst v63  }
0xa0: {  	_ = 	snop  }
0xa1: {  	[tilespmem:s30], [sflag:$0x2] =	stream.strided.gather [hbm4b:s22+s28], $0x4000, s29, s28, $0x38;
	[tilespmem:$0x17670] =	vst v63  }
0xa2: {  	_ =	swait.ge [sflag:s13], $0x2000  }
0xa3: {  	[sflag:s13] =	ssyncset.done $0x0  }
0xa4: {  	[sflag:s13] =	ssyncadd.s32 $0xFFFFE000  }
0xa5: {  	_ =	swait.ge [sflag:s31], $0x4000  }
0xa6: {  	[sflag:s31] =	ssyncset.done $0x0  }
0xa7: {  	[sflag:s31] =	ssyncadd.s32 $0xFFFFC000  }
0xa8: {  	[spmem:s1] =	stream.indirect.scatter.add.f32 [tilespmem:s0], [sflag:$0x5], $0x1, s3, s28, $0xb8;
	[tilespmem:$0x17670] =	vst v63  }
0xa9: {  	_ = 	snop  }
0xaa: {  	[tilespmem:s2], [sflag:$0x3] =	stream.strided.gather [hbm4b:s23+s28], $0x4000, s29, s28, $0x38;
	[tilespmem:$0x17670] =	vst v63  }
0xab: {  	_ =	swait.ge [sflag:s5], $0x2000  }
0xac: {  	[sflag:s5] =	ssyncset.done $0x0  }
0xad: {  	[sflag:s5] =	ssyncadd.s32 $0xFFFFE000  }
0xae: {  	_ =	swait.ge [sflag:s12], $0x4000  }
0xaf: {  	[sflag:s12] =	ssyncset.done $0x0  }
0xb0: {  	[sflag:s12] =	ssyncadd.s32 $0xFFFFC000  }
0xb1: {  	[spmem:s1] =	stream.indirect.scatter.add.f32 [tilespmem:s0], [sflag:$0x6], $0x1, s30, s28, $0xb8;
	[tilespmem:$0x17670] =	vst v63  }
0xb2: {  	_ = 	snop  }
0xb3: {  	[tilespmem:s25], [sflag:$0x4] =	stream.strided.gather [hbm4b:s24+s28], $0x4000, s29, s28, $0x38;
	[tilespmem:$0x17670] =	vst v63  }
0xb4: {  	_ =	swait.ge [sflag:s13], $0x2000  }
0xb5: {  	[sflag:s13] =	ssyncset.done $0x0  }
0xb6: {  	[sflag:s13] =	ssyncadd.s32 $0xFFFFE000  }
0xb7: {  	_ =	swait.ge [sflag:s4], $0x4000  }
0xb8: {  	[sflag:s4] =	ssyncset.done $0x0  }
0xb9: {  	[sflag:s4] =	ssyncadd.s32 $0xFFFFC000  }
0xba: {  	[spmem:s1] =	stream.indirect.scatter.add.f32 [tilespmem:s0], [sflag:$0x5], $0x1, s2, s28, $0xb8;
	[tilespmem:$0x17670] =	vst v63  }
0xbb: {  	_ =	swait.ge [sflag:s5], $0x2000  }
0xbc: {  	[sflag:s5] =	ssyncset.done $0x0  }
0xbd: {  	[sflag:s5] =	ssyncadd.s32 $0xFFFFE000  }
0xbe: {  	_ =	swait.ge [sflag:s7], $0x4000  }
0xbf: {  	[sflag:s7] =	ssyncset.done $0x0  }
0xc0: {  	[sflag:s7] =	ssyncadd.s32 $0xFFFFC000  }
0xc1: {  	[spmem:s1] =	stream.indirect.scatter.add.f32 [tilespmem:s0], [sflag:$0x6], $0x1, s25, s28, $0xb8;
	[tilespmem:$0x17670] =	vst v63  }
0xc2: {  	_ =	swait.ge [sflag:s13], $0x2000  }
0xc3: {  	[sflag:s13] =	ssyncset.done $0x0  }
0xc4: {  	[sflag:s13] =	ssyncadd.s32 $0xFFFFE000  }
0xc5: {  	_ =	swait.ge [sflag:s5], $0x2000  }
0xc6: {  	[sflag:s5] =	ssyncset.done $0x0  }
0xc7: {  	s10 =	simm.s32 @!p2 $0x0;
	[sflag:s5] =	ssyncadd.s32 $0xFFFFE000  }
0xc8: {  	[tilespmem:s10], [sflag:$0x7] =	stream.linear.gather @!p2 [hbm4b:s8+s10], $0xA00, $0x38;
	[tilespmem:$0x17670] =	vst v63  }
0xc9: {  	s11 =	sadd.s32 @!p2 $0x30D40, s8;
	s14 =	simm.s32 @!p2 $0x2000  }
0xca: {  	[tilespmem:s14], [sflag:$0x7] =	stream.linear.gather @!p2 [hbm4b:s11+s10], $0xA00, $0x38;
	[tilespmem:$0x17670] =	vst v63  }
0xcb: {  	s11 =	simm.s32 @!p2 $0x7  }
0xcc: {  	_ =	swait.ge @!p2 [sflag:s11], $0x1400  }
0xcd: {  	[sflag:s11] =	ssyncset.done @!p2 $0x0  }
0xce: {  	s14 =	simm.s32 @!p2 $0x10000;
	[sflag:s11] =	ssyncadd.s32 @!p2 $0xFFFFEC00;
	s11 =	simm.s32 @!p2 $0xA00  }
0xcf: {  	[spmem:s1] =	stream.indirect.scatter.add.f32 @!p2 [tilespmem:s14], [sflag:$0x5], $0x1, s10, s11, $0xb8;
	[tilespmem:$0x17670] =	vst v63  }
0xd0: {  	s10 =	simm.s32 @!p2 $0x5  }
0xd1: {  	_ =	swait.ge @!p2 [sflag:s10], $0xA00  }
0xd2: {  	s11 =	simm.s32 @!p0 $0x186A00;
	s14 =	simm.s32 @!p0 $0x0;
	[sflag:s10] =	ssyncset.done @!p2 $0x0  }
0xd3: {  	s15 =	rddreg [dreg:$0x6];
	[sflag:s10] =	ssyncadd.s32 @!p2 $0xFFFFF600;
	s10 =	simm.s32 @!p0 $0x2000  }
0xd4: {  	[tilespmem:s14], [sflag:$0x7] =	stream.strided.gather @!p0 [hbm4b:s15+s10], $0x4000, s11, s10, $0x38;
	[tilespmem:$0x17670] =	vst v63  }
0xd5: {  	s11 =	simm.s32 @!p0 $0x7  }
0xd6: {  	_ =	swait.ge @!p0 [sflag:s11], $0x4000  }
0xd7: {  	[sflag:s11] =	ssyncset.done @!p0 $0x0  }
0xd8: {  	[sflag:s11] =	ssyncadd.s32 @!p0 $0xFFFFC000;
	s11 =	simm.s32 @!p0 $0x10000  }
0xd9: {  	[spmem:s1] =	stream.indirect.scatter.add.f32 @!p0 [tilespmem:s11], [sflag:$0x5], $0x1, s14, s10, $0xb8;
	[tilespmem:$0x17670] =	vst v63  }
0xda: {  	s10 =	simm.s32 @!p0 $0x5  }
0xdb: {  	_ =	swait.ge @!p0 [sflag:s10], $0x2000  }
0xdc: {  	[sflag:s10] =	ssyncset.done @!p0 $0x0  }
0xdd: {  	[sflag:s10] =	ssyncadd.s32 @!p0 $0xFFFFE000  }
0xde: {  	[bflag:$0x0] =	sbarrier.arrive $0xFFFF  }
0xdf: {  	s14 =	simm.s32 $0x127D0;
	s11 =	rddreg [dreg:$0x7]  }
0xe0: {  	[tilespmem:s14], [sflag:$0x7] =	stream.linear.gather [spmem:s11], $0x3E8, $0x38;
	[tilespmem:$0x17670] =	vst v63  }
0xe1: {  	_ =	swait.ge [sflag:s26], $0x3E8  }
0xe2: {  	s15 =	simm.s32 $0x0;
	[sflag:s26] =	ssyncset.done $0x0  }
0xe3: {  	s10 =	simm.s32 $0x10;
	s11 =	smin.u32 s15, $0x3D8;
	[sflag:s26] =	ssyncadd.s32 $0xFFFFFC18  }
.LBB2_6:
0xe4: {  	p3 =	sne.s32 s10, $0x3E0;
	v2 =	vld [tilespmem:s11+$0x127D0];
	_ =	sdelay $0x4  }
0xe5: {  	v3 =	vshra.s32 v2, $0x1;
	v4 =	vmul.f32 $5.000000000e-01, v2  }
0xe6: {  	v3 =	vsub.s32 $0x5F3759DF, v3  }
0xe7: {  	v5 =	vmul.f32 v3, v4;
	_ =	sdelay $0x1  }
0xe8: {  	v5 =	vmul.f32 v3, v5;
	_ =	sdelay $0x1  }
0xe9: {  	v5 =	vsub.f32 $1.500000000e+00, v5;
	_ =	sdelay $0x1  }
0xea: {  	v3 =	vmul.f32 v3, v5;
	_ =	sdelay $0x1  }
0xeb: {  	v5 =	vmul.f32 v3, v4;
	_ =	sdelay $0x1  }
0xec: {  	v5 =	vmul.f32 v5, v3;
	_ =	sdelay $0x1  }
0xed: {  	v5 =	vsub.f32 $1.500000000e+00, v5;
	_ =	sdelay $0x1  }
0xee: {  	v3 =	vmul.f32 v5, v3;
	_ =	sdelay $0x1  }
0xef: {  	v4 =	vmul.f32 v3, v4;
	_ =	sdelay $0x1  }
0xf0: {  	v4 =	vmul.f32 v4, v3;
	_ =	sdelay $0x1  }
0xf1: {  	v4 =	vsub.f32 $1.500000000e+00, v4;
	_ =	sdelay $0x1  }
0xf2: {  	v3 =	vmul.f32 v4, v3  }
0xf3: {  	vm0 =	vgt.f32 v2, $0.0e+00  }
0xf4: {  	v2 =	vnsel vm0, $0x0, v3  }
0xf5: {  	v3 =	vbroadcast v2, $0x0;
	v4 =	vbroadcast v2, $0x1  }
0xf6: {  	s14 =	sshll.u32 s11, $0x4;
	v5 =	vbroadcast v2, $0x2;
	v6 =	vbroadcast v2, $0x3  }
0xf7: {  	v7 =	vbroadcast v2, $0x5;
	[tilespmem:s14+$0x12BB8] =	vst v3;
	v3 =	vbroadcast v2, $0x4  }
0xf8: {  	v8 =	vbroadcast v2, $0x7;
	[tilespmem:s14+$0x12BC8] =	vst v4;
	v4 =	vbroadcast v2, $0x6  }
0xf9: {  	v9 =	vbroadcast v2, $0x9;
	[tilespmem:s14+$0x12BD8] =	vst v5;
	v5 =	vbroadcast v2, $0x8  }
0xfa: {  	v10 =	vbroadcast v2, $0xB;
	[tilespmem:s14+$0x12BE8] =	vst v6;
	v6 =	vbroadcast v2, $0xA  }
0xfb: {  	v11 =	vbroadcast v2, $0xD;
	[tilespmem:s14+$0x12BF8] =	vst v3;
	v3 =	vbroadcast v2, $0xC  }
0xfc: {  	[tilespmem:s14+$0x12C08] =	vst v7;
	v7 =	vbroadcast v2, $0xE;
	v2 =	vbroadcast v2, $0xF  }
0xfd: {  	[tilespmem:s14+$0x12C18] =	vst v4  }
0xfe: {  	[tilespmem:s14+$0x12C28] =	vst v8  }
0xff: {  	[tilespmem:s14+$0x12C38] =	vst v5  }
0x100: {  	[tilespmem:s14+$0x12C48] =	vst v9  }
0x101: {  	[tilespmem:s14+$0x12C58] =	vst v6  }
.Ltmp4:
0x102: {  	[tilespmem:s14+$0x12C68] =	vst v10;
	(pc) =	sbr.rel @p3 .LBB2_6-.Ltmp4, $4  }
0x103: {  	[tilespmem:s14+$0x12C78] =	vst v3  }
0x104: {  	[tilespmem:s14+$0x12C88] =	vst v11  }
0x105: {  	[tilespmem:s14+$0x12C98] =	vst v7  }
0x106: {  	s11 =	smin.u32 s10, $0x3D8;
	s10 =	sadd.s32 $0x10, s10;
	[tilespmem:s14+$0x12CA8] =	vst v2  }
0x107: {  	v2 =	vld [tilespmem:s11+$0x127D0];
	_ =	sdelay $0x4  }
0x108: {  	v3 =	vshra.s32 v2, $0x1;
	v4 =	vmul.f32 $5.000000000e-01, v2  }
0x109: {  	v3 =	vsub.s32 $0x5F3759DF, v3  }
0x10a: {  	v5 =	vmul.f32 v3, v4;
	_ =	sdelay $0x1  }
0x10b: {  	v5 =	vmul.f32 v3, v5;
	_ =	sdelay $0x1  }
0x10c: {  	v5 =	vsub.f32 $1.500000000e+00, v5;
	_ =	sdelay $0x1  }
0x10d: {  	v3 =	vmul.f32 v3, v5;
	_ =	sdelay $0x1  }
0x10e: {  	v5 =	vmul.f32 v3, v4;
	_ =	sdelay $0x1  }
0x10f: {  	v5 =	vmul.f32 v5, v3;
	_ =	sdelay $0x1  }
0x110: {  	v5 =	vsub.f32 $1.500000000e+00, v5;
	_ =	sdelay $0x1  }
0x111: {  	v3 =	vmul.f32 v5, v3;
	_ =	sdelay $0x1  }
0x112: {  	v4 =	vmul.f32 v3, v4;
	_ =	sdelay $0x1  }
0x113: {  	v4 =	vmul.f32 v4, v3;
	_ =	sdelay $0x1  }
0x114: {  	v4 =	vsub.f32 $1.500000000e+00, v4;
	_ =	sdelay $0x1  }
0x115: {  	v3 =	vmul.f32 v4, v3  }
0x116: {  	vm0 =	vgt.f32 v2, $0.0e+00  }
0x117: {  	v2 =	vnsel vm0, $0x0, v3  }
0x118: {  	v3 =	vbroadcast v2, $0x0  }
0x119: {  	s10 =	sshll.u32 s11, $0x4;
	v54 =	vbroadcast v2, $0x1  }
0x11a: {  	v55 =	vbroadcast v2, $0x2;
	[tilespmem:s10+$0x12BB8] =	vst v3  }
0x11b: {  	v56 =	vbroadcast v2, $0x4;
	[tilespmem:s10+$0x12BC8] =	vst v54  }
0x11c: {  	v57 =	vbroadcast v2, $0x5;
	[tilespmem:s10+$0x12BD8] =	vst v55  }
0x11d: {  	v58 =	vbroadcast v2, $0x7;
	[tilespmem:s10+$0x12BF8] =	vst v56  }
0x11e: {  	v59 =	vbroadcast v2, $0x8;
	[tilespmem:s10+$0x12C08] =	vst v57  }
0x11f: {  	v60 =	vbroadcast v2, $0xA;
	[tilespmem:s10+$0x12C28] =	vst v58  }
0x120: {  	v3 =	vbroadcast v2, $0x3;
	[tilespmem:s10+$0x12C38] =	vst v59  }
0x121: {  	v61 =	vbroadcast v2, $0xB;
	[tilespmem:s10+$0x12C58] =	vst v60  }
0x122: {  	[tilespmem:s10+$0x12BE8] =	vst v3;
	v3 =	vbroadcast v2, $0x6  }
0x123: {  	v62 =	vbroadcast v2, $0xD;
	[tilespmem:s10+$0x12C68] =	vst v61  }
0x124: {  	[tilespmem:s10+$0x12C18] =	vst v3;
	v3 =	vbroadcast v2, $0x9  }
0x125: {  	v63 =	vbroadcast v2, $0xE;
	[tilespmem:s10+$0x12C88] =	vst v62  }
0x126: {  	[tilespmem:s10+$0x12C48] =	vst v3;
	v3 =	vbroadcast v2, $0xC  }
0x127: {  	[tilespmem:s10+$0x12C98] =	vst v63;
	v2 =	vbroadcast v2, $0xF  }
0x128: {  	[tilespmem:s10+$0x12C78] =	vst v3  }
.Ltmp5:
0x129: {  	s14 =	rddreg [dreg:$0x8];
	s15 =	simm.s32 $0x12BB8;
	[tilespmem:s10+$0x12CA8] =	vst v2;
	(pc) =	sbr.rel @p1 .LBB2_11-.Ltmp5, $4  }
0x12a: {  	[hbm4b:s14+s3] =	stream.linear.scatter [tilespmem:s15], [sflag:$0x7], $0x3E80, $0x38;
	[tilespmem:$0x17670] =	vst v63  }
0x12b: {  	_ =	swait.ge [sflag:s26], $0x3E80  }
0x12c: {  	[sflag:s26] =	ssyncset.done $0x0  }
0x12d: {  	[sflag:s26] =	ssyncadd.s32 $0xFFFFC180  }
0x12e: {  	s10 =	rddreg [dreg:$0x9];
	s11 =	simm.s32 $0x127D0  }
0x12f: {  	[tilespmem:s11], [sflag:$0x7] =	stream.linear.gather [spmem:s10], $0x3E8, $0x38;
	[tilespmem:$0x17670] =	vst v63  }
0x130: {  	_ =	swait.ge [sflag:s26], $0x3E8  }
0x131: {  	s15 =	simm.s32 $0x0;
	[sflag:s26] =	ssyncset.done $0x0  }
0x132: {  	s11 =	smin.u32 s15, $0x3D8;
	s10 =	simm.s32 $0x10;
	[sflag:s26] =	ssyncadd.s32 $0xFFFFFC18  }
.LBB2_9:
0x133: {  	p3 =	sne.s32 s10, $0x3E0;
	v2 =	vld [tilespmem:s11+$0x127D0];
	_ =	sdelay $0x4  }
0x134: {  	v3 =	vshra.s32 v2, $0x1;
	v4 =	vmul.f32 $5.000000000e-01, v2  }
0x135: {  	v3 =	vsub.s32 $0x5F3759DF, v3  }
0x136: {  	v5 =	vmul.f32 v3, v4;
	_ =	sdelay $0x1  }
0x137: {  	v5 =	vmul.f32 v3, v5;
	_ =	sdelay $0x1  }
0x138: {  	v5 =	vsub.f32 $1.500000000e+00, v5;
	_ =	sdelay $0x1  }
0x139: {  	v3 =	vmul.f32 v3, v5;
	_ =	sdelay $0x1  }
0x13a: {  	v5 =	vmul.f32 v3, v4;
	_ =	sdelay $0x1  }
0x13b: {  	v5 =	vmul.f32 v5, v3;
	_ =	sdelay $0x1  }
0x13c: {  	v5 =	vsub.f32 $1.500000000e+00, v5;
	_ =	sdelay $0x1  }
0x13d: {  	v3 =	vmul.f32 v5, v3;
	_ =	sdelay $0x1  }
0x13e: {  	v4 =	vmul.f32 v3, v4;
	_ =	sdelay $0x1  }
0x13f: {  	v4 =	vmul.f32 v4, v3;
	_ =	sdelay $0x1  }
0x140: {  	v4 =	vsub.f32 $1.500000000e+00, v4;
	_ =	sdelay $0x1  }
0x141: {  	v3 =	vmul.f32 v4, v3  }
0x142: {  	vm0 =	vgt.f32 v2, $0.0e+00  }
0x143: {  	v2 =	vnsel vm0, $0x0, v3  }
0x144: {  	v3 =	vbroadcast v2, $0x0;
	v4 =	vbroadcast v2, $0x1  }
0x145: {  	s14 =	sshll.u32 s11, $0x4;
	v5 =	vbroadcast v2, $0x2;
	v6 =	vbroadcast v2, $0x3  }
0x146: {  	v7 =	vbroadcast v2, $0x5;
	[tilespmem:s14+$0x12BB8] =	vst v3;
	v3 =	vbroadcast v2, $0x4  }
0x147: {  	v8 =	vbroadcast v2, $0x7;
	[tilespmem:s14+$0x12BC8] =	vst v4;
	v4 =	vbroadcast v2, $0x6  }
0x148: {  	v9 =	vbroadcast v2, $0x9;
	[tilespmem:s14+$0x12BD8] =	vst v5;
	v5 =	vbroadcast v2, $0x8  }
0x149: {  	v10 =	vbroadcast v2, $0xB;
	[tilespmem:s14+$0x12BE8] =	vst v6;
	v6 =	vbroadcast v2, $0xA  }
0x14a: {  	v11 =	vbroadcast v2, $0xD;
	[tilespmem:s14+$0x12BF8] =	vst v3;
	v3 =	vbroadcast v2, $0xC  }
0x14b: {  	[tilespmem:s14+$0x12C08] =	vst v7;
	v7 =	vbroadcast v2, $0xE;
	v2 =	vbroadcast v2, $0xF  }
0x14c: {  	[tilespmem:s14+$0x12C18] =	vst v4  }
0x14d: {  	[tilespmem:s14+$0x12C28] =	vst v8  }
0x14e: {  	[tilespmem:s14+$0x12C38] =	vst v5  }
0x14f: {  	[tilespmem:s14+$0x12C48] =	vst v9  }
0x150: {  	[tilespmem:s14+$0x12C58] =	vst v6  }
.Ltmp6:
0x151: {  	[tilespmem:s14+$0x12C68] =	vst v10;
	(pc) =	sbr.rel @p3 .LBB2_9-.Ltmp6, $4  }
0x152: {  	[tilespmem:s14+$0x12C78] =	vst v3  }
0x153: {  	[tilespmem:s14+$0x12C88] =	vst v11  }
0x154: {  	[tilespmem:s14+$0x12C98] =	vst v7  }
0x155: {  	s11 =	smin.u32 s10, $0x3D8;
	s10 =	sadd.s32 $0x10, s10;
	[tilespmem:s14+$0x12CA8] =	vst v2  }
.Ltmp7:
0x156: {  	_ = 	snop;
	(pc) =	sbr.rel .LBB2_10-.Ltmp7, $1  }
0x157: {  	_ =	sdelay $0x3  }
.LBB2_12:
0x158: {  	_ =	sfence.sel $0x180000  }
0x159: {  	[bflag:$0x0] =	sbarrier.arrive $0xFFFF  }
0x15a: {  	_ =	strace $0x90000047  }
0x15b: {  	s0 =	stileid.u32;
	[bflag:$0x2] =	sbarrier.arrive $0xFFFF  }
0x15c: {  	p0 =	sne.s32 s0, $0x0;
	s0 =	rddreg [dreg:$0x2]  }
0x15d: {  	s0 =	sadd.s32 @!p0 $0x100000, s0  }
0x15e: {  	[sflag:s0] =	ssyncadd.tile.s32 @!p0 $0x1;
	_ =	shalt  }
.Lfunc_end2:
_tile_overlayer_lowered:
.L_overlay_start_2:
0x15f: {  	(tag) =	ssettag $0x2  }
0x160: {  	s0 =	rddreg [dreg:$0x0];
	s2 =	stileid.u32  }
0x161: {  	s1 =	rddreg [dreg:$0x1];
	p0 =	sne.s32 s2, $0x0  }
0x162: {  	s3 =	rddreg [dreg:$0x2];
	[bflag:$0x3] =	sbarrier.arrive $0xFFFF;
	s2 =	simm.s32 @!p0 $0x1C07  }
0x163: {  	[timem:s3], [sflag:s2] =	dma.local @!p0 [hbm:s0], s1  }
0x164: {  	s0 =	simm.s32 @!p0 $0x7  }
0x165: {  	_ =	swait.ge @!p0 [sflag:s0], s1  }
0x166: {  	s1 =	ssub.s32 @!p0 $0x0, s1;
	[sflag:s0] =	ssyncset.done @!p0 $0x0  }
0x167: {  	[sflag:s0] =	ssyncadd.s32 @!p0 s1  }
0x168: {  	[bflag:$0x3] =	sbarrier.arrive $0xFFFF  }
0x169: {  	_ =	shalt  }

// kernel: kernel.9.cloned.1.call-start
scs
__scs_entry_jumppad:
0x0: {  	(pc) =	sbr.rel $0x88, $3  }
0x1: {  	(tag) =	ssettag $0x0;
	lr =	simm.s32 $0x1  }
0x2: {  	[smem:$0x3F95] =	sst lr;
	_ =	strace $0xD0000000  }
0x3: {  	_ = 	snop  }
0x4: {  	_ = 	snop  }
0x5: {  	_ = 	snop  }
0x6: {  	_ = 	snop  }
0x7: {  	_ = 	snop  }
__scs_overlays_trampoline_lowered:
0x8: {  	[smem:$0x3FA4] =	sst s0  }
0x9: {  	[smem:$0x3FA5] =	sst s1  }
0xa: {  	[smem:$0x3FA6] =	sst s2  }
0xb: {  	[smem:$0x3FA7] =	sst s3  }
0xc: {  	[smem:$0x3FA8] =	sst s4  }
0xd: {  	[smem:$0x3FA9] =	sst s5  }
0xe: {  	[smem:$0x3FAA] =	sst s6  }
0xf: {  	[smem:$0x3FAB] =	sst s7  }
0x10: {  	[smem:$0x3FAC] =	sst s8  }
0x11: {  	[smem:$0x3FAD] =	sst s9;
	s0 =	simm.s32 @!p0 $0x0  }
0x12: {  	s1 =	sld [smem:$0x3F93];
	s0 =	simm.s32 @p0 $0x1  }
0x13: {  	[smem:$0x3FAE] =	sst s0;
	s0 =	simm.s32 @!p1 $0x0  }
0x14: {  	s2 =	sld [smem:$0x3F92];
	s0 =	simm.s32 @p1 $0x1  }
0x15: {  	[smem:$0x3FAF] =	sst s0;
	s0 =	simm.s32 @!p2 $0x0  }
0x16: {  	s3 =	sld [smem:$0x3FDB];
	s0 =	simm.s32 @p2 $0x1  }
0x17: {  	s4 =	simm.s32 $0x1BF5;
	[smem:$0x3FB1] =	sst s0  }
0x18: {  	s0 =	sld [smem:$0x3F94];
	_ =	swait.ge [sflag:s4], $0x0  }
0x19: {  	s7 =	sld [smem:$0x3F95]  }
0x1a: {  	s8 =	sadd.s32 $0xFFFFE003, lr  }
0x1b: {  	s9 =	sadd.s32 $0xFFFFFEF7, lr;
	s5 =	simm.s32 $0xFFFFFFFF;
	p2 =	slt.u32 s8, $0xFFFFF086  }
0x1c: {  	p1 =	slt.u32 s9, $0xF7A;
	s5 =	simm.s32 @!p2 $0x0  }
0x1d: {  	s5 =	simm.s32 @p1 $0x1;
	p0 =	seq.s32 s7, s2  }
0x1e: {  	s7 =	smul.u32 @!p0 $0xF7A, s2;
	p2 =	seq.s32 @!p0 s5, $0x0  }
0x1f: {  	s9 =	smul.u32 $0xF7A, s1;
	s8 =	simm.s32 @!p0 $0x1BF5;
	p2 =	por !p2, p0  }
0x20: {  	[sflag:s8] =	ssyncset.s32 @!p0 $0xFFFFF086;
	s6 =	sadd.s32 @!p0 s3, s7;
	s7 =	simm.s32 @!p0 $0x108  }
0x21: {  	s3 =	sadd.s32 s3, s9;
	s6 =	sadd.s32 @!p0 $0x88, s6;
	s7 =	simm.s32 @p2 $0x1082  }
0x22: {  	[simem:s7], [sflag:s8] =	dma.local @!p0 [hbm:s6], $0xF7A  }
0x23: {  	s9 =	sor.u32 $0xD0000000, s2;
	s6 =	simm.s32 $0x108;
	_ =	swait.ge @!p0 [sflag:s8], $0x0  }
0x24: {  	s3 =	sadd.s32 $0x88, s3;
	s6 =	simm.s32 @!p1 $0x1082;
	[sflag:s4] =	ssyncset.s32 $0xFFFFF086  }
0x25: {  	[simem:s6], [sflag:s4] =	dma.local [hbm:s3], $0xF7A  }
0x26: {  	[smem:$0x3F95] =	sst s1;
	(tag) =	ssettag s2;
	_ =	strace s9  }
0x27: {  	s1 =	sld [smem:$0x3FA5]  }
0x28: {  	s2 =	sld [smem:$0x3FA6]  }
0x29: {  	s4 =	sld [smem:$0x3FA8]  }
0x2a: {  	p0 =	seq.s32 s5, $0x0;
	s5 =	sld [smem:$0x3FA9]  }
0x2b: {  	s6 =	sld [smem:$0x3FAA]  }
0x2c: {  	s7 =	sld [smem:$0x3FAB]  }
0x2d: {  	s3 =	simm.s32 $0x108;
	s8 =	sld [smem:$0x3FAC]  }
0x2e: {  	s3 =	simm.s32 @!p0 $0x1082;
	s9 =	sld [smem:$0x3FAD]  }
0x2f: {  	lr =	sadd.s32 s0, s3;
	s0 =	sld [smem:$0x3FA4]  }
0x30: {  	s3 =	sld [smem:$0x3FA7]  }
0x31: {  	[smem:$0x3FB0] =	sst s10  }
0x32: {  	s10 =	sld [smem:$0x3FAE];
	_ =	sdelay $0x3  }
0x33: {  	p0 =	seq.s32 s10, $0x1;
	s10 =	sld [smem:$0x3FB0];
	_ =	sdelay $0x3  }
0x34: {  	[smem:$0x3FB0] =	sst s10  }
0x35: {  	s10 =	sld [smem:$0x3FAF];
	_ =	sdelay $0x3  }
0x36: {  	p1 =	seq.s32 s10, $0x1;
	s10 =	sld [smem:$0x3FB0];
	_ =	sdelay $0x3  }
0x37: {  	[smem:$0x3FB0] =	sst s10  }
0x38: {  	s10 =	sld [smem:$0x3FB1]  }
0x39: {  	_ = 	snop;
	(pc) =	sbr.ind lr, $3  }
0x3a: {  	_ = 	snop  }
0x3b: {  	_ = 	snop  }
0x3c: {  	p2 =	seq.s32 s10, $0x1;
	s10 =	sld [smem:$0x3FB0]  }
0x3d: {  	_ =	shalt  }
0x3e: {  	_ =	shalt  }
0x3f: {  	_ =	shalt  }
0x40: {  	_ =	shalt  }
0x41: {  	_ =	shalt  }
0x42: {  	_ =	shalt  }
0x43: {  	_ =	shalt  }
0x44: {  	_ =	shalt  }
0x45: {  	_ =	shalt  }
0x46: {  	_ =	shalt  }
0x47: {  	_ =	shalt  }
0x48: {  	_ =	shalt  }
0x49: {  	_ =	shalt  }
0x4a: {  	_ =	shalt  }
0x4b: {  	_ =	shalt  }
0x4c: {  	_ =	shalt  }
0x4d: {  	_ =	shalt  }
0x4e: {  	_ =	shalt  }
0x4f: {  	_ =	shalt  }
0x50: {  	_ =	shalt  }
0x51: {  	_ =	shalt  }
0x52: {  	_ =	shalt  }
0x53: {  	_ =	shalt  }
0x54: {  	_ =	shalt  }
0x55: {  	_ =	shalt  }
0x56: {  	_ =	shalt  }
0x57: {  	_ =	shalt  }
0x58: {  	_ =	shalt  }
0x59: {  	_ =	shalt  }
0x5a: {  	_ =	shalt  }
0x5b: {  	_ =	shalt  }
0x5c: {  	_ =	shalt  }
0x5d: {  	_ =	shalt  }
0x5e: {  	_ =	shalt  }
0x5f: {  	_ =	shalt  }
0x60: {  	_ =	shalt  }
0x61: {  	_ =	shalt  }
0x62: {  	_ =	shalt  }
0x63: {  	_ =	shalt  }
0x64: {  	_ =	shalt  }
0x65: {  	_ =	shalt  }
0x66: {  	_ =	shalt  }
0x67: {  	_ =	shalt  }
0x68: {  	_ =	shalt  }
0x69: {  	_ =	shalt  }
0x6a: {  	_ =	shalt  }
0x6b: {  	_ =	shalt  }
0x6c: {  	_ =	shalt  }
0x6d: {  	_ =	shalt  }
0x6e: {  	_ =	shalt  }
0x6f: {  	_ =	shalt  }
0x70: {  	_ =	shalt  }
0x71: {  	_ =	shalt  }
0x72: {  	_ =	shalt  }
0x73: {  	_ =	shalt  }
0x74: {  	_ =	shalt  }
0x75: {  	_ =	shalt  }
0x76: {  	_ =	shalt  }
0x77: {  	_ =	shalt  }
0x78: {  	_ =	shalt  }
0x79: {  	_ =	shalt  }
0x7a: {  	_ =	shalt  }
0x7b: {  	_ =	shalt  }
0x7c: {  	_ =	shalt  }
0x7d: {  	_ =	shalt  }
0x7e: {  	_ =	shalt  }
0x7f: {  	_ =	shalt  }
0x80: {  	_ =	shalt  }
0x81: {  	_ =	shalt  }
0x82: {  	_ =	shalt  }
0x83: {  	_ =	shalt  }
0x84: {  	_ =	shalt  }
0x85: {  	_ =	shalt  }
0x86: {  	_ =	shalt  }
0x87: {  	_ =	shalt  }
.Lfunc_end0:
.L_simem_size_0:
called_computation.1_lowered:
.L_overlay_start_0:
0x88: {  	s2 =	sld [smem:$0x3FD9]  }
0x89: {  	s3 =	sld [smem:$0x3FFE];
	_ =	sdelay $0x1  }
0x8a: {  	s1 =	srdreg.scid  }
0x8b: {  	s0 =	sand.u32 $0x1, s1  }
0x8c: {  	s16 =	sshll.u32 s0, $0xA;
	s2 =	sadd.s32 s3, s2  }
0x8d: {  	s2 =	sadd.s32 s2, s16  }
0x8e: {  	[smem:$0x3FBC] =	sst s2  }
0x8f: {  	_ = 	snop  }
0x90: {  	(tm) =	ssettm $0x1  }
0x91: {  	s17 =	sld [smem:$0x3FFB];
	_ =	sdelay $0x3  }
0x92: {  	_ =	strace s17  }
0x93: {  	s2 =	sld [smem:$0x3FFC];
	_ =	sdelay $0x3  }
0x94: {  	_ =	strace s2  }
0x95: {  	s2 =	sld [smem:$0x3FFD];
	_ =	sdelay $0x3  }
0x96: {  	_ =	strace s2  }
0x97: {  	_ =	strace $0x8FFFFFFF  }
0x98: {  	s18 =	sld [smem:$0x3FDB];
	_ =	sdelay $0x1  }
0x99: {  	s19 =	simm.s32 $_scs_section_size  }
0x9a: {  	s4 =	simm.s32 $_size__tile_overlayer_lowered;
	s5 =	simm.s32 $_tile_overlayer_lowered  }
0x9b: {  	s22 =	simm.s32 $0x1BFF;
	s21 =	sshll.u32 s5, $0x1;
	s2 =	sadd.s32 s19, s18  }
0x9c: {  	s6 =	simm.s32 $0x0;
	s20 =	sshll.u32 s4, $0x1;
	s4 =	sadd.s32 s21, s2  }
0x9d: {  	[timem:s6], [sflag:s22] =	dma.local [hbm:s4], s20  }
0x9e: {  	_ =	swait.ge [sflag:s22], s20  }
0x9f: {  	s3 =	ssub.s32 $0x0, s20;
	[sflag:s22] =	ssyncset.done $0x0  }
0xa0: {  	[sflag:s22] =	ssyncadd.s32 s3;
	_ =	sdelay $0x1  }
0xa1: {  	s23 =	simm.s32 $0x1B8B  }
0xa2: {  	_ =	swait.ge [sflag:s23], $0x1  }
0xa3: {  	[sflag:s23] =	ssyncset.done $0x0  }
0xa4: {  	s25 =	simm.s32 $0x1B8E;
	s24 =	sld [smem:$0x3FFE];
	[sflag:s23] =	ssyncadd.s32 $0xFFFFFFFF  }
0xa5: {  	s26 =	simm.s32 $execute0_lowered;
	[smem:$0x3FD2] =	sst s25  }
0xa6: {  	s4 =	sshll.u32 s26, $0x1;
	_ =	strace $0x80000049;
	[dreg:$0x1] =	wrdreg $0xFFFFFFFF  }
0xa7: {  	s28 =	simm.s32 $_size_execute0_lowered;
	s2 =	sadd.s32 s2, s4;
	[dreg:$0x0] =	wrdreg $0x0  }
0xa8: {  	s4 =	sshll.u32 s28, $0x1;
	[dreg:$0x2] =	wrdreg s2  }
0xa9: {  	[dreg:$0x3] =	wrdreg s4  }
0xaa: {  	[dreg:$0x4] =	wrdreg $0xC0  }
0xab: {  	_ =	task [dreg:s6], $0x5FFFF  }
0xac: {  	[dreg:$0x1] =	wrdreg $0xFFFFFFFF  }
0xad: {  	[dreg:$0x0] =	wrdreg $0x60  }
0xae: {  	[dreg:$0x2] =	wrdreg s24  }
0xaf: {  	[dreg:$0x3] =	wrdreg $0xF0000  }
0xb0: {  	[dreg:$0x4] =	wrdreg $0x9  }
0xb1: {  	_ =	task.clear_ibuf [dreg:s6], $0x5FFFF;
	_ =	strace $0x90000049  }
0xb2: {  	s29 =	simm.s32 $0x9;
	_ =	strace $0x8000004B  }
0xb3: {  	_ =	swait.ge [sflag:s29], $0x1  }
0xb4: {  	[sflag:s29] =	ssyncadd.s32 $0xFFFFFFFF  }
0xb5: {  	_ =	strace $0x9000004B  }
0xb6: {  	_ =	sfence  }
0xb7: {  	s30 =	sld [smem:$0x0];
	_ =	sdelay $0x2  }
0xb8: {  	s31 =	sshll.u32 s1, $0xD;
	s1 =	sshrl.u32 s1, $0x2  }
0xb9: {  	s3 =	sand.u32 $0x4000, s31;
	s1 =	sadd.s32 s1, s30  }
0xba: {  	s0 =	sor.u32 s3, s0;
	s1 =	sshll.u32 s1, $0x11  }
0xbb: {  	s0 =	sor.u32 s1, s0  }
0xbc: {  	s0 =	sadd.s32 $0x8F2B, s0  }
0xbd: {  	[sflag:s0] =	ssyncadd.remote.s32 $0x1  }
0xbe: {  	_ =	sfence.sel $0xFFFF  }
0xbf: {  	[dreg:$0x0] =	wrdreg $0xFFFFFFFF;
	(pc) =	sbr.abs _section_cstart, $3  }
0xc0: {  	[dreg:$0x1] =	wrdreg $0xFFFFFFFF  }
0xc1: {  	_ =	task.clear_ibuf [dreg:s6], $0x2FFFF;
	_ =	strace $0x9FFFFFFF  }
0xc2: {  	(tm) =	ssettm $0x7FFFFFFF  }
0xc3: {  	_ =	shalt  }
tec
execute0_lowered:
.L_overlay_start_1:
0x0: {  	(tag) =	ssettag $0x1  }
0x1: {  	s1 =	srdreg.scid;
	s0 =	rddreg [dreg:$0x0]  }
0x2: {  	s19 =	stileid.u32;
	s29 =	simm.s32 $0x9;
	s30 =	simm.s32 $0x4  }
0x3: {  	s4 =	sand.u32 $0x1, s1;
	s5 =	sadd.s32 $0x13FA00, s0;
	s6 =	sadd.s32 $0x63C00, s0  }
0x4: {  	s7 =	sadd.s32 $0x158200, s0;
	s11 =	sor.u32 $0x20, s19;
	s9 =	smul.u32 $0xC3500, s4  }
0x5: {  	s10 =	sor.u32 $0x10, s19;
	s13 =	sor.u32 $0x30, s19;
	s15 =	smul.u32 $0x3E80, s11  }
0x6: {  	s26 =	sadd.s32 $0x189000, s0;
	p1 =	sgt.u32 s19, $0x1;
	s23 =	smul.u32 $0x186A0, s4  }
0x7: {  	s1 =	ssub.s32 $0x2, s4;
	s3 =	sshll.u32 s4, $0x4;
	s4 =	smul.u32 $0x18000, s4  }
0x8: {  	s2 =	sshrl.u32 s1, $0x1;
	s8 =	sor.u32 s19, s3;
	s3 =	smul.u32 $0x3E80, s10  }
0x9: {  	s1 =	ssub.s32 s1, s2;
	s2 =	smul.u32 $0x3E80, s19;
	s17 =	sshrl.u32 s15, $0x3  }
0xa: {  	s24 =	sadd.s32 s9, s15;
	p0 =	sgt.u32 s8, $0x19;
	s20 =	sshrl.u32 s3, $0x3  }
0xb: {  	s21 =	sadd.s32 s9, s3;
	p2 =	sne.s32 @p0 s8, $0x1A;
	s1 =	smax.u32 s1, $0x1  }
0xc: {  	s12 =	sshrl.u32 s2, $0x3;
	s18 =	sadd.s32 s2, s9;
	s16 =	sadd.s32 s5, s20  }
0xd: {  	p2 =	por p2, !p0;
	s14 =	sadd.s32 s5, s12;
	[dreg:$0x5] =	wrdreg s16  }
0xe: {  	s12 =	sadd.s32 s6, s12;
	s16 =	smul.u32 $0x3E80, s13;
	[dreg:$0x3] =	wrdreg s14  }
0xf: {  	[dreg:$0x4] =	wrdreg s12;
	s12 =	sshrl.u32 s18, $0x3;
	s14 =	sadd.s32 s6, s20  }
0x10: {  	s18 =	sadd.s32 s5, s17;
	s17 =	sadd.s32 s6, s17;
	[dreg:$0x6] =	wrdreg s14  }
0x11: {  	s14 =	sshrl.u32 s21, $0x3;
	[dreg:$0x7] =	wrdreg s18;
	s22 =	sshrl.u32 s16, $0x3  }
0x12: {  	[dreg:$0x8] =	wrdreg s17;
	s9 =	sadd.s32 s9, s16;
	s28 =	sadd.s32 s7, s12  }
0x13: {  	s21 =	sadd.s32 s26, s12;
	s5 =	sadd.s32 s5, s22;
	[dreg:$0xb] =	wrdreg s28  }
0x14: {  	s6 =	sadd.s32 s6, s22;
	s25 =	sshrl.u32 s9, $0x3;
	[dreg:$0xf] =	wrdreg s21  }
0x15: {  	s9 =	sadd.s32 s7, s23;
	s31 =	sadd.s32 s7, s14;
	[dreg:$0x9] =	wrdreg s5  }
0x16: {  	s22 =	sadd.s32 s26, s14;
	s23 =	smul.u32 $0x1800, s8;
	[dreg:$0xa] =	wrdreg s6  }
0x17: {  	s28 =	simm.s32 $0x0;
	s6 =	sshrl.u32 s24, $0x3;
	[dreg:$0xc] =	wrdreg s31  }
0x18: {  	[dreg:$0x10] =	wrdreg s22;
	s5 =	sadd.s32 s26, s25;
	s31 =	smul.u32 $0xFA00, s10  }
0x19: {  	s24 =	sadd.s32 $0x2000, s0;
	[smem:$0x7FF] =	sst s28;
	s10 =	smul.u32 $0xFA00, s11  }
0x1a: {  	s22 =	rddreg [dreg:$0x1];
	s11 =	smul.u32 $0xFA00, s13;
	s0 =	sadd.s32 $0x32D00, s0  }
0x1b: {  	s20 =	sadd.s32 s7, s6;
	s7 =	sadd.s32 s7, s25;
	s6 =	sadd.s32 s26, s6  }
0x1c: {  	[dreg:$0x12] =	wrdreg s5;
	s12 =	sadd.s32 s24, s23;
	s25 =	sshll.u32 s8, $0x7  }
0x1d: {  	s26 =	smul.u32 $0x1800, s19;
	s4 =	sadd.s32 s4, s24;
	s21 =	sadd.s32 s2, s22  }
0x1e: {  	s23 =	sadd.s32 s3, s22;
	s2 =	simm.s32 $0x3000;
	[dreg:$0xd] =	wrdreg s20  }
0x1f: {  	s3 =	simm.s32 $0xC;
	s8 =	simm.s32 $0x5;
	[dreg:$0xe] =	wrdreg s7  }
0x20: {  	[dreg:$0x11] =	wrdreg s6;
	s6 =	sadd.s32 s25, s24;
	s7 =	smul.u32 $0xFA00, s19  }
0x21: {  	s13 =	sshrl.u32 s10, $0x2;
	s17 =	sshrl.u32 s11, $0x2;
	s24 =	sadd.s32 s15, s22  }
0x22: {  	s25 =	sshrl.u32 s23, $0x3;
	_ =	strace $0x8000004A;
	[dreg:$0x18] =	wrdreg s0  }
0x23: {  	s28 =	sadd.s32 $0x80, s12;
	s11 =	simm.s32 $0x1000;
	[dreg:$0x1a] =	wrdreg s1  }
0x24: {  	s15 =	simm.s32 $0x7;
	s23 =	simm.s32 $0xB000;
	[dreg:$0x1c] =	wrdreg s25  }
0x25: {  	s19 =	simm.s32 $0x0;
	s20 =	sadd.s32 s26, s4;
	[dreg:$0x1f] =	wrdreg s28  }
0x26: {  	s4 =	sshrl.u32 s31, $0x2;
	s14 =	sadd.s32 s13, s22;
	[dreg:$0x13] =	wrdreg s12  }
0x27: {  	s18 =	sadd.s32 $0x30000, s6;
	s0 =	sshrl.u32 s21, $0x3;
	[dreg:$0x16] =	wrdreg s14  }
0x28: {  	s26 =	sshrl.u32 s24, $0x3;
	s31 =	sadd.s32 $0x100, s12;
	[dreg:$0x19] =	wrdreg s18  }
0x29: {  	s1 =	sadd.s32 $0x180, s12;
	s6 =	simm.s32 $0x186A00;
	[dreg:$0x1b] =	wrdreg s0  }
0x2a: {  	s12 =	simm.s32 $0x1;
	s24 =	simm.s32 $0x8;
	[dreg:$0x1d] =	wrdreg s26  }
0x2b: {  	s5 =	sshrl.u32 s7, $0x2;
	s4 =	sadd.s32 s4, s22;
	[smem:$0x7FD] =	sst s31  }
0x2c: {  	s14 =	simm.s32 $0x2;
	s26 =	simm.s32 $0x2800;
	s7 =	simm.s32 $0xA  }
.Ltmp0:
0x2d: {  	s5 =	sadd.s32 s5, s22;
	[dreg:$0x15] =	wrdreg s4;
	(pc) =	sbr.rel .LBB2_1-.Ltmp0, $4  }
0x2e: {  	s18 =	simm.s32 $0x6;
	s4 =	sadd.s32 s17, s22;
	[dreg:$0x14] =	wrdreg s5  }
0x2f: {  	s17 =	simm.s32 $0x3;
	[dreg:$0x17] =	wrdreg s4;
	s4 =	sadd.s32 s16, s22  }
0x30: {  	s5 =	simm.s32 $0x400;
	s16 =	simm.s32 $0x2000;
	s0 =	sshrl.u32 @!p1 s4, $0x3  }
0x31: {  	v0 =	vimm.f32 $0.0e+00;
	s4 =	simm.s32 $0x7000;
	[dreg:$0x1e] =	wrdreg s0;
	s0 =	simm.s32 $0xB  }
.LBB2_16:
0x32: {  	_ =	swait.ge [sflag:s24], $0x4000  }
0x33: {  	[sflag:s24] =	ssyncset.done $0x0  }
0x34: {  	s10 =	simm.s32 $0x2C00;
	[sflag:s24] =	ssyncadd.s32 $0xFFFFC000  }
0x35: {  	[spmem:s22] =	stream.indirect.scatter.add.f32 [tilespmem:s23], [sflag:$0xB], $0x10, s10, s5, $0xb8;
	[tilespmem:$0x1B350] =	vst v63  }
0x36: {  	_ =	swait.ge [sflag:s29], $0x4000  }
0x37: {  	[sflag:s29] =	ssyncset.done $0x0  }
0x38: {  	[sflag:s29] =	ssyncadd.s32 $0xFFFFC000  }
0x39: {  	_ =	swait.ge [sflag:s7], $0x4000  }
0x3a: {  	[sflag:s7] =	ssyncset.done $0x0  }
0x3b: {  	[sflag:s7] =	ssyncadd.s32 $0xFFFFC000  }
0x3c: {  	_ =	swait.ge [sflag:s0], $0x4000  }
0x3d: {  	[sflag:s0] =	ssyncset.done $0x0  }
0x3e: {  	s10 =	simm.s32 @!p2 $0x0;
	s13 =	rddreg [dreg:$0x18];
	[sflag:s0] =	ssyncadd.s32 $0xFFFFC000  }
0x3f: {  	[tilespmem:s10], [sflag:$0xC] =	stream.linear.gather @!p2 [hbm4b:s13+s10], $0x200, $0x38;
	[tilespmem:$0x1B350] =	vst v63  }
0x40: {  	s19 =	simm.s32 @!p2 $0x400;
	s13 =	sadd.s32 @!p2 $0x30D40, s13  }
0x41: {  	[tilespmem:s19], [sflag:$0xC] =	stream.linear.gather @!p2 [hbm4b:s13+s10], $0x200, $0x38;
	[tilespmem:$0x1B350] =	vst v63  }
0x42: {  	s13 =	simm.s32 @!p2 $0xC  }
0x43: {  	_ =	swait.ge @!p2 [sflag:s13], $0x400  }
0x44: {  	[sflag:s13] =	ssyncset.done @!p2 $0x0  }
0x45: {  	s21 =	simm.s32 @!p2 $0x3000;
	[sflag:s13] =	ssyncadd.s32 @!p2 $0xFFFFFC00;
	s13 =	simm.s32 @!p2 $0x200  }
0x46: {  	[tilespmem:s21], [sflag:$0x7] =	stream.indirect.gather @!p2 [hbm4b:s9+s13], $0x10, s10, s13, $0xb8;
	[tilespmem:$0x1B350] =	vst v63  }
0x47: {  	s10 =	simm.s32 @!p2 $0x7  }
0x48: {  	_ =	swait.ge @!p2 [sflag:s10], $0x2000  }
0x49: {  	[sflag:s10] =	ssyncset.done @!p2 $0x0  }
0x4a: {  	[sflag:s10] =	ssyncadd.s32 @!p2 $0xFFFFE000;
	s10 =	simm.s32 @!p2 $0x9  }
0x4b: {  	[spmem:s22] =	stream.indirect.scatter.add.f32 @!p2 [tilespmem:s21], [sflag:$0x9], $0x10, s19, s13, $0xb8;
	[tilespmem:$0x1B350] =	vst v63  }
0x4c: {  	_ =	swait.ge @!p2 [sflag:s10], $0x2000  }
0x4d: {  	s13 =	simm.s32 @!p0 $0x186A00;
	s19 =	simm.s32 @!p0 $0x0;
	[sflag:s10] =	ssyncset.done @!p2 $0x0  }
0x4e: {  	s21 =	rddreg [dreg:$0x19];
	[sflag:s10] =	ssyncadd.s32 @!p2 $0xFFFFE000;
	s10 =	simm.s32 @!p0 $0x400  }
0x4f: {  	[tilespmem:s19], [sflag:$0xC] =	stream.strided.gather @!p0 [hbm4b:s21+s10], $0x800, s13, s10, $0x38;
	[tilespmem:$0x1B350] =	vst v63  }
0x50: {  	s13 =	simm.s32 @!p0 $0xC  }
0x51: {  	_ =	swait.ge @!p0 [sflag:s13], $0x800  }
0x52: {  	[sflag:s13] =	ssyncset.done @!p0 $0x0  }
0x53: {  	[sflag:s13] =	ssyncadd.s32 @!p0 $0xFFFFF800;
	s13 =	simm.s32 @!p0 $0x3000  }
0x54: {  	[tilespmem:s13], [sflag:$0x7] =	stream.indirect.gather @!p0 [hbm4b:s9+s10], $0x10, s19, s10, $0xb8;
	[tilespmem:$0x1B350] =	vst v63  }
0x55: {  	s19 =	simm.s32 @!p0 $0x7  }
0x56: {  	_ =	swait.ge @!p0 [sflag:s19], $0x4000  }
0x57: {  	[sflag:s19] =	ssyncset.done @!p0 $0x0  }
0x58: {  	[sflag:s19] =	ssyncadd.s32 @!p0 $0xFFFFC000  }
0x59: {  	[spmem:s22] =	stream.indirect.scatter.add.f32 @!p0 [tilespmem:s13], [sflag:$0x9], $0x10, s10, s10, $0xb8;
	[tilespmem:$0x1B350] =	vst v63  }
0x5a: {  	s10 =	simm.s32 @!p0 $0x9  }
0x5b: {  	_ =	swait.ge @!p0 [sflag:s10], $0x4000  }
0x5c: {  	[sflag:s10] =	ssyncset.done @!p0 $0x0  }
0x5d: {  	[sflag:s10] =	ssyncadd.s32 @!p0 $0xFFFFC000  }
0x5e: {  	s19 =	stileid.u32;
	[bflag:$0x0] =	sbarrier.arrive $0xFFFF  }
0x5f: {  	s10 =	sshll.u32 s19, $0x6;
	s21 =	rddreg [dreg:$0xf]  }
0x60: {  	s10 =	sor.u32 $0x1C0C, s10;
	s25 =	rddreg [dreg:$0x1b]  }
0x61: {  	[hbm:s21], [sflag:s10] =	dma.local [spmem:s25], $0x7D0  }
0x62: {  	_ =	swait.ge [sflag:s3], $0x7D0  }
0x63: {  	[sflag:s3] =	ssyncset.done $0x0;
	s28 =	rddreg [dreg:$0x10]  }
0x64: {  	s31 =	rddreg [dreg:$0x1c];
	[sflag:s3] =	ssyncadd.s32 $0xFFFFF830  }
0x65: {  	[hbm:s28], [sflag:s10] =	dma.local [spmem:s31], $0x7D0  }
0x66: {  	_ =	swait.ge [sflag:s3], $0x7D0  }
0x67: {  	[sflag:s3] =	ssyncset.done $0x0;
	s21 =	rddreg [dreg:$0x11]  }
0x68: {  	s25 =	rddreg [dreg:$0x1d];
	[sflag:s3] =	ssyncadd.s32 $0xFFFFF830  }
0x69: {  	[hbm:s21], [sflag:s10] =	dma.local [spmem:s25], $0x7D0  }
0x6a: {  	_ =	swait.ge [sflag:s3], $0x7D0  }
0x6b: {  	[sflag:s3] =	ssyncset.done $0x0;
	s13 =	rddreg [dreg:$0x12]  }
0x6c: {  	s19 =	rddreg [dreg:$0x1e];
	[sflag:s3] =	ssyncadd.s32 $0xFFFFF830  }
0x6d: {  	[hbm:s13], [sflag:s10] =	dma.local @!p1 [spmem:s19], $0x7D0  }
0x6e: {  	s10 =	simm.s32 @!p1 $0xC  }
0x6f: {  	_ =	swait.ge @!p1 [sflag:s10], $0x7D0  }
0x70: {  	s28 =	sld [smem:$0x7FC];
	_ =	sdelay $0x2  }
0x71: {  	s31 =	rddreg [dreg:$0x1a];
	s19 =	sadd.s32 $0x1, s28  }
0x72: {  	p3 =	sne.s32 s19, s31  }
.Ltmp1:
0x73: {  	_ = 	snop;
	(pc) =	sbr.rel @!p3 .LBB2_17-.Ltmp1, $3  }
0x74: {  	_ =	sdelay $0x1  }
0x75: {  	[sflag:s10] =	ssyncset.done @!p1 $0x0  }
0x76: {  	[sflag:s10] =	ssyncadd.s32 @!p1 $0xFFFFF830  }
.LBB2_1:
0x77: {  	[smem:$0x7FC] =	sst s19;
	s19 =	simm.s32 $0x40;
	s25 =	simm.s32 $0x0  }
.LBB2_2:
0x78: {  	p3 =	sne.s32 s19, $0xF9C0;
	[tilespmem:s25+$0x3000] =	vst v0;
	s25 =	smov.u32 s19;
	s19 =	sadd.s32 $0x40, s19  }
.Ltmp2:
0x79: {  	(pc) =	sbr.rel @p3 .LBB2_2-.Ltmp2, $2  }
0x7a: {  	_ =	sdelay $0x2  }
0x7b: {  	s25 =	sshra.s32 s25, $0x2  }
0x7c: {  	[tilespmem:s25+$0x3000] =	vst v0;
	s10 =	rddreg [dreg:$0x14]  }
0x7d: {  	[spmem:s10] =	stream.linear.scatter [tilespmem:s2], [sflag:$0xC], $0x3E80, $0x38;
	[tilespmem:$0x1B350] =	vst v63  }
0x7e: {  	_ =	swait.ge [sflag:s3], $0x3E80  }
0x7f: {  	[sflag:s3] =	ssyncset.done $0x0  }
0x80: {  	s19 =	rddreg [dreg:$0x15];
	[sflag:s3] =	ssyncadd.s32 $0xFFFFC180  }
0x81: {  	[spmem:s19] =	stream.linear.scatter [tilespmem:s2], [sflag:$0xC], $0x3E80, $0x38;
	[tilespmem:$0x1B350] =	vst v63  }
0x82: {  	_ =	swait.ge [sflag:s3], $0x3E80  }
0x83: {  	[sflag:s3] =	ssyncset.done $0x0  }
0x84: {  	s21 =	rddreg [dreg:$0x16];
	[sflag:s3] =	ssyncadd.s32 $0xFFFFC180  }
0x85: {  	[spmem:s21] =	stream.linear.scatter [tilespmem:s2], [sflag:$0xC], $0x3E80, $0x38;
	[tilespmem:$0x1B350] =	vst v63  }
0x86: {  	_ =	swait.ge [sflag:s3], $0x3E80  }
0x87: {  	[sflag:s3] =	ssyncset.done $0x0  }
0x88: {  	s19 =	simm.s32 @!p1 $0x3000;
	s10 =	rddreg [dreg:$0x17];
	[sflag:s3] =	ssyncadd.s32 $0xFFFFC180  }
0x89: {  	[spmem:s10] =	stream.linear.scatter @!p1 [tilespmem:s19], [sflag:$0xC], $0x3E80, $0x38;
	[tilespmem:$0x1B350] =	vst v63  }
0x8a: {  	s19 =	simm.s32 @!p1 $0xC  }
0x8b: {  	_ =	swait.ge @!p1 [sflag:s19], $0x3E80  }
0x8c: {  	[sflag:s19] =	ssyncset.done @!p1 $0x0  }
0x8d: {  	s25 =	simm.s32 $0x0;
	s28 =	rddreg [dreg:$0x3];
	[sflag:s19] =	ssyncadd.s32 @!p1 $0xFFFFC180  }
0x8e: {  	[tilespmem:s2], [sflag:$0xC] =	stream.linear.gather [hbm4b:s28+s25], $0x3E80, $0x38;
	[tilespmem:$0x1B350] =	vst v63  }
0x8f: {  	_ =	swait.ge [sflag:s3], $0x3E80  }
0x90: {  	[sflag:s3] =	ssyncset.done $0x0  }
0x91: {  	s31 =	rddreg [dreg:$0x4];
	[sflag:s3] =	ssyncadd.s32 $0xFFFFC180  }
0x92: {  	[tilespmem:s4], [sflag:$0xC] =	stream.linear.gather [hbm4b:s31+s25], $0x3E80, $0x38;
	[tilespmem:$0x1B350] =	vst v63  }
0x93: {  	_ =	swait.ge [sflag:s3], $0x3E80  }
0x94: {  	[sflag:s3] =	ssyncset.done $0x0  }
0x95: {  	s19 =	simm.s32 $0x0;
	[sflag:s3] =	ssyncadd.s32 $0xFFFFC180  }
0x96: {  	v6 =	vld [tilespmem:s19+$0x7000]  }
0x97: {  	v7 =	vld [tilespmem:s19+$0x7010]  }
0x98: {  	v2 =	vld [tilespmem:s19+$0x7020]  }
0x99: {  	v1 =	vld [tilespmem:s19+$0x7030]  }
0x9a: {  	v3 =	vld [tilespmem:s19+$0x3000]  }
0x9b: {  	v5 =	vld [tilespmem:s19+$0x3010]  }
0x9c: {  	s25 =	simm.s32 $0x100;
	v4 =	vld [tilespmem:s19+$0x3020]  }
.LBB2_4:
0x9d: {  	s31 =	sshra.s32 s25, $0x2;
	p3 =	sne.s32 s25, $0xF900;
	v8 =	vld [tilespmem:s19+$0x3030];
	v9 =	vmov v2  }
0x9e: {  	v10 =	vld [tilespmem:s31+$0x7000];
	v11 =	vmov v1  }
0x9f: {  	v12 =	vld [tilespmem:s31+$0x7010];
	v3 =	vmul.f32 v6, v3  }
.Ltmp3:
0xa0: {  	v2 =	vld [tilespmem:s31+$0x7020];
	v5 =	vmul.f32 v7, v5;
	(pc) =	sbr.rel @p3 .LBB2_4-.Ltmp3, $4  }
0xa1: {  	v1 =	vld [tilespmem:s31+$0x7030];
	[tilespmem:s19+$0x3000] =	vst v3;
	v4 =	vmul.f32 v9, v4  }
0xa2: {  	v3 =	vld [tilespmem:s31+$0x3000];
	[tilespmem:s19+$0x3010] =	vst v5;
	v8 =	vmul.f32 v11, v8  }
0xa3: {  	v5 =	vld [tilespmem:s31+$0x3010];
	[tilespmem:s19+$0x3020] =	vst v4;
	v6 =	vmov v10  }
0xa4: {  	s25 =	sadd.s32 $0x100, s25;
	v4 =	vld [tilespmem:s31+$0x3020];
	[tilespmem:s19+$0x3030] =	vst v8;
	v7 =	vmov v12;
	s19 =	smov.u32 s31  }
0xa5: {  	v8 =	vld [tilespmem:s19+$0x3030];
	_ =	sdelay $0x1  }
0xa6: {  	v3 =	vmul.f32 v6, v3  }
0xa7: {  	v5 =	vmul.f32 v7, v5  }
0xa8: {  	[tilespmem:s19+$0x3000] =	vst v3;
	v2 =	vmul.f32 v2, v4  }
0xa9: {  	[tilespmem:s19+$0x3010] =	vst v5;
	v1 =	vmul.f32 v1, v8  }
0xaa: {  	[tilespmem:s19+$0x3020] =	vst v2  }
0xab: {  	s25 =	simm.s32 $0x0;
	s10 =	rddreg [dreg:$0xb];
	[tilespmem:s19+$0x3030] =	vst v1  }
0xac: {  	[hbm4b:s10+s25] =	stream.linear.scatter [tilespmem:s2], [sflag:$0xC], $0x3E80, $0x38;
	[tilespmem:$0x1B350] =	vst v63  }
0xad: {  	_ =	swait.ge [sflag:s3], $0x3E80  }
0xae: {  	[sflag:s3] =	ssyncset.done $0x0  }
0xaf: {  	s28 =	rddreg [dreg:$0x5];
	[sflag:s3] =	ssyncadd.s32 $0xFFFFC180  }
0xb0: {  	[tilespmem:s2], [sflag:$0xC] =	stream.linear.gather [hbm4b:s28+s25], $0x3E80, $0x38;
	[tilespmem:$0x1B350] =	vst v63  }
0xb1: {  	_ =	swait.ge [sflag:s3], $0x3E80  }
0xb2: {  	[sflag:s3] =	ssyncset.done $0x0  }
0xb3: {  	s31 =	rddreg [dreg:$0x6];
	[sflag:s3] =	ssyncadd.s32 $0xFFFFC180  }
0xb4: {  	[tilespmem:s4], [sflag:$0xC] =	stream.linear.gather [hbm4b:s31+s25], $0x3E80, $0x38;
	[tilespmem:$0x1B350] =	vst v63  }
0xb5: {  	_ =	swait.ge [sflag:s3], $0x3E80  }
0xb6: {  	[sflag:s3] =	ssyncset.done $0x0  }
0xb7: {  	s19 =	simm.s32 $0x0;
	[sflag:s3] =	ssyncadd.s32 $0xFFFFC180  }
0xb8: {  	v6 =	vld [tilespmem:s19+$0x7000]  }
0xb9: {  	v7 =	vld [tilespmem:s19+$0x7010]  }
0xba: {  	v2 =	vld [tilespmem:s19+$0x7020]  }
0xbb: {  	v1 =	vld [tilespmem:s19+$0x7030]  }
0xbc: {  	v3 =	vld [tilespmem:s19+$0x3000]  }
0xbd: {  	v5 =	vld [tilespmem:s19+$0x3010]  }
0xbe: {  	s25 =	simm.s32 $0x100;
	v4 =	vld [tilespmem:s19+$0x3020]  }
.LBB2_6:
0xbf: {  	s31 =	sshra.s32 s25, $0x2;
	p3 =	sne.s32 s25, $0xF900;
	v8 =	vld [tilespmem:s19+$0x3030];
	v9 =	vmov v2  }
0xc0: {  	v10 =	vld [tilespmem:s31+$0x7000];
	v11 =	vmov v1  }
0xc1: {  	v12 =	vld [tilespmem:s31+$0x7010];
	v3 =	vmul.f32 v6, v3  }
.Ltmp4:
0xc2: {  	v2 =	vld [tilespmem:s31+$0x7020];
	v5 =	vmul.f32 v7, v5;
	(pc) =	sbr.rel @p3 .LBB2_6-.Ltmp4, $4  }
0xc3: {  	v1 =	vld [tilespmem:s31+$0x7030];
	[tilespmem:s19+$0x3000] =	vst v3;
	v4 =	vmul.f32 v9, v4  }
0xc4: {  	v3 =	vld [tilespmem:s31+$0x3000];
	[tilespmem:s19+$0x3010] =	vst v5;
	v8 =	vmul.f32 v11, v8  }
0xc5: {  	v5 =	vld [tilespmem:s31+$0x3010];
	[tilespmem:s19+$0x3020] =	vst v4;
	v6 =	vmov v10  }
0xc6: {  	s25 =	sadd.s32 $0x100, s25;
	v4 =	vld [tilespmem:s31+$0x3020];
	[tilespmem:s19+$0x3030] =	vst v8;
	v7 =	vmov v12;
	s19 =	smov.u32 s31  }
0xc7: {  	v8 =	vld [tilespmem:s19+$0x3030];
	_ =	sdelay $0x1  }
0xc8: {  	v3 =	vmul.f32 v6, v3  }
0xc9: {  	v5 =	vmul.f32 v7, v5  }
0xca: {  	[tilespmem:s19+$0x3000] =	vst v3;
	v2 =	vmul.f32 v2, v4  }
0xcb: {  	[tilespmem:s19+$0x3010] =	vst v5;
	v1 =	vmul.f32 v1, v8  }
0xcc: {  	[tilespmem:s19+$0x3020] =	vst v2  }
0xcd: {  	s25 =	simm.s32 $0x0;
	s10 =	rddreg [dreg:$0xc];
	[tilespmem:s19+$0x3030] =	vst v1  }
0xce: {  	[hbm4b:s10+s25] =	stream.linear.scatter [tilespmem:s2], [sflag:$0xC], $0x3E80, $0x38;
	[tilespmem:$0x1B350] =	vst v63  }
0xcf: {  	_ =	swait.ge [sflag:s3], $0x3E80  }
0xd0: {  	[sflag:s3] =	ssyncset.done $0x0  }
0xd1: {  	s28 =	rddreg [dreg:$0x7];
	[sflag:s3] =	ssyncadd.s32 $0xFFFFC180  }
0xd2: {  	[tilespmem:s2], [sflag:$0xC] =	stream.linear.gather [hbm4b:s28+s25], $0x3E80, $0x38;
	[tilespmem:$0x1B350] =	vst v63  }
0xd3: {  	_ =	swait.ge [sflag:s3], $0x3E80  }
0xd4: {  	[sflag:s3] =	ssyncset.done $0x0  }
0xd5: {  	s31 =	rddreg [dreg:$0x8];
	[sflag:s3] =	ssyncadd.s32 $0xFFFFC180  }
0xd6: {  	[tilespmem:s4], [sflag:$0xC] =	stream.linear.gather [hbm4b:s31+s25], $0x3E80, $0x38;
	[tilespmem:$0x1B350] =	vst v63  }
0xd7: {  	_ =	swait.ge [sflag:s3], $0x3E80  }
0xd8: {  	[sflag:s3] =	ssyncset.done $0x0  }
0xd9: {  	s19 =	simm.s32 $0x0;
	[sflag:s3] =	ssyncadd.s32 $0xFFFFC180  }
0xda: {  	v6 =	vld [tilespmem:s19+$0x7000]  }
0xdb: {  	v7 =	vld [tilespmem:s19+$0x7010]  }
0xdc: {  	v2 =	vld [tilespmem:s19+$0x7020]  }
0xdd: {  	v1 =	vld [tilespmem:s19+$0x7030]  }
0xde: {  	v3 =	vld [tilespmem:s19+$0x3000]  }
0xdf: {  	v5 =	vld [tilespmem:s19+$0x3010]  }
0xe0: {  	s25 =	simm.s32 $0x100;
	v4 =	vld [tilespmem:s19+$0x3020]  }
.LBB2_8:
0xe1: {  	s31 =	sshra.s32 s25, $0x2;
	p3 =	sne.s32 s25, $0xF900;
	v8 =	vld [tilespmem:s19+$0x3030];
	v9 =	vmov v2  }
0xe2: {  	v10 =	vld [tilespmem:s31+$0x7000];
	v11 =	vmov v1  }
0xe3: {  	v12 =	vld [tilespmem:s31+$0x7010];
	v3 =	vmul.f32 v6, v3  }
.Ltmp5:
0xe4: {  	v2 =	vld [tilespmem:s31+$0x7020];
	v5 =	vmul.f32 v7, v5;
	(pc) =	sbr.rel @p3 .LBB2_8-.Ltmp5, $4  }
0xe5: {  	v1 =	vld [tilespmem:s31+$0x7030];
	[tilespmem:s19+$0x3000] =	vst v3;
	v4 =	vmul.f32 v9, v4  }
0xe6: {  	v3 =	vld [tilespmem:s31+$0x3000];
	[tilespmem:s19+$0x3010] =	vst v5;
	v8 =	vmul.f32 v11, v8  }
0xe7: {  	v5 =	vld [tilespmem:s31+$0x3010];
	[tilespmem:s19+$0x3020] =	vst v4;
	v6 =	vmov v10  }
0xe8: {  	s25 =	sadd.s32 $0x100, s25;
	v4 =	vld [tilespmem:s31+$0x3020];
	[tilespmem:s19+$0x3030] =	vst v8;
	v7 =	vmov v12;
	s19 =	smov.u32 s31  }
0xe9: {  	v8 =	vld [tilespmem:s19+$0x3030];
	_ =	sdelay $0x1  }
0xea: {  	v3 =	vmul.f32 v6, v3  }
0xeb: {  	v5 =	vmul.f32 v7, v5  }
0xec: {  	[tilespmem:s19+$0x3000] =	vst v3;
	v2 =	vmul.f32 v2, v4  }
0xed: {  	[tilespmem:s19+$0x3010] =	vst v5;
	v1 =	vmul.f32 v1, v8  }
0xee: {  	[tilespmem:s19+$0x3020] =	vst v2  }
.Ltmp6:
0xef: {  	s10 =	rddreg [dreg:$0xd];
	s13 =	simm.s32 $0x0;
	[tilespmem:s19+$0x3030] =	vst v1;
	(pc) =	sbr.rel @p1 .LBB2_13-.Ltmp6, $4  }
0xf0: {  	[hbm4b:s10+s13] =	stream.linear.scatter [tilespmem:s2], [sflag:$0xC], $0x3E80, $0x38;
	[tilespmem:$0x1B350] =	vst v63  }
0xf1: {  	_ =	swait.ge [sflag:s3], $0x3E80  }
0xf2: {  	[sflag:s3] =	ssyncset.done $0x0  }
0xf3: {  	[sflag:s3] =	ssyncadd.s32 $0xFFFFC180  }
0xf4: {  	s19 =	simm.s32 $0x0;
	s10 =	rddreg [dreg:$0x9]  }
0xf5: {  	[tilespmem:s2], [sflag:$0xC] =	stream.linear.gather [hbm4b:s10+s19], $0x3E80, $0x38;
	[tilespmem:$0x1B350] =	vst v63  }
0xf6: {  	_ =	swait.ge [sflag:s3], $0x3E80  }
0xf7: {  	[sflag:s3] =	ssyncset.done $0x0  }
0xf8: {  	s31 =	rddreg [dreg:$0xa];
	[sflag:s3] =	ssyncadd.s32 $0xFFFFC180  }
0xf9: {  	[tilespmem:s4], [sflag:$0xC] =	stream.linear.gather [hbm4b:s31+s19], $0x3E80, $0x38;
	[tilespmem:$0x1B350] =	vst v63  }
0xfa: {  	_ =	swait.ge [sflag:s3], $0x3E80  }
0xfb: {  	[sflag:s3] =	ssyncset.done $0x0  }
0xfc: {  	s19 =	simm.s32 $0x0;
	[sflag:s3] =	ssyncadd.s32 $0xFFFFC180  }
0xfd: {  	v6 =	vld [tilespmem:s19+$0x7000]  }
0xfe: {  	v7 =	vld [tilespmem:s19+$0x7010]  }
0xff: {  	v2 =	vld [tilespmem:s19+$0x7020]  }
0x100: {  	v1 =	vld [tilespmem:s19+$0x7030]  }
0x101: {  	v3 =	vld [tilespmem:s19+$0x3000]  }
0x102: {  	v5 =	vld [tilespmem:s19+$0x3010]  }
0x103: {  	s25 =	simm.s32 $0x100;
	v4 =	vld [tilespmem:s19+$0x3020]  }
.LBB2_11:
0x104: {  	s31 =	sshra.s32 s25, $0x2;
	p3 =	sne.s32 s25, $0xF900;
	v8 =	vld [tilespmem:s19+$0x3030];
	v9 =	vmov v2  }
0x105: {  	v10 =	vld [tilespmem:s31+$0x7000];
	v11 =	vmov v1  }
0x106: {  	v12 =	vld [tilespmem:s31+$0x7010];
	v3 =	vmul.f32 v6, v3  }
.Ltmp7:
0x107: {  	v2 =	vld [tilespmem:s31+$0x7020];
	v5 =	vmul.f32 v7, v5;
	(pc) =	sbr.rel @p3 .LBB2_11-.Ltmp7, $4  }
0x108: {  	v1 =	vld [tilespmem:s31+$0x7030];
	[tilespmem:s19+$0x3000] =	vst v3;
	v4 =	vmul.f32 v9, v4  }
0x109: {  	v3 =	vld [tilespmem:s31+$0x3000];
	[tilespmem:s19+$0x3010] =	vst v5;
	v8 =	vmul.f32 v11, v8  }
0x10a: {  	v5 =	vld [tilespmem:s31+$0x3010];
	[tilespmem:s19+$0x3020] =	vst v4;
	v6 =	vmov v10  }
0x10b: {  	s25 =	sadd.s32 $0x100, s25;
	v4 =	vld [tilespmem:s31+$0x3020];
	[tilespmem:s19+$0x3030] =	vst v8;
	v7 =	vmov v12;
	s19 =	smov.u32 s31  }
0x10c: {  	v8 =	vld [tilespmem:s19+$0x3030];
	_ =	sdelay $0x1  }
0x10d: {  	v3 =	vmul.f32 v6, v3  }
0x10e: {  	v5 =	vmul.f32 v7, v5  }
0x10f: {  	[tilespmem:s19+$0x3000] =	vst v3;
	v2 =	vmul.f32 v2, v4  }
0x110: {  	[tilespmem:s19+$0x3010] =	vst v5;
	v1 =	vmul.f32 v1, v8  }
0x111: {  	[tilespmem:s19+$0x3020] =	vst v2  }
0x112: {  	s10 =	rddreg [dreg:$0xe];
	s13 =	simm.s32 $0x0;
	[tilespmem:s19+$0x3030] =	vst v1  }
0x113: {  	[hbm4b:s10+s13] =	stream.linear.scatter [tilespmem:s2], [sflag:$0xC], $0x3E80, $0x38;
	[tilespmem:$0x1B350] =	vst v63  }
0x114: {  	_ =	swait.ge [sflag:s3], $0x3E80  }
0x115: {  	[sflag:s3] =	ssyncset.done $0x0  }
0x116: {  	[sflag:s3] =	ssyncadd.s32 $0xFFFFC180  }
.LBB2_13:
0x117: {  	[bflag:$0x0] =	sbarrier.arrive $0xFFFF  }
0x118: {  	s10 =	rddreg [dreg:$0x13]  }
0x119: {  	s19 =	simm.s32 $0x0;
	s28 =	rddreg [dreg:$0x1f]  }
0x11a: {  	[tilespmem:s19], [sflag:$0x1] =	stream.strided.gather [hbm4b:s10+s5], $0x800, s6, s5, $0x38;
	[tilespmem:$0x1B350] =	vst v63  }
0x11b: {  	s13 =	simm.s32 $0x800;
	s31 =	sld [smem:$0x7FD]  }
0x11c: {  	[tilespmem:s13], [sflag:$0x2] =	stream.strided.gather [hbm4b:s28+s5], $0x800, s6, s5, $0x38;
	[tilespmem:$0x1B350] =	vst v63  }
0x11d: {  	_ = 	snop  }
0x11e: {  	[tilespmem:s11], [sflag:$0x3] =	stream.strided.gather [hbm4b:s31+s5], $0x800, s6, s5, $0x38;
	[tilespmem:$0x1B350] =	vst v63  }
.LBB2_14:
0x11f: {  	p3 =	seq.s32 s19, $0x0  }
0x120: {  	s25 =	simm.s32 @!p3 $0x9  }
0x121: {  	_ =	swait.ge @!p3 [sflag:s25], $0x4000  }
0x122: {  	[sflag:s25] =	ssyncset.done @!p3 $0x0  }
0x123: {  	[sflag:s25] =	ssyncadd.s32 @!p3 $0xFFFFC000  }
0x124: {  	_ =	swait.ge [sflag:s12], $0x800  }
0x125: {  	[sflag:s12] =	ssyncset.done $0x0  }
0x126: {  	s10 =	simm.s32 $0x0;
	[sflag:s12] =	ssyncadd.s32 $0xFFFFF800  }
0x127: {  	[tilespmem:s2], [sflag:$0x7] =	stream.indirect.gather [hbm4b:s9+s5], $0x10, s10, s5, $0xb8;
	[tilespmem:$0x1B350] =	vst v63  }
0x128: {  	s31 =	simm.s32 @p3 $0x186A00;
	s21 =	simm.s32 @p3 $0x1800;
	s25 =	simm.s32 @p3 $0x400  }
0x129: {  	[tilespmem:s21], [sflag:$0x4] =	stream.strided.gather @p3 [hbm4b:s1+s25], $0x800, s31, s25, $0x38;
	[tilespmem:$0x1B350] =	vst v63  }
0x12a: {  	s21 =	simm.s32 @!p3 $0x8  }
0x12b: {  	_ =	swait.ge @!p3 [sflag:s21], $0x4000  }
0x12c: {  	s25 =	simm.s32 @!p3 $0x2C00;
	[sflag:s21] =	ssyncset.done @!p3 $0x0  }
0x12d: {  	s31 =	simm.s32 @!p3 $0xB000;
	[sflag:s21] =	ssyncadd.s32 @!p3 $0xFFFFC000;
	s21 =	simm.s32 @!p3 $0x400  }
0x12e: {  	[spmem:s22] =	stream.indirect.scatter.add.f32 @!p3 [tilespmem:s31], [sflag:$0xB], $0x10, s25, s21, $0xb8;
	[tilespmem:$0x1B350] =	vst v63  }
0x12f: {  	s25 =	sadd.s32 @!p3 s19, s20  }
0x130: {  	s10 =	simm.s32 @!p3 $0x1800;
	s31 =	simm.s32 @!p3 $0x186A00;
	s25 =	sadd.s32 @!p3 $0x180, s25  }
0x131: {  	[tilespmem:s10], [sflag:$0x4] =	stream.strided.gather @!p3 [hbm4b:s25+s21], $0x800, s31, s21, $0x38;
	[tilespmem:$0x1B350] =	vst v63  }
0x132: {  	s10 =	simm.s32 @!p3 $0xA  }
0x133: {  	_ =	swait.ge @!p3 [sflag:s10], $0x4000  }
0x134: {  	[sflag:s10] =	ssyncset.done @!p3 $0x0  }
0x135: {  	[sflag:s10] =	ssyncadd.s32 @!p3 $0xFFFFC000  }
0x136: {  	_ =	swait.ge [sflag:s14], $0x800  }
0x137: {  	[sflag:s14] =	ssyncset.done $0x0  }
0x138: {  	s13 =	simm.s32 $0x800;
	[sflag:s14] =	ssyncadd.s32 $0xFFFFF800  }
0x139: {  	[tilespmem:s4], [sflag:$0x8] =	stream.indirect.gather [hbm4b:s9+s5], $0x10, s13, s5, $0xb8;
	[tilespmem:$0x1B350] =	vst v63  }
0x13a: {  	_ =	swait.ge [sflag:s15], $0x4000  }
0x13b: {  	[sflag:s15] =	ssyncset.done $0x0  }
0x13c: {  	s25 =	sadd.s32 s19, s20;
	[sflag:s15] =	ssyncadd.s32 $0xFFFFC000  }
0x13d: {  	[spmem:s22] =	stream.indirect.scatter.add.f32 [tilespmem:s2], [sflag:$0x9], $0x10, s5, s5, $0xb8;
	[tilespmem:$0x1B350] =	vst v63  }
0x13e: {  	s21 =	sadd.s32 $0x200, s25;
	s10 =	simm.s32 @!p3 $0xB  }
0x13f: {  	[tilespmem:s16], [sflag:$0x5] =	stream.strided.gather [hbm4b:s21+s5], $0x800, s6, s5, $0x38;
	[tilespmem:$0x1B350] =	vst v63  }
0x140: {  	_ =	swait.ge @!p3 [sflag:s10], $0x4000  }
0x141: {  	[sflag:s10] =	ssyncset.done @!p3 $0x0  }
0x142: {  	[sflag:s10] =	ssyncadd.s32 @!p3 $0xFFFFC000  }
0x143: {  	_ =	swait.ge [sflag:s17], $0x800  }
0x144: {  	[sflag:s17] =	ssyncset.done $0x0  }
0x145: {  	[sflag:s17] =	ssyncadd.s32 $0xFFFFF800  }
0x146: {  	[tilespmem:s23], [sflag:$0x7] =	stream.indirect.gather [hbm4b:s9+s5], $0x10, s11, s5, $0xb8;
	[tilespmem:$0x1B350] =	vst v63  }
0x147: {  	_ =	swait.ge [sflag:s24], $0x4000  }
0x148: {  	[sflag:s24] =	ssyncset.done $0x0  }
0x149: {  	s28 =	simm.s32 $0xC00;
	[sflag:s24] =	ssyncadd.s32 $0xFFFFC000  }
0x14a: {  	[spmem:s22] =	stream.indirect.scatter.add.f32 [tilespmem:s4], [sflag:$0xA], $0x10, s28, s5, $0xb8;
	[tilespmem:$0x1B350] =	vst v63  }
0x14b: {  	s31 =	sadd.s32 $0x280, s25  }
0x14c: {  	[tilespmem:s26], [sflag:$0x6] =	stream.strided.gather [hbm4b:s31+s5], $0x800, s6, s5, $0x38;
	[tilespmem:$0x1B350] =	vst v63  }
0x14d: {  	_ =	swait.ge [sflag:s29], $0x4000  }
0x14e: {  	[sflag:s29] =	ssyncset.done $0x0  }
0x14f: {  	[sflag:s29] =	ssyncadd.s32 $0xFFFFC000  }
0x150: {  	_ =	swait.ge [sflag:s30], $0x800  }
0x151: {  	[sflag:s30] =	ssyncset.done $0x0  }
0x152: {  	s13 =	simm.s32 $0x1800;
	[sflag:s30] =	ssyncadd.s32 $0xFFFFF800  }
0x153: {  	[tilespmem:s2], [sflag:$0x8] =	stream.indirect.gather [hbm4b:s9+s5], $0x10, s13, s5, $0xb8;
	[tilespmem:$0x1B350] =	vst v63  }
0x154: {  	_ =	swait.ge [sflag:s15], $0x4000  }
0x155: {  	s21 =	simm.s32 $0x1400;
	p3 =	seq.s32 s19, $0x1500;
	[sflag:s15] =	ssyncset.done $0x0  }
0x156: {  	s10 =	sadd.s32 @!p3 s19, s20;
	s28 =	simm.s32 @!p3 $0x0;
	[sflag:s15] =	ssyncadd.s32 $0xFFFFC000  }
0x157: {  	[spmem:s22] =	stream.indirect.scatter.add.f32 [tilespmem:s23], [sflag:$0xB], $0x10, s21, s5, $0xb8;
	[tilespmem:$0x1B350] =	vst v63  }
0x158: {  	s31 =	simm.s32 @!p3 $0x400;
	s13 =	simm.s32 @!p3 $0x186A00;
	s21 =	sadd.s32 @!p3 $0x300, s10  }
0x159: {  	[tilespmem:s28], [sflag:$0x1] =	stream.strided.gather @!p3 [hbm4b:s21+s31], $0x800, s13, s31, $0x38;
	[tilespmem:$0x1B350] =	vst v63  }
0x15a: {  	_ =	swait.ge [sflag:s7], $0x4000  }
0x15b: {  	[sflag:s7] =	ssyncset.done $0x0  }
0x15c: {  	[sflag:s7] =	ssyncadd.s32 $0xFFFFC000  }
0x15d: {  	_ =	swait.ge [sflag:s8], $0x800  }
0x15e: {  	[sflag:s8] =	ssyncset.done $0x0  }
0x15f: {  	[sflag:s8] =	ssyncadd.s32 $0xFFFFF800  }
0x160: {  	[tilespmem:s4], [sflag:$0x7] =	stream.indirect.gather [hbm4b:s9+s5], $0x10, s16, s5, $0xb8;
	[tilespmem:$0x1B350] =	vst v63  }
0x161: {  	_ =	swait.ge [sflag:s24], $0x4000  }
0x162: {  	[sflag:s24] =	ssyncset.done $0x0  }
0x163: {  	s28 =	simm.s32 $0x1C00;
	[sflag:s24] =	ssyncadd.s32 $0xFFFFC000  }
0x164: {  	[spmem:s22] =	stream.indirect.scatter.add.f32 [tilespmem:s2], [sflag:$0x9], $0x10, s28, s5, $0xb8;
	[tilespmem:$0x1B350] =	vst v63  }
0x165: {  	s10 =	sadd.s32 @!p3 $0x380, s10;
	s21 =	simm.s32 @!p3 $0x800  }
0x166: {  	[tilespmem:s21], [sflag:$0x2] =	stream.strided.gather @!p3 [hbm4b:s10+s31], $0x800, s13, s31, $0x38;
	[tilespmem:$0x1B350] =	vst v63  }
0x167: {  	_ =	swait.ge [sflag:s0], $0x4000  }
0x168: {  	[sflag:s0] =	ssyncset.done $0x0  }
0x169: {  	[sflag:s0] =	ssyncadd.s32 $0xFFFFC000  }
0x16a: {  	_ =	swait.ge [sflag:s18], $0x800  }
0x16b: {  	[sflag:s18] =	ssyncset.done $0x0  }
0x16c: {  	[sflag:s18] =	ssyncadd.s32 $0xFFFFF800  }
0x16d: {  	[tilespmem:s23], [sflag:$0x8] =	stream.indirect.gather [hbm4b:s9+s5], $0x10, s26, s5, $0xb8;
	[tilespmem:$0x1B350] =	vst v63  }
.Ltmp8:
0x16e: {  	_ = 	snop;
	(pc) =	sbr.rel @p3 .LBB2_16-.Ltmp8, $4  }
0x16f: {  	_ =	swait.ge [sflag:s15], $0x4000  }
0x170: {  	[sflag:s15] =	ssyncset.done $0x0  }
0x171: {  	s31 =	simm.s32 $0x2400;
	[sflag:s15] =	ssyncadd.s32 $0xFFFFC000  }
0x172: {  	[spmem:s22] =	stream.indirect.scatter.add.f32 [tilespmem:s4], [sflag:$0xA], $0x10, s31, s5, $0xb8;
	[tilespmem:$0x1B350] =	vst v63  }
.Ltmp9:
0x173: {  	(pc) =	sbr.rel .LBB2_14-.Ltmp9, $3  }
0x174: {  	_ =	sdelay $0x1  }
0x175: {  	s10 =	sadd.s32 $0x400, s25;
	s19 =	sadd.s32 $0x300, s19  }
0x176: {  	[tilespmem:s11], [sflag:$0x3] =	stream.strided.gather [hbm4b:s10+s5], $0x800, s6, s5, $0x38;
	[tilespmem:$0x1B350] =	vst v63  }
.LBB2_17:
0x177: {  	_ =	sfence.sel $0x180000  }
0x178: {  	[bflag:$0x0] =	sbarrier.arrive $0xFFFF  }
0x179: {  	_ =	strace $0x9000004A  }
0x17a: {  	s0 =	stileid.u32;
	[bflag:$0x2] =	sbarrier.arrive $0xFFFF  }
0x17b: {  	p0 =	sne.s32 s0, $0x0;
	s0 =	rddreg [dreg:$0x2]  }
0x17c: {  	s0 =	sadd.s32 @!p0 $0x100000, s0  }
0x17d: {  	[sflag:s0] =	ssyncadd.tile.s32 @!p0 $0x1;
	_ =	shalt  }
.Lfunc_end2:
_tile_overlayer_lowered:
.L_overlay_start_2:
0x17e: {  	(tag) =	ssettag $0x2  }
0x17f: {  	s0 =	rddreg [dreg:$0x0];
	s2 =	stileid.u32  }
0x180: {  	s1 =	rddreg [dreg:$0x1];
	p0 =	sne.s32 s2, $0x0  }
0x181: {  	s3 =	rddreg [dreg:$0x2];
	[bflag:$0x3] =	sbarrier.arrive $0xFFFF;
	s2 =	simm.s32 @!p0 $0x1C0C  }
0x182: {  	[timem:s3], [sflag:s2] =	dma.local @!p0 [hbm:s0], s1  }
0x183: {  	s0 =	simm.s32 @!p0 $0xC  }
0x184: {  	_ =	swait.ge @!p0 [sflag:s0], s1  }
0x185: {  	s1 =	ssub.s32 @!p0 $0x0, s1;
	[sflag:s0] =	ssyncset.done @!p0 $0x0  }
0x186: {  	[sflag:s0] =	ssyncadd.s32 @!p0 s1  }
0x187: {  	[bflag:$0x3] =	sbarrier.arrive $0xFFFF  }
0x188: {  	_ =	shalt  }

</sc_bundles>
